<compile_context>
chip_gen: v7x
topology: tpu7x:2x2x1
jax: 0.10.2.dev20260603
libtpu: 0.0.44.dev20260713+nightly
codegen_flags: <defaults>
</compile_context>

<pallas_src>
import jax
import jax.numpy as jnp
from jax import lax
from jax.experimental import pallas as pl
from jax.experimental.pallas import tpu as pltpu
from jax.experimental.pallas import tpu_sc as plsc

BATCH = 16384
LATENT_DIM = 32
NC = 2
NS = 16
NW = NC * NS
B_PER_W = BATCH // NW
CHUNK = 128
N_CHUNKS = B_PER_W // CHUNK
GROUPS = CHUNK // 16


def _sigmoid(x):
    return 1.0 / (1.0 + jnp.exp(-x))


def _body(user_hbm, item_hbm, pro_hbm, diff_hbm, k_hbm, out_hbm,
          u_v, it_v, pro_t, diff_t, kv_big, out_v, sem_p, sem_d, sem_k):
    wid = lax.axis_index("s") * NC + lax.axis_index("c")
    base = wid * B_PER_W

    pltpu.sync_copy(user_hbm.at[pl.ds(base, B_PER_W)], u_v)
    pltpu.sync_copy(item_hbm.at[pl.ds(base, B_PER_W)], it_v)

    lane = lax.iota(jnp.int32, 16)
    zeros = jnp.zeros((16,), jnp.int32)

    def chunk_body(c, carry):
        c0 = pl.multiple_of(c * CHUNK, CHUNK)

        def enq(g, inner):
            g16 = pl.multiple_of(g * 16, 16)
            u16 = u_v[pl.ds(c0 + g16, 16)]
            it16 = it_v[pl.ds(c0 + g16, 16)]
            for j in range(16):
                e = g16 + j
                u = u16[j]
                it = it16[j]
                pltpu.make_async_copy(
                    pro_hbm.at[u // 8, pl.ds(u % 8, 1), :],
                    pro_t.at[pl.ds(e, 1), :], sem_p
                ).start()
                pltpu.make_async_copy(
                    diff_hbm.at[it // 8, pl.ds(it % 8, 1), :],
                    diff_t.at[pl.ds(e, 1), :], sem_d
                ).start()
                pltpu.make_async_copy(
                    k_hbm.at[it // 8, pl.ds(it % 8, 1), :],
                    kv_big.at[pl.ds(c0 + e, 1), :], sem_k
                ).start()
            return inner

        lax.fori_loop(0, GROUPS, enq, 0)

        def drain(e, inner):
            pltpu.make_async_copy(
                pro_hbm.at[0, pl.ds(0, 1), :],
                pro_t.at[pl.ds(e, 1), :], sem_p
            ).wait()
            pltpu.make_async_copy(
                diff_hbm.at[0, pl.ds(0, 1), :],
                diff_t.at[pl.ds(e, 1), :], sem_d
            ).wait()
            pltpu.make_async_copy(
                k_hbm.at[0, pl.ds(0, 1), :], kv_big.at[pl.ds(0, 1), :], sem_k
            ).wait()
            return inner

        lax.fori_loop(0, CHUNK, drain, 0)

        def comp(g, inner):
            g16 = pl.multiple_of(g * 16, 16)
            acc = jnp.zeros((16,), jnp.float32)
            for j in range(16):
                e = g16 + j
                p0 = pro_t[e, pl.ds(0, 16)]
                p1 = pro_t[e, pl.ds(16, 16)]
                q0 = diff_t[e, pl.ds(0, 16)]
                q1 = diff_t[e, pl.ds(16, 16)]
                s = (_sigmoid(p0) - _sigmoid(q0)) + (
                    _sigmoid(p1) - _sigmoid(q1))
                tot = jnp.sum(s, axis=0)
                acc = jnp.where(lane == j, tot, acc)
            k16 = plsc.load_gather(kv_big, [c0 + g16 + lane, zeros])
            out_v[pl.ds(c0 + g16, 16)] = _sigmoid(
                acc * (2.0 * _sigmoid(k16)))
            return inner

        lax.fori_loop(0, GROUPS, comp, 0)
        return carry

    lax.fori_loop(0, N_CHUNKS, chunk_body, 0)

    pltpu.sync_copy(out_v, out_hbm.at[pl.ds(base, B_PER_W)])


@jax.jit
def _mirt(user, item, pro_weight, diff_weight, exercise_k_weight):
    mesh = plsc.VectorSubcoreMesh(
        core_axis_name="c", subcore_axis_name="s",
        num_cores=NC, num_subcores=NS)
    return pl.kernel(
        _body,
        out_type=jax.ShapeDtypeStruct((BATCH,), jnp.float32),
        mesh=mesh,
        scratch_types=[
            pltpu.VMEM((B_PER_W,), jnp.int32),
            pltpu.VMEM((B_PER_W,), jnp.int32),
            pltpu.VMEM((CHUNK, LATENT_DIM), jnp.float32),
            pltpu.VMEM((CHUNK, LATENT_DIM), jnp.float32),
            pltpu.VMEM((B_PER_W, 1), jnp.float32),
            pltpu.VMEM((B_PER_W,), jnp.float32),
            pltpu.SemaphoreType.DMA,
            pltpu.SemaphoreType.DMA,
            pltpu.SemaphoreType.DMA,
        ],
        compiler_params=pltpu.CompilerParams(
            needs_layout_passes=False, use_tc_tiling_on_sc=True),
        name="mirtnet_sc",
    )(user, item, pro_weight, diff_weight, exercise_k_weight)


def kernel(user, item, pro_weight, diff_weight, exercise_k_weight):
    user = user.astype(jnp.int32)
    item = item.astype(jnp.int32)
    pro3 = pro_weight.reshape(-1, 8, LATENT_DIM)
    diff3 = diff_weight.reshape(-1, 8, LATENT_DIM)
    k3 = exercise_k_weight.reshape(-1, 8, 1)
    return _mirt(user, item, pro3, diff3, k3)

# --- scband reference (transcript-rebuilt; emitter-appended) ---
"""Pipeline reference for scband-mirtnet-28054726377716 (READ-ONLY COPY).

The authoritative reference and input builder live on the scoring server;
editing this copy changes nothing except your own understanding.
"""

import jax, jax.numpy as jnp
import numpy as np

USER_NUM = 1000000
ITEM_NUM = 100000
LATENT_DIM = 32
BATCH = 16384


def setup_inputs(seed: int = 0) -> dict:
    key = jax.random.key(seed)
    k1, k2, k3, k4, k5 = jax.random.split(key, 5)
    user = jax.random.randint(k1, (BATCH,), 0, USER_NUM, dtype=jnp.int64) if jax.config.jax_enable_x64 else jax.random.randint(k1, (BATCH,), 0, USER_NUM, dtype=jnp.int32)
    item = jax.random.randint(k2, (BATCH,), 0, ITEM_NUM, dtype=jnp.int32)
    # Xavier-normal-ish init: std = sqrt(2/(fan_in+fan_out))
    std_pro = np.sqrt(2.0 / (USER_NUM + LATENT_DIM))
    std_diff = np.sqrt(2.0 / (ITEM_NUM + LATENT_DIM))
    std_k = np.sqrt(2.0 / (ITEM_NUM + 1))
    pro_weight = jax.random.normal(k3, (USER_NUM, LATENT_DIM), dtype=jnp.float32) * std_pro
    diff_weight = jax.random.normal(k4, (ITEM_NUM, LATENT_DIM), dtype=jnp.float32) * std_diff
    exercise_k_weight = jax.random.normal(k5, (ITEM_NUM, 1), dtype=jnp.float32) * std_k
    return {
        "user": user,
        "item": item,
        "pro_weight": pro_weight,
        "diff_weight": diff_weight,
        "exercise_k_weight": exercise_k_weight,
    }


def reference(user, item, pro_weight, diff_weight, exercise_k_weight):
    pro = jax.nn.sigmoid(jnp.take(pro_weight, user, axis=0))          # [B, D]
    diff = jax.nn.sigmoid(jnp.take(diff_weight, item, axis=0))        # [B, D]
    exer_k = jnp.take(exercise_k_weight, item, axis=0)                # [B, 1]
    disc = 2.0 * jax.nn.sigmoid(exer_k)                               # [B, 1]
    perf = (pro - diff) * disc                                        # [B, D]
    input_x = jnp.sum(perf, axis=1)                                   # [B]
    output = jax.nn.sigmoid(input_x)
    return output

if __name__ == "__main__":
    import jax
    _d = setup_inputs()
    print(jax.jit(kernel)(*tuple(_d.values())))

</pallas_src>

<mosaic_0001>
#map = affine_map<(d0, d1) -> (0)>
#map1 = affine_map<(d0, d1) -> (0, 0, 0)>
module attributes {stable_mosaic.version = 14 : i64} {
  func.func @mirtnet_sc(%arg0: i32, %arg1: i32, %arg2: memref<16384xi32, #tpu.memory_space<hbm>>, %arg3: memref<16384xi32, #tpu.memory_space<hbm>>, %arg4: memref<125000x8x32xf32, #tpu.memory_space<hbm>>, %arg5: memref<12500x8x32xf32, #tpu.memory_space<hbm>>, %arg6: memref<12500x8x1xf32, #tpu.memory_space<hbm>>, %arg7: memref<16384xf32, #tpu.memory_space<hbm>>, %arg8: memref<512xi32, #tpu.memory_space<vmem>>, %arg9: memref<512xi32, #tpu.memory_space<vmem>>, %arg10: memref<128x32xf32, #tpu.memory_space<vmem>>, %arg11: memref<128x32xf32, #tpu.memory_space<vmem>>, %arg12: memref<512x1xf32, #tpu.memory_space<vmem>>, %arg13: memref<512xf32, #tpu.memory_space<vmem>>, %arg14: memref<!tpu.dma_semaphore, #tpu.memory_space<semaphore_mem>>, %arg15: memref<!tpu.dma_semaphore, #tpu.memory_space<semaphore_mem>>, %arg16: memref<!tpu.dma_semaphore, #tpu.memory_space<semaphore_mem>>) attributes {dimension_semantics = [#tpu.dimension_semantics<core_parallel>, #tpu.dimension_semantics<subcore_parallel>], iteration_bounds = array<i64: 2, 16>, scalar_prefetch = 0 : i64, scratch_operands = 9 : i64, tpu.core_type = #tpu.core_type<sc_vector_subcore>, window_params = [{transform_indices = #map}, {transform_indices = #map}, {transform_indices = #map1}, {transform_indices = #map1}, {transform_indices = #map1}, {transform_indices = #map}]} {
    %mul3A = arith.constant 2 : i32
    %mul3A_0 = arith.muli %arg1, %mul3A : i32
    %add3A = arith.addi %mul3A_0, %arg0 : i32
    %mul3A_1 = arith.constant 512 : i32
    %mul3A_2 = arith.muli %add3A, %mul3A_1 : i32
    "tpu.region"() ({
      %run_scoped3A = tpu.sem_alloc : memref<!tpu.dma_semaphore, #tpu.memory_space<semaphore_mem>>
      %dma_start3A = tpu.memref_slice %arg2[%mul3A_2] : memref<16384xi32, #tpu.memory_space<hbm>> -> memref<512xi32, #tpu.memory_space<hbm>>
      %dma_start3A_9 = tpu.memref_slice %arg2[%mul3A_2] : memref<16384xi32, #tpu.memory_space<hbm>> -> memref<512xi32, #tpu.memory_space<hbm>>
      tpu.enqueue_dma source(%dma_start3A_9 : memref<512xi32, #tpu.memory_space<hbm>>) target(%arg8 : memref<512xi32, #tpu.memory_space<vmem>>) target_semaphore(%run_scoped3A : memref<!tpu.dma_semaphore, #tpu.memory_space<semaphore_mem>>)
      %dma_wait3A = tpu.memref_slice %arg2[%mul3A_2] : memref<16384xi32, #tpu.memory_space<hbm>> -> memref<512xi32, #tpu.memory_space<hbm>>
      %dma_wait3A_10 = tpu.memref_slice %arg2[%mul3A_2] : memref<16384xi32, #tpu.memory_space<hbm>> -> memref<512xi32, #tpu.memory_space<hbm>>
      tpu.wait_dma2 semaphore(%run_scoped3A : memref<!tpu.dma_semaphore, #tpu.memory_space<semaphore_mem>>) src(%dma_wait3A_10 : memref<512xi32, #tpu.memory_space<hbm>>) dst(%arg8 : memref<512xi32, #tpu.memory_space<vmem>>)
      tpu.yield
    }) : () -> ()
    "tpu.region"() ({
      %run_scoped3A = tpu.sem_alloc : memref<!tpu.dma_semaphore, #tpu.memory_space<semaphore_mem>>
      %dma_start3A = tpu.memref_slice %arg3[%mul3A_2] : memref<16384xi32, #tpu.memory_space<hbm>> -> memref<512xi32, #tpu.memory_space<hbm>>
      %dma_start3A_9 = tpu.memref_slice %arg3[%mul3A_2] : memref<16384xi32, #tpu.memory_space<hbm>> -> memref<512xi32, #tpu.memory_space<hbm>>
      tpu.enqueue_dma source(%dma_start3A_9 : memref<512xi32, #tpu.memory_space<hbm>>) target(%arg9 : memref<512xi32, #tpu.memory_space<vmem>>) target_semaphore(%run_scoped3A : memref<!tpu.dma_semaphore, #tpu.memory_space<semaphore_mem>>)
      %dma_wait3A = tpu.memref_slice %arg3[%mul3A_2] : memref<16384xi32, #tpu.memory_space<hbm>> -> memref<512xi32, #tpu.memory_space<hbm>>
      %dma_wait3A_10 = tpu.memref_slice %arg3[%mul3A_2] : memref<16384xi32, #tpu.memory_space<hbm>> -> memref<512xi32, #tpu.memory_space<hbm>>
      tpu.wait_dma2 semaphore(%run_scoped3A : memref<!tpu.dma_semaphore, #tpu.memory_space<semaphore_mem>>) src(%dma_wait3A_10 : memref<512xi32, #tpu.memory_space<hbm>>) dst(%arg9 : memref<512xi32, #tpu.memory_space<vmem>>)
      tpu.yield
    }) : () -> ()
    %iota3A = tpu.iota {dimensions = array<i32: 0>} : vector<16xi32>
    %broadcast_in_dim3A = arith.constant 0 : i32
    %broadcast_in_dim3A_3 = vector.broadcast %broadcast_in_dim3A : i32 to vector<16xi32>
    %scan3A = arith.constant 0 : i32
    %scan3A_4 = arith.constant 0 : i32
    %scan3A_5 = arith.constant 4 : i32
    %scan3A_6 = arith.addi %scan3A_4, %scan3A_5 : i32
    %scan3A_7 = arith.constant 1 : i32
    scf.for %scan3A_9 = %scan3A_4 to %scan3A_6 step %scan3A_7  : i32 {
      %mul3A_10 = arith.constant 128 : i32
      %mul3A_11 = arith.muli %scan3A_9, %mul3A_10 : i32
      %multiple_of3A = tpu.assume_multiple %mul3A_11, 128 : i32
      %scan3A_12 = arith.constant 0 : i32
      %scan3A_13 = arith.constant 0 : i32
      %scan3A_14 = arith.constant 8 : i32
      %scan3A_15 = arith.addi %scan3A_13, %scan3A_14 : i32
      %scan3A_16 = arith.constant 1 : i32
      scf.for %scan3A_30 = %scan3A_13 to %scan3A_15 step %scan3A_16  : i32 {
        %mul3A_31 = arith.constant 16 : i32
        %mul3A_32 = arith.muli %scan3A_30, %mul3A_31 : i32
        %multiple_of3A_33 = tpu.assume_multiple %mul3A_32, 16 : i32
        %add3A_34 = arith.addi %multiple_of3A, %multiple_of3A_33 : i32
        %get3A = arith.index_cast %add3A_34 : i32 to index
        %get3A_35 = tpu.vector_load %arg8[%get3A] {strides = array<i32>} : memref<512xi32, #tpu.memory_space<vmem>>, vector<16xi32>,
        %add3A_36 = arith.addi %multiple_of3A, %multiple_of3A_33 : i32
        %get3A_37 = arith.index_cast %add3A_36 : i32 to index
        %get3A_38 = tpu.vector_load %arg9[%get3A_37] {strides = array<i32>} : memref<512xi32, #tpu.memory_space<vmem>>, vector<16xi32>,
        %add3A_39 = arith.constant 0 : i32
        %add3A_40 = arith.addi %multiple_of3A_33, %add3A_39 : i32
        %slice3A = vector.extract_strided_slice %get3A_35 {offsets = [0], sizes = [1], strides = [1]} : vector<16xi32> to vector<1xi32>
        %squeeze3A = vector.extract %slice3A[0] : i32 from vector<1xi32>
        %slice3A_41 = vector.extract_strided_slice %get3A_38 {offsets = [0], sizes = [1], strides = [1]} : vector<16xi32> to vector<1xi32>
        %squeeze3A_42 = vector.extract %slice3A_41[0] : i32 from vector<1xi32>
        %jit3A = arith.constant 8 : i32
        %div3A = arith.divsi %squeeze3A, %jit3A : i32
        %sign3A = arith.constant 0 : i32
        %sign3A_43 = arith.cmpi sgt, %squeeze3A, %sign3A : i32
        %sign3A_44 = arith.extui %sign3A_43 : i1 to i32
        %sign3A_45 = arith.constant 0 : i32
        %sign3A_46 = arith.cmpi slt, %squeeze3A, %sign3A_45 : i32
        %sign3A_47 = arith.extui %sign3A_46 : i1 to i32
        %sign3A_48 = arith.subi %sign3A_44, %sign3A_47 : i32
        %sign3A_49 = arith.constant 0 : i32
        %sign3A_50 = arith.cmpi sgt, %jit3A, %sign3A_49 : i32
        %sign3A_51 = arith.extui %sign3A_50 : i1 to i32
        %sign3A_52 = arith.constant 0 : i32
        %sign3A_53 = arith.cmpi slt, %jit3A, %sign3A_52 : i32
        %sign3A_54 = arith.extui %sign3A_53 : i1 to i32
        %sign3A_55 = arith.subi %sign3A_51, %sign3A_54 : i32
        %ne3A = arith.cmpi ne, %sign3A_48, %sign3A_55 : i32
        %rem3A = arith.remsi %squeeze3A, %jit3A : i32
        %ne3A_56 = arith.constant 0 : i32
        %ne3A_57 = arith.cmpi ne, %rem3A, %ne3A_56 : i32
        %and3A = arith.andi %ne3A, %ne3A_57 : i1
        %sub3A = arith.constant 1 : i32
        %sub3A_58 = arith.subi %div3A, %sub3A : i32
        %select_n3A = arith.select %and3A, %sub3A_58, %div3A : i32
        %jit3A_59 = arith.constant 8 : i32
        %eq3A = arith.constant 0 : i32
        %eq3A_60 = arith.cmpi eq, %jit3A_59, %eq3A : i32
        %jit3A_61 = arith.constant 1 : i32
        %select_n3A_62 = arith.select %eq3A_60, %jit3A_61, %jit3A_59 : i32
        %rem3A_63 = arith.remsi %squeeze3A, %select_n3A_62 : i32
        %ne3A_64 = arith.constant 0 : i32
        %ne3A_65 = arith.cmpi ne, %rem3A_63, %ne3A_64 : i32
        %lt3A = arith.constant 0 : i32
        %lt3A_66 = arith.cmpi slt, %rem3A_63, %lt3A : i32
        %lt3A_67 = arith.constant 0 : i32
        %lt3A_68 = arith.cmpi slt, %select_n3A_62, %lt3A_67 : i32
        %ne3A_69 = arith.xori %lt3A_66, %lt3A_68 : i1
        %and3A_70 = arith.andi %ne3A_69, %ne3A_65 : i1
        %add3A_71 = arith.addi %rem3A_63, %select_n3A_62 : i32
        %select_n3A_72 = arith.select %and3A_70, %add3A_71, %rem3A_63 : i32
        %dma_start3A = arith.constant 0 : i32
        %dma_start3A_73 = tpu.memref_slice %arg10[%add3A_40, %dma_start3A] : memref<128x32xf32, #tpu.memory_space<vmem>> -> memref<1x32xf32, #tpu.memory_space<vmem>>
        %dma_start3A_74 = arith.constant 0 : i32
        %dma_start3A_75 = tpu.memref_slice %arg4[%select_n3A, %select_n3A_72, %dma_start3A_74] : memref<125000x8x32xf32, #tpu.memory_space<hbm>> -> memref<1x1x32xf32, #tpu.memory_space<hbm>>
        %dma_start3A_76 = tpu.memref_squeeze %dma_start3A_75 : memref<1x1x32xf32, #tpu.memory_space<hbm>> -> memref<1x32xf32, #tpu.memory_space<hbm>>
        %dma_start3A_77 = arith.constant 0 : i32
        %dma_start3A_78 = tpu.memref_slice %arg10[%add3A_40, %dma_start3A_77] : memref<128x32xf32, #tpu.memory_space<vmem>> -> memref<1x32xf32, #tpu.memory_space<vmem>>
        %dma_start3A_79 = arith.constant 0 : i32
        %dma_start3A_80 = tpu.memref_slice %arg4[%select_n3A, %select_n3A_72, %dma_start3A_79] : memref<125000x8x32xf32, #tpu.memory_space<hbm>> -> memref<1x1x32xf32, #tpu.memory_space<hbm>>
        %dma_start3A_81 = tpu.memref_squeeze %dma_start3A_80 : memref<1x1x32xf32, #tpu.memory_space<hbm>> -> memref<1x32xf32, #tpu.memory_space<hbm>>
        tpu.enqueue_dma source(%dma_start3A_81 : memref<1x32xf32, #tpu.memory_space<hbm>>) target(%dma_start3A_78 : memref<1x32xf32, #tpu.memory_space<vmem>>) target_semaphore(%arg14 : memref<!tpu.dma_semaphore, #tpu.memory_space<semaphore_mem>>)
        %jit3A_82 = arith.constant 8 : i32
        %div3A_83 = arith.divsi %squeeze3A_42, %jit3A_82 : i32
        %sign3A_84 = arith.constant 0 : i32
        %sign3A_85 = arith.cmpi sgt, %squeeze3A_42, %sign3A_84 : i32
        %sign3A_86 = arith.extui %sign3A_85 : i1 to i32
        %sign3A_87 = arith.constant 0 : i32
        %sign3A_88 = arith.cmpi slt, %squeeze3A_42, %sign3A_87 : i32
        %sign3A_89 = arith.extui %sign3A_88 : i1 to i32
        %sign3A_90 = arith.subi %sign3A_86, %sign3A_89 : i32
        %sign3A_91 = arith.constant 0 : i32
        %sign3A_92 = arith.cmpi sgt, %jit3A_82, %sign3A_91 : i32
        %sign3A_93 = arith.extui %sign3A_92 : i1 to i32
        %sign3A_94 = arith.constant 0 : i32
        %sign3A_95 = arith.cmpi slt, %jit3A_82, %sign3A_94 : i32
        %sign3A_96 = arith.extui %sign3A_95 : i1 to i32
        %sign3A_97 = arith.subi %sign3A_93, %sign3A_96 : i32
        %ne3A_98 = arith.cmpi ne, %sign3A_90, %sign3A_97 : i32
        %rem3A_99 = arith.remsi %squeeze3A_42, %jit3A_82 : i32
        %ne3A_100 = arith.constant 0 : i32
        %ne3A_101 = arith.cmpi ne, %rem3A_99, %ne3A_100 : i32
        %and3A_102 = arith.andi %ne3A_98, %ne3A_101 : i1
        %sub3A_103 = arith.constant 1 : i32
        %sub3A_104 = arith.subi %div3A_83, %sub3A_103 : i32
        %select_n3A_105 = arith.select %and3A_102, %sub3A_104, %div3A_83 : i32
        %jit3A_106 = arith.constant 8 : i32
        %eq3A_107 = arith.constant 0 : i32
        %eq3A_108 = arith.cmpi eq, %jit3A_106, %eq3A_107 : i32
        %jit3A_109 = arith.constant 1 : i32
        %select_n3A_110 = arith.select %eq3A_108, %jit3A_109, %jit3A_106 : i32
        %rem3A_111 = arith.remsi %squeeze3A_42, %select_n3A_110 : i32
        %ne3A_112 = arith.constant 0 : i32
        %ne3A_113 = arith.cmpi ne, %rem3A_111, %ne3A_112 : i32
        %lt3A_114 = arith.constant 0 : i32
        %lt3A_115 = arith.cmpi slt, %rem3A_111, %lt3A_114 : i32
        %lt3A_116 = arith.constant 0 : i32
        %lt3A_117 = arith.cmpi slt, %select_n3A_110, %lt3A_116 : i32
        %ne3A_118 = arith.xori %lt3A_115, %lt3A_117 : i1
        %and3A_119 = arith.andi %ne3A_118, %ne3A_113 : i1
        %add3A_120 = arith.addi %rem3A_111, %select_n3A_110 : i32
        %select_n3A_121 = arith.select %and3A_119, %add3A_120, %rem3A_111 : i32
        %dma_start3A_122 = arith.constant 0 : i32
        %dma_start3A_123 = tpu.memref_slice %arg11[%add3A_40, %dma_start3A_122] : memref<128x32xf32, #tpu.memory_space<vmem>> -> memref<1x32xf32, #tpu.memory_space<vmem>>
        %dma_start3A_124 = arith.constant 0 : i32
        %dma_start3A_125 = tpu.memref_slice %arg5[%select_n3A_105, %select_n3A_121, %dma_start3A_124] : memref<12500x8x32xf32, #tpu.memory_space<hbm>> -> memref<1x1x32xf32, #tpu.memory_space<hbm>>
        %dma_start3A_126 = tpu.memref_squeeze %dma_start3A_125 : memref<1x1x32xf32, #tpu.memory_space<hbm>> -> memref<1x32xf32, #tpu.memory_space<hbm>>
        %dma_start3A_127 = arith.constant 0 : i32
        %dma_start3A_128 = tpu.memref_slice %arg11[%add3A_40, %dma_start3A_127] : memref<128x32xf32, #tpu.memory_space<vmem>> -> memref<1x32xf32, #tpu.memory_space<vmem>>
        %dma_start3A_129 = arith.constant 0 : i32
        %dma_start3A_130 = tpu.memref_slice %arg5[%select_n3A_105, %select_n3A_121, %dma_start3A_129] : memref<12500x8x32xf32, #tpu.memory_space<hbm>> -> memref<1x1x32xf32, #tpu.memory_space<hbm>>
        %dma_start3A_131 = tpu.memref_squeeze %dma_start3A_130 : memref<1x1x32xf32, #tpu.memory_space<hbm>> -> memref<1x32xf32, #tpu.memory_space<hbm>>
        tpu.enqueue_dma source(%dma_start3A_131 : memref<1x32xf32, #tpu.memory_space<hbm>>) target(%dma_start3A_128 : memref<1x32xf32, #tpu.memory_space<vmem>>) target_semaphore(%arg15 : memref<!tpu.dma_semaphore, #tpu.memory_space<semaphore_mem>>)
        %jit3A_132 = arith.constant 8 : i32
        %div3A_133 = arith.divsi %squeeze3A_42, %jit3A_132 : i32
        %sign3A_134 = arith.constant 0 : i32
        %sign3A_135 = arith.cmpi sgt, %squeeze3A_42, %sign3A_134 : i32
        %sign3A_136 = arith.extui %sign3A_135 : i1 to i32
        %sign3A_137 = arith.constant 0 : i32
        %sign3A_138 = arith.cmpi slt, %squeeze3A_42, %sign3A_137 : i32
        %sign3A_139 = arith.extui %sign3A_138 : i1 to i32
        %sign3A_140 = arith.subi %sign3A_136, %sign3A_139 : i32
        %sign3A_141 = arith.constant 0 : i32
        %sign3A_142 = arith.cmpi sgt, %jit3A_132, %sign3A_141 : i32
        %sign3A_143 = arith.extui %sign3A_142 : i1 to i32
        %sign3A_144 = arith.constant 0 : i32
        %sign3A_145 = arith.cmpi slt, %jit3A_132, %sign3A_144 : i32
        %sign3A_146 = arith.extui %sign3A_145 : i1 to i32
        %sign3A_147 = arith.subi %sign3A_143, %sign3A_146 : i32
        %ne3A_148 = arith.cmpi ne, %sign3A_140, %sign3A_147 : i32
        %rem3A_149 = arith.remsi %squeeze3A_42, %jit3A_132 : i32
        %ne3A_150 = arith.constant 0 : i32
        %ne3A_151 = arith.cmpi ne, %rem3A_149, %ne3A_150 : i32
        %and3A_152 = arith.andi %ne3A_148, %ne3A_151 : i1
        %sub3A_153 = arith.constant 1 : i32
        %sub3A_154 = arith.subi %div3A_133, %sub3A_153 : i32
        %select_n3A_155 = arith.select %and3A_152, %sub3A_154, %div3A_133 : i32
        %jit3A_156 = arith.constant 8 : i32
        %eq3A_157 = arith.constant 0 : i32
        %eq3A_158 = arith.cmpi eq, %jit3A_156, %eq3A_157 : i32
        %jit3A_159 = arith.constant 1 : i32
        %select_n3A_160 = arith.select %eq3A_158, %jit3A_159, %jit3A_156 : i32
        %rem3A_161 = arith.remsi %squeeze3A_42, %select_n3A_160 : i32
        %ne3A_162 = arith.constant 0 : i32
        %ne3A_163 = arith.cmpi ne, %rem3A_161, %ne3A_162 : i32
        %lt3A_164 = arith.constant 0 : i32
        %lt3A_165 = arith.cmpi slt, %rem3A_161, %lt3A_164 : i32
        %lt3A_166 = arith.constant 0 : i32
        %lt3A_167 = arith.cmpi slt, %select_n3A_160, %lt3A_166 : i32
        %ne3A_168 = arith.xori %lt3A_165, %lt3A_167 : i1
        %and3A_169 = arith.andi %ne3A_168, %ne3A_163 : i1
        %add3A_170 = arith.addi %rem3A_161, %select_n3A_160 : i32
        %select_n3A_171 = arith.select %and3A_169, %add3A_170, %rem3A_161 : i32
        %add3A_172 = arith.addi %multiple_of3A, %add3A_40 : i32
        %dma_start3A_173 = arith.constant 0 : i32
        %dma_start3A_174 = tpu.memref_slice %arg12[%add3A_172, %dma_start3A_173] : memref<512x1xf32, #tpu.memory_space<vmem>> -> memref<1x1xf32, #tpu.memory_space<vmem>>
        %dma_start3A_175 = arith.constant 0 : i32
        %dma_start3A_176 = tpu.memref_slice %arg6[%select_n3A_155, %select_n3A_171, %dma_start3A_175] : memref<12500x8x1xf32, #tpu.memory_space<hbm>> -> memref<1x1x1xf32, #tpu.memory_space<hbm>>
        %dma_start3A_177 = tpu.memref_squeeze %dma_start3A_176 : memref<1x1x1xf32, #tpu.memory_space<hbm>> -> memref<1x1xf32, #tpu.memory_space<hbm>>
        %dma_start3A_178 = arith.constant 0 : i32
        %dma_start3A_179 = tpu.memref_slice %arg12[%add3A_172, %dma_start3A_178] : memref<512x1xf32, #tpu.memory_space<vmem>> -> memref<1x1xf32, #tpu.memory_space<vmem>>
        %dma_start3A_180 = arith.constant 0 : i32
        %dma_start3A_181 = tpu.memref_slice %arg6[%select_n3A_155, %select_n3A_171, %dma_start3A_180] : memref<12500x8x1xf32, #tpu.memory_space<hbm>> -> memref<1x1x1xf32, #tpu.memory_space<hbm>>
        %dma_start3A_182 = tpu.memref_squeeze %dma_start3A_181 : memref<1x1x1xf32, #tpu.memory_space<hbm>> -> memref<1x1xf32, #tpu.memory_space<hbm>>
        tpu.enqueue_dma source(%dma_start3A_182 : memref<1x1xf32, #tpu.memory_space<hbm>>) target(%dma_start3A_179 : memref<1x1xf32, #tpu.memory_space<vmem>>) target_semaphore(%arg16 : memref<!tpu.dma_semaphore, #tpu.memory_space<semaphore_mem>>)
        %add3A_183 = arith.constant 1 : i32
        %add3A_184 = arith.addi %multiple_of3A_33, %add3A_183 : i32
        %slice3A_185 = vector.extract_strided_slice %get3A_35 {offsets = [1], sizes = [1], strides = [1]} : vector<16xi32> to vector<1xi32>
        %squeeze3A_186 = vector.extract %slice3A_185[0] : i32 from vector<1xi32>
        %slice3A_187 = vector.extract_strided_slice %get3A_38 {offsets = [1], sizes = [1], strides = [1]} : vector<16xi32> to vector<1xi32>
        %squeeze3A_188 = vector.extract %slice3A_187[0] : i32 from vector<1xi32>
        %jit3A_189 = arith.constant 8 : i32
        %div3A_190 = arith.divsi %squeeze3A_186, %jit3A_189 : i32
        %sign3A_191 = arith.constant 0 : i32
        %sign3A_192 = arith.cmpi sgt, %squeeze3A_186, %sign3A_191 : i32
        %sign3A_193 = arith.extui %sign3A_192 : i1 to i32
        %sign3A_194 = arith.constant 0 : i32
        %sign3A_195 = arith.cmpi slt, %squeeze3A_186, %sign3A_194 : i32
        %sign3A_196 = arith.extui %sign3A_195 : i1 to i32
        %sign3A_197 = arith.subi %sign3A_193, %sign3A_196 : i32
        %sign3A_198 = arith.constant 0 : i32
        %sign3A_199 = arith.cmpi sgt, %jit3A_189, %sign3A_198 : i32
        %sign3A_200 = arith.extui %sign3A_199 : i1 to i32
        %sign3A_201 = arith.constant 0 : i32
        %sign3A_202 = arith.cmpi slt, %jit3A_189, %sign3A_201 : i32
        %sign3A_203 = arith.extui %sign3A_202 : i1 to i32
        %sign3A_204 = arith.subi %sign3A_200, %sign3A_203 : i32
        %ne3A_205 = arith.cmpi ne, %sign3A_197, %sign3A_204 : i32
        %rem3A_206 = arith.remsi %squeeze3A_186, %jit3A_189 : i32
        %ne3A_207 = arith.constant 0 : i32
        %ne3A_208 = arith.cmpi ne, %rem3A_206, %ne3A_207 : i32
        %and3A_209 = arith.andi %ne3A_205, %ne3A_208 : i1
        %sub3A_210 = arith.constant 1 : i32
        %sub3A_211 = arith.subi %div3A_190, %sub3A_210 : i32
        %select_n3A_212 = arith.select %and3A_209, %sub3A_211, %div3A_190 : i32
        %jit3A_213 = arith.constant 8 : i32
        %eq3A_214 = arith.constant 0 : i32
        %eq3A_215 = arith.cmpi eq, %jit3A_213, %eq3A_214 : i32
        %jit3A_216 = arith.constant 1 : i32
        %select_n3A_217 = arith.select %eq3A_215, %jit3A_216, %jit3A_213 : i32
        %rem3A_218 = arith.remsi %squeeze3A_186, %select_n3A_217 : i32
        %ne3A_219 = arith.constant 0 : i32
        %ne3A_220 = arith.cmpi ne, %rem3A_218, %ne3A_219 : i32
        %lt3A_221 = arith.constant 0 : i32
        %lt3A_222 = arith.cmpi slt, %rem3A_218, %lt3A_221 : i32
        %lt3A_223 = arith.constant 0 : i32
        %lt3A_224 = arith.cmpi slt, %select_n3A_217, %lt3A_223 : i32
        %ne3A_225 = arith.xori %lt3A_222, %lt3A_224 : i1
        %and3A_226 = arith.andi %ne3A_225, %ne3A_220 : i1
        %add3A_227 = arith.addi %rem3A_218, %select_n3A_217 : i32
        %select_n3A_228 = arith.select %and3A_226, %add3A_227, %rem3A_218 : i32
        %dma_start3A_229 = arith.constant 0 : i32
        %dma_start3A_230 = tpu.memref_slice %arg10[%add3A_184, %dma_start3A_229] : memref<128x32xf32, #tpu.memory_space<vmem>> -> memref<1x32xf32, #tpu.memory_space<vmem>>
        %dma_start3A_231 = arith.constant 0 : i32
        %dma_start3A_232 = tpu.memref_slice %arg4[%select_n3A_212, %select_n3A_228, %dma_start3A_231] : memref<125000x8x32xf32, #tpu.memory_space<hbm>> -> memref<1x1x32xf32, #tpu.memory_space<hbm>>
        %dma_start3A_233 = tpu.memref_squeeze %dma_start3A_232 : memref<1x1x32xf32, #tpu.memory_space<hbm>> -> memref<1x32xf32, #tpu.memory_space<hbm>>
        %dma_start3A_234 = arith.constant 0 : i32
        %dma_start3A_235 = tpu.memref_slice %arg10[%add3A_184, %dma_start3A_234] : memref<128x32xf32, #tpu.memory_space<vmem>> -> memref<1x32xf32, #tpu.memory_space<vmem>>
        %dma_start3A_236 = arith.constant 0 : i32
        %dma_start3A_237 = tpu.memref_slice %arg4[%select_n3A_212, %select_n3A_228, %dma_start3A_236] : memref<125000x8x32xf32, #tpu.memory_space<hbm>> -> memref<1x1x32xf32, #tpu.memory_space<hbm>>
        %dma_start3A_238 = tpu.memref_squeeze %dma_start3A_237 : memref<1x1x32xf32, #tpu.memory_space<hbm>> -> memref<1x32xf32, #tpu.memory_space<hbm>>
        tpu.enqueue_dma source(%dma_start3A_238 : memref<1x32xf32, #tpu.memory_space<hbm>>) target(%dma_start3A_235 : memref<1x32xf32, #tpu.memory_space<vmem>>) target_semaphore(%arg14 : memref<!tpu.dma_semaphore, #tpu.memory_space<semaphore_mem>>)
        %jit3A_239 = arith.constant 8 : i32
        %div3A_240 = arith.divsi %squeeze3A_188, %jit3A_239 : i32
        %sign3A_241 = arith.constant 0 : i32
        %sign3A_242 = arith.cmpi sgt, %squeeze3A_188, %sign3A_241 : i32
        %sign3A_243 = arith.extui %sign3A_242 : i1 to i32
        %sign3A_244 = arith.constant 0 : i32
        %sign3A_245 = arith.cmpi slt, %squeeze3A_188, %sign3A_244 : i32
        %sign3A_246 = arith.extui %sign3A_245 : i1 to i32
        %sign3A_247 = arith.subi %sign3A_243, %sign3A_246 : i32
        %sign3A_248 = arith.constant 0 : i32
        %sign3A_249 = arith.cmpi sgt, %jit3A_239, %sign3A_248 : i32
        %sign3A_250 = arith.extui %sign3A_249 : i1 to i32
        %sign3A_251 = arith.constant 0 : i32
        %sign3A_252 = arith.cmpi slt, %jit3A_239, %sign3A_251 : i32
        %sign3A_253 = arith.extui %sign3A_252 : i1 to i32
        %sign3A_254 = arith.subi %sign3A_250, %sign3A_253 : i32
        %ne3A_255 = arith.cmpi ne, %sign3A_247, %sign3A_254 : i32
        %rem3A_256 = arith.remsi %squeeze3A_188, %jit3A_239 : i32
        %ne3A_257 = arith.constant 0 : i32
        %ne3A_258 = arith.cmpi ne, %rem3A_256, %ne3A_257 : i32
        %and3A_259 = arith.andi %ne3A_255, %ne3A_258 : i1
        %sub3A_260 = arith.constant 1 : i32
        %sub3A_261 = arith.subi %div3A_240, %sub3A_260 : i32
        %select_n3A_262 = arith.select %and3A_259, %sub3A_261, %div3A_240 : i32
        %jit3A_263 = arith.constant 8 : i32
        %eq3A_264 = arith.constant 0 : i32
        %eq3A_265 = arith.cmpi eq, %jit3A_263, %eq3A_264 : i32
        %jit3A_266 = arith.constant 1 : i32
        %select_n3A_267 = arith.select %eq3A_265, %jit3A_266, %jit3A_263 : i32
        %rem3A_268 = arith.remsi %squeeze3A_188, %select_n3A_267 : i32
        %ne3A_269 = arith.constant 0 : i32
        %ne3A_270 = arith.cmpi ne, %rem3A_268, %ne3A_269 : i32
        %lt3A_271 = arith.constant 0 : i32
        %lt3A_272 = arith.cmpi slt, %rem3A_268, %lt3A_271 : i32
        %lt3A_273 = arith.constant 0 : i32
        %lt3A_274 = arith.cmpi slt, %select_n3A_267, %lt3A_273 : i32
        %ne3A_275 = arith.xori %lt3A_272, %lt3A_274 : i1
        %and3A_276 = arith.andi %ne3A_275, %ne3A_270 : i1
        %add3A_277 = arith.addi %rem3A_268, %select_n3A_267 : i32
        %select_n3A_278 = arith.select %and3A_276, %add3A_277, %rem3A_268 : i32
        %dma_start3A_279 = arith.constant 0 : i32
        %dma_start3A_280 = tpu.memref_slice %arg11[%add3A_184, %dma_start3A_279] : memref<128x32xf32, #tpu.memory_space<vmem>> -> memref<1x32xf32, #tpu.memory_space<vmem>>
        %dma_start3A_281 = arith.constant 0 : i32
        %dma_start3A_282 = tpu.memref_slice %arg5[%select_n3A_262, %select_n3A_278, %dma_start3A_281] : memref<12500x8x32xf32, #tpu.memory_space<hbm>> -> memref<1x1x32xf32, #tpu.memory_space<hbm>>
        %dma_start3A_283 = tpu.memref_squeeze %dma_start3A_282 : memref<1x1x32xf32, #tpu.memory_space<hbm>> -> memref<1x32xf32, #tpu.memory_space<hbm>>
        %dma_start3A_284 = arith.constant 0 : i32
        %dma_start3A_285 = tpu.memref_slice %arg11[%add3A_184, %dma_start3A_284] : memref<128x32xf32, #tpu.memory_space<vmem>> -> memref<1x32xf32, #tpu.memory_space<vmem>>
        %dma_start3A_286 = arith.constant 0 : i32
        %dma_start3A_287 = tpu.memref_slice %arg5[%select_n3A_262, %select_n3A_278, %dma_start3A_286] : memref<12500x8x32xf32, #tpu.memory_space<hbm>> -> memref<1x1x32xf32, #tpu.memory_space<hbm>>
        %dma_start3A_288 = tpu.memref_squeeze %dma_start3A_287 : memref<1x1x32xf32, #tpu.memory_space<hbm>> -> memref<1x32xf32, #tpu.memory_space<hbm>>
        tpu.enqueue_dma source(%dma_start3A_288 : memref<1x32xf32, #tpu.memory_space<hbm>>) target(%dma_start3A_285 : memref<1x32xf32, #tpu.memory_space<vmem>>) target_semaphore(%arg15 : memref<!tpu.dma_semaphore, #tpu.memory_space<semaphore_mem>>)
        %jit3A_289 = arith.constant 8 : i32
        %div3A_290 = arith.divsi %squeeze3A_188, %jit3A_289 : i32
        %sign3A_291 = arith.constant 0 : i32
        %sign3A_292 = arith.cmpi sgt, %squeeze3A_188, %sign3A_291 : i32
        %sign3A_293 = arith.extui %sign3A_292 : i1 to i32
        %sign3A_294 = arith.constant 0 : i32
        %sign3A_295 = arith.cmpi slt, %squeeze3A_188, %sign3A_294 : i32
        %sign3A_296 = arith.extui %sign3A_295 : i1 to i32
        %sign3A_297 = arith.subi %sign3A_293, %sign3A_296 : i32
        %sign3A_298 = arith.constant 0 : i32
        %sign3A_299 = arith.cmpi sgt, %jit3A_289, %sign3A_298 : i32
        %sign3A_300 = arith.extui %sign3A_299 : i1 to i32
        %sign3A_301 = arith.constant 0 : i32
        %sign3A_302 = arith.cmpi slt, %jit3A_289, %sign3A_301 : i32
        %sign3A_303 = arith.extui %sign3A_302 : i1 to i32
        %sign3A_304 = arith.subi %sign3A_300, %sign3A_303 : i32
        %ne3A_305 = arith.cmpi ne, %sign3A_297, %sign3A_304 : i32
        %rem3A_306 = arith.remsi %squeeze3A_188, %jit3A_289 : i32
        %ne3A_307 = arith.constant 0 : i32
        %ne3A_308 = arith.cmpi ne, %rem3A_306, %ne3A_307 : i32
        %and3A_309 = arith.andi %ne3A_305, %ne3A_308 : i1
        %sub3A_310 = arith.constant 1 : i32
        %sub3A_311 = arith.subi %div3A_290, %sub3A_310 : i32
        %select_n3A_312 = arith.select %and3A_309, %sub3A_311, %div3A_290 : i32
        %jit3A_313 = arith.constant 8 : i32
        %eq3A_314 = arith.constant 0 : i32
        %eq3A_315 = arith.cmpi eq, %jit3A_313, %eq3A_314 : i32
        %jit3A_316 = arith.constant 1 : i32
        %select_n3A_317 = arith.select %eq3A_315, %jit3A_316, %jit3A_313 : i32
        %rem3A_318 = arith.remsi %squeeze3A_188, %select_n3A_317 : i32
        %ne3A_319 = arith.constant 0 : i32
        %ne3A_320 = arith.cmpi ne, %rem3A_318, %ne3A_319 : i32
        %lt3A_321 = arith.constant 0 : i32
        %lt3A_322 = arith.cmpi slt, %rem3A_318, %lt3A_321 : i32
        %lt3A_323 = arith.constant 0 : i32
        %lt3A_324 = arith.cmpi slt, %select_n3A_317, %lt3A_323 : i32
        %ne3A_325 = arith.xori %lt3A_322, %lt3A_324 : i1
        %and3A_326 = arith.andi %ne3A_325, %ne3A_320 : i1
        %add3A_327 = arith.addi %rem3A_318, %select_n3A_317 : i32
        %select_n3A_328 = arith.select %and3A_326, %add3A_327, %rem3A_318 : i32
        %add3A_329 = arith.addi %multiple_of3A, %add3A_184 : i32
        %dma_start3A_330 = arith.constant 0 : i32
        %dma_start3A_331 = tpu.memref_slice %arg12[%add3A_329, %dma_start3A_330] : memref<512x1xf32, #tpu.memory_space<vmem>> -> memref<1x1xf32, #tpu.memory_space<vmem>>
        %dma_start3A_332 = arith.constant 0 : i32
        %dma_start3A_333 = tpu.memref_slice %arg6[%select_n3A_312, %select_n3A_328, %dma_start3A_332] : memref<12500x8x1xf32, #tpu.memory_space<hbm>> -> memref<1x1x1xf32, #tpu.memory_space<hbm>>
        %dma_start3A_334 = tpu.memref_squeeze %dma_start3A_333 : memref<1x1x1xf32, #tpu.memory_space<hbm>> -> memref<1x1xf32, #tpu.memory_space<hbm>>
        %dma_start3A_335 = arith.constant 0 : i32
        %dma_start3A_336 = tpu.memref_slice %arg12[%add3A_329, %dma_start3A_335] : memref<512x1xf32, #tpu.memory_space<vmem>> -> memref<1x1xf32, #tpu.memory_space<vmem>>
        %dma_start3A_337 = arith.constant 0 : i32
        %dma_start3A_338 = tpu.memref_slice %arg6[%select_n3A_312, %select_n3A_328, %dma_start3A_337] : memref<12500x8x1xf32, #tpu.memory_space<hbm>> -> memref<1x1x1xf32, #tpu.memory_space<hbm>>
        %dma_start3A_339 = tpu.memref_squeeze %dma_start3A_338 : memref<1x1x1xf32, #tpu.memory_space<hbm>> -> memref<1x1xf32, #tpu.memory_space<hbm>>
        tpu.enqueue_dma source(%dma_start3A_339 : memref<1x1xf32, #tpu.memory_space<hbm>>) target(%dma_start3A_336 : memref<1x1xf32, #tpu.memory_space<vmem>>) target_semaphore(%arg16 : memref<!tpu.dma_semaphore, #tpu.memory_space<semaphore_mem>>)
        %add3A_340 = arith.constant 2 : i32
        %add3A_341 = arith.addi %multiple_of3A_33, %add3A_340 : i32
        %slice3A_342 = vector.extract_strided_slice %get3A_35 {offsets = [2], sizes = [1], strides = [1]} : vector<16xi32> to vector<1xi32>
        %squeeze3A_343 = vector.extract %slice3A_342[0] : i32 from vector<1xi32>
        %slice3A_344 = vector.extract_strided_slice %get3A_38 {offsets = [2], sizes = [1], strides = [1]} : vector<16xi32> to vector<1xi32>
        %squeeze3A_345 = vector.extract %slice3A_344[0] : i32 from vector<1xi32>
        %jit3A_346 = arith.constant 8 : i32
        %div3A_347 = arith.divsi %squeeze3A_343, %jit3A_346 : i32
        %sign3A_348 = arith.constant 0 : i32
        %sign3A_349 = arith.cmpi sgt, %squeeze3A_343, %sign3A_348 : i32
        %sign3A_350 = arith.extui %sign3A_349 : i1 to i32
        %sign3A_351 = arith.constant 0 : i32
        %sign3A_352 = arith.cmpi slt, %squeeze3A_343, %sign3A_351 : i32
        %sign3A_353 = arith.extui %sign3A_352 : i1 to i32
        %sign3A_354 = arith.subi %sign3A_350, %sign3A_353 : i32
        %sign3A_355 = arith.constant 0 : i32
        %sign3A_356 = arith.cmpi sgt, %jit3A_346, %sign3A_355 : i32
        %sign3A_357 = arith.extui %sign3A_356 : i1 to i32
        %sign3A_358 = arith.constant 0 : i32
        %sign3A_359 = arith.cmpi slt, %jit3A_346, %sign3A_358 : i32
        %sign3A_360 = arith.extui %sign3A_359 : i1 to i32
        %sign3A_361 = arith.subi %sign3A_357, %sign3A_360 : i32
        %ne3A_362 = arith.cmpi ne, %sign3A_354, %sign3A_361 : i32
        %rem3A_363 = arith.remsi %squeeze3A_343, %jit3A_346 : i32
        %ne3A_364 = arith.constant 0 : i32
        %ne3A_365 = arith.cmpi ne, %rem3A_363, %ne3A_364 : i32
        %and3A_366 = arith.andi %ne3A_362, %ne3A_365 : i1
        %sub3A_367 = arith.constant 1 : i32
        %sub3A_368 = arith.subi %div3A_347, %sub3A_367 : i32
        %select_n3A_369 = arith.select %and3A_366, %sub3A_368, %div3A_347 : i32
        %jit3A_370 = arith.constant 8 : i32
        %eq3A_371 = arith.constant 0 : i32
        %eq3A_372 = arith.cmpi eq, %jit3A_370, %eq3A_371 : i32
        %jit3A_373 = arith.constant 1 : i32
        %select_n3A_374 = arith.select %eq3A_372, %jit3A_373, %jit3A_370 : i32
        %rem3A_375 = arith.remsi %squeeze3A_343, %select_n3A_374 : i32
        %ne3A_376 = arith.constant 0 : i32
        %ne3A_377 = arith.cmpi ne, %rem3A_375, %ne3A_376 : i32
        %lt3A_378 = arith.constant 0 : i32
        %lt3A_379 = arith.cmpi slt, %rem3A_375, %lt3A_378 : i32
        %lt3A_380 = arith.constant 0 : i32
        %lt3A_381 = arith.cmpi slt, %select_n3A_374, %lt3A_380 : i32
        %ne3A_382 = arith.xori %lt3A_379, %lt3A_381 : i1
        %and3A_383 = arith.andi %ne3A_382, %ne3A_377 : i1
        %add3A_384 = arith.addi %rem3A_375, %select_n3A_374 : i32
        %select_n3A_385 = arith.select %and3A_383, %add3A_384, %rem3A_375 : i32
        %dma_start3A_386 = arith.constant 0 : i32
        %dma_start3A_387 = tpu.memref_slice %arg10[%add3A_341, %dma_start3A_386] : memref<128x32xf32, #tpu.memory_space<vmem>> -> memref<1x32xf32, #tpu.memory_space<vmem>>
        %dma_start3A_388 = arith.constant 0 : i32
        %dma_start3A_389 = tpu.memref_slice %arg4[%select_n3A_369, %select_n3A_385, %dma_start3A_388] : memref<125000x8x32xf32, #tpu.memory_space<hbm>> -> memref<1x1x32xf32, #tpu.memory_space<hbm>>
        %dma_start3A_390 = tpu.memref_squeeze %dma_start3A_389 : memref<1x1x32xf32, #tpu.memory_space<hbm>> -> memref<1x32xf32, #tpu.memory_space<hbm>>
        %dma_start3A_391 = arith.constant 0 : i32
        %dma_start3A_392 = tpu.memref_slice %arg10[%add3A_341, %dma_start3A_391] : memref<128x32xf32, #tpu.memory_space<vmem>> -> memref<1x32xf32, #tpu.memory_space<vmem>>
        %dma_start3A_393 = arith.constant 0 : i32
        %dma_start3A_394 = tpu.memref_slice %arg4[%select_n3A_369, %select_n3A_385, %dma_start3A_393] : memref<125000x8x32xf32, #tpu.memory_space<hbm>> -> memref<1x1x32xf32, #tpu.memory_space<hbm>>
        %dma_start3A_395 = tpu.memref_squeeze %dma_start3A_394 : memref<1x1x32xf32, #tpu.memory_space<hbm>> -> memref<1x32xf32, #tpu.memory_space<hbm>>
        tpu.enqueue_dma source(%dma_start3A_395 : memref<1x32xf32, #tpu.memory_space<hbm>>) target(%dma_start3A_392 : memref<1x32xf32, #tpu.memory_space<vmem>>) target_semaphore(%arg14 : memref<!tpu.dma_semaphore, #tpu.memory_space<semaphore_mem>>)
        %jit3A_396 = arith.constant 8 : i32
        %div3A_397 = arith.divsi %squeeze3A_345, %jit3A_396 : i32
        %sign3A_398 = arith.constant 0 : i32
        %sign3A_399 = arith.cmpi sgt, %squeeze3A_345, %sign3A_398 : i32
        %sign3A_400 = arith.extui %sign3A_399 : i1 to i32
        %sign3A_401 = arith.constant 0 : i32
        %sign3A_402 = arith.cmpi slt, %squeeze3A_345, %sign3A_401 : i32
        %sign3A_403 = arith.extui %sign3A_402 : i1 to i32
        %sign3A_404 = arith.subi %sign3A_400, %sign3A_403 : i32
        %sign3A_405 = arith.constant 0 : i32
        %sign3A_406 = arith.cmpi sgt, %jit3A_396, %sign3A_405 : i32
        %sign3A_407 = arith.extui %sign3A_406 : i1 to i32
        %sign3A_408 = arith.constant 0 : i32
        %sign3A_409 = arith.cmpi slt, %jit3A_396, %sign3A_408 : i32
        %sign3A_410 = arith.extui %sign3A_409 : i1 to i32
        %sign3A_411 = arith.subi %sign3A_407, %sign3A_410 : i32
        %ne3A_412 = arith.cmpi ne, %sign3A_404, %sign3A_411 : i32
        %rem3A_413 = arith.remsi %squeeze3A_345, %jit3A_396 : i32
        %ne3A_414 = arith.constant 0 : i32
        %ne3A_415 = arith.cmpi ne, %rem3A_413, %ne3A_414 : i32
        %and3A_416 = arith.andi %ne3A_412, %ne3A_415 : i1
        %sub3A_417 = arith.constant 1 : i32
        %sub3A_418 = arith.subi %div3A_397, %sub3A_417 : i32
        %select_n3A_419 = arith.select %and3A_416, %sub3A_418, %div3A_397 : i32
        %jit3A_420 = arith.constant 8 : i32
        %eq3A_421 = arith.constant 0 : i32
        %eq3A_422 = arith.cmpi eq, %jit3A_420, %eq3A_421 : i32
        %jit3A_423 = arith.constant 1 : i32
        %select_n3A_424 = arith.select %eq3A_422, %jit3A_423, %jit3A_420 : i32
        %rem3A_425 = arith.remsi %squeeze3A_345, %select_n3A_424 : i32
        %ne3A_426 = arith.constant 0 : i32
        %ne3A_427 = arith.cmpi ne, %rem3A_425, %ne3A_426 : i32
        %lt3A_428 = arith.constant 0 : i32
        %lt3A_429 = arith.cmpi slt, %rem3A_425, %lt3A_428 : i32
        %lt3A_430 = arith.constant 0 : i32
        %lt3A_431 = arith.cmpi slt, %select_n3A_424, %lt3A_430 : i32
        %ne3A_432 = arith.xori %lt3A_429, %lt3A_431 : i1
        %and3A_433 = arith.andi %ne3A_432, %ne3A_427 : i1
        %add3A_434 = arith.addi %rem3A_425, %select_n3A_424 : i32
        %select_n3A_435 = arith.select %and3A_433, %add3A_434, %rem3A_425 : i32
        %dma_start3A_436 = arith.constant 0 : i32
        %dma_start3A_437 = tpu.memref_slice %arg11[%add3A_341, %dma_start3A_436] : memref<128x32xf32, #tpu.memory_space<vmem>> -> memref<1x32xf32, #tpu.memory_space<vmem>>
        %dma_start3A_438 = arith.constant 0 : i32
        %dma_start3A_439 = tpu.memref_slice %arg5[%select_n3A_419, %select_n3A_435, %dma_start3A_438] : memref<12500x8x32xf32, #tpu.memory_space<hbm>> -> memref<1x1x32xf32, #tpu.memory_space<hbm>>
        %dma_start3A_440 = tpu.memref_squeeze %dma_start3A_439 : memref<1x1x32xf32, #tpu.memory_space<hbm>> -> memref<1x32xf32, #tpu.memory_space<hbm>>
        %dma_start3A_441 = arith.constant 0 : i32
        %dma_start3A_442 = tpu.memref_slice %arg11[%add3A_341, %dma_start3A_441] : memref<128x32xf32, #tpu.memory_space<vmem>> -> memref<1x32xf32, #tpu.memory_space<vmem>>
        %dma_start3A_443 = arith.constant 0 : i32
        %dma_start3A_444 = tpu.memref_slice %arg5[%select_n3A_419, %select_n3A_435, %dma_start3A_443] : memref<12500x8x32xf32, #tpu.memory_space<hbm>> -> memref<1x1x32xf32, #tpu.memory_space<hbm>>
        %dma_start3A_445 = tpu.memref_squeeze %dma_start3A_444 : memref<1x1x32xf32, #tpu.memory_space<hbm>> -> memref<1x32xf32, #tpu.memory_space<hbm>>
        tpu.enqueue_dma source(%dma_start3A_445 : memref<1x32xf32, #tpu.memory_space<hbm>>) target(%dma_start3A_442 : memref<1x32xf32, #tpu.memory_space<vmem>>) target_semaphore(%arg15 : memref<!tpu.dma_semaphore, #tpu.memory_space<semaphore_mem>>)
        %jit3A_446 = arith.constant 8 : i32
        %div3A_447 = arith.divsi %squeeze3A_345, %jit3A_446 : i32
        %sign3A_448 = arith.constant 0 : i32
        %sign3A_449 = arith.cmpi sgt, %squeeze3A_345, %sign3A_448 : i32
        %sign3A_450 = arith.extui %sign3A_449 : i1 to i32
        %sign3A_451 = arith.constant 0 : i32
        %sign3A_452 = arith.cmpi slt, %squeeze3A_345, %sign3A_451 : i32
        %sign3A_453 = arith.extui %sign3A_452 : i1 to i32
        %sign3A_454 = arith.subi %sign3A_450, %sign3A_453 : i32
        %sign3A_455 = arith.constant 0 : i32
        %sign3A_456 = arith.cmpi sgt, %jit3A_446, %sign3A_455 : i32
        %sign3A_457 = arith.extui %sign3A_456 : i1 to i32
        %sign3A_458 = arith.constant 0 : i32
        %sign3A_459 = arith.cmpi slt, %jit3A_446, %sign3A_458 : i32
        %sign3A_460 = arith.extui %sign3A_459 : i1 to i32
        %sign3A_461 = arith.subi %sign3A_457, %sign3A_460 : i32
        %ne3A_462 = arith.cmpi ne, %sign3A_454, %sign3A_461 : i32
        %rem3A_463 = arith.remsi %squeeze3A_345, %jit3A_446 : i32
        %ne3A_464 = arith.constant 0 : i32
        %ne3A_465 = arith.cmpi ne, %rem3A_463, %ne3A_464 : i32
        %and3A_466 = arith.andi %ne3A_462, %ne3A_465 : i1
        %sub3A_467 = arith.constant 1 : i32
        %sub3A_468 = arith.subi %div3A_447, %sub3A_467 : i32
        %select_n3A_469 = arith.select %and3A_466, %sub3A_468, %div3A_447 : i32
        %jit3A_470 = arith.constant 8 : i32
        %eq3A_471 = arith.constant 0 : i32
        %eq3A_472 = arith.cmpi eq, %jit3A_470, %eq3A_471 : i32
        %jit3A_473 = arith.constant 1 : i32
        %select_n3A_474 = arith.select %eq3A_472, %jit3A_473, %jit3A_470 : i32
        %rem3A_475 = arith.remsi %squeeze3A_345, %select_n3A_474 : i32
        %ne3A_476 = arith.constant 0 : i32
        %ne3A_477 = arith.cmpi ne, %rem3A_475, %ne3A_476 : i32
        %lt3A_478 = arith.constant 0 : i32
        %lt3A_479 = arith.cmpi slt, %rem3A_475, %lt3A_478 : i32
        %lt3A_480 = arith.constant 0 : i32
        %lt3A_481 = arith.cmpi slt, %select_n3A_474, %lt3A_480 : i32
        %ne3A_482 = arith.xori %lt3A_479, %lt3A_481 : i1
        %and3A_483 = arith.andi %ne3A_482, %ne3A_477 : i1
        %add3A_484 = arith.addi %rem3A_475, %select_n3A_474 : i32
        %select_n3A_485 = arith.select %and3A_483, %add3A_484, %rem3A_475 : i32
        %add3A_486 = arith.addi %multiple_of3A, %add3A_341 : i32
        %dma_start3A_487 = arith.constant 0 : i32
        %dma_start3A_488 = tpu.memref_slice %arg12[%add3A_486, %dma_start3A_487] : memref<512x1xf32, #tpu.memory_space<vmem>> -> memref<1x1xf32, #tpu.memory_space<vmem>>
        %dma_start3A_489 = arith.constant 0 : i32
        %dma_start3A_490 = tpu.memref_slice %arg6[%select_n3A_469, %select_n3A_485, %dma_start3A_489] : memref<12500x8x1xf32, #tpu.memory_space<hbm>> -> memref<1x1x1xf32, #tpu.memory_space<hbm>>
        %dma_start3A_491 = tpu.memref_squeeze %dma_start3A_490 : memref<1x1x1xf32, #tpu.memory_space<hbm>> -> memref<1x1xf32, #tpu.memory_space<hbm>>
        %dma_start3A_492 = arith.constant 0 : i32
        %dma_start3A_493 = tpu.memref_slice %arg12[%add3A_486, %dma_start3A_492] : memref<512x1xf32, #tpu.memory_space<vmem>> -> memref<1x1xf32, #tpu.memory_space<vmem>>
        %dma_start3A_494 = arith.constant 0 : i32
        %dma_start3A_495 = tpu.memref_slice %arg6[%select_n3A_469, %select_n3A_485, %dma_start3A_494] : memref<12500x8x1xf32, #tpu.memory_space<hbm>> -> memref<1x1x1xf32, #tpu.memory_space<hbm>>
        %dma_start3A_496 = tpu.memref_squeeze %dma_start3A_495 : memref<1x1x1xf32, #tpu.memory_space<hbm>> -> memref<1x1xf32, #tpu.memory_space<hbm>>
        tpu.enqueue_dma source(%dma_start3A_496 : memref<1x1xf32, #tpu.memory_space<hbm>>) target(%dma_start3A_493 : memref<1x1xf32, #tpu.memory_space<vmem>>) target_semaphore(%arg16 : memref<!tpu.dma_semaphore, #tpu.memory_space<semaphore_mem>>)
        %add3A_497 = arith.constant 3 : i32
        %add3A_498 = arith.addi %multiple_of3A_33, %add3A_497 : i32
        %slice3A_499 = vector.extract_strided_slice %get3A_35 {offsets = [3], sizes = [1], strides = [1]} : vector<16xi32> to vector<1xi32>
        %squeeze3A_500 = vector.extract %slice3A_499[0] : i32 from vector<1xi32>
        %slice3A_501 = vector.extract_strided_slice %get3A_38 {offsets = [3], sizes = [1], strides = [1]} : vector<16xi32> to vector<1xi32>
        %squeeze3A_502 = vector.extract %slice3A_501[0] : i32 from vector<1xi32>
        %jit3A_503 = arith.constant 8 : i32
        %div3A_504 = arith.divsi %squeeze3A_500, %jit3A_503 : i32
        %sign3A_505 = arith.constant 0 : i32
        %sign3A_506 = arith.cmpi sgt, %squeeze3A_500, %sign3A_505 : i32
        %sign3A_507 = arith.extui %sign3A_506 : i1 to i32
        %sign3A_508 = arith.constant 0 : i32
        %sign3A_509 = arith.cmpi slt, %squeeze3A_500, %sign3A_508 : i32
        %sign3A_510 = arith.extui %sign3A_509 : i1 to i32
        %sign3A_511 = arith.subi %sign3A_507, %sign3A_510 : i32
        %sign3A_512 = arith.constant 0 : i32
        %sign3A_513 = arith.cmpi sgt, %jit3A_503, %sign3A_512 : i32
        %sign3A_514 = arith.extui %sign3A_513 : i1 to i32
        %sign3A_515 = arith.constant 0 : i32
        %sign3A_516 = arith.cmpi slt, %jit3A_503, %sign3A_515 : i32
        %sign3A_517 = arith.extui %sign3A_516 : i1 to i32
        %sign3A_518 = arith.subi %sign3A_514, %sign3A_517 : i32
        %ne3A_519 = arith.cmpi ne, %sign3A_511, %sign3A_518 : i32
        %rem3A_520 = arith.remsi %squeeze3A_500, %jit3A_503 : i32
        %ne3A_521 = arith.constant 0 : i32
        %ne3A_522 = arith.cmpi ne, %rem3A_520, %ne3A_521 : i32
        %and3A_523 = arith.andi %ne3A_519, %ne3A_522 : i1
        %sub3A_524 = arith.constant 1 : i32
        %sub3A_525 = arith.subi %div3A_504, %sub3A_524 : i32
        %select_n3A_526 = arith.select %and3A_523, %sub3A_525, %div3A_504 : i32
        %jit3A_527 = arith.constant 8 : i32
        %eq3A_528 = arith.constant 0 : i32
        %eq3A_529 = arith.cmpi eq, %jit3A_527, %eq3A_528 : i32
        %jit3A_530 = arith.constant 1 : i32
        %select_n3A_531 = arith.select %eq3A_529, %jit3A_530, %jit3A_527 : i32
        %rem3A_532 = arith.remsi %squeeze3A_500, %select_n3A_531 : i32
        %ne3A_533 = arith.constant 0 : i32
        %ne3A_534 = arith.cmpi ne, %rem3A_532, %ne3A_533 : i32
        %lt3A_535 = arith.constant 0 : i32
        %lt3A_536 = arith.cmpi slt, %rem3A_532, %lt3A_535 : i32
        %lt3A_537 = arith.constant 0 : i32
        %lt3A_538 = arith.cmpi slt, %select_n3A_531, %lt3A_537 : i32
        %ne3A_539 = arith.xori %lt3A_536, %lt3A_538 : i1
        %and3A_540 = arith.andi %ne3A_539, %ne3A_534 : i1
        %add3A_541 = arith.addi %rem3A_532, %select_n3A_531 : i32
        %select_n3A_542 = arith.select %and3A_540, %add3A_541, %rem3A_532 : i32
        %dma_start3A_543 = arith.constant 0 : i32
        %dma_start3A_544 = tpu.memref_slice %arg10[%add3A_498, %dma_start3A_543] : memref<128x32xf32, #tpu.memory_space<vmem>> -> memref<1x32xf32, #tpu.memory_space<vmem>>
        %dma_start3A_545 = arith.constant 0 : i32
        %dma_start3A_546 = tpu.memref_slice %arg4[%select_n3A_526, %select_n3A_542, %dma_start3A_545] : memref<125000x8x32xf32, #tpu.memory_space<hbm>> -> memref<1x1x32xf32, #tpu.memory_space<hbm>>
        %dma_start3A_547 = tpu.memref_squeeze %dma_start3A_546 : memref<1x1x32xf32, #tpu.memory_space<hbm>> -> memref<1x32xf32, #tpu.memory_space<hbm>>
        %dma_start3A_548 = arith.constant 0 : i32
        %dma_start3A_549 = tpu.memref_slice %arg10[%add3A_498, %dma_start3A_548] : memref<128x32xf32, #tpu.memory_space<vmem>> -> memref<1x32xf32, #tpu.memory_space<vmem>>
        %dma_start3A_550 = arith.constant 0 : i32
        %dma_start3A_551 = tpu.memref_slice %arg4[%select_n3A_526, %select_n3A_542, %dma_start3A_550] : memref<125000x8x32xf32, #tpu.memory_space<hbm>> -> memref<1x1x32xf32, #tpu.memory_space<hbm>>
        %dma_start3A_552 = tpu.memref_squeeze %dma_start3A_551 : memref<1x1x32xf32, #tpu.memory_space<hbm>> -> memref<1x32xf32, #tpu.memory_space<hbm>>
        tpu.enqueue_dma source(%dma_start3A_552 : memref<1x32xf32, #tpu.memory_space<hbm>>) target(%dma_start3A_549 : memref<1x32xf32, #tpu.memory_space<vmem>>) target_semaphore(%arg14 : memref<!tpu.dma_semaphore, #tpu.memory_space<semaphore_mem>>)
        %jit3A_553 = arith.constant 8 : i32
        %div3A_554 = arith.divsi %squeeze3A_502, %jit3A_553 : i32
        %sign3A_555 = arith.constant 0 : i32
        %sign3A_556 = arith.cmpi sgt, %squeeze3A_502, %sign3A_555 : i32
        %sign3A_557 = arith.extui %sign3A_556 : i1 to i32
        %sign3A_558 = arith.constant 0 : i32
        %sign3A_559 = arith.cmpi slt, %squeeze3A_502, %sign3A_558 : i32
        %sign3A_560 = arith.extui %sign3A_559 : i1 to i32
        %sign3A_561 = arith.subi %sign3A_557, %sign3A_560 : i32
        %sign3A_562 = arith.constant 0 : i32
        %sign3A_563 = arith.cmpi sgt, %jit3A_553, %sign3A_562 : i32
        %sign3A_564 = arith.extui %sign3A_563 : i1 to i32
        %sign3A_565 = arith.constant 0 : i32
        %sign3A_566 = arith.cmpi slt, %jit3A_553, %sign3A_565 : i32
        %sign3A_567 = arith.extui %sign3A_566 : i1 to i32
        %sign3A_568 = arith.subi %sign3A_564, %sign3A_567 : i32
        %ne3A_569 = arith.cmpi ne, %sign3A_561, %sign3A_568 : i32
        %rem3A_570 = arith.remsi %squeeze3A_502, %jit3A_553 : i32
        %ne3A_571 = arith.constant 0 : i32
        %ne3A_572 = arith.cmpi ne, %rem3A_570, %ne3A_571 : i32
        %and3A_573 = arith.andi %ne3A_569, %ne3A_572 : i1
        %sub3A_574 = arith.constant 1 : i32
        %sub3A_575 = arith.subi %div3A_554, %sub3A_574 : i32
        %select_n3A_576 = arith.select %and3A_573, %sub3A_575, %div3A_554 : i32
        %jit3A_577 = arith.constant 8 : i32
        %eq3A_578 = arith.constant 0 : i32
        %eq3A_579 = arith.cmpi eq, %jit3A_577, %eq3A_578 : i32
        %jit3A_580 = arith.constant 1 : i32
        %select_n3A_581 = arith.select %eq3A_579, %jit3A_580, %jit3A_577 : i32
        %rem3A_582 = arith.remsi %squeeze3A_502, %select_n3A_581 : i32
        %ne3A_583 = arith.constant 0 : i32
        %ne3A_584 = arith.cmpi ne, %rem3A_582, %ne3A_583 : i32
        %lt3A_585 = arith.constant 0 : i32
        %lt3A_586 = arith.cmpi slt, %rem3A_582, %lt3A_585 : i32
        %lt3A_587 = arith.constant 0 : i32
        %lt3A_588 = arith.cmpi slt, %select_n3A_581, %lt3A_587 : i32
        %ne3A_589 = arith.xori %lt3A_586, %lt3A_588 : i1
        %and3A_590 = arith.andi %ne3A_589, %ne3A_584 : i1
        %add3A_591 = arith.addi %rem3A_582, %select_n3A_581 : i32
        %select_n3A_592 = arith.select %and3A_590, %add3A_591, %rem3A_582 : i32
        %dma_start3A_593 = arith.constant 0 : i32
        %dma_start3A_594 = tpu.memref_slice %arg11[%add3A_498, %dma_start3A_593] : memref<128x32xf32, #tpu.memory_space<vmem>> -> memref<1x32xf32, #tpu.memory_space<vmem>>
        %dma_start3A_595 = arith.constant 0 : i32
        %dma_start3A_596 = tpu.memref_slice %arg5[%select_n3A_576, %select_n3A_592, %dma_start3A_595] : memref<12500x8x32xf32, #tpu.memory_space<hbm>> -> memref<1x1x32xf32, #tpu.memory_space<hbm>>
        %dma_start3A_597 = tpu.memref_squeeze %dma_start3A_596 : memref<1x1x32xf32, #tpu.memory_space<hbm>> -> memref<1x32xf32, #tpu.memory_space<hbm>>
        %dma_start3A_598 = arith.constant 0 : i32
        %dma_start3A_599 = tpu.memref_slice %arg11[%add3A_498, %dma_start3A_598] : memref<128x32xf32, #tpu.memory_space<vmem>> -> memref<1x32xf32, #tpu.memory_space<vmem>>
        %dma_start3A_600 = arith.constant 0 : i32
        %dma_start3A_601 = tpu.memref_slice %arg5[%select_n3A_576, %select_n3A_592, %dma_start3A_600] : memref<12500x8x32xf32, #tpu.memory_space<hbm>> -> memref<1x1x32xf32, #tpu.memory_space<hbm>>
        %dma_start3A_602 = tpu.memref_squeeze %dma_start3A_601 : memref<1x1x32xf32, #tpu.memory_space<hbm>> -> memref<1x32xf32, #tpu.memory_space<hbm>>
        tpu.enqueue_dma source(%dma_start3A_602 : memref<1x32xf32, #tpu.memory_space<hbm>>) target(%dma_start3A_599 : memref<1x32xf32, #tpu.memory_space<vmem>>) target_semaphore(%arg15 : memref<!tpu.dma_semaphore, #tpu.memory_space<semaphore_mem>>)
        %jit3A_603 = arith.constant 8 : i32
        %div3A_604 = arith.divsi %squeeze3A_502, %jit3A_603 : i32
        %sign3A_605 = arith.constant 0 : i32
        %sign3A_606 = arith.cmpi sgt, %squeeze3A_502, %sign3A_605 : i32
        %sign3A_607 = arith.extui %sign3A_606 : i1 to i32
        %sign3A_608 = arith.constant 0 : i32
        %sign3A_609 = arith.cmpi slt, %squeeze3A_502, %sign3A_608 : i32
        %sign3A_610 = arith.extui %sign3A_609 : i1 to i32
        %sign3A_611 = arith.subi %sign3A_607, %sign3A_610 : i32
        %sign3A_612 = arith.constant 0 : i32
        %sign3A_613 = arith.cmpi sgt, %jit3A_603, %sign3A_612 : i32
        %sign3A_614 = arith.extui %sign3A_613 : i1 to i32
        %sign3A_615 = arith.constant 0 : i32
        %sign3A_616 = arith.cmpi slt, %jit3A_603, %sign3A_615 : i32
        %sign3A_617 = arith.extui %sign3A_616 : i1 to i32
        %sign3A_618 = arith.subi %sign3A_614, %sign3A_617 : i32
        %ne3A_619 = arith.cmpi ne, %sign3A_611, %sign3A_618 : i32
        %rem3A_620 = arith.remsi %squeeze3A_502, %jit3A_603 : i32
        %ne3A_621 = arith.constant 0 : i32
        %ne3A_622 = arith.cmpi ne, %rem3A_620, %ne3A_621 : i32
        %and3A_623 = arith.andi %ne3A_619, %ne3A_622 : i1
        %sub3A_624 = arith.constant 1 : i32
        %sub3A_625 = arith.subi %div3A_604, %sub3A_624 : i32
        %select_n3A_626 = arith.select %and3A_623, %sub3A_625, %div3A_604 : i32
        %jit3A_627 = arith.constant 8 : i32
        %eq3A_628 = arith.constant 0 : i32
        %eq3A_629 = arith.cmpi eq, %jit3A_627, %eq3A_628 : i32
        %jit3A_630 = arith.constant 1 : i32
        %select_n3A_631 = arith.select %eq3A_629, %jit3A_630, %jit3A_627 : i32
        %rem3A_632 = arith.remsi %squeeze3A_502, %select_n3A_631 : i32
        %ne3A_633 = arith.constant 0 : i32
        %ne3A_634 = arith.cmpi ne, %rem3A_632, %ne3A_633 : i32
        %lt3A_635 = arith.constant 0 : i32
        %lt3A_636 = arith.cmpi slt, %rem3A_632, %lt3A_635 : i32
        %lt3A_637 = arith.constant 0 : i32
        %lt3A_638 = arith.cmpi slt, %select_n3A_631, %lt3A_637 : i32
        %ne3A_639 = arith.xori %lt3A_636, %lt3A_638 : i1
        %and3A_640 = arith.andi %ne3A_639, %ne3A_634 : i1
        %add3A_641 = arith.addi %rem3A_632, %select_n3A_631 : i32
        %select_n3A_642 = arith.select %and3A_640, %add3A_641, %rem3A_632 : i32
        %add3A_643 = arith.addi %multiple_of3A, %add3A_498 : i32
        %dma_start3A_644 = arith.constant 0 : i32
        %dma_start3A_645 = tpu.memref_slice %arg12[%add3A_643, %dma_start3A_644] : memref<512x1xf32, #tpu.memory_space<vmem>> -> memref<1x1xf32, #tpu.memory_space<vmem>>
        %dma_start3A_646 = arith.constant 0 : i32
        %dma_start3A_647 = tpu.memref_slice %arg6[%select_n3A_626, %select_n3A_642, %dma_start3A_646] : memref<12500x8x1xf32, #tpu.memory_space<hbm>> -> memref<1x1x1xf32, #tpu.memory_space<hbm>>
        %dma_start3A_648 = tpu.memref_squeeze %dma_start3A_647 : memref<1x1x1xf32, #tpu.memory_space<hbm>> -> memref<1x1xf32, #tpu.memory_space<hbm>>
        %dma_start3A_649 = arith.constant 0 : i32
        %dma_start3A_650 = tpu.memref_slice %arg12[%add3A_643, %dma_start3A_649] : memref<512x1xf32, #tpu.memory_space<vmem>> -> memref<1x1xf32, #tpu.memory_space<vmem>>
        %dma_start3A_651 = arith.constant 0 : i32
        %dma_start3A_652 = tpu.memref_slice %arg6[%select_n3A_626, %select_n3A_642, %dma_start3A_651] : memref<12500x8x1xf32, #tpu.memory_space<hbm>> -> memref<1x1x1xf32, #tpu.memory_space<hbm>>
        %dma_start3A_653 = tpu.memref_squeeze %dma_start3A_652 : memref<1x1x1xf32, #tpu.memory_space<hbm>> -> memref<1x1xf32, #tpu.memory_space<hbm>>
        tpu.enqueue_dma source(%dma_start3A_653 : memref<1x1xf32, #tpu.memory_space<hbm>>) target(%dma_start3A_650 : memref<1x1xf32, #tpu.memory_space<vmem>>) target_semaphore(%arg16 : memref<!tpu.dma_semaphore, #tpu.memory_space<semaphore_mem>>)
        %add3A_654 = arith.constant 4 : i32
        %add3A_655 = arith.addi %multiple_of3A_33, %add3A_654 : i32
        %slice3A_656 = vector.extract_strided_slice %get3A_35 {offsets = [4], sizes = [1], strides = [1]} : vector<16xi32> to vector<1xi32>
        %squeeze3A_657 = vector.extract %slice3A_656[0] : i32 from vector<1xi32>
        %slice3A_658 = vector.extract_strided_slice %get3A_38 {offsets = [4], sizes = [1], strides = [1]} : vector<16xi32> to vector<1xi32>
        %squeeze3A_659 = vector.extract %slice3A_658[0] : i32 from vector<1xi32>
        %jit3A_660 = arith.constant 8 : i32
        %div3A_661 = arith.divsi %squeeze3A_657, %jit3A_660 : i32
        %sign3A_662 = arith.constant 0 : i32
        %sign3A_663 = arith.cmpi sgt, %squeeze3A_657, %sign3A_662 : i32
        %sign3A_664 = arith.extui %sign3A_663 : i1 to i32
        %sign3A_665 = arith.constant 0 : i32
        %sign3A_666 = arith.cmpi slt, %squeeze3A_657, %sign3A_665 : i32
        %sign3A_667 = arith.extui %sign3A_666 : i1 to i32
        %sign3A_668 = arith.subi %sign3A_664, %sign3A_667 : i32
        %sign3A_669 = arith.constant 0 : i32
        %sign3A_670 = arith.cmpi sgt, %jit3A_660, %sign3A_669 : i32
        %sign3A_671 = arith.extui %sign3A_670 : i1 to i32
        %sign3A_672 = arith.constant 0 : i32
        %sign3A_673 = arith.cmpi slt, %jit3A_660, %sign3A_672 : i32
        %sign3A_674 = arith.extui %sign3A_673 : i1 to i32
        %sign3A_675 = arith.subi %sign3A_671, %sign3A_674 : i32
        %ne3A_676 = arith.cmpi ne, %sign3A_668, %sign3A_675 : i32
        %rem3A_677 = arith.remsi %squeeze3A_657, %jit3A_660 : i32
        %ne3A_678 = arith.constant 0 : i32
        %ne3A_679 = arith.cmpi ne, %rem3A_677, %ne3A_678 : i32
        %and3A_680 = arith.andi %ne3A_676, %ne3A_679 : i1
        %sub3A_681 = arith.constant 1 : i32
        %sub3A_682 = arith.subi %div3A_661, %sub3A_681 : i32
        %select_n3A_683 = arith.select %and3A_680, %sub3A_682, %div3A_661 : i32
        %jit3A_684 = arith.constant 8 : i32
        %eq3A_685 = arith.constant 0 : i32
        %eq3A_686 = arith.cmpi eq, %jit3A_684, %eq3A_685 : i32
        %jit3A_687 = arith.constant 1 : i32
        %select_n3A_688 = arith.select %eq3A_686, %jit3A_687, %jit3A_684 : i32
        %rem3A_689 = arith.remsi %squeeze3A_657, %select_n3A_688 : i32
        %ne3A_690 = arith.constant 0 : i32
        %ne3A_691 = arith.cmpi ne, %rem3A_689, %ne3A_690 : i32
        %lt3A_692 = arith.constant 0 : i32
        %lt3A_693 = arith.cmpi slt, %rem3A_689, %lt3A_692 : i32
        %lt3A_694 = arith.constant 0 : i32
        %lt3A_695 = arith.cmpi slt, %select_n3A_688, %lt3A_694 : i32
        %ne3A_696 = arith.xori %lt3A_693, %lt3A_695 : i1
        %and3A_697 = arith.andi %ne3A_696, %ne3A_691 : i1
        %add3A_698 = arith.addi %rem3A_689, %select_n3A_688 : i32
        %select_n3A_699 = arith.select %and3A_697, %add3A_698, %rem3A_689 : i32
        %dma_start3A_700 = arith.constant 0 : i32
        %dma_start3A_701 = tpu.memref_slice %arg10[%add3A_655, %dma_start3A_700] : memref<128x32xf32, #tpu.memory_space<vmem>> -> memref<1x32xf32, #tpu.memory_space<vmem>>
        %dma_start3A_702 = arith.constant 0 : i32
        %dma_start3A_703 = tpu.memref_slice %arg4[%select_n3A_683, %select_n3A_699, %dma_start3A_702] : memref<125000x8x32xf32, #tpu.memory_space<hbm>> -> memref<1x1x32xf32, #tpu.memory_space<hbm>>
        %dma_start3A_704 = tpu.memref_squeeze %dma_start3A_703 : memref<1x1x32xf32, #tpu.memory_space<hbm>> -> memref<1x32xf32, #tpu.memory_space<hbm>>
        %dma_start3A_705 = arith.constant 0 : i32
        %dma_start3A_706 = tpu.memref_slice %arg10[%add3A_655, %dma_start3A_705] : memref<128x32xf32, #tpu.memory_space<vmem>> -> memref<1x32xf32, #tpu.memory_space<vmem>>
        %dma_start3A_707 = arith.constant 0 : i32
        %dma_start3A_708 = tpu.memref_slice %arg4[%select_n3A_683, %select_n3A_699, %dma_start3A_707] : memref<125000x8x32xf32, #tpu.memory_space<hbm>> -> memref<1x1x32xf32, #tpu.memory_space<hbm>>
        %dma_start3A_709 = tpu.memref_squeeze %dma_start3A_708 : memref<1x1x32xf32, #tpu.memory_space<hbm>> -> memref<1x32xf32, #tpu.memory_space<hbm>>
        tpu.enqueue_dma source(%dma_start3A_709 : memref<1x32xf32, #tpu.memory_space<hbm>>) target(%dma_start3A_706 : memref<1x32xf32, #tpu.memory_space<vmem>>) target_semaphore(%arg14 : memref<!tpu.dma_semaphore, #tpu.memory_space<semaphore_mem>>)
        %jit3A_710 = arith.constant 8 : i32
        %div3A_711 = arith.divsi %squeeze3A_659, %jit3A_710 : i32
        %sign3A_712 = arith.constant 0 : i32
        %sign3A_713 = arith.cmpi sgt, %squeeze3A_659, %sign3A_712 : i32
        %sign3A_714 = arith.extui %sign3A_713 : i1 to i32
        %sign3A_715 = arith.constant 0 : i32
        %sign3A_716 = arith.cmpi slt, %squeeze3A_659, %sign3A_715 : i32
        %sign3A_717 = arith.extui %sign3A_716 : i1 to i32
        %sign3A_718 = arith.subi %sign3A_714, %sign3A_717 : i32
        %sign3A_719 = arith.constant 0 : i32
        %sign3A_720 = arith.cmpi sgt, %jit3A_710, %sign3A_719 : i32
        %sign3A_721 = arith.extui %sign3A_720 : i1 to i32
        %sign3A_722 = arith.constant 0 : i32
        %sign3A_723 = arith.cmpi slt, %jit3A_710, %sign3A_722 : i32
        %sign3A_724 = arith.extui %sign3A_723 : i1 to i32
        %sign3A_725 = arith.subi %sign3A_721, %sign3A_724 : i32
        %ne3A_726 = arith.cmpi ne, %sign3A_718, %sign3A_725 : i32
        %rem3A_727 = arith.remsi %squeeze3A_659, %jit3A_710 : i32
        %ne3A_728 = arith.constant 0 : i32
        %ne3A_729 = arith.cmpi ne, %rem3A_727, %ne3A_728 : i32
        %and3A_730 = arith.andi %ne3A_726, %ne3A_729 : i1
        %sub3A_731 = arith.constant 1 : i32
        %sub3A_732 = arith.subi %div3A_711, %sub3A_731 : i32
        %select_n3A_733 = arith.select %and3A_730, %sub3A_732, %div3A_711 : i32
        %jit3A_734 = arith.constant 8 : i32
        %eq3A_735 = arith.constant 0 : i32
        %eq3A_736 = arith.cmpi eq, %jit3A_734, %eq3A_735 : i32
        %jit3A_737 = arith.constant 1 : i32
        %select_n3A_738 = arith.select %eq3A_736, %jit3A_737, %jit3A_734 : i32
        %rem3A_739 = arith.remsi %squeeze3A_659, %select_n3A_738 : i32
        %ne3A_740 = arith.constant 0 : i32
        %ne3A_741 = arith.cmpi ne, %rem3A_739, %ne3A_740 : i32
        %lt3A_742 = arith.constant 0 : i32
        %lt3A_743 = arith.cmpi slt, %rem3A_739, %lt3A_742 : i32
        %lt3A_744 = arith.constant 0 : i32
        %lt3A_745 = arith.cmpi slt, %select_n3A_738, %lt3A_744 : i32
        %ne3A_746 = arith.xori %lt3A_743, %lt3A_745 : i1
        %and3A_747 = arith.andi %ne3A_746, %ne3A_741 : i1
        %add3A_748 = arith.addi %rem3A_739, %select_n3A_738 : i32
        %select_n3A_749 = arith.select %and3A_747, %add3A_748, %rem3A_739 : i32
        %dma_start3A_750 = arith.constant 0 : i32
        %dma_start3A_751 = tpu.memref_slice %arg11[%add3A_655, %dma_start3A_750] : memref<128x32xf32, #tpu.memory_space<vmem>> -> memref<1x32xf32, #tpu.memory_space<vmem>>
        %dma_start3A_752 = arith.constant 0 : i32
        %dma_start3A_753 = tpu.memref_slice %arg5[%select_n3A_733, %select_n3A_749, %dma_start3A_752] : memref<12500x8x32xf32, #tpu.memory_space<hbm>> -> memref<1x1x32xf32, #tpu.memory_space<hbm>>
        %dma_start3A_754 = tpu.memref_squeeze %dma_start3A_753 : memref<1x1x32xf32, #tpu.memory_space<hbm>> -> memref<1x32xf32, #tpu.memory_space<hbm>>
        %dma_start3A_755 = arith.constant 0 : i32
        %dma_start3A_756 = tpu.memref_slice %arg11[%add3A_655, %dma_start3A_755] : memref<128x32xf32, #tpu.memory_space<vmem>> -> memref<1x32xf32, #tpu.memory_space<vmem>>
        %dma_start3A_757 = arith.constant 0 : i32
        %dma_start3A_758 = tpu.memref_slice %arg5[%select_n3A_733, %select_n3A_749, %dma_start3A_757] : memref<12500x8x32xf32, #tpu.memory_space<hbm>> -> memref<1x1x32xf32, #tpu.memory_space<hbm>>
        %dma_start3A_759 = tpu.memref_squeeze %dma_start3A_758 : memref<1x1x32xf32, #tpu.memory_space<hbm>> -> memref<1x32xf32, #tpu.memory_space<hbm>>
        tpu.enqueue_dma source(%dma_start3A_759 : memref<1x32xf32, #tpu.memory_space<hbm>>) target(%dma_start3A_756 : memref<1x32xf32, #tpu.memory_space<vmem>>) target_semaphore(%arg15 : memref<!tpu.dma_semaphore, #tpu.memory_space<semaphore_mem>>)
        %jit3A_760 = arith.constant 8 : i32
        %div3A_761 = arith.divsi %squeeze3A_659, %jit3A_760 : i32
        %sign3A_762 = arith.constant 0 : i32
        %sign3A_763 = arith.cmpi sgt, %squeeze3A_659, %sign3A_762 : i32
        %sign3A_764 = arith.extui %sign3A_763 : i1 to i32
        %sign3A_765 = arith.constant 0 : i32
        %sign3A_766 = arith.cmpi slt, %squeeze3A_659, %sign3A_765 : i32
        %sign3A_767 = arith.extui %sign3A_766 : i1 to i32
        %sign3A_768 = arith.subi %sign3A_764, %sign3A_767 : i32
        %sign3A_769 = arith.constant 0 : i32
        %sign3A_770 = arith.cmpi sgt, %jit3A_760, %sign3A_769 : i32
        %sign3A_771 = arith.extui %sign3A_770 : i1 to i32
        %sign3A_772 = arith.constant 0 : i32
        %sign3A_773 = arith.cmpi slt, %jit3A_760, %sign3A_772 : i32
        %sign3A_774 = arith.extui %sign3A_773 : i1 to i32
        %sign3A_775 = arith.subi %sign3A_771, %sign3A_774 : i32
        %ne3A_776 = arith.cmpi ne, %sign3A_768, %sign3A_775 : i32
        %rem3A_777 = arith.remsi %squeeze3A_659, %jit3A_760 : i32
        %ne3A_778 = arith.constant 0 : i32
        %ne3A_779 = arith.cmpi ne, %rem3A_777, %ne3A_778 : i32
        %and3A_780 = arith.andi %ne3A_776, %ne3A_779 : i1
        %sub3A_781 = arith.constant 1 : i32
        %sub3A_782 = arith.subi %div3A_761, %sub3A_781 : i32
        %select_n3A_783 = arith.select %and3A_780, %sub3A_782, %div3A_761 : i32
        %jit3A_784 = arith.constant 8 : i32
        %eq3A_785 = arith.constant 0 : i32
        %eq3A_786 = arith.cmpi eq, %jit3A_784, %eq3A_785 : i32
        %jit3A_787 = arith.constant 1 : i32
        %select_n3A_788 = arith.select %eq3A_786, %jit3A_787, %jit3A_784 : i32
        %rem3A_789 = arith.remsi %squeeze3A_659, %select_n3A_788 : i32
        %ne3A_790 = arith.constant 0 : i32
        %ne3A_791 = arith.cmpi ne, %rem3A_789, %ne3A_790 : i32
        %lt3A_792 = arith.constant 0 : i32
        %lt3A_793 = arith.cmpi slt, %rem3A_789, %lt3A_792 : i32
        %lt3A_794 = arith.constant 0 : i32
        %lt3A_795 = arith.cmpi slt, %select_n3A_788, %lt3A_794 : i32
        %ne3A_796 = arith.xori %lt3A_793, %lt3A_795 : i1
        %and3A_797 = arith.andi %ne3A_796, %ne3A_791 : i1
        %add3A_798 = arith.addi %rem3A_789, %select_n3A_788 : i32
        %select_n3A_799 = arith.select %and3A_797, %add3A_798, %rem3A_789 : i32
        %add3A_800 = arith.addi %multiple_of3A, %add3A_655 : i32
        %dma_start3A_801 = arith.constant 0 : i32
        %dma_start3A_802 = tpu.memref_slice %arg12[%add3A_800, %dma_start3A_801] : memref<512x1xf32, #tpu.memory_space<vmem>> -> memref<1x1xf32, #tpu.memory_space<vmem>>
        %dma_start3A_803 = arith.constant 0 : i32
        %dma_start3A_804 = tpu.memref_slice %arg6[%select_n3A_783, %select_n3A_799, %dma_start3A_803] : memref<12500x8x1xf32, #tpu.memory_space<hbm>> -> memref<1x1x1xf32, #tpu.memory_space<hbm>>
        %dma_start3A_805 = tpu.memref_squeeze %dma_start3A_804 : memref<1x1x1xf32, #tpu.memory_space<hbm>> -> memref<1x1xf32, #tpu.memory_space<hbm>>
        %dma_start3A_806 = arith.constant 0 : i32
        %dma_start3A_807 = tpu.memref_slice %arg12[%add3A_800, %dma_start3A_806] : memref<512x1xf32, #tpu.memory_space<vmem>> -> memref<1x1xf32, #tpu.memory_space<vmem>>
        %dma_start3A_808 = arith.constant 0 : i32
        %dma_start3A_809 = tpu.memref_slice %arg6[%select_n3A_783, %select_n3A_799, %dma_start3A_808] : memref<12500x8x1xf32, #tpu.memory_space<hbm>> -> memref<1x1x1xf32, #tpu.memory_space<hbm>>
        %dma_start3A_810 = tpu.memref_squeeze %dma_start3A_809 : memref<1x1x1xf32, #tpu.memory_space<hbm>> -> memref<1x1xf32, #tpu.memory_space<hbm>>
        tpu.enqueue_dma source(%dma_start3A_810 : memref<1x1xf32, #tpu.memory_space<hbm>>) target(%dma_start3A_807 : memref<1x1xf32, #tpu.memory_space<vmem>>) target_semaphore(%arg16 : memref<!tpu.dma_semaphore, #tpu.memory_space<semaphore_mem>>)
        %add3A_811 = arith.constant 5 : i32
        %add3A_812 = arith.addi %multiple_of3A_33, %add3A_811 : i32
        %slice3A_813 = vector.extract_strided_slice %get3A_35 {offsets = [5], sizes = [1], strides = [1]} : vector<16xi32> to vector<1xi32>
        %squeeze3A_814 = vector.extract %slice3A_813[0] : i32 from vector<1xi32>
        %slice3A_815 = vector.extract_strided_slice %get3A_38 {offsets = [5], sizes = [1], strides = [1]} : vector<16xi32> to vector<1xi32>
        %squeeze3A_816 = vector.extract %slice3A_815[0] : i32 from vector<1xi32>
        %jit3A_817 = arith.constant 8 : i32
        %div3A_818 = arith.divsi %squeeze3A_814, %jit3A_817 : i32
        %sign3A_819 = arith.constant 0 : i32
        %sign3A_820 = arith.cmpi sgt, %squeeze3A_814, %sign3A_819 : i32
        %sign3A_821 = arith.extui %sign3A_820 : i1 to i32
        %sign3A_822 = arith.constant 0 : i32
        %sign3A_823 = arith.cmpi slt, %squeeze3A_814, %sign3A_822 : i32
        %sign3A_824 = arith.extui %sign3A_823 : i1 to i32
        %sign3A_825 = arith.subi %sign3A_821, %sign3A_824 : i32
        %sign3A_826 = arith.constant 0 : i32
        %sign3A_827 = arith.cmpi sgt, %jit3A_817, %sign3A_826 : i32
        %sign3A_828 = arith.extui %sign3A_827 : i1 to i32
        %sign3A_829 = arith.constant 0 : i32
        %sign3A_830 = arith.cmpi slt, %jit3A_817, %sign3A_829 : i32
        %sign3A_831 = arith.extui %sign3A_830 : i1 to i32
        %sign3A_832 = arith.subi %sign3A_828, %sign3A_831 : i32
        %ne3A_833 = arith.cmpi ne, %sign3A_825, %sign3A_832 : i32
        %rem3A_834 = arith.remsi %squeeze3A_814, %jit3A_817 : i32
        %ne3A_835 = arith.constant 0 : i32
        %ne3A_836 = arith.cmpi ne, %rem3A_834, %ne3A_835 : i32
        %and3A_837 = arith.andi %ne3A_833, %ne3A_836 : i1
        %sub3A_838 = arith.constant 1 : i32
        %sub3A_839 = arith.subi %div3A_818, %sub3A_838 : i32
        %select_n3A_840 = arith.select %and3A_837, %sub3A_839, %div3A_818 : i32
        %jit3A_841 = arith.constant 8 : i32
        %eq3A_842 = arith.constant 0 : i32
        %eq3A_843 = arith.cmpi eq, %jit3A_841, %eq3A_842 : i32
        %jit3A_844 = arith.constant 1 : i32
        %select_n3A_845 = arith.select %eq3A_843, %jit3A_844, %jit3A_841 : i32
        %rem3A_846 = arith.remsi %squeeze3A_814, %select_n3A_845 : i32
        %ne3A_847 = arith.constant 0 : i32
        %ne3A_848 = arith.cmpi ne, %rem3A_846, %ne3A_847 : i32
        %lt3A_849 = arith.constant 0 : i32
        %lt3A_850 = arith.cmpi slt, %rem3A_846, %lt3A_849 : i32
        %lt3A_851 = arith.constant 0 : i32
        %lt3A_852 = arith.cmpi slt, %select_n3A_845, %lt3A_851 : i32
        %ne3A_853 = arith.xori %lt3A_850, %lt3A_852 : i1
        %and3A_854 = arith.andi %ne3A_853, %ne3A_848 : i1
        %add3A_855 = arith.addi %rem3A_846, %select_n3A_845 : i32
        %select_n3A_856 = arith.select %and3A_854, %add3A_855, %rem3A_846 : i32
        %dma_start3A_857 = arith.constant 0 : i32
        %dma_start3A_858 = tpu.memref_slice %arg10[%add3A_812, %dma_start3A_857] : memref<128x32xf32, #tpu.memory_space<vmem>> -> memref<1x32xf32, #tpu.memory_space<vmem>>
        %dma_start3A_859 = arith.constant 0 : i32
        %dma_start3A_860 = tpu.memref_slice %arg4[%select_n3A_840, %select_n3A_856, %dma_start3A_859] : memref<125000x8x32xf32, #tpu.memory_space<hbm>> -> memref<1x1x32xf32, #tpu.memory_space<hbm>>
        %dma_start3A_861 = tpu.memref_squeeze %dma_start3A_860 : memref<1x1x32xf32, #tpu.memory_space<hbm>> -> memref<1x32xf32, #tpu.memory_space<hbm>>
        %dma_start3A_862 = arith.constant 0 : i32
        %dma_start3A_863 = tpu.memref_slice %arg10[%add3A_812, %dma_start3A_862] : memref<128x32xf32, #tpu.memory_space<vmem>> -> memref<1x32xf32, #tpu.memory_space<vmem>>
        %dma_start3A_864 = arith.constant 0 : i32
        %dma_start3A_865 = tpu.memref_slice %arg4[%select_n3A_840, %select_n3A_856, %dma_start3A_864] : memref<125000x8x32xf32, #tpu.memory_space<hbm>> -> memref<1x1x32xf32, #tpu.memory_space<hbm>>
        %dma_start3A_866 = tpu.memref_squeeze %dma_start3A_865 : memref<1x1x32xf32, #tpu.memory_space<hbm>> -> memref<1x32xf32, #tpu.memory_space<hbm>>
        tpu.enqueue_dma source(%dma_start3A_866 : memref<1x32xf32, #tpu.memory_space<hbm>>) target(%dma_start3A_863 : memref<1x32xf32, #tpu.memory_space<vmem>>) target_semaphore(%arg14 : memref<!tpu.dma_semaphore, #tpu.memory_space<semaphore_mem>>)
        %jit3A_867 = arith.constant 8 : i32
        %div3A_868 = arith.divsi %squeeze3A_816, %jit3A_867 : i32
        %sign3A_869 = arith.constant 0 : i32
        %sign3A_870 = arith.cmpi sgt, %squeeze3A_816, %sign3A_869 : i32
        %sign3A_871 = arith.extui %sign3A_870 : i1 to i32
        %sign3A_872 = arith.constant 0 : i32
        %sign3A_873 = arith.cmpi slt, %squeeze3A_816, %sign3A_872 : i32
        %sign3A_874 = arith.extui %sign3A_873 : i1 to i32
        %sign3A_875 = arith.subi %sign3A_871, %sign3A_874 : i32
        %sign3A_876 = arith.constant 0 : i32
        %sign3A_877 = arith.cmpi sgt, %jit3A_867, %sign3A_876 : i32
        %sign3A_878 = arith.extui %sign3A_877 : i1 to i32
        %sign3A_879 = arith.constant 0 : i32
        %sign3A_880 = arith.cmpi slt, %jit3A_867, %sign3A_879 : i32
        %sign3A_881 = arith.extui %sign3A_880 : i1 to i32
        %sign3A_882 = arith.subi %sign3A_878, %sign3A_881 : i32
        %ne3A_883 = arith.cmpi ne, %sign3A_875, %sign3A_882 : i32
        %rem3A_884 = arith.remsi %squeeze3A_816, %jit3A_867 : i32
        %ne3A_885 = arith.constant 0 : i32
        %ne3A_886 = arith.cmpi ne, %rem3A_884, %ne3A_885 : i32
        %and3A_887 = arith.andi %ne3A_883, %ne3A_886 : i1
        %sub3A_888 = arith.constant 1 : i32
        %sub3A_889 = arith.subi %div3A_868, %sub3A_888 : i32
        %select_n3A_890 = arith.select %and3A_887, %sub3A_889, %div3A_868 : i32
        %jit3A_891 = arith.constant 8 : i32
        %eq3A_892 = arith.constant 0 : i32
        %eq3A_893 = arith.cmpi eq, %jit3A_891, %eq3A_892 : i32
        %jit3A_894 = arith.constant 1 : i32
        %select_n3A_895 = arith.select %eq3A_893, %jit3A_894, %jit3A_891 : i32
        %rem3A_896 = arith.remsi %squeeze3A_816, %select_n3A_895 : i32
        %ne3A_897 = arith.constant 0 : i32
        %ne3A_898 = arith.cmpi ne, %rem3A_896, %ne3A_897 : i32
        %lt3A_899 = arith.constant 0 : i32
        %lt3A_900 = arith.cmpi slt, %rem3A_896, %lt3A_899 : i32
        %lt3A_901 = arith.constant 0 : i32
        %lt3A_902 = arith.cmpi slt, %select_n3A_895, %lt3A_901 : i32
        %ne3A_903 = arith.xori %lt3A_900, %lt3A_902 : i1
        %and3A_904 = arith.andi %ne3A_903, %ne3A_898 : i1
        %add3A_905 = arith.addi %rem3A_896, %select_n3A_895 : i32
        %select_n3A_906 = arith.select %and3A_904, %add3A_905, %rem3A_896 : i32
        %dma_start3A_907 = arith.constant 0 : i32
        %dma_start3A_908 = tpu.memref_slice %arg11[%add3A_812, %dma_start3A_907] : memref<128x32xf32, #tpu.memory_space<vmem>> -> memref<1x32xf32, #tpu.memory_space<vmem>>
        %dma_start3A_909 = arith.constant 0 : i32
        %dma_start3A_910 = tpu.memref_slice %arg5[%select_n3A_890, %select_n3A_906, %dma_start3A_909] : memref<12500x8x32xf32, #tpu.memory_space<hbm>> -> memref<1x1x32xf32, #tpu.memory_space<hbm>>
        %dma_start3A_911 = tpu.memref_squeeze %dma_start3A_910 : memref<1x1x32xf32, #tpu.memory_space<hbm>> -> memref<1x32xf32, #tpu.memory_space<hbm>>
        %dma_start3A_912 = arith.constant 0 : i32
        %dma_start3A_913 = tpu.memref_slice %arg11[%add3A_812, %dma_start3A_912] : memref<128x32xf32, #tpu.memory_space<vmem>> -> memref<1x32xf32, #tpu.memory_space<vmem>>
        %dma_start3A_914 = arith.constant 0 : i32
        %dma_start3A_915 = tpu.memref_slice %arg5[%select_n3A_890, %select_n3A_906, %dma_start3A_914] : memref<12500x8x32xf32, #tpu.memory_space<hbm>> -> memref<1x1x32xf32, #tpu.memory_space<hbm>>
        %dma_start3A_916 = tpu.memref_squeeze %dma_start3A_915 : memref<1x1x32xf32, #tpu.memory_space<hbm>> -> memref<1x32xf32, #tpu.memory_space<hbm>>
        tpu.enqueue_dma source(%dma_start3A_916 : memref<1x32xf32, #tpu.memory_space<hbm>>) target(%dma_start3A_913 : memref<1x32xf32, #tpu.memory_space<vmem>>) target_semaphore(%arg15 : memref<!tpu.dma_semaphore, #tpu.memory_space<semaphore_mem>>)
        %jit3A_917 = arith.constant 8 : i32
        %div3A_918 = arith.divsi %squeeze3A_816, %jit3A_917 : i32
        %sign3A_919 = arith.constant 0 : i32
        %sign3A_920 = arith.cmpi sgt, %squeeze3A_816, %sign3A_919 : i32
        %sign3A_921 = arith.extui %sign3A_920 : i1 to i32
        %sign3A_922 = arith.constant 0 : i32
        %sign3A_923 = arith.cmpi slt, %squeeze3A_816, %sign3A_922 : i32
        %sign3A_924 = arith.extui %sign3A_923 : i1 to i32
        %sign3A_925 = arith.subi %sign3A_921, %sign3A_924 : i32
        %sign3A_926 = arith.constant 0 : i32
        %sign3A_927 = arith.cmpi sgt, %jit3A_917, %sign3A_926 : i32
        %sign3A_928 = arith.extui %sign3A_927 : i1 to i32
        %sign3A_929 = arith.constant 0 : i32
        %sign3A_930 = arith.cmpi slt, %jit3A_917, %sign3A_929 : i32
        %sign3A_931 = arith.extui %sign3A_930 : i1 to i32
        %sign3A_932 = arith.subi %sign3A_928, %sign3A_931 : i32
        %ne3A_933 = arith.cmpi ne, %sign3A_925, %sign3A_932 : i32
        %rem3A_934 = arith.remsi %squeeze3A_816, %jit3A_917 : i32
        %ne3A_935 = arith.constant 0 : i32
        %ne3A_936 = arith.cmpi ne, %rem3A_934, %ne3A_935 : i32
        %and3A_937 = arith.andi %ne3A_933, %ne3A_936 : i1
        %sub3A_938 = arith.constant 1 : i32
        %sub3A_939 = arith.subi %div3A_918, %sub3A_938 : i32
        %select_n3A_940 = arith.select %and3A_937, %sub3A_939, %div3A_918 : i32
        %jit3A_941 = arith.constant 8 : i32
        %eq3A_942 = arith.constant 0 : i32
        %eq3A_943 = arith.cmpi eq, %jit3A_941, %eq3A_942 : i32
        %jit3A_944 = arith.constant 1 : i32
        %select_n3A_945 = arith.select %eq3A_943, %jit3A_944, %jit3A_941 : i32
        %rem3A_946 = arith.remsi %squeeze3A_816, %select_n3A_945 : i32
        %ne3A_947 = arith.constant 0 : i32
        %ne3A_948 = arith.cmpi ne, %rem3A_946, %ne3A_947 : i32
        %lt3A_949 = arith.constant 0 : i32
        %lt3A_950 = arith.cmpi slt, %rem3A_946, %lt3A_949 : i32
        %lt3A_951 = arith.constant 0 : i32
        %lt3A_952 = arith.cmpi slt, %select_n3A_945, %lt3A_951 : i32
        %ne3A_953 = arith.xori %lt3A_950, %lt3A_952 : i1
        %and3A_954 = arith.andi %ne3A_953, %ne3A_948 : i1
        %add3A_955 = arith.addi %rem3A_946, %select_n3A_945 : i32
        %select_n3A_956 = arith.select %and3A_954, %add3A_955, %rem3A_946 : i32
        %add3A_957 = arith.addi %multiple_of3A, %add3A_812 : i32
        %dma_start3A_958 = arith.constant 0 : i32
        %dma_start3A_959 = tpu.memref_slice %arg12[%add3A_957, %dma_start3A_958] : memref<512x1xf32, #tpu.memory_space<vmem>> -> memref<1x1xf32, #tpu.memory_space<vmem>>
        %dma_start3A_960 = arith.constant 0 : i32
        %dma_start3A_961 = tpu.memref_slice %arg6[%select_n3A_940, %select_n3A_956, %dma_start3A_960] : memref<12500x8x1xf32, #tpu.memory_space<hbm>> -> memref<1x1x1xf32, #tpu.memory_space<hbm>>
        %dma_start3A_962 = tpu.memref_squeeze %dma_start3A_961 : memref<1x1x1xf32, #tpu.memory_space<hbm>> -> memref<1x1xf32, #tpu.memory_space<hbm>>
        %dma_start3A_963 = arith.constant 0 : i32
        %dma_start3A_964 = tpu.memref_slice %arg12[%add3A_957, %dma_start3A_963] : memref<512x1xf32, #tpu.memory_space<vmem>> -> memref<1x1xf32, #tpu.memory_space<vmem>>
        %dma_start3A_965 = arith.constant 0 : i32
        %dma_start3A_966 = tpu.memref_slice %arg6[%select_n3A_940, %select_n3A_956, %dma_start3A_965] : memref<12500x8x1xf32, #tpu.memory_space<hbm>> -> memref<1x1x1xf32, #tpu.memory_space<hbm>>
        %dma_start3A_967 = tpu.memref_squeeze %dma_start3A_966 : memref<1x1x1xf32, #tpu.memory_space<hbm>> -> memref<1x1xf32, #tpu.memory_space<hbm>>
        tpu.enqueue_dma source(%dma_start3A_967 : memref<1x1xf32, #tpu.memory_space<hbm>>) target(%dma_start3A_964 : memref<1x1xf32, #tpu.memory_space<vmem>>) target_semaphore(%arg16 : memref<!tpu.dma_semaphore, #tpu.memory_space<semaphore_mem>>)
        %add3A_968 = arith.constant 6 : i32
        %add3A_969 = arith.addi %multiple_of3A_33, %add3A_968 : i32
        %slice3A_970 = vector.extract_strided_slice %get3A_35 {offsets = [6], sizes = [1], strides = [1]} : vector<16xi32> to vector<1xi32>
        %squeeze3A_971 = vector.extract %slice3A_970[0] : i32 from vector<1xi32>
        %slice3A_972 = vector.extract_strided_slice %get3A_38 {offsets = [6], sizes = [1], strides = [1]} : vector<16xi32> to vector<1xi32>
        %squeeze3A_973 = vector.extract %slice3A_972[0] : i32 from vector<1xi32>
        %jit3A_974 = arith.constant 8 : i32
        %div3A_975 = arith.divsi %squeeze3A_971, %jit3A_974 : i32
        %sign3A_976 = arith.constant 0 : i32
        %sign3A_977 = arith.cmpi sgt, %squeeze3A_971, %sign3A_976 : i32
        %sign3A_978 = arith.extui %sign3A_977 : i1 to i32
        %sign3A_979 = arith.constant 0 : i32
        %sign3A_980 = arith.cmpi slt, %squeeze3A_971, %sign3A_979 : i32
        %sign3A_981 = arith.extui %sign3A_980 : i1 to i32
        %sign3A_982 = arith.subi %sign3A_978, %sign3A_981 : i32
        %sign3A_983 = arith.constant 0 : i32
        %sign3A_984 = arith.cmpi sgt, %jit3A_974, %sign3A_983 : i32
        %sign3A_985 = arith.extui %sign3A_984 : i1 to i32
        %sign3A_986 = arith.constant 0 : i32
        %sign3A_987 = arith.cmpi slt, %jit3A_974, %sign3A_986 : i32
        %sign3A_988 = arith.extui %sign3A_987 : i1 to i32
        %sign3A_989 = arith.subi %sign3A_985, %sign3A_988 : i32
        %ne3A_990 = arith.cmpi ne, %sign3A_982, %sign3A_989 : i32
        %rem3A_991 = arith.remsi %squeeze3A_971, %jit3A_974 : i32
        %ne3A_992 = arith.constant 0 : i32
        %ne3A_993 = arith.cmpi ne, %rem3A_991, %ne3A_992 : i32
        %and3A_994 = arith.andi %ne3A_990, %ne3A_993 : i1
        %sub3A_995 = arith.constant 1 : i32
        %sub3A_996 = arith.subi %div3A_975, %sub3A_995 : i32
        %select_n3A_997 = arith.select %and3A_994, %sub3A_996, %div3A_975 : i32
        %jit3A_998 = arith.constant 8 : i32
        %eq3A_999 = arith.constant 0 : i32
        %eq3A_1000 = arith.cmpi eq, %jit3A_998, %eq3A_999 : i32
        %jit3A_1001 = arith.constant 1 : i32
        %select_n3A_1002 = arith.select %eq3A_1000, %jit3A_1001, %jit3A_998 : i32
        %rem3A_1003 = arith.remsi %squeeze3A_971, %select_n3A_1002 : i32
        %ne3A_1004 = arith.constant 0 : i32
        %ne3A_1005 = arith.cmpi ne, %rem3A_1003, %ne3A_1004 : i32
        %lt3A_1006 = arith.constant 0 : i32
        %lt3A_1007 = arith.cmpi slt, %rem3A_1003, %lt3A_1006 : i32
        %lt3A_1008 = arith.constant 0 : i32
        %lt3A_1009 = arith.cmpi slt, %select_n3A_1002, %lt3A_1008 : i32
        %ne3A_1010 = arith.xori %lt3A_1007, %lt3A_1009 : i1
        %and3A_1011 = arith.andi %ne3A_1010, %ne3A_1005 : i1
        %add3A_1012 = arith.addi %rem3A_1003, %select_n3A_1002 : i32
        %select_n3A_1013 = arith.select %and3A_1011, %add3A_1012, %rem3A_1003 : i32
        %dma_start3A_1014 = arith.constant 0 : i32
        %dma_start3A_1015 = tpu.memref_slice %arg10[%add3A_969, %dma_start3A_1014] : memref<128x32xf32, #tpu.memory_space<vmem>> -> memref<1x32xf32, #tpu.memory_space<vmem>>
        %dma_start3A_1016 = arith.constant 0 : i32
        %dma_start3A_1017 = tpu.memref_slice %arg4[%select_n3A_997, %select_n3A_1013, %dma_start3A_1016] : memref<125000x8x32xf32, #tpu.memory_space<hbm>> -> memref<1x1x32xf32, #tpu.memory_space<hbm>>
        %dma_start3A_1018 = tpu.memref_squeeze %dma_start3A_1017 : memref<1x1x32xf32, #tpu.memory_space<hbm>> -> memref<1x32xf32, #tpu.memory_space<hbm>>
        %dma_start3A_1019 = arith.constant 0 : i32
        %dma_start3A_1020 = tpu.memref_slice %arg10[%add3A_969, %dma_start3A_1019] : memref<128x32xf32, #tpu.memory_space<vmem>> -> memref<1x32xf32, #tpu.memory_space<vmem>>
        %dma_start3A_1021 = arith.constant 0 : i32
        %dma_start3A_1022 = tpu.memref_slice %arg4[%select_n3A_997, %select_n3A_1013, %dma_start3A_1021] : memref<125000x8x32xf32, #tpu.memory_space<hbm>> -> memref<1x1x32xf32, #tpu.memory_space<hbm>>
        %dma_start3A_1023 = tpu.memref_squeeze %dma_start3A_1022 : memref<1x1x32xf32, #tpu.memory_space<hbm>> -> memref<1x32xf32, #tpu.memory_space<hbm>>
        tpu.enqueue_dma source(%dma_start3A_1023 : memref<1x32xf32, #tpu.memory_space<hbm>>) target(%dma_start3A_1020 : memref<1x32xf32, #tpu.memory_space<vmem>>) target_semaphore(%arg14 : memref<!tpu.dma_semaphore, #tpu.memory_space<semaphore_mem>>)
        %jit3A_1024 = arith.constant 8 : i32
        %div3A_1025 = arith.divsi %squeeze3A_973, %jit3A_1024 : i32
        %sign3A_1026 = arith.constant 0 : i32
        %sign3A_1027 = arith.cmpi sgt, %squeeze3A_973, %sign3A_1026 : i32
        %sign3A_1028 = arith.extui %sign3A_1027 : i1 to i32
        %sign3A_1029 = arith.constant 0 : i32
        %sign3A_1030 = arith.cmpi slt, %squeeze3A_973, %sign3A_1029 : i32
        %sign3A_1031 = arith.extui %sign3A_1030 : i1 to i32
        %sign3A_1032 = arith.subi %sign3A_1028, %sign3A_1031 : i32
        %sign3A_1033 = arith.constant 0 : i32
        %sign3A_1034 = arith.cmpi sgt, %jit3A_1024, %sign3A_1033 : i32
        %sign3A_1035 = arith.extui %sign3A_1034 : i1 to i32
        %sign3A_1036 = arith.constant 0 : i32
        %sign3A_1037 = arith.cmpi slt, %jit3A_1024, %sign3A_1036 : i32
        %sign3A_1038 = arith.extui %sign3A_1037 : i1 to i32
        %sign3A_1039 = arith.subi %sign3A_1035, %sign3A_1038 : i32
        %ne3A_1040 = arith.cmpi ne, %sign3A_1032, %sign3A_1039 : i32
        %rem3A_1041 = arith.remsi %squeeze3A_973, %jit3A_1024 : i32
        %ne3A_1042 = arith.constant 0 : i32
        %ne3A_1043 = arith.cmpi ne, %rem3A_1041, %ne3A_1042 : i32
        %and3A_1044 = arith.andi %ne3A_1040, %ne3A_1043 : i1
        %sub3A_1045 = arith.constant 1 : i32
        %sub3A_1046 = arith.subi %div3A_1025, %sub3A_1045 : i32
        %select_n3A_1047 = arith.select %and3A_1044, %sub3A_1046, %div3A_1025 : i32
        %jit3A_1048 = arith.constant 8 : i32
        %eq3A_1049 = arith.constant 0 : i32
        %eq3A_1050 = arith.cmpi eq, %jit3A_1048, %eq3A_1049 : i32
        %jit3A_1051 = arith.constant 1 : i32
        %select_n3A_1052 = arith.select %eq3A_1050, %jit3A_1051, %jit3A_1048 : i32
        %rem3A_1053 = arith.remsi %squeeze3A_973, %select_n3A_1052 : i32
        %ne3A_1054 = arith.constant 0 : i32
        %ne3A_1055 = arith.cmpi ne, %rem3A_1053, %ne3A_1054 : i32
        %lt3A_1056 = arith.constant 0 : i32
        %lt3A_1057 = arith.cmpi slt, %rem3A_1053, %lt3A_1056 : i32
        %lt3A_1058 = arith.constant 0 : i32
        %lt3A_1059 = arith.cmpi slt, %select_n3A_1052, %lt3A_1058 : i32
        %ne3A_1060 = arith.xori %lt3A_1057, %lt3A_1059 : i1
        %and3A_1061 = arith.andi %ne3A_1060, %ne3A_1055 : i1
        %add3A_1062 = arith.addi %rem3A_1053, %select_n3A_1052 : i32
        %select_n3A_1063 = arith.select %and3A_1061, %add3A_1062, %rem3A_1053 : i32
        %dma_start3A_1064 = arith.constant 0 : i32
        %dma_start3A_1065 = tpu.memref_slice %arg11[%add3A_969, %dma_start3A_1064] : memref<128x32xf32, #tpu.memory_space<vmem>> -> memref<1x32xf32, #tpu.memory_space<vmem>>
        %dma_start3A_1066 = arith.constant 0 : i32
        %dma_start3A_1067 = tpu.memref_slice %arg5[%select_n3A_1047, %select_n3A_1063, %dma_start3A_1066] : memref<12500x8x32xf32, #tpu.memory_space<hbm>> -> memref<1x1x32xf32, #tpu.memory_space<hbm>>
        %dma_start3A_1068 = tpu.memref_squeeze %dma_start3A_1067 : memref<1x1x32xf32, #tpu.memory_space<hbm>> -> memref<1x32xf32, #tpu.memory_space<hbm>>
        %dma_start3A_1069 = arith.constant 0 : i32
        %dma_start3A_1070 = tpu.memref_slice %arg11[%add3A_969, %dma_start3A_1069] : memref<128x32xf32, #tpu.memory_space<vmem>> -> memref<1x32xf32, #tpu.memory_space<vmem>>
        %dma_start3A_1071 = arith.constant 0 : i32
        %dma_start3A_1072 = tpu.memref_slice %arg5[%select_n3A_1047, %select_n3A_1063, %dma_start3A_1071] : memref<12500x8x32xf32, #tpu.memory_space<hbm>> -> memref<1x1x32xf32, #tpu.memory_space<hbm>>
        %dma_start3A_1073 = tpu.memref_squeeze %dma_start3A_1072 : memref<1x1x32xf32, #tpu.memory_space<hbm>> -> memref<1x32xf32, #tpu.memory_space<hbm>>
        tpu.enqueue_dma source(%dma_start3A_1073 : memref<1x32xf32, #tpu.memory_space<hbm>>) target(%dma_start3A_1070 : memref<1x32xf32, #tpu.memory_space<vmem>>) target_semaphore(%arg15 : memref<!tpu.dma_semaphore, #tpu.memory_space<semaphore_mem>>)
        %jit3A_1074 = arith.constant 8 : i32
        %div3A_1075 = arith.divsi %squeeze3A_973, %jit3A_1074 : i32
        %sign3A_1076 = arith.constant 0 : i32
        %sign3A_1077 = arith.cmpi sgt, %squeeze3A_973, %sign3A_1076 : i32
        %sign3A_1078 = arith.extui %sign3A_1077 : i1 to i32
        %sign3A_1079 = arith.constant 0 : i32
        %sign3A_1080 = arith.cmpi slt, %squeeze3A_973, %sign3A_1079 : i32
        %sign3A_1081 = arith.extui %sign3A_1080 : i1 to i32
        %sign3A_1082 = arith.subi %sign3A_1078, %sign3A_1081 : i32
        %sign3A_1083 = arith.constant 0 : i32
        %sign3A_1084 = arith.cmpi sgt, %jit3A_1074, %sign3A_1083 : i32
        %sign3A_1085 = arith.extui %sign3A_1084 : i1 to i32
        %sign3A_1086 = arith.constant 0 : i32
        %sign3A_1087 = arith.cmpi slt, %jit3A_1074, %sign3A_1086 : i32
        %sign3A_1088 = arith.extui %sign3A_1087 : i1 to i32
        %sign3A_1089 = arith.subi %sign3A_1085, %sign3A_1088 : i32
        %ne3A_1090 = arith.cmpi ne, %sign3A_1082, %sign3A_1089 : i32
        %rem3A_1091 = arith.remsi %squeeze3A_973, %jit3A_1074 : i32
        %ne3A_1092 = arith.constant 0 : i32
        %ne3A_1093 = arith.cmpi ne, %rem3A_1091, %ne3A_1092 : i32
        %and3A_1094 = arith.andi %ne3A_1090, %ne3A_1093 : i1
        %sub3A_1095 = arith.constant 1 : i32
        %sub3A_1096 = arith.subi %div3A_1075, %sub3A_1095 : i32
        %select_n3A_1097 = arith.select %and3A_1094, %sub3A_1096, %div3A_1075 : i32
        %jit3A_1098 = arith.constant 8 : i32
        %eq3A_1099 = arith.constant 0 : i32
        %eq3A_1100 = arith.cmpi eq, %jit3A_1098, %eq3A_1099 : i32
        %jit3A_1101 = arith.constant 1 : i32
        %select_n3A_1102 = arith.select %eq3A_1100, %jit3A_1101, %jit3A_1098 : i32
        %rem3A_1103 = arith.remsi %squeeze3A_973, %select_n3A_1102 : i32
        %ne3A_1104 = arith.constant 0 : i32
        %ne3A_1105 = arith.cmpi ne, %rem3A_1103, %ne3A_1104 : i32
        %lt3A_1106 = arith.constant 0 : i32
        %lt3A_1107 = arith.cmpi slt, %rem3A_1103, %lt3A_1106 : i32
        %lt3A_1108 = arith.constant 0 : i32
        %lt3A_1109 = arith.cmpi slt, %select_n3A_1102, %lt3A_1108 : i32
        %ne3A_1110 = arith.xori %lt3A_1107, %lt3A_1109 : i1
        %and3A_1111 = arith.andi %ne3A_1110, %ne3A_1105 : i1
        %add3A_1112 = arith.addi %rem3A_1103, %select_n3A_1102 : i32
        %select_n3A_1113 = arith.select %and3A_1111, %add3A_1112, %rem3A_1103 : i32
        %add3A_1114 = arith.addi %multiple_of3A, %add3A_969 : i32
        %dma_start3A_1115 = arith.constant 0 : i32
        %dma_start3A_1116 = tpu.memref_slice %arg12[%add3A_1114, %dma_start3A_1115] : memref<512x1xf32, #tpu.memory_space<vmem>> -> memref<1x1xf32, #tpu.memory_space<vmem>>
        %dma_start3A_1117 = arith.constant 0 : i32
        %dma_start3A_1118 = tpu.memref_slice %arg6[%select_n3A_1097, %select_n3A_1113, %dma_start3A_1117] : memref<12500x8x1xf32, #tpu.memory_space<hbm>> -> memref<1x1x1xf32, #tpu.memory_space<hbm>>
        %dma_start3A_1119 = tpu.memref_squeeze %dma_start3A_1118 : memref<1x1x1xf32, #tpu.memory_space<hbm>> -> memref<1x1xf32, #tpu.memory_space<hbm>>
        %dma_start3A_1120 = arith.constant 0 : i32
        %dma_start3A_1121 = tpu.memref_slice %arg12[%add3A_1114, %dma_start3A_1120] : memref<512x1xf32, #tpu.memory_space<vmem>> -> memref<1x1xf32, #tpu.memory_space<vmem>>
        %dma_start3A_1122 = arith.constant 0 : i32
        %dma_start3A_1123 = tpu.memref_slice %arg6[%select_n3A_1097, %select_n3A_1113, %dma_start3A_1122] : memref<12500x8x1xf32, #tpu.memory_space<hbm>> -> memref<1x1x1xf32, #tpu.memory_space<hbm>>
        %dma_start3A_1124 = tpu.memref_squeeze %dma_start3A_1123 : memref<1x1x1xf32, #tpu.memory_space<hbm>> -> memref<1x1xf32, #tpu.memory_space<hbm>>
        tpu.enqueue_dma source(%dma_start3A_1124 : memref<1x1xf32, #tpu.memory_space<hbm>>) target(%dma_start3A_1121 : memref<1x1xf32, #tpu.memory_space<vmem>>) target_semaphore(%arg16 : memref<!tpu.dma_semaphore, #tpu.memory_space<semaphore_mem>>)
        %add3A_1125 = arith.constant 7 : i32
        %add3A_1126 = arith.addi %multiple_of3A_33, %add3A_1125 : i32
        %slice3A_1127 = vector.extract_strided_slice %get3A_35 {offsets = [7], sizes = [1], strides = [1]} : vector<16xi32> to vector<1xi32>
        %squeeze3A_1128 = vector.extract %slice3A_1127[0] : i32 from vector<1xi32>
        %slice3A_1129 = vector.extract_strided_slice %get3A_38 {offsets = [7], sizes = [1], strides = [1]} : vector<16xi32> to vector<1xi32>
        %squeeze3A_1130 = vector.extract %slice3A_1129[0] : i32 from vector<1xi32>
        %jit3A_1131 = arith.constant 8 : i32
        %div3A_1132 = arith.divsi %squeeze3A_1128, %jit3A_1131 : i32
        %sign3A_1133 = arith.constant 0 : i32
        %sign3A_1134 = arith.cmpi sgt, %squeeze3A_1128, %sign3A_1133 : i32
        %sign3A_1135 = arith.extui %sign3A_1134 : i1 to i32
        %sign3A_1136 = arith.constant 0 : i32
        %sign3A_1137 = arith.cmpi slt, %squeeze3A_1128, %sign3A_1136 : i32
        %sign3A_1138 = arith.extui %sign3A_1137 : i1 to i32
        %sign3A_1139 = arith.subi %sign3A_1135, %sign3A_1138 : i32
        %sign3A_1140 = arith.constant 0 : i32
        %sign3A_1141 = arith.cmpi sgt, %jit3A_1131, %sign3A_1140 : i32
        %sign3A_1142 = arith.extui %sign3A_1141 : i1 to i32
        %sign3A_1143 = arith.constant 0 : i32
        %sign3A_1144 = arith.cmpi slt, %jit3A_1131, %sign3A_1143 : i32
        %sign3A_1145 = arith.extui %sign3A_1144 : i1 to i32
        %sign3A_1146 = arith.subi %sign3A_1142, %sign3A_1145 : i32
        %ne3A_1147 = arith.cmpi ne, %sign3A_1139, %sign3A_1146 : i32
        %rem3A_1148 = arith.remsi %squeeze3A_1128, %jit3A_1131 : i32
        %ne3A_1149 = arith.constant 0 : i32
        %ne3A_1150 = arith.cmpi ne, %rem3A_1148, %ne3A_1149 : i32
        %and3A_1151 = arith.andi %ne3A_1147, %ne3A_1150 : i1
        %sub3A_1152 = arith.constant 1 : i32
        %sub3A_1153 = arith.subi %div3A_1132, %sub3A_1152 : i32
        %select_n3A_1154 = arith.select %and3A_1151, %sub3A_1153, %div3A_1132 : i32
        %jit3A_1155 = arith.constant 8 : i32
        %eq3A_1156 = arith.constant 0 : i32
        %eq3A_1157 = arith.cmpi eq, %jit3A_1155, %eq3A_1156 : i32
        %jit3A_1158 = arith.constant 1 : i32
        %select_n3A_1159 = arith.select %eq3A_1157, %jit3A_1158, %jit3A_1155 : i32
        %rem3A_1160 = arith.remsi %squeeze3A_1128, %select_n3A_1159 : i32
        %ne3A_1161 = arith.constant 0 : i32
        %ne3A_1162 = arith.cmpi ne, %rem3A_1160, %ne3A_1161 : i32
        %lt3A_1163 = arith.constant 0 : i32
        %lt3A_1164 = arith.cmpi slt, %rem3A_1160, %lt3A_1163 : i32
        %lt3A_1165 = arith.constant 0 : i32
        %lt3A_1166 = arith.cmpi slt, %select_n3A_1159, %lt3A_1165 : i32
        %ne3A_1167 = arith.xori %lt3A_1164, %lt3A_1166 : i1
        %and3A_1168 = arith.andi %ne3A_1167, %ne3A_1162 : i1
        %add3A_1169 = arith.addi %rem3A_1160, %select_n3A_1159 : i32
        %select_n3A_1170 = arith.select %and3A_1168, %add3A_1169, %rem3A_1160 : i32
        %dma_start3A_1171 = arith.constant 0 : i32
        %dma_start3A_1172 = tpu.memref_slice %arg10[%add3A_1126, %dma_start3A_1171] : memref<128x32xf32, #tpu.memory_space<vmem>> -> memref<1x32xf32, #tpu.memory_space<vmem>>
        %dma_start3A_1173 = arith.constant 0 : i32
        %dma_start3A_1174 = tpu.memref_slice %arg4[%select_n3A_1154, %select_n3A_1170, %dma_start3A_1173] : memref<125000x8x32xf32, #tpu.memory_space<hbm>> -> memref<1x1x32xf32, #tpu.memory_space<hbm>>
        %dma_start3A_1175 = tpu.memref_squeeze %dma_start3A_1174 : memref<1x1x32xf32, #tpu.memory_space<hbm>> -> memref<1x32xf32, #tpu.memory_space<hbm>>
        %dma_start3A_1176 = arith.constant 0 : i32
        %dma_start3A_1177 = tpu.memref_slice %arg10[%add3A_1126, %dma_start3A_1176] : memref<128x32xf32, #tpu.memory_space<vmem>> -> memref<1x32xf32, #tpu.memory_space<vmem>>
        %dma_start3A_1178 = arith.constant 0 : i32
        %dma_start3A_1179 = tpu.memref_slice %arg4[%select_n3A_1154, %select_n3A_1170, %dma_start3A_1178] : memref<125000x8x32xf32, #tpu.memory_space<hbm>> -> memref<1x1x32xf32, #tpu.memory_space<hbm>>
        %dma_start3A_1180 = tpu.memref_squeeze %dma_start3A_1179 : memref<1x1x32xf32, #tpu.memory_space<hbm>> -> memref<1x32xf32, #tpu.memory_space<hbm>>
        tpu.enqueue_dma source(%dma_start3A_1180 : memref<1x32xf32, #tpu.memory_space<hbm>>) target(%dma_start3A_1177 : memref<1x32xf32, #tpu.memory_space<vmem>>) target_semaphore(%arg14 : memref<!tpu.dma_semaphore, #tpu.memory_space<semaphore_mem>>)
        %jit3A_1181 = arith.constant 8 : i32
        %div3A_1182 = arith.divsi %squeeze3A_1130, %jit3A_1181 : i32
        %sign3A_1183 = arith.constant 0 : i32
        %sign3A_1184 = arith.cmpi sgt, %squeeze3A_1130, %sign3A_1183 : i32
        %sign3A_1185 = arith.extui %sign3A_1184 : i1 to i32
        %sign3A_1186 = arith.constant 0 : i32
        %sign3A_1187 = arith.cmpi slt, %squeeze3A_1130, %sign3A_1186 : i32
        %sign3A_1188 = arith.extui %sign3A_1187 : i1 to i32
        %sign3A_1189 = arith.subi %sign3A_1185, %sign3A_1188 : i32
        %sign3A_1190 = arith.constant 0 : i32
        %sign3A_1191 = arith.cmpi sgt, %jit3A_1181, %sign3A_1190 : i32
        %sign3A_1192 = arith.extui %sign3A_1191 : i1 to i32
        %sign3A_1193 = arith.constant 0 : i32
        %sign3A_1194 = arith.cmpi slt, %jit3A_1181, %sign3A_1193 : i32
        %sign3A_1195 = arith.extui %sign3A_1194 : i1 to i32
        %sign3A_1196 = arith.subi %sign3A_1192, %sign3A_1195 : i32
        %ne3A_1197 = arith.cmpi ne, %sign3A_1189, %sign3A_1196 : i32
        %rem3A_1198 = arith.remsi %squeeze3A_1130, %jit3A_1181 : i32
        %ne3A_1199 = arith.constant 0 : i32
        %ne3A_1200 = arith.cmpi ne, %rem3A_1198, %ne3A_1199 : i32
        %and3A_1201 = arith.andi %ne3A_1197, %ne3A_1200 : i1
        %sub3A_1202 = arith.constant 1 : i32
        %sub3A_1203 = arith.subi %div3A_1182, %sub3A_1202 : i32
        %select_n3A_1204 = arith.select %and3A_1201, %sub3A_1203, %div3A_1182 : i32
        %jit3A_1205 = arith.constant 8 : i32
        %eq3A_1206 = arith.constant 0 : i32
        %eq3A_1207 = arith.cmpi eq, %jit3A_1205, %eq3A_1206 : i32
        %jit3A_1208 = arith.constant 1 : i32
        %select_n3A_1209 = arith.select %eq3A_1207, %jit3A_1208, %jit3A_1205 : i32
        %rem3A_1210 = arith.remsi %squeeze3A_1130, %select_n3A_1209 : i32
        %ne3A_1211 = arith.constant 0 : i32
        %ne3A_1212 = arith.cmpi ne, %rem3A_1210, %ne3A_1211 : i32
        %lt3A_1213 = arith.constant 0 : i32
        %lt3A_1214 = arith.cmpi slt, %rem3A_1210, %lt3A_1213 : i32
        %lt3A_1215 = arith.constant 0 : i32
        %lt3A_1216 = arith.cmpi slt, %select_n3A_1209, %lt3A_1215 : i32
        %ne3A_1217 = arith.xori %lt3A_1214, %lt3A_1216 : i1
        %and3A_1218 = arith.andi %ne3A_1217, %ne3A_1212 : i1
        %add3A_1219 = arith.addi %rem3A_1210, %select_n3A_1209 : i32
        %select_n3A_1220 = arith.select %and3A_1218, %add3A_1219, %rem3A_1210 : i32
        %dma_start3A_1221 = arith.constant 0 : i32
        %dma_start3A_1222 = tpu.memref_slice %arg11[%add3A_1126, %dma_start3A_1221] : memref<128x32xf32, #tpu.memory_space<vmem>> -> memref<1x32xf32, #tpu.memory_space<vmem>>
        %dma_start3A_1223 = arith.constant 0 : i32
        %dma_start3A_1224 = tpu.memref_slice %arg5[%select_n3A_1204, %select_n3A_1220, %dma_start3A_1223] : memref<12500x8x32xf32, #tpu.memory_space<hbm>> -> memref<1x1x32xf32, #tpu.memory_space<hbm>>
        %dma_start3A_1225 = tpu.memref_squeeze %dma_start3A_1224 : memref<1x1x32xf32, #tpu.memory_space<hbm>> -> memref<1x32xf32, #tpu.memory_space<hbm>>
        %dma_start3A_1226 = arith.constant 0 : i32
        %dma_start3A_1227 = tpu.memref_slice %arg11[%add3A_1126, %dma_start3A_1226] : memref<128x32xf32, #tpu.memory_space<vmem>> -> memref<1x32xf32, #tpu.memory_space<vmem>>
        %dma_start3A_1228 = arith.constant 0 : i32
        %dma_start3A_1229 = tpu.memref_slice %arg5[%select_n3A_1204, %select_n3A_1220, %dma_start3A_1228] : memref<12500x8x32xf32, #tpu.memory_space<hbm>> -> memref<1x1x32xf32, #tpu.memory_space<hbm>>
        %dma_start3A_1230 = tpu.memref_squeeze %dma_start3A_1229 : memref<1x1x32xf32, #tpu.memory_space<hbm>> -> memref<1x32xf32, #tpu.memory_space<hbm>>
        tpu.enqueue_dma source(%dma_start3A_1230 : memref<1x32xf32, #tpu.memory_space<hbm>>) target(%dma_start3A_1227 : memref<1x32xf32, #tpu.memory_space<vmem>>) target_semaphore(%arg15 : memref<!tpu.dma_semaphore, #tpu.memory_space<semaphore_mem>>)
        %jit3A_1231 = arith.constant 8 : i32
        %div3A_1232 = arith.divsi %squeeze3A_1130, %jit3A_1231 : i32
        %sign3A_1233 = arith.constant 0 : i32
        %sign3A_1234 = arith.cmpi sgt, %squeeze3A_1130, %sign3A_1233 : i32
        %sign3A_1235 = arith.extui %sign3A_1234 : i1 to i32
        %sign3A_1236 = arith.constant 0 : i32
        %sign3A_1237 = arith.cmpi slt, %squeeze3A_1130, %sign3A_1236 : i32
        %sign3A_1238 = arith.extui %sign3A_1237 : i1 to i32
        %sign3A_1239 = arith.subi %sign3A_1235, %sign3A_1238 : i32
        %sign3A_1240 = arith.constant 0 : i32
        %sign3A_1241 = arith.cmpi sgt, %jit3A_1231, %sign3A_1240 : i32
        %sign3A_1242 = arith.extui %sign3A_1241 : i1 to i32
        %sign3A_1243 = arith.constant 0 : i32
        %sign3A_1244 = arith.cmpi slt, %jit3A_1231, %sign3A_1243 : i32
        %sign3A_1245 = arith.extui %sign3A_1244 : i1 to i32
        %sign3A_1246 = arith.subi %sign3A_1242, %sign3A_1245 : i32
        %ne3A_1247 = arith.cmpi ne, %sign3A_1239, %sign3A_1246 : i32
        %rem3A_1248 = arith.remsi %squeeze3A_1130, %jit3A_1231 : i32
        %ne3A_1249 = arith.constant 0 : i32
        %ne3A_1250 = arith.cmpi ne, %rem3A_1248, %ne3A_1249 : i32
        %and3A_1251 = arith.andi %ne3A_1247, %ne3A_1250 : i1
        %sub3A_1252 = arith.constant 1 : i32
        %sub3A_1253 = arith.subi %div3A_1232, %sub3A_1252 : i32
        %select_n3A_1254 = arith.select %and3A_1251, %sub3A_1253, %div3A_1232 : i32
        %jit3A_1255 = arith.constant 8 : i32
        %eq3A_1256 = arith.constant 0 : i32
        %eq3A_1257 = arith.cmpi eq, %jit3A_1255, %eq3A_1256 : i32
        %jit3A_1258 = arith.constant 1 : i32
        %select_n3A_1259 = arith.select %eq3A_1257, %jit3A_1258, %jit3A_1255 : i32
        %rem3A_1260 = arith.remsi %squeeze3A_1130, %select_n3A_1259 : i32
        %ne3A_1261 = arith.constant 0 : i32
        %ne3A_1262 = arith.cmpi ne, %rem3A_1260, %ne3A_1261 : i32
        %lt3A_1263 = arith.constant 0 : i32
        %lt3A_1264 = arith.cmpi slt, %rem3A_1260, %lt3A_1263 : i32
        %lt3A_1265 = arith.constant 0 : i32
        %lt3A_1266 = arith.cmpi slt, %select_n3A_1259, %lt3A_1265 : i32
        %ne3A_1267 = arith.xori %lt3A_1264, %lt3A_1266 : i1
        %and3A_1268 = arith.andi %ne3A_1267, %ne3A_1262 : i1
        %add3A_1269 = arith.addi %rem3A_1260, %select_n3A_1259 : i32
        %select_n3A_1270 = arith.select %and3A_1268, %add3A_1269, %rem3A_1260 : i32
        %add3A_1271 = arith.addi %multiple_of3A, %add3A_1126 : i32
        %dma_start3A_1272 = arith.constant 0 : i32
        %dma_start3A_1273 = tpu.memref_slice %arg12[%add3A_1271, %dma_start3A_1272] : memref<512x1xf32, #tpu.memory_space<vmem>> -> memref<1x1xf32, #tpu.memory_space<vmem>>
        %dma_start3A_1274 = arith.constant 0 : i32
        %dma_start3A_1275 = tpu.memref_slice %arg6[%select_n3A_1254, %select_n3A_1270, %dma_start3A_1274] : memref<12500x8x1xf32, #tpu.memory_space<hbm>> -> memref<1x1x1xf32, #tpu.memory_space<hbm>>
        %dma_start3A_1276 = tpu.memref_squeeze %dma_start3A_1275 : memref<1x1x1xf32, #tpu.memory_space<hbm>> -> memref<1x1xf32, #tpu.memory_space<hbm>>
        %dma_start3A_1277 = arith.constant 0 : i32
        %dma_start3A_1278 = tpu.memref_slice %arg12[%add3A_1271, %dma_start3A_1277] : memref<512x1xf32, #tpu.memory_space<vmem>> -> memref<1x1xf32, #tpu.memory_space<vmem>>
        %dma_start3A_1279 = arith.constant 0 : i32
        %dma_start3A_1280 = tpu.memref_slice %arg6[%select_n3A_1254, %select_n3A_1270, %dma_start3A_1279] : memref<12500x8x1xf32, #tpu.memory_space<hbm>> -> memref<1x1x1xf32, #tpu.memory_space<hbm>>
        %dma_start3A_1281 = tpu.memref_squeeze %dma_start3A_1280 : memref<1x1x1xf32, #tpu.memory_space<hbm>> -> memref<1x1xf32, #tpu.memory_space<hbm>>
        tpu.enqueue_dma source(%dma_start3A_1281 : memref<1x1xf32, #tpu.memory_space<hbm>>) target(%dma_start3A_1278 : memref<1x1xf32, #tpu.memory_space<vmem>>) target_semaphore(%arg16 : memref<!tpu.dma_semaphore, #tpu.memory_space<semaphore_mem>>)
        %add3A_1282 = arith.constant 8 : i32
        %add3A_1283 = arith.addi %multiple_of3A_33, %add3A_1282 : i32
        %slice3A_1284 = vector.extract_strided_slice %get3A_35 {offsets = [8], sizes = [1], strides = [1]} : vector<16xi32> to vector<1xi32>
        %squeeze3A_1285 = vector.extract %slice3A_1284[0] : i32 from vector<1xi32>
        %slice3A_1286 = vector.extract_strided_slice %get3A_38 {offsets = [8], sizes = [1], strides = [1]} : vector<16xi32> to vector<1xi32>
        %squeeze3A_1287 = vector.extract %slice3A_1286[0] : i32 from vector<1xi32>
        %jit3A_1288 = arith.constant 8 : i32
        %div3A_1289 = arith.divsi %squeeze3A_1285, %jit3A_1288 : i32
        %sign3A_1290 = arith.constant 0 : i32
        %sign3A_1291 = arith.cmpi sgt, %squeeze3A_1285, %sign3A_1290 : i32
        %sign3A_1292 = arith.extui %sign3A_1291 : i1 to i32
        %sign3A_1293 = arith.constant 0 : i32
        %sign3A_1294 = arith.cmpi slt, %squeeze3A_1285, %sign3A_1293 : i32
        %sign3A_1295 = arith.extui %sign3A_1294 : i1 to i32
        %sign3A_1296 = arith.subi %sign3A_1292, %sign3A_1295 : i32
        %sign3A_1297 = arith.constant 0 : i32
        %sign3A_1298 = arith.cmpi sgt, %jit3A_1288, %sign3A_1297 : i32
        %sign3A_1299 = arith.extui %sign3A_1298 : i1 to i32
        %sign3A_1300 = arith.constant 0 : i32
        %sign3A_1301 = arith.cmpi slt, %jit3A_1288, %sign3A_1300 : i32
        %sign3A_1302 = arith.extui %sign3A_1301 : i1 to i32
        %sign3A_1303 = arith.subi %sign3A_1299, %sign3A_1302 : i32
        %ne3A_1304 = arith.cmpi ne, %sign3A_1296, %sign3A_1303 : i32
        %rem3A_1305 = arith.remsi %squeeze3A_1285, %jit3A_1288 : i32
        %ne3A_1306 = arith.constant 0 : i32
        %ne3A_1307 = arith.cmpi ne, %rem3A_1305, %ne3A_1306 : i32
        %and3A_1308 = arith.andi %ne3A_1304, %ne3A_1307 : i1
        %sub3A_1309 = arith.constant 1 : i32
        %sub3A_1310 = arith.subi %div3A_1289, %sub3A_1309 : i32
        %select_n3A_1311 = arith.select %and3A_1308, %sub3A_1310, %div3A_1289 : i32
        %jit3A_1312 = arith.constant 8 : i32
        %eq3A_1313 = arith.constant 0 : i32
        %eq3A_1314 = arith.cmpi eq, %jit3A_1312, %eq3A_1313 : i32
        %jit3A_1315 = arith.constant 1 : i32
        %select_n3A_1316 = arith.select %eq3A_1314, %jit3A_1315, %jit3A_1312 : i32
        %rem3A_1317 = arith.remsi %squeeze3A_1285, %select_n3A_1316 : i32
        %ne3A_1318 = arith.constant 0 : i32
        %ne3A_1319 = arith.cmpi ne, %rem3A_1317, %ne3A_1318 : i32
        %lt3A_1320 = arith.constant 0 : i32
        %lt3A_1321 = arith.cmpi slt, %rem3A_1317, %lt3A_1320 : i32
        %lt3A_1322 = arith.constant 0 : i32
        %lt3A_1323 = arith.cmpi slt, %select_n3A_1316, %lt3A_1322 : i32
        %ne3A_1324 = arith.xori %lt3A_1321, %lt3A_1323 : i1
        %and3A_1325 = arith.andi %ne3A_1324, %ne3A_1319 : i1
        %add3A_1326 = arith.addi %rem3A_1317, %select_n3A_1316 : i32
        %select_n3A_1327 = arith.select %and3A_1325, %add3A_1326, %rem3A_1317 : i32
        %dma_start3A_1328 = arith.constant 0 : i32
        %dma_start3A_1329 = tpu.memref_slice %arg10[%add3A_1283, %dma_start3A_1328] : memref<128x32xf32, #tpu.memory_space<vmem>> -> memref<1x32xf32, #tpu.memory_space<vmem>>
        %dma_start3A_1330 = arith.constant 0 : i32
        %dma_start3A_1331 = tpu.memref_slice %arg4[%select_n3A_1311, %select_n3A_1327, %dma_start3A_1330] : memref<125000x8x32xf32, #tpu.memory_space<hbm>> -> memref<1x1x32xf32, #tpu.memory_space<hbm>>
        %dma_start3A_1332 = tpu.memref_squeeze %dma_start3A_1331 : memref<1x1x32xf32, #tpu.memory_space<hbm>> -> memref<1x32xf32, #tpu.memory_space<hbm>>
        %dma_start3A_1333 = arith.constant 0 : i32
        %dma_start3A_1334 = tpu.memref_slice %arg10[%add3A_1283, %dma_start3A_1333] : memref<128x32xf32, #tpu.memory_space<vmem>> -> memref<1x32xf32, #tpu.memory_space<vmem>>
        %dma_start3A_1335 = arith.constant 0 : i32
        %dma_start3A_1336 = tpu.memref_slice %arg4[%select_n3A_1311, %select_n3A_1327, %dma_start3A_1335] : memref<125000x8x32xf32, #tpu.memory_space<hbm>> -> memref<1x1x32xf32, #tpu.memory_space<hbm>>
        %dma_start3A_1337 = tpu.memref_squeeze %dma_start3A_1336 : memref<1x1x32xf32, #tpu.memory_space<hbm>> -> memref<1x32xf32, #tpu.memory_space<hbm>>
        tpu.enqueue_dma source(%dma_start3A_1337 : memref<1x32xf32, #tpu.memory_space<hbm>>) target(%dma_start3A_1334 : memref<1x32xf32, #tpu.memory_space<vmem>>) target_semaphore(%arg14 : memref<!tpu.dma_semaphore, #tpu.memory_space<semaphore_mem>>)
        %jit3A_1338 = arith.constant 8 : i32
        %div3A_1339 = arith.divsi %squeeze3A_1287, %jit3A_1338 : i32
        %sign3A_1340 = arith.constant 0 : i32
        %sign3A_1341 = arith.cmpi sgt, %squeeze3A_1287, %sign3A_1340 : i32
        %sign3A_1342 = arith.extui %sign3A_1341 : i1 to i32
        %sign3A_1343 = arith.constant 0 : i32
        %sign3A_1344 = arith.cmpi slt, %squeeze3A_1287, %sign3A_1343 : i32
        %sign3A_1345 = arith.extui %sign3A_1344 : i1 to i32
        %sign3A_1346 = arith.subi %sign3A_1342, %sign3A_1345 : i32
        %sign3A_1347 = arith.constant 0 : i32
        %sign3A_1348 = arith.cmpi sgt, %jit3A_1338, %sign3A_1347 : i32
        %sign3A_1349 = arith.extui %sign3A_1348 : i1 to i32
        %sign3A_1350 = arith.constant 0 : i32
        %sign3A_1351 = arith.cmpi slt, %jit3A_1338, %sign3A_1350 : i32
        %sign3A_1352 = arith.extui %sign3A_1351 : i1 to i32
        %sign3A_1353 = arith.subi %sign3A_1349, %sign3A_1352 : i32
        %ne3A_1354 = arith.cmpi ne, %sign3A_1346, %sign3A_1353 : i32
        %rem3A_1355 = arith.remsi %squeeze3A_1287, %jit3A_1338 : i32
        %ne3A_1356 = arith.constant 0 : i32
        %ne3A_1357 = arith.cmpi ne, %rem3A_1355, %ne3A_1356 : i32
        %and3A_1358 = arith.andi %ne3A_1354, %ne3A_1357 : i1
        %sub3A_1359 = arith.constant 1 : i32
        %sub3A_1360 = arith.subi %div3A_1339, %sub3A_1359 : i32
        %select_n3A_1361 = arith.select %and3A_1358, %sub3A_1360, %div3A_1339 : i32
        %jit3A_1362 = arith.constant 8 : i32
        %eq3A_1363 = arith.constant 0 : i32
        %eq3A_1364 = arith.cmpi eq, %jit3A_1362, %eq3A_1363 : i32
        %jit3A_1365 = arith.constant 1 : i32
        %select_n3A_1366 = arith.select %eq3A_1364, %jit3A_1365, %jit3A_1362 : i32
        %rem3A_1367 = arith.remsi %squeeze3A_1287, %select_n3A_1366 : i32
        %ne3A_1368 = arith.constant 0 : i32
        %ne3A_1369 = arith.cmpi ne, %rem3A_1367, %ne3A_1368 : i32
        %lt3A_1370 = arith.constant 0 : i32
        %lt3A_1371 = arith.cmpi slt, %rem3A_1367, %lt3A_1370 : i32
        %lt3A_1372 = arith.constant 0 : i32
        %lt3A_1373 = arith.cmpi slt, %select_n3A_1366, %lt3A_1372 : i32
        %ne3A_1374 = arith.xori %lt3A_1371, %lt3A_1373 : i1
        %and3A_1375 = arith.andi %ne3A_1374, %ne3A_1369 : i1
        %add3A_1376 = arith.addi %rem3A_1367, %select_n3A_1366 : i32
        %select_n3A_1377 = arith.select %and3A_1375, %add3A_1376, %rem3A_1367 : i32
        %dma_start3A_1378 = arith.constant 0 : i32
        %dma_start3A_1379 = tpu.memref_slice %arg11[%add3A_1283, %dma_start3A_1378] : memref<128x32xf32, #tpu.memory_space<vmem>> -> memref<1x32xf32, #tpu.memory_space<vmem>>
        %dma_start3A_1380 = arith.constant 0 : i32
        %dma_start3A_1381 = tpu.memref_slice %arg5[%select_n3A_1361, %select_n3A_1377, %dma_start3A_1380] : memref<12500x8x32xf32, #tpu.memory_space<hbm>> -> memref<1x1x32xf32, #tpu.memory_space<hbm>>
        %dma_start3A_1382 = tpu.memref_squeeze %dma_start3A_1381 : memref<1x1x32xf32, #tpu.memory_space<hbm>> -> memref<1x32xf32, #tpu.memory_space<hbm>>
        %dma_start3A_1383 = arith.constant 0 : i32
        %dma_start3A_1384 = tpu.memref_slice %arg11[%add3A_1283, %dma_start3A_1383] : memref<128x32xf32, #tpu.memory_space<vmem>> -> memref<1x32xf32, #tpu.memory_space<vmem>>
        %dma_start3A_1385 = arith.constant 0 : i32
        %dma_start3A_1386 = tpu.memref_slice %arg5[%select_n3A_1361, %select_n3A_1377, %dma_start3A_1385] : memref<12500x8x32xf32, #tpu.memory_space<hbm>> -> memref<1x1x32xf32, #tpu.memory_space<hbm>>
        %dma_start3A_1387 = tpu.memref_squeeze %dma_start3A_1386 : memref<1x1x32xf32, #tpu.memory_space<hbm>> -> memref<1x32xf32, #tpu.memory_space<hbm>>
        tpu.enqueue_dma source(%dma_start3A_1387 : memref<1x32xf32, #tpu.memory_space<hbm>>) target(%dma_start3A_1384 : memref<1x32xf32, #tpu.memory_space<vmem>>) target_semaphore(%arg15 : memref<!tpu.dma_semaphore, #tpu.memory_space<semaphore_mem>>)
        %jit3A_1388 = arith.constant 8 : i32
        %div3A_1389 = arith.divsi %squeeze3A_1287, %jit3A_1388 : i32
        %sign3A_1390 = arith.constant 0 : i32
        %sign3A_1391 = arith.cmpi sgt, %squeeze3A_1287, %sign3A_1390 : i32
        %sign3A_1392 = arith.extui %sign3A_1391 : i1 to i32
        %sign3A_1393 = arith.constant 0 : i32
        %sign3A_1394 = arith.cmpi slt, %squeeze3A_1287, %sign3A_1393 : i32
        %sign3A_1395 = arith.extui %sign3A_1394 : i1 to i32
        %sign3A_1396 = arith.subi %sign3A_1392, %sign3A_1395 : i32
        %sign3A_1397 = arith.constant 0 : i32
        %sign3A_1398 = arith.cmpi sgt, %jit3A_1388, %sign3A_1397 : i32
        %sign3A_1399 = arith.extui %sign3A_1398 : i1 to i32
        %sign3A_1400 = arith.constant 0 : i32
        %sign3A_1401 = arith.cmpi slt, %jit3A_1388, %sign3A_1400 : i32
        %sign3A_1402 = arith.extui %sign3A_1401 : i1 to i32
        %sign3A_1403 = arith.subi %sign3A_1399, %sign3A_1402 : i32
        %ne3A_1404 = arith.cmpi ne, %sign3A_1396, %sign3A_1403 : i32
        %rem3A_1405 = arith.remsi %squeeze3A_1287, %jit3A_1388 : i32
        %ne3A_1406 = arith.constant 0 : i32
        %ne3A_1407 = arith.cmpi ne, %rem3A_1405, %ne3A_1406 : i32
        %and3A_1408 = arith.andi %ne3A_1404, %ne3A_1407 : i1
        %sub3A_1409 = arith.constant 1 : i32
        %sub3A_1410 = arith.subi %div3A_1389, %sub3A_1409 : i32
        %select_n3A_1411 = arith.select %and3A_1408, %sub3A_1410, %div3A_1389 : i32
        %jit3A_1412 = arith.constant 8 : i32
        %eq3A_1413 = arith.constant 0 : i32
        %eq3A_1414 = arith.cmpi eq, %jit3A_1412, %eq3A_1413 : i32
        %jit3A_1415 = arith.constant 1 : i32
        %select_n3A_1416 = arith.select %eq3A_1414, %jit3A_1415, %jit3A_1412 : i32
        %rem3A_1417 = arith.remsi %squeeze3A_1287, %select_n3A_1416 : i32
        %ne3A_1418 = arith.constant 0 : i32
        %ne3A_1419 = arith.cmpi ne, %rem3A_1417, %ne3A_1418 : i32
        %lt3A_1420 = arith.constant 0 : i32
        %lt3A_1421 = arith.cmpi slt, %rem3A_1417, %lt3A_1420 : i32
        %lt3A_1422 = arith.constant 0 : i32
        %lt3A_1423 = arith.cmpi slt, %select_n3A_1416, %lt3A_1422 : i32
        %ne3A_1424 = arith.xori %lt3A_1421, %lt3A_1423 : i1
        %and3A_1425 = arith.andi %ne3A_1424, %ne3A_1419 : i1
        %add3A_1426 = arith.addi %rem3A_1417, %select_n3A_1416 : i32
        %select_n3A_1427 = arith.select %and3A_1425, %add3A_1426, %rem3A_1417 : i32
        %add3A_1428 = arith.addi %multiple_of3A, %add3A_1283 : i32
        %dma_start3A_1429 = arith.constant 0 : i32
        %dma_start3A_1430 = tpu.memref_slice %arg12[%add3A_1428, %dma_start3A_1429] : memref<512x1xf32, #tpu.memory_space<vmem>> -> memref<1x1xf32, #tpu.memory_space<vmem>>
        %dma_start3A_1431 = arith.constant 0 : i32
        %dma_start3A_1432 = tpu.memref_slice %arg6[%select_n3A_1411, %select_n3A_1427, %dma_start3A_1431] : memref<12500x8x1xf32, #tpu.memory_space<hbm>> -> memref<1x1x1xf32, #tpu.memory_space<hbm>>
        %dma_start3A_1433 = tpu.memref_squeeze %dma_start3A_1432 : memref<1x1x1xf32, #tpu.memory_space<hbm>> -> memref<1x1xf32, #tpu.memory_space<hbm>>
        %dma_start3A_1434 = arith.constant 0 : i32
        %dma_start3A_1435 = tpu.memref_slice %arg12[%add3A_1428, %dma_start3A_1434] : memref<512x1xf32, #tpu.memory_space<vmem>> -> memref<1x1xf32, #tpu.memory_space<vmem>>
        %dma_start3A_1436 = arith.constant 0 : i32
        %dma_start3A_1437 = tpu.memref_slice %arg6[%select_n3A_1411, %select_n3A_1427, %dma_start3A_1436] : memref<12500x8x1xf32, #tpu.memory_space<hbm>> -> memref<1x1x1xf32, #tpu.memory_space<hbm>>
        %dma_start3A_1438 = tpu.memref_squeeze %dma_start3A_1437 : memref<1x1x1xf32, #tpu.memory_space<hbm>> -> memref<1x1xf32, #tpu.memory_space<hbm>>
        tpu.enqueue_dma source(%dma_start3A_1438 : memref<1x1xf32, #tpu.memory_space<hbm>>) target(%dma_start3A_1435 : memref<1x1xf32, #tpu.memory_space<vmem>>) target_semaphore(%arg16 : memref<!tpu.dma_semaphore, #tpu.memory_space<semaphore_mem>>)
        %add3A_1439 = arith.constant 9 : i32
        %add3A_1440 = arith.addi %multiple_of3A_33, %add3A_1439 : i32
        %slice3A_1441 = vector.extract_strided_slice %get3A_35 {offsets = [9], sizes = [1], strides = [1]} : vector<16xi32> to vector<1xi32>
        %squeeze3A_1442 = vector.extract %slice3A_1441[0] : i32 from vector<1xi32>
        %slice3A_1443 = vector.extract_strided_slice %get3A_38 {offsets = [9], sizes = [1], strides = [1]} : vector<16xi32> to vector<1xi32>
        %squeeze3A_1444 = vector.extract %slice3A_1443[0] : i32 from vector<1xi32>
        %jit3A_1445 = arith.constant 8 : i32
        %div3A_1446 = arith.divsi %squeeze3A_1442, %jit3A_1445 : i32
        %sign3A_1447 = arith.constant 0 : i32
        %sign3A_1448 = arith.cmpi sgt, %squeeze3A_1442, %sign3A_1447 : i32
        %sign3A_1449 = arith.extui %sign3A_1448 : i1 to i32
        %sign3A_1450 = arith.constant 0 : i32
        %sign3A_1451 = arith.cmpi slt, %squeeze3A_1442, %sign3A_1450 : i32
        %sign3A_1452 = arith.extui %sign3A_1451 : i1 to i32
        %sign3A_1453 = arith.subi %sign3A_1449, %sign3A_1452 : i32
        %sign3A_1454 = arith.constant 0 : i32
        %sign3A_1455 = arith.cmpi sgt, %jit3A_1445, %sign3A_1454 : i32
        %sign3A_1456 = arith.extui %sign3A_1455 : i1 to i32
        %sign3A_1457 = arith.constant 0 : i32
        %sign3A_1458 = arith.cmpi slt, %jit3A_1445, %sign3A_1457 : i32
        %sign3A_1459 = arith.extui %sign3A_1458 : i1 to i32
        %sign3A_1460 = arith.subi %sign3A_1456, %sign3A_1459 : i32
        %ne3A_1461 = arith.cmpi ne, %sign3A_1453, %sign3A_1460 : i32
        %rem3A_1462 = arith.remsi %squeeze3A_1442, %jit3A_1445 : i32
        %ne3A_1463 = arith.constant 0 : i32
        %ne3A_1464 = arith.cmpi ne, %rem3A_1462, %ne3A_1463 : i32
        %and3A_1465 = arith.andi %ne3A_1461, %ne3A_1464 : i1
        %sub3A_1466 = arith.constant 1 : i32
        %sub3A_1467 = arith.subi %div3A_1446, %sub3A_1466 : i32
        %select_n3A_1468 = arith.select %and3A_1465, %sub3A_1467, %div3A_1446 : i32
        %jit3A_1469 = arith.constant 8 : i32
        %eq3A_1470 = arith.constant 0 : i32
        %eq3A_1471 = arith.cmpi eq, %jit3A_1469, %eq3A_1470 : i32
        %jit3A_1472 = arith.constant 1 : i32
        %select_n3A_1473 = arith.select %eq3A_1471, %jit3A_1472, %jit3A_1469 : i32
        %rem3A_1474 = arith.remsi %squeeze3A_1442, %select_n3A_1473 : i32
        %ne3A_1475 = arith.constant 0 : i32
        %ne3A_1476 = arith.cmpi ne, %rem3A_1474, %ne3A_1475 : i32
        %lt3A_1477 = arith.constant 0 : i32
        %lt3A_1478 = arith.cmpi slt, %rem3A_1474, %lt3A_1477 : i32
        %lt3A_1479 = arith.constant 0 : i32
        %lt3A_1480 = arith.cmpi slt, %select_n3A_1473, %lt3A_1479 : i32
        %ne3A_1481 = arith.xori %lt3A_1478, %lt3A_1480 : i1
        %and3A_1482 = arith.andi %ne3A_1481, %ne3A_1476 : i1
        %add3A_1483 = arith.addi %rem3A_1474, %select_n3A_1473 : i32
        %select_n3A_1484 = arith.select %and3A_1482, %add3A_1483, %rem3A_1474 : i32
        %dma_start3A_1485 = arith.constant 0 : i32
        %dma_start3A_1486 = tpu.memref_slice %arg10[%add3A_1440, %dma_start3A_1485] : memref<128x32xf32, #tpu.memory_space<vmem>> -> memref<1x32xf32, #tpu.memory_space<vmem>>
        %dma_start3A_1487 = arith.constant 0 : i32
        %dma_start3A_1488 = tpu.memref_slice %arg4[%select_n3A_1468, %select_n3A_1484, %dma_start3A_1487] : memref<125000x8x32xf32, #tpu.memory_space<hbm>> -> memref<1x1x32xf32, #tpu.memory_space<hbm>>
        %dma_start3A_1489 = tpu.memref_squeeze %dma_start3A_1488 : memref<1x1x32xf32, #tpu.memory_space<hbm>> -> memref<1x32xf32, #tpu.memory_space<hbm>>
        %dma_start3A_1490 = arith.constant 0 : i32
        %dma_start3A_1491 = tpu.memref_slice %arg10[%add3A_1440, %dma_start3A_1490] : memref<128x32xf32, #tpu.memory_space<vmem>> -> memref<1x32xf32, #tpu.memory_space<vmem>>
        %dma_start3A_1492 = arith.constant 0 : i32
        %dma_start3A_1493 = tpu.memref_slice %arg4[%select_n3A_1468, %select_n3A_1484, %dma_start3A_1492] : memref<125000x8x32xf32, #tpu.memory_space<hbm>> -> memref<1x1x32xf32, #tpu.memory_space<hbm>>
        %dma_start3A_1494 = tpu.memref_squeeze %dma_start3A_1493 : memref<1x1x32xf32, #tpu.memory_space<hbm>> -> memref<1x32xf32, #tpu.memory_space<hbm>>
        tpu.enqueue_dma source(%dma_start3A_1494 : memref<1x32xf32, #tpu.memory_space<hbm>>) target(%dma_start3A_1491 : memref<1x32xf32, #tpu.memory_space<vmem>>) target_semaphore(%arg14 : memref<!tpu.dma_semaphore, #tpu.memory_space<semaphore_mem>>)
        %jit3A_1495 = arith.constant 8 : i32
        %div3A_1496 = arith.divsi %squeeze3A_1444, %jit3A_1495 : i32
        %sign3A_1497 = arith.constant 0 : i32
        %sign3A_1498 = arith.cmpi sgt, %squeeze3A_1444, %sign3A_1497 : i32
        %sign3A_1499 = arith.extui %sign3A_1498 : i1 to i32
        %sign3A_1500 = arith.constant 0 : i32
        %sign3A_1501 = arith.cmpi slt, %squeeze3A_1444, %sign3A_1500 : i32
        %sign3A_1502 = arith.extui %sign3A_1501 : i1 to i32
        %sign3A_1503 = arith.subi %sign3A_1499, %sign3A_1502 : i32
        %sign3A_1504 = arith.constant 0 : i32
        %sign3A_1505 = arith.cmpi sgt, %jit3A_1495, %sign3A_1504 : i32
        %sign3A_1506 = arith.extui %sign3A_1505 : i1 to i32
        %sign3A_1507 = arith.constant 0 : i32
        %sign3A_1508 = arith.cmpi slt, %jit3A_1495, %sign3A_1507 : i32
        %sign3A_1509 = arith.extui %sign3A_1508 : i1 to i32
        %sign3A_1510 = arith.subi %sign3A_1506, %sign3A_1509 : i32
        %ne3A_1511 = arith.cmpi ne, %sign3A_1503, %sign3A_1510 : i32
        %rem3A_1512 = arith.remsi %squeeze3A_1444, %jit3A_1495 : i32
        %ne3A_1513 = arith.constant 0 : i32
        %ne3A_1514 = arith.cmpi ne, %rem3A_1512, %ne3A_1513 : i32
        %and3A_1515 = arith.andi %ne3A_1511, %ne3A_1514 : i1
        %sub3A_1516 = arith.constant 1 : i32
        %sub3A_1517 = arith.subi %div3A_1496, %sub3A_1516 : i32
        %select_n3A_1518 = arith.select %and3A_1515, %sub3A_1517, %div3A_1496 : i32
        %jit3A_1519 = arith.constant 8 : i32
        %eq3A_1520 = arith.constant 0 : i32
        %eq3A_1521 = arith.cmpi eq, %jit3A_1519, %eq3A_1520 : i32
        %jit3A_1522 = arith.constant 1 : i32
        %select_n3A_1523 = arith.select %eq3A_1521, %jit3A_1522, %jit3A_1519 : i32
        %rem3A_1524 = arith.remsi %squeeze3A_1444, %select_n3A_1523 : i32
        %ne3A_1525 = arith.constant 0 : i32
        %ne3A_1526 = arith.cmpi ne, %rem3A_1524, %ne3A_1525 : i32
        %lt3A_1527 = arith.constant 0 : i32
        %lt3A_1528 = arith.cmpi slt, %rem3A_1524, %lt3A_1527 : i32
        %lt3A_1529 = arith.constant 0 : i32
        %lt3A_1530 = arith.cmpi slt, %select_n3A_1523, %lt3A_1529 : i32
        %ne3A_1531 = arith.xori %lt3A_1528, %lt3A_1530 : i1
        %and3A_1532 = arith.andi %ne3A_1531, %ne3A_1526 : i1
        %add3A_1533 = arith.addi %rem3A_1524, %select_n3A_1523 : i32
        %select_n3A_1534 = arith.select %and3A_1532, %add3A_1533, %rem3A_1524 : i32
        %dma_start3A_1535 = arith.constant 0 : i32
        %dma_start3A_1536 = tpu.memref_slice %arg11[%add3A_1440, %dma_start3A_1535] : memref<128x32xf32, #tpu.memory_space<vmem>> -> memref<1x32xf32, #tpu.memory_space<vmem>>
        %dma_start3A_1537 = arith.constant 0 : i32
        %dma_start3A_1538 = tpu.memref_slice %arg5[%select_n3A_1518, %select_n3A_1534, %dma_start3A_1537] : memref<12500x8x32xf32, #tpu.memory_space<hbm>> -> memref<1x1x32xf32, #tpu.memory_space<hbm>>
        %dma_start3A_1539 = tpu.memref_squeeze %dma_start3A_1538 : memref<1x1x32xf32, #tpu.memory_space<hbm>> -> memref<1x32xf32, #tpu.memory_space<hbm>>
        %dma_start3A_1540 = arith.constant 0 : i32
        %dma_start3A_1541 = tpu.memref_slice %arg11[%add3A_1440, %dma_start3A_1540] : memref<128x32xf32, #tpu.memory_space<vmem>> -> memref<1x32xf32, #tpu.memory_space<vmem>>
        %dma_start3A_1542 = arith.constant 0 : i32
        %dma_start3A_1543 = tpu.memref_slice %arg5[%select_n3A_1518, %select_n3A_1534, %dma_start3A_1542] : memref<12500x8x32xf32, #tpu.memory_space<hbm>> -> memref<1x1x32xf32, #tpu.memory_space<hbm>>
        %dma_start3A_1544 = tpu.memref_squeeze %dma_start3A_1543 : memref<1x1x32xf32, #tpu.memory_space<hbm>> -> memref<1x32xf32, #tpu.memory_space<hbm>>
        tpu.enqueue_dma source(%dma_start3A_1544 : memref<1x32xf32, #tpu.memory_space<hbm>>) target(%dma_start3A_1541 : memref<1x32xf32, #tpu.memory_space<vmem>>) target_semaphore(%arg15 : memref<!tpu.dma_semaphore, #tpu.memory_space<semaphore_mem>>)
        %jit3A_1545 = arith.constant 8 : i32
        %div3A_1546 = arith.divsi %squeeze3A_1444, %jit3A_1545 : i32
        %sign3A_1547 = arith.constant 0 : i32
        %sign3A_1548 = arith.cmpi sgt, %squeeze3A_1444, %sign3A_1547 : i32
        %sign3A_1549 = arith.extui %sign3A_1548 : i1 to i32
        %sign3A_1550 = arith.constant 0 : i32
        %sign3A_1551 = arith.cmpi slt, %squeeze3A_1444, %sign3A_1550 : i32
        %sign3A_1552 = arith.extui %sign3A_1551 : i1 to i32
        %sign3A_1553 = arith.subi %sign3A_1549, %sign3A_1552 : i32
        %sign3A_1554 = arith.constant 0 : i32
        %sign3A_1555 = arith.cmpi sgt, %jit3A_1545, %sign3A_1554 : i32
        %sign3A_1556 = arith.extui %sign3A_1555 : i1 to i32
        %sign3A_1557 = arith.constant 0 : i32
        %sign3A_1558 = arith.cmpi slt, %jit3A_1545, %sign3A_1557 : i32
        %sign3A_1559 = arith.extui %sign3A_1558 : i1 to i32
        %sign3A_1560 = arith.subi %sign3A_1556, %sign3A_1559 : i32
        %ne3A_1561 = arith.cmpi ne, %sign3A_1553, %sign3A_1560 : i32
        %rem3A_1562 = arith.remsi %squeeze3A_1444, %jit3A_1545 : i32
        %ne3A_1563 = arith.constant 0 : i32
        %ne3A_1564 = arith.cmpi ne, %rem3A_1562, %ne3A_1563 : i32
        %and3A_1565 = arith.andi %ne3A_1561, %ne3A_1564 : i1
        %sub3A_1566 = arith.constant 1 : i32
        %sub3A_1567 = arith.subi %div3A_1546, %sub3A_1566 : i32
        %select_n3A_1568 = arith.select %and3A_1565, %sub3A_1567, %div3A_1546 : i32
        %jit3A_1569 = arith.constant 8 : i32
        %eq3A_1570 = arith.constant 0 : i32
        %eq3A_1571 = arith.cmpi eq, %jit3A_1569, %eq3A_1570 : i32
        %jit3A_1572 = arith.constant 1 : i32
        %select_n3A_1573 = arith.select %eq3A_1571, %jit3A_1572, %jit3A_1569 : i32
        %rem3A_1574 = arith.remsi %squeeze3A_1444, %select_n3A_1573 : i32
        %ne3A_1575 = arith.constant 0 : i32
        %ne3A_1576 = arith.cmpi ne, %rem3A_1574, %ne3A_1575 : i32
        %lt3A_1577 = arith.constant 0 : i32
        %lt3A_1578 = arith.cmpi slt, %rem3A_1574, %lt3A_1577 : i32
        %lt3A_1579 = arith.constant 0 : i32
        %lt3A_1580 = arith.cmpi slt, %select_n3A_1573, %lt3A_1579 : i32
        %ne3A_1581 = arith.xori %lt3A_1578, %lt3A_1580 : i1
        %and3A_1582 = arith.andi %ne3A_1581, %ne3A_1576 : i1
        %add3A_1583 = arith.addi %rem3A_1574, %select_n3A_1573 : i32
        %select_n3A_1584 = arith.select %and3A_1582, %add3A_1583, %rem3A_1574 : i32
        %add3A_1585 = arith.addi %multiple_of3A, %add3A_1440 : i32
        %dma_start3A_1586 = arith.constant 0 : i32
        %dma_start3A_1587 = tpu.memref_slice %arg12[%add3A_1585, %dma_start3A_1586] : memref<512x1xf32, #tpu.memory_space<vmem>> -> memref<1x1xf32, #tpu.memory_space<vmem>>
        %dma_start3A_1588 = arith.constant 0 : i32
        %dma_start3A_1589 = tpu.memref_slice %arg6[%select_n3A_1568, %select_n3A_1584, %dma_start3A_1588] : memref<12500x8x1xf32, #tpu.memory_space<hbm>> -> memref<1x1x1xf32, #tpu.memory_space<hbm>>
        %dma_start3A_1590 = tpu.memref_squeeze %dma_start3A_1589 : memref<1x1x1xf32, #tpu.memory_space<hbm>> -> memref<1x1xf32, #tpu.memory_space<hbm>>
        %dma_start3A_1591 = arith.constant 0 : i32
        %dma_start3A_1592 = tpu.memref_slice %arg12[%add3A_1585, %dma_start3A_1591] : memref<512x1xf32, #tpu.memory_space<vmem>> -> memref<1x1xf32, #tpu.memory_space<vmem>>
        %dma_start3A_1593 = arith.constant 0 : i32
        %dma_start3A_1594 = tpu.memref_slice %arg6[%select_n3A_1568, %select_n3A_1584, %dma_start3A_1593] : memref<12500x8x1xf32, #tpu.memory_space<hbm>> -> memref<1x1x1xf32, #tpu.memory_space<hbm>>
        %dma_start3A_1595 = tpu.memref_squeeze %dma_start3A_1594 : memref<1x1x1xf32, #tpu.memory_space<hbm>> -> memref<1x1xf32, #tpu.memory_space<hbm>>
        tpu.enqueue_dma source(%dma_start3A_1595 : memref<1x1xf32, #tpu.memory_space<hbm>>) target(%dma_start3A_1592 : memref<1x1xf32, #tpu.memory_space<vmem>>) target_semaphore(%arg16 : memref<!tpu.dma_semaphore, #tpu.memory_space<semaphore_mem>>)
        %add3A_1596 = arith.constant 10 : i32
        %add3A_1597 = arith.addi %multiple_of3A_33, %add3A_1596 : i32
        %slice3A_1598 = vector.extract_strided_slice %get3A_35 {offsets = [10], sizes = [1], strides = [1]} : vector<16xi32> to vector<1xi32>
        %squeeze3A_1599 = vector.extract %slice3A_1598[0] : i32 from vector<1xi32>
        %slice3A_1600 = vector.extract_strided_slice %get3A_38 {offsets = [10], sizes = [1], strides = [1]} : vector<16xi32> to vector<1xi32>
        %squeeze3A_1601 = vector.extract %slice3A_1600[0] : i32 from vector<1xi32>
        %jit3A_1602 = arith.constant 8 : i32
        %div3A_1603 = arith.divsi %squeeze3A_1599, %jit3A_1602 : i32
        %sign3A_1604 = arith.constant 0 : i32
        %sign3A_1605 = arith.cmpi sgt, %squeeze3A_1599, %sign3A_1604 : i32
        %sign3A_1606 = arith.extui %sign3A_1605 : i1 to i32
        %sign3A_1607 = arith.constant 0 : i32
        %sign3A_1608 = arith.cmpi slt, %squeeze3A_1599, %sign3A_1607 : i32
        %sign3A_1609 = arith.extui %sign3A_1608 : i1 to i32
        %sign3A_1610 = arith.subi %sign3A_1606, %sign3A_1609 : i32
        %sign3A_1611 = arith.constant 0 : i32
        %sign3A_1612 = arith.cmpi sgt, %jit3A_1602, %sign3A_1611 : i32
        %sign3A_1613 = arith.extui %sign3A_1612 : i1 to i32
        %sign3A_1614 = arith.constant 0 : i32
        %sign3A_1615 = arith.cmpi slt, %jit3A_1602, %sign3A_1614 : i32
        %sign3A_1616 = arith.extui %sign3A_1615 : i1 to i32
        %sign3A_1617 = arith.subi %sign3A_1613, %sign3A_1616 : i32
        %ne3A_1618 = arith.cmpi ne, %sign3A_1610, %sign3A_1617 : i32
        %rem3A_1619 = arith.remsi %squeeze3A_1599, %jit3A_1602 : i32
        %ne3A_1620 = arith.constant 0 : i32
        %ne3A_1621 = arith.cmpi ne, %rem3A_1619, %ne3A_1620 : i32
        %and3A_1622 = arith.andi %ne3A_1618, %ne3A_1621 : i1
        %sub3A_1623 = arith.constant 1 : i32
        %sub3A_1624 = arith.subi %div3A_1603, %sub3A_1623 : i32
        %select_n3A_1625 = arith.select %and3A_1622, %sub3A_1624, %div3A_1603 : i32
        %jit3A_1626 = arith.constant 8 : i32
        %eq3A_1627 = arith.constant 0 : i32
        %eq3A_1628 = arith.cmpi eq, %jit3A_1626, %eq3A_1627 : i32
        %jit3A_1629 = arith.constant 1 : i32
        %select_n3A_1630 = arith.select %eq3A_1628, %jit3A_1629, %jit3A_1626 : i32
        %rem3A_1631 = arith.remsi %squeeze3A_1599, %select_n3A_1630 : i32
        %ne3A_1632 = arith.constant 0 : i32
        %ne3A_1633 = arith.cmpi ne, %rem3A_1631, %ne3A_1632 : i32
        %lt3A_1634 = arith.constant 0 : i32
        %lt3A_1635 = arith.cmpi slt, %rem3A_1631, %lt3A_1634 : i32
        %lt3A_1636 = arith.constant 0 : i32
        %lt3A_1637 = arith.cmpi slt, %select_n3A_1630, %lt3A_1636 : i32
        %ne3A_1638 = arith.xori %lt3A_1635, %lt3A_1637 : i1
        %and3A_1639 = arith.andi %ne3A_1638, %ne3A_1633 : i1
        %add3A_1640 = arith.addi %rem3A_1631, %select_n3A_1630 : i32
        %select_n3A_1641 = arith.select %and3A_1639, %add3A_1640, %rem3A_1631 : i32
        %dma_start3A_1642 = arith.constant 0 : i32
        %dma_start3A_1643 = tpu.memref_slice %arg10[%add3A_1597, %dma_start3A_1642] : memref<128x32xf32, #tpu.memory_space<vmem>> -> memref<1x32xf32, #tpu.memory_space<vmem>>
        %dma_start3A_1644 = arith.constant 0 : i32
        %dma_start3A_1645 = tpu.memref_slice %arg4[%select_n3A_1625, %select_n3A_1641, %dma_start3A_1644] : memref<125000x8x32xf32, #tpu.memory_space<hbm>> -> memref<1x1x32xf32, #tpu.memory_space<hbm>>
        %dma_start3A_1646 = tpu.memref_squeeze %dma_start3A_1645 : memref<1x1x32xf32, #tpu.memory_space<hbm>> -> memref<1x32xf32, #tpu.memory_space<hbm>>
        %dma_start3A_1647 = arith.constant 0 : i32
        %dma_start3A_1648 = tpu.memref_slice %arg10[%add3A_1597, %dma_start3A_1647] : memref<128x32xf32, #tpu.memory_space<vmem>> -> memref<1x32xf32, #tpu.memory_space<vmem>>
        %dma_start3A_1649 = arith.constant 0 : i32
        %dma_start3A_1650 = tpu.memref_slice %arg4[%select_n3A_1625, %select_n3A_1641, %dma_start3A_1649] : memref<125000x8x32xf32, #tpu.memory_space<hbm>> -> memref<1x1x32xf32, #tpu.memory_space<hbm>>
        %dma_start3A_1651 = tpu.memref_squeeze %dma_start3A_1650 : memref<1x1x32xf32, #tpu.memory_space<hbm>> -> memref<1x32xf32, #tpu.memory_space<hbm>>
        tpu.enqueue_dma source(%dma_start3A_1651 : memref<1x32xf32, #tpu.memory_space<hbm>>) target(%dma_start3A_1648 : memref<1x32xf32, #tpu.memory_space<vmem>>) target_semaphore(%arg14 : memref<!tpu.dma_semaphore, #tpu.memory_space<semaphore_mem>>)
        %jit3A_1652 = arith.constant 8 : i32
        %div3A_1653 = arith.divsi %squeeze3A_1601, %jit3A_1652 : i32
        %sign3A_1654 = arith.constant 0 : i32
        %sign3A_1655 = arith.cmpi sgt, %squeeze3A_1601, %sign3A_1654 : i32
        %sign3A_1656 = arith.extui %sign3A_1655 : i1 to i32
        %sign3A_1657 = arith.constant 0 : i32
        %sign3A_1658 = arith.cmpi slt, %squeeze3A_1601, %sign3A_1657 : i32
        %sign3A_1659 = arith.extui %sign3A_1658 : i1 to i32
        %sign3A_1660 = arith.subi %sign3A_1656, %sign3A_1659 : i32
        %sign3A_1661 = arith.constant 0 : i32
        %sign3A_1662 = arith.cmpi sgt, %jit3A_1652, %sign3A_1661 : i32
        %sign3A_1663 = arith.extui %sign3A_1662 : i1 to i32
        %sign3A_1664 = arith.constant 0 : i32
        %sign3A_1665 = arith.cmpi slt, %jit3A_1652, %sign3A_1664 : i32
        %sign3A_1666 = arith.extui %sign3A_1665 : i1 to i32
        %sign3A_1667 = arith.subi %sign3A_1663, %sign3A_1666 : i32
        %ne3A_1668 = arith.cmpi ne, %sign3A_1660, %sign3A_1667 : i32
        %rem3A_1669 = arith.remsi %squeeze3A_1601, %jit3A_1652 : i32
        %ne3A_1670 = arith.constant 0 : i32
        %ne3A_1671 = arith.cmpi ne, %rem3A_1669, %ne3A_1670 : i32
        %and3A_1672 = arith.andi %ne3A_1668, %ne3A_1671 : i1
        %sub3A_1673 = arith.constant 1 : i32
        %sub3A_1674 = arith.subi %div3A_1653, %sub3A_1673 : i32
        %select_n3A_1675 = arith.select %and3A_1672, %sub3A_1674, %div3A_1653 : i32
        %jit3A_1676 = arith.constant 8 : i32
        %eq3A_1677 = arith.constant 0 : i32
        %eq3A_1678 = arith.cmpi eq, %jit3A_1676, %eq3A_1677 : i32
        %jit3A_1679 = arith.constant 1 : i32
        %select_n3A_1680 = arith.select %eq3A_1678, %jit3A_1679, %jit3A_1676 : i32
        %rem3A_1681 = arith.remsi %squeeze3A_1601, %select_n3A_1680 : i32
        %ne3A_1682 = arith.constant 0 : i32
        %ne3A_1683 = arith.cmpi ne, %rem3A_1681, %ne3A_1682 : i32
        %lt3A_1684 = arith.constant 0 : i32
        %lt3A_1685 = arith.cmpi slt, %rem3A_1681, %lt3A_1684 : i32
        %lt3A_1686 = arith.constant 0 : i32
        %lt3A_1687 = arith.cmpi slt, %select_n3A_1680, %lt3A_1686 : i32
        %ne3A_1688 = arith.xori %lt3A_1685, %lt3A_1687 : i1
        %and3A_1689 = arith.andi %ne3A_1688, %ne3A_1683 : i1
        %add3A_1690 = arith.addi %rem3A_1681, %select_n3A_1680 : i32
        %select_n3A_1691 = arith.select %and3A_1689, %add3A_1690, %rem3A_1681 : i32
        %dma_start3A_1692 = arith.constant 0 : i32
        %dma_start3A_1693 = tpu.memref_slice %arg11[%add3A_1597, %dma_start3A_1692] : memref<128x32xf32, #tpu.memory_space<vmem>> -> memref<1x32xf32, #tpu.memory_space<vmem>>
        %dma_start3A_1694 = arith.constant 0 : i32
        %dma_start3A_1695 = tpu.memref_slice %arg5[%select_n3A_1675, %select_n3A_1691, %dma_start3A_1694] : memref<12500x8x32xf32, #tpu.memory_space<hbm>> -> memref<1x1x32xf32, #tpu.memory_space<hbm>>
        %dma_start3A_1696 = tpu.memref_squeeze %dma_start3A_1695 : memref<1x1x32xf32, #tpu.memory_space<hbm>> -> memref<1x32xf32, #tpu.memory_space<hbm>>
        %dma_start3A_1697 = arith.constant 0 : i32
        %dma_start3A_1698 = tpu.memref_slice %arg11[%add3A_1597, %dma_start3A_1697] : memref<128x32xf32, #tpu.memory_space<vmem>> -> memref<1x32xf32, #tpu.memory_space<vmem>>
        %dma_start3A_1699 = arith.constant 0 : i32
        %dma_start3A_1700 = tpu.memref_slice %arg5[%select_n3A_1675, %select_n3A_1691, %dma_start3A_1699] : memref<12500x8x32xf32, #tpu.memory_space<hbm>> -> memref<1x1x32xf32, #tpu.memory_space<hbm>>
        %dma_start3A_1701 = tpu.memref_squeeze %dma_start3A_1700 : memref<1x1x32xf32, #tpu.memory_space<hbm>> -> memref<1x32xf32, #tpu.memory_space<hbm>>
        tpu.enqueue_dma source(%dma_start3A_1701 : memref<1x32xf32, #tpu.memory_space<hbm>>) target(%dma_start3A_1698 : memref<1x32xf32, #tpu.memory_space<vmem>>) target_semaphore(%arg15 : memref<!tpu.dma_semaphore, #tpu.memory_space<semaphore_mem>>)
        %jit3A_1702 = arith.constant 8 : i32
        %div3A_1703 = arith.divsi %squeeze3A_1601, %jit3A_1702 : i32
        %sign3A_1704 = arith.constant 0 : i32
        %sign3A_1705 = arith.cmpi sgt, %squeeze3A_1601, %sign3A_1704 : i32
        %sign3A_1706 = arith.extui %sign3A_1705 : i1 to i32
        %sign3A_1707 = arith.constant 0 : i32
        %sign3A_1708 = arith.cmpi slt, %squeeze3A_1601, %sign3A_1707 : i32
        %sign3A_1709 = arith.extui %sign3A_1708 : i1 to i32
        %sign3A_1710 = arith.subi %sign3A_1706, %sign3A_1709 : i32
        %sign3A_1711 = arith.constant 0 : i32
        %sign3A_1712 = arith.cmpi sgt, %jit3A_1702, %sign3A_1711 : i32
        %sign3A_1713 = arith.extui %sign3A_1712 : i1 to i32
        %sign3A_1714 = arith.constant 0 : i32
        %sign3A_1715 = arith.cmpi slt, %jit3A_1702, %sign3A_1714 : i32
        %sign3A_1716 = arith.extui %sign3A_1715 : i1 to i32
        %sign3A_1717 = arith.subi %sign3A_1713, %sign3A_1716 : i32
        %ne3A_1718 = arith.cmpi ne, %sign3A_1710, %sign3A_1717 : i32
        %rem3A_1719 = arith.remsi %squeeze3A_1601, %jit3A_1702 : i32
        %ne3A_1720 = arith.constant 0 : i32
        %ne3A_1721 = arith.cmpi ne, %rem3A_1719, %ne3A_1720 : i32
        %and3A_1722 = arith.andi %ne3A_1718, %ne3A_1721 : i1
        %sub3A_1723 = arith.constant 1 : i32
        %sub3A_1724 = arith.subi %div3A_1703, %sub3A_1723 : i32
        %select_n3A_1725 = arith.select %and3A_1722, %sub3A_1724, %div3A_1703 : i32
        %jit3A_1726 = arith.constant 8 : i32
        %eq3A_1727 = arith.constant 0 : i32
        %eq3A_1728 = arith.cmpi eq, %jit3A_1726, %eq3A_1727 : i32
        %jit3A_1729 = arith.constant 1 : i32
        %select_n3A_1730 = arith.select %eq3A_1728, %jit3A_1729, %jit3A_1726 : i32
        %rem3A_1731 = arith.remsi %squeeze3A_1601, %select_n3A_1730 : i32
        %ne3A_1732 = arith.constant 0 : i32
        %ne3A_1733 = arith.cmpi ne, %rem3A_1731, %ne3A_1732 : i32
        %lt3A_1734 = arith.constant 0 : i32
        %lt3A_1735 = arith.cmpi slt, %rem3A_1731, %lt3A_1734 : i32
        %lt3A_1736 = arith.constant 0 : i32
        %lt3A_1737 = arith.cmpi slt, %select_n3A_1730, %lt3A_1736 : i32
        %ne3A_1738 = arith.xori %lt3A_1735, %lt3A_1737 : i1
        %and3A_1739 = arith.andi %ne3A_1738, %ne3A_1733 : i1
        %add3A_1740 = arith.addi %rem3A_1731, %select_n3A_1730 : i32
        %select_n3A_1741 = arith.select %and3A_1739, %add3A_1740, %rem3A_1731 : i32
        %add3A_1742 = arith.addi %multiple_of3A, %add3A_1597 : i32
        %dma_start3A_1743 = arith.constant 0 : i32
        %dma_start3A_1744 = tpu.memref_slice %arg12[%add3A_1742, %dma_start3A_1743] : memref<512x1xf32, #tpu.memory_space<vmem>> -> memref<1x1xf32, #tpu.memory_space<vmem>>
        %dma_start3A_1745 = arith.constant 0 : i32
        %dma_start3A_1746 = tpu.memref_slice %arg6[%select_n3A_1725, %select_n3A_1741, %dma_start3A_1745] : memref<12500x8x1xf32, #tpu.memory_space<hbm>> -> memref<1x1x1xf32, #tpu.memory_space<hbm>>
        %dma_start3A_1747 = tpu.memref_squeeze %dma_start3A_1746 : memref<1x1x1xf32, #tpu.memory_space<hbm>> -> memref<1x1xf32, #tpu.memory_space<hbm>>
        %dma_start3A_1748 = arith.constant 0 : i32
        %dma_start3A_1749 = tpu.memref_slice %arg12[%add3A_1742, %dma_start3A_1748] : memref<512x1xf32, #tpu.memory_space<vmem>> -> memref<1x1xf32, #tpu.memory_space<vmem>>
        %dma_start3A_1750 = arith.constant 0 : i32
        %dma_start3A_1751 = tpu.memref_slice %arg6[%select_n3A_1725, %select_n3A_1741, %dma_start3A_1750] : memref<12500x8x1xf32, #tpu.memory_space<hbm>> -> memref<1x1x1xf32, #tpu.memory_space<hbm>>
        %dma_start3A_1752 = tpu.memref_squeeze %dma_start3A_1751 : memref<1x1x1xf32, #tpu.memory_space<hbm>> -> memref<1x1xf32, #tpu.memory_space<hbm>>
        tpu.enqueue_dma source(%dma_start3A_1752 : memref<1x1xf32, #tpu.memory_space<hbm>>) target(%dma_start3A_1749 : memref<1x1xf32, #tpu.memory_space<vmem>>) target_semaphore(%arg16 : memref<!tpu.dma_semaphore, #tpu.memory_space<semaphore_mem>>)
        %add3A_1753 = arith.constant 11 : i32
        %add3A_1754 = arith.addi %multiple_of3A_33, %add3A_1753 : i32
        %slice3A_1755 = vector.extract_strided_slice %get3A_35 {offsets = [11], sizes = [1], strides = [1]} : vector<16xi32> to vector<1xi32>
        %squeeze3A_1756 = vector.extract %slice3A_1755[0] : i32 from vector<1xi32>
        %slice3A_1757 = vector.extract_strided_slice %get3A_38 {offsets = [11], sizes = [1], strides = [1]} : vector<16xi32> to vector<1xi32>
        %squeeze3A_1758 = vector.extract %slice3A_1757[0] : i32 from vector<1xi32>
        %jit3A_1759 = arith.constant 8 : i32
        %div3A_1760 = arith.divsi %squeeze3A_1756, %jit3A_1759 : i32
        %sign3A_1761 = arith.constant 0 : i32
        %sign3A_1762 = arith.cmpi sgt, %squeeze3A_1756, %sign3A_1761 : i32
        %sign3A_1763 = arith.extui %sign3A_1762 : i1 to i32
        %sign3A_1764 = arith.constant 0 : i32
        %sign3A_1765 = arith.cmpi slt, %squeeze3A_1756, %sign3A_1764 : i32
        %sign3A_1766 = arith.extui %sign3A_1765 : i1 to i32
        %sign3A_1767 = arith.subi %sign3A_1763, %sign3A_1766 : i32
        %sign3A_1768 = arith.constant 0 : i32
        %sign3A_1769 = arith.cmpi sgt, %jit3A_1759, %sign3A_1768 : i32
        %sign3A_1770 = arith.extui %sign3A_1769 : i1 to i32
        %sign3A_1771 = arith.constant 0 : i32
        %sign3A_1772 = arith.cmpi slt, %jit3A_1759, %sign3A_1771 : i32
        %sign3A_1773 = arith.extui %sign3A_1772 : i1 to i32
        %sign3A_1774 = arith.subi %sign3A_1770, %sign3A_1773 : i32
        %ne3A_1775 = arith.cmpi ne, %sign3A_1767, %sign3A_1774 : i32
        %rem3A_1776 = arith.remsi %squeeze3A_1756, %jit3A_1759 : i32
        %ne3A_1777 = arith.constant 0 : i32
        %ne3A_1778 = arith.cmpi ne, %rem3A_1776, %ne3A_1777 : i32
        %and3A_1779 = arith.andi %ne3A_1775, %ne3A_1778 : i1
        %sub3A_1780 = arith.constant 1 : i32
        %sub3A_1781 = arith.subi %div3A_1760, %sub3A_1780 : i32
        %select_n3A_1782 = arith.select %and3A_1779, %sub3A_1781, %div3A_1760 : i32
        %jit3A_1783 = arith.constant 8 : i32
        %eq3A_1784 = arith.constant 0 : i32
        %eq3A_1785 = arith.cmpi eq, %jit3A_1783, %eq3A_1784 : i32
        %jit3A_1786 = arith.constant 1 : i32
        %select_n3A_1787 = arith.select %eq3A_1785, %jit3A_1786, %jit3A_1783 : i32
        %rem3A_1788 = arith.remsi %squeeze3A_1756, %select_n3A_1787 : i32
        %ne3A_1789 = arith.constant 0 : i32
        %ne3A_1790 = arith.cmpi ne, %rem3A_1788, %ne3A_1789 : i32
        %lt3A_1791 = arith.constant 0 : i32
        %lt3A_1792 = arith.cmpi slt, %rem3A_1788, %lt3A_1791 : i32
        %lt3A_1793 = arith.constant 0 : i32
        %lt3A_1794 = arith.cmpi slt, %select_n3A_1787, %lt3A_1793 : i32
        %ne3A_1795 = arith.xori %lt3A_1792, %lt3A_1794 : i1
        %and3A_1796 = arith.andi %ne3A_1795, %ne3A_1790 : i1
        %add3A_1797 = arith.addi %rem3A_1788, %select_n3A_1787 : i32
        %select_n3A_1798 = arith.select %and3A_1796, %add3A_1797, %rem3A_1788 : i32
        %dma_start3A_1799 = arith.constant 0 : i32
        %dma_start3A_1800 = tpu.memref_slice %arg10[%add3A_1754, %dma_start3A_1799] : memref<128x32xf32, #tpu.memory_space<vmem>> -> memref<1x32xf32, #tpu.memory_space<vmem>>
        %dma_start3A_1801 = arith.constant 0 : i32
        %dma_start3A_1802 = tpu.memref_slice %arg4[%select_n3A_1782, %select_n3A_1798, %dma_start3A_1801] : memref<125000x8x32xf32, #tpu.memory_space<hbm>> -> memref<1x1x32xf32, #tpu.memory_space<hbm>>
        %dma_start3A_1803 = tpu.memref_squeeze %dma_start3A_1802 : memref<1x1x32xf32, #tpu.memory_space<hbm>> -> memref<1x32xf32, #tpu.memory_space<hbm>>
        %dma_start3A_1804 = arith.constant 0 : i32
        %dma_start3A_1805 = tpu.memref_slice %arg10[%add3A_1754, %dma_start3A_1804] : memref<128x32xf32, #tpu.memory_space<vmem>> -> memref<1x32xf32, #tpu.memory_space<vmem>>
        %dma_start3A_1806 = arith.constant 0 : i32
        %dma_start3A_1807 = tpu.memref_slice %arg4[%select_n3A_1782, %select_n3A_1798, %dma_start3A_1806] : memref<125000x8x32xf32, #tpu.memory_space<hbm>> -> memref<1x1x32xf32, #tpu.memory_space<hbm>>
        %dma_start3A_1808 = tpu.memref_squeeze %dma_start3A_1807 : memref<1x1x32xf32, #tpu.memory_space<hbm>> -> memref<1x32xf32, #tpu.memory_space<hbm>>
        tpu.enqueue_dma source(%dma_start3A_1808 : memref<1x32xf32, #tpu.memory_space<hbm>>) target(%dma_start3A_1805 : memref<1x32xf32, #tpu.memory_space<vmem>>) target_semaphore(%arg14 : memref<!tpu.dma_semaphore, #tpu.memory_space<semaphore_mem>>)
        %jit3A_1809 = arith.constant 8 : i32
        %div3A_1810 = arith.divsi %squeeze3A_1758, %jit3A_1809 : i32
        %sign3A_1811 = arith.constant 0 : i32
        %sign3A_1812 = arith.cmpi sgt, %squeeze3A_1758, %sign3A_1811 : i32
        %sign3A_1813 = arith.extui %sign3A_1812 : i1 to i32
        %sign3A_1814 = arith.constant 0 : i32
        %sign3A_1815 = arith.cmpi slt, %squeeze3A_1758, %sign3A_1814 : i32
        %sign3A_1816 = arith.extui %sign3A_1815 : i1 to i32
        %sign3A_1817 = arith.subi %sign3A_1813, %sign3A_1816 : i32
        %sign3A_1818 = arith.constant 0 : i32
        %sign3A_1819 = arith.cmpi sgt, %jit3A_1809, %sign3A_1818 : i32
        %sign3A_1820 = arith.extui %sign3A_1819 : i1 to i32
        %sign3A_1821 = arith.constant 0 : i32
        %sign3A_1822 = arith.cmpi slt, %jit3A_1809, %sign3A_1821 : i32
        %sign3A_1823 = arith.extui %sign3A_1822 : i1 to i32
        %sign3A_1824 = arith.subi %sign3A_1820, %sign3A_1823 : i32
        %ne3A_1825 = arith.cmpi ne, %sign3A_1817, %sign3A_1824 : i32
        %rem3A_1826 = arith.remsi %squeeze3A_1758, %jit3A_1809 : i32
        %ne3A_1827 = arith.constant 0 : i32
        %ne3A_1828 = arith.cmpi ne, %rem3A_1826, %ne3A_1827 : i32
        %and3A_1829 = arith.andi %ne3A_1825, %ne3A_1828 : i1
        %sub3A_1830 = arith.constant 1 : i32
        %sub3A_1831 = arith.subi %div3A_1810, %sub3A_1830 : i32
        %select_n3A_1832 = arith.select %and3A_1829, %sub3A_1831, %div3A_1810 : i32
        %jit3A_1833 = arith.constant 8 : i32
        %eq3A_1834 = arith.constant 0 : i32
        %eq3A_1835 = arith.cmpi eq, %jit3A_1833, %eq3A_1834 : i32
        %jit3A_1836 = arith.constant 1 : i32
        %select_n3A_1837 = arith.select %eq3A_1835, %jit3A_1836, %jit3A_1833 : i32
        %rem3A_1838 = arith.remsi %squeeze3A_1758, %select_n3A_1837 : i32
        %ne3A_1839 = arith.constant 0 : i32
        %ne3A_1840 = arith.cmpi ne, %rem3A_1838, %ne3A_1839 : i32
        %lt3A_1841 = arith.constant 0 : i32
        %lt3A_1842 = arith.cmpi slt, %rem3A_1838, %lt3A_1841 : i32
        %lt3A_1843 = arith.constant 0 : i32
        %lt3A_1844 = arith.cmpi slt, %select_n3A_1837, %lt3A_1843 : i32
        %ne3A_1845 = arith.xori %lt3A_1842, %lt3A_1844 : i1
        %and3A_1846 = arith.andi %ne3A_1845, %ne3A_1840 : i1
        %add3A_1847 = arith.addi %rem3A_1838, %select_n3A_1837 : i32
        %select_n3A_1848 = arith.select %and3A_1846, %add3A_1847, %rem3A_1838 : i32
        %dma_start3A_1849 = arith.constant 0 : i32
        %dma_start3A_1850 = tpu.memref_slice %arg11[%add3A_1754, %dma_start3A_1849] : memref<128x32xf32, #tpu.memory_space<vmem>> -> memref<1x32xf32, #tpu.memory_space<vmem>>
        %dma_start3A_1851 = arith.constant 0 : i32
        %dma_start3A_1852 = tpu.memref_slice %arg5[%select_n3A_1832, %select_n3A_1848, %dma_start3A_1851] : memref<12500x8x32xf32, #tpu.memory_space<hbm>> -> memref<1x1x32xf32, #tpu.memory_space<hbm>>
        %dma_start3A_1853 = tpu.memref_squeeze %dma_start3A_1852 : memref<1x1x32xf32, #tpu.memory_space<hbm>> -> memref<1x32xf32, #tpu.memory_space<hbm>>
        %dma_start3A_1854 = arith.constant 0 : i32
        %dma_start3A_1855 = tpu.memref_slice %arg11[%add3A_1754, %dma_start3A_1854] : memref<128x32xf32, #tpu.memory_space<vmem>> -> memref<1x32xf32, #tpu.memory_space<vmem>>
        %dma_start3A_1856 = arith.constant 0 : i32
        %dma_start3A_1857 = tpu.memref_slice %arg5[%select_n3A_1832, %select_n3A_1848, %dma_start3A_1856] : memref<12500x8x32xf32, #tpu.memory_space<hbm>> -> memref<1x1x32xf32, #tpu.memory_space<hbm>>
        %dma_start3A_1858 = tpu.memref_squeeze %dma_start3A_1857 : memref<1x1x32xf32, #tpu.memory_space<hbm>> -> memref<1x32xf32, #tpu.memory_space<hbm>>
        tpu.enqueue_dma source(%dma_start3A_1858 : memref<1x32xf32, #tpu.memory_space<hbm>>) target(%dma_start3A_1855 : memref<1x32xf32, #tpu.memory_space<vmem>>) target_semaphore(%arg15 : memref<!tpu.dma_semaphore, #tpu.memory_space<semaphore_mem>>)
        %jit3A_1859 = arith.constant 8 : i32
        %div3A_1860 = arith.divsi %squeeze3A_1758, %jit3A_1859 : i32
        %sign3A_1861 = arith.constant 0 : i32
        %sign3A_1862 = arith.cmpi sgt, %squeeze3A_1758, %sign3A_1861 : i32
        %sign3A_1863 = arith.extui %sign3A_1862 : i1 to i32
        %sign3A_1864 = arith.constant 0 : i32
        %sign3A_1865 = arith.cmpi slt, %squeeze3A_1758, %sign3A_1864 : i32
        %sign3A_1866 = arith.extui %sign3A_1865 : i1 to i32
        %sign3A_1867 = arith.subi %sign3A_1863, %sign3A_1866 : i32
        %sign3A_1868 = arith.constant 0 : i32
        %sign3A_1869 = arith.cmpi sgt, %jit3A_1859, %sign3A_1868 : i32
        %sign3A_1870 = arith.extui %sign3A_1869 : i1 to i32
        %sign3A_1871 = arith.constant 0 : i32
        %sign3A_1872 = arith.cmpi slt, %jit3A_1859, %sign3A_1871 : i32
        %sign3A_1873 = arith.extui %sign3A_1872 : i1 to i32
        %sign3A_1874 = arith.subi %sign3A_1870, %sign3A_1873 : i32
        %ne3A_1875 = arith.cmpi ne, %sign3A_1867, %sign3A_1874 : i32
        %rem3A_1876 = arith.remsi %squeeze3A_1758, %jit3A_1859 : i32
        %ne3A_1877 = arith.constant 0 : i32
        %ne3A_1878 = arith.cmpi ne, %rem3A_1876, %ne3A_1877 : i32
        %and3A_1879 = arith.andi %ne3A_1875, %ne3A_1878 : i1
        %sub3A_1880 = arith.constant 1 : i32
        %sub3A_1881 = arith.subi %div3A_1860, %sub3A_1880 : i32
        %select_n3A_1882 = arith.select %and3A_1879, %sub3A_1881, %div3A_1860 : i32
        %jit3A_1883 = arith.constant 8 : i32
        %eq3A_1884 = arith.constant 0 : i32
        %eq3A_1885 = arith.cmpi eq, %jit3A_1883, %eq3A_1884 : i32
        %jit3A_1886 = arith.constant 1 : i32
        %select_n3A_1887 = arith.select %eq3A_1885, %jit3A_1886, %jit3A_1883 : i32
        %rem3A_1888 = arith.remsi %squeeze3A_1758, %select_n3A_1887 : i32
        %ne3A_1889 = arith.constant 0 : i32
        %ne3A_1890 = arith.cmpi ne, %rem3A_1888, %ne3A_1889 : i32
        %lt3A_1891 = arith.constant 0 : i32
        %lt3A_1892 = arith.cmpi slt, %rem3A_1888, %lt3A_1891 : i32
        %lt3A_1893 = arith.constant 0 : i32
        %lt3A_1894 = arith.cmpi slt, %select_n3A_1887, %lt3A_1893 : i32
        %ne3A_1895 = arith.xori %lt3A_1892, %lt3A_1894 : i1
        %and3A_1896 = arith.andi %ne3A_1895, %ne3A_1890 : i1
        %add3A_1897 = arith.addi %rem3A_1888, %select_n3A_1887 : i32
        %select_n3A_1898 = arith.select %and3A_1896, %add3A_1897, %rem3A_1888 : i32
        %add3A_1899 = arith.addi %multiple_of3A, %add3A_1754 : i32
        %dma_start3A_1900 = arith.constant 0 : i32
        %dma_start3A_1901 = tpu.memref_slice %arg12[%add3A_1899, %dma_start3A_1900] : memref<512x1xf32, #tpu.memory_space<vmem>> -> memref<1x1xf32, #tpu.memory_space<vmem>>
        %dma_start3A_1902 = arith.constant 0 : i32
        %dma_start3A_1903 = tpu.memref_slice %arg6[%select_n3A_1882, %select_n3A_1898, %dma_start3A_1902] : memref<12500x8x1xf32, #tpu.memory_space<hbm>> -> memref<1x1x1xf32, #tpu.memory_space<hbm>>
        %dma_start3A_1904 = tpu.memref_squeeze %dma_start3A_1903 : memref<1x1x1xf32, #tpu.memory_space<hbm>> -> memref<1x1xf32, #tpu.memory_space<hbm>>
        %dma_start3A_1905 = arith.constant 0 : i32
        %dma_start3A_1906 = tpu.memref_slice %arg12[%add3A_1899, %dma_start3A_1905] : memref<512x1xf32, #tpu.memory_space<vmem>> -> memref<1x1xf32, #tpu.memory_space<vmem>>
        %dma_start3A_1907 = arith.constant 0 : i32
        %dma_start3A_1908 = tpu.memref_slice %arg6[%select_n3A_1882, %select_n3A_1898, %dma_start3A_1907] : memref<12500x8x1xf32, #tpu.memory_space<hbm>> -> memref<1x1x1xf32, #tpu.memory_space<hbm>>
        %dma_start3A_1909 = tpu.memref_squeeze %dma_start3A_1908 : memref<1x1x1xf32, #tpu.memory_space<hbm>> -> memref<1x1xf32, #tpu.memory_space<hbm>>
        tpu.enqueue_dma source(%dma_start3A_1909 : memref<1x1xf32, #tpu.memory_space<hbm>>) target(%dma_start3A_1906 : memref<1x1xf32, #tpu.memory_space<vmem>>) target_semaphore(%arg16 : memref<!tpu.dma_semaphore, #tpu.memory_space<semaphore_mem>>)
        %add3A_1910 = arith.constant 12 : i32
        %add3A_1911 = arith.addi %multiple_of3A_33, %add3A_1910 : i32
        %slice3A_1912 = vector.extract_strided_slice %get3A_35 {offsets = [12], sizes = [1], strides = [1]} : vector<16xi32> to vector<1xi32>
        %squeeze3A_1913 = vector.extract %slice3A_1912[0] : i32 from vector<1xi32>
        %slice3A_1914 = vector.extract_strided_slice %get3A_38 {offsets = [12], sizes = [1], strides = [1]} : vector<16xi32> to vector<1xi32>
        %squeeze3A_1915 = vector.extract %slice3A_1914[0] : i32 from vector<1xi32>
        %jit3A_1916 = arith.constant 8 : i32
        %div3A_1917 = arith.divsi %squeeze3A_1913, %jit3A_1916 : i32
        %sign3A_1918 = arith.constant 0 : i32
        %sign3A_1919 = arith.cmpi sgt, %squeeze3A_1913, %sign3A_1918 : i32
        %sign3A_1920 = arith.extui %sign3A_1919 : i1 to i32
        %sign3A_1921 = arith.constant 0 : i32
        %sign3A_1922 = arith.cmpi slt, %squeeze3A_1913, %sign3A_1921 : i32
        %sign3A_1923 = arith.extui %sign3A_1922 : i1 to i32
        %sign3A_1924 = arith.subi %sign3A_1920, %sign3A_1923 : i32
        %sign3A_1925 = arith.constant 0 : i32
        %sign3A_1926 = arith.cmpi sgt, %jit3A_1916, %sign3A_1925 : i32
        %sign3A_1927 = arith.extui %sign3A_1926 : i1 to i32
        %sign3A_1928 = arith.constant 0 : i32
        %sign3A_1929 = arith.cmpi slt, %jit3A_1916, %sign3A_1928 : i32
        %sign3A_1930 = arith.extui %sign3A_1929 : i1 to i32
        %sign3A_1931 = arith.subi %sign3A_1927, %sign3A_1930 : i32
        %ne3A_1932 = arith.cmpi ne, %sign3A_1924, %sign3A_1931 : i32
        %rem3A_1933 = arith.remsi %squeeze3A_1913, %jit3A_1916 : i32
        %ne3A_1934 = arith.constant 0 : i32
        %ne3A_1935 = arith.cmpi ne, %rem3A_1933, %ne3A_1934 : i32
        %and3A_1936 = arith.andi %ne3A_1932, %ne3A_1935 : i1
        %sub3A_1937 = arith.constant 1 : i32
        %sub3A_1938 = arith.subi %div3A_1917, %sub3A_1937 : i32
        %select_n3A_1939 = arith.select %and3A_1936, %sub3A_1938, %div3A_1917 : i32
        %jit3A_1940 = arith.constant 8 : i32
        %eq3A_1941 = arith.constant 0 : i32
        %eq3A_1942 = arith.cmpi eq, %jit3A_1940, %eq3A_1941 : i32
        %jit3A_1943 = arith.constant 1 : i32
        %select_n3A_1944 = arith.select %eq3A_1942, %jit3A_1943, %jit3A_1940 : i32
        %rem3A_1945 = arith.remsi %squeeze3A_1913, %select_n3A_1944 : i32
        %ne3A_1946 = arith.constant 0 : i32
        %ne3A_1947 = arith.cmpi ne, %rem3A_1945, %ne3A_1946 : i32
        %lt3A_1948 = arith.constant 0 : i32
        %lt3A_1949 = arith.cmpi slt, %rem3A_1945, %lt3A_1948 : i32
        %lt3A_1950 = arith.constant 0 : i32
        %lt3A_1951 = arith.cmpi slt, %select_n3A_1944, %lt3A_1950 : i32
        %ne3A_1952 = arith.xori %lt3A_1949, %lt3A_1951 : i1
        %and3A_1953 = arith.andi %ne3A_1952, %ne3A_1947 : i1
        %add3A_1954 = arith.addi %rem3A_1945, %select_n3A_1944 : i32
        %select_n3A_1955 = arith.select %and3A_1953, %add3A_1954, %rem3A_1945 : i32
        %dma_start3A_1956 = arith.constant 0 : i32
        %dma_start3A_1957 = tpu.memref_slice %arg10[%add3A_1911, %dma_start3A_1956] : memref<128x32xf32, #tpu.memory_space<vmem>> -> memref<1x32xf32, #tpu.memory_space<vmem>>
        %dma_start3A_1958 = arith.constant 0 : i32
        %dma_start3A_1959 = tpu.memref_slice %arg4[%select_n3A_1939, %select_n3A_1955, %dma_start3A_1958] : memref<125000x8x32xf32, #tpu.memory_space<hbm>> -> memref<1x1x32xf32, #tpu.memory_space<hbm>>
        %dma_start3A_1960 = tpu.memref_squeeze %dma_start3A_1959 : memref<1x1x32xf32, #tpu.memory_space<hbm>> -> memref<1x32xf32, #tpu.memory_space<hbm>>
        %dma_start3A_1961 = arith.constant 0 : i32
        %dma_start3A_1962 = tpu.memref_slice %arg10[%add3A_1911, %dma_start3A_1961] : memref<128x32xf32, #tpu.memory_space<vmem>> -> memref<1x32xf32, #tpu.memory_space<vmem>>
        %dma_start3A_1963 = arith.constant 0 : i32
        %dma_start3A_1964 = tpu.memref_slice %arg4[%select_n3A_1939, %select_n3A_1955, %dma_start3A_1963] : memref<125000x8x32xf32, #tpu.memory_space<hbm>> -> memref<1x1x32xf32, #tpu.memory_space<hbm>>
        %dma_start3A_1965 = tpu.memref_squeeze %dma_start3A_1964 : memref<1x1x32xf32, #tpu.memory_space<hbm>> -> memref<1x32xf32, #tpu.memory_space<hbm>>
        tpu.enqueue_dma source(%dma_start3A_1965 : memref<1x32xf32, #tpu.memory_space<hbm>>) target(%dma_start3A_1962 : memref<1x32xf32, #tpu.memory_space<vmem>>) target_semaphore(%arg14 : memref<!tpu.dma_semaphore, #tpu.memory_space<semaphore_mem>>)
        %jit3A_1966 = arith.constant 8 : i32
        %div3A_1967 = arith.divsi %squeeze3A_1915, %jit3A_1966 : i32
        %sign3A_1968 = arith.constant 0 : i32
        %sign3A_1969 = arith.cmpi sgt, %squeeze3A_1915, %sign3A_1968 : i32
        %sign3A_1970 = arith.extui %sign3A_1969 : i1 to i32
        %sign3A_1971 = arith.constant 0 : i32
        %sign3A_1972 = arith.cmpi slt, %squeeze3A_1915, %sign3A_1971 : i32
        %sign3A_1973 = arith.extui %sign3A_1972 : i1 to i32
        %sign3A_1974 = arith.subi %sign3A_1970, %sign3A_1973 : i32
        %sign3A_1975 = arith.constant 0 : i32
        %sign3A_1976 = arith.cmpi sgt, %jit3A_1966, %sign3A_1975 : i32
        %sign3A_1977 = arith.extui %sign3A_1976 : i1 to i32
        %sign3A_1978 = arith.constant 0 : i32
        %sign3A_1979 = arith.cmpi slt, %jit3A_1966, %sign3A_1978 : i32
        %sign3A_1980 = arith.extui %sign3A_1979 : i1 to i32
        %sign3A_1981 = arith.subi %sign3A_1977, %sign3A_1980 : i32
        %ne3A_1982 = arith.cmpi ne, %sign3A_1974, %sign3A_1981 : i32
        %rem3A_1983 = arith.remsi %squeeze3A_1915, %jit3A_1966 : i32
        %ne3A_1984 = arith.constant 0 : i32
        %ne3A_1985 = arith.cmpi ne, %rem3A_1983, %ne3A_1984 : i32
        %and3A_1986 = arith.andi %ne3A_1982, %ne3A_1985 : i1
        %sub3A_1987 = arith.constant 1 : i32
        %sub3A_1988 = arith.subi %div3A_1967, %sub3A_1987 : i32
        %select_n3A_1989 = arith.select %and3A_1986, %sub3A_1988, %div3A_1967 : i32
        %jit3A_1990 = arith.constant 8 : i32
        %eq3A_1991 = arith.constant 0 : i32
        %eq3A_1992 = arith.cmpi eq, %jit3A_1990, %eq3A_1991 : i32
        %jit3A_1993 = arith.constant 1 : i32
        %select_n3A_1994 = arith.select %eq3A_1992, %jit3A_1993, %jit3A_1990 : i32
        %rem3A_1995 = arith.remsi %squeeze3A_1915, %select_n3A_1994 : i32
        %ne3A_1996 = arith.constant 0 : i32
        %ne3A_1997 = arith.cmpi ne, %rem3A_1995, %ne3A_1996 : i32
        %lt3A_1998 = arith.constant 0 : i32
        %lt3A_1999 = arith.cmpi slt, %rem3A_1995, %lt3A_1998 : i32
        %lt3A_2000 = arith.constant 0 : i32
        %lt3A_2001 = arith.cmpi slt, %select_n3A_1994, %lt3A_2000 : i32
        %ne3A_2002 = arith.xori %lt3A_1999, %lt3A_2001 : i1
        %and3A_2003 = arith.andi %ne3A_2002, %ne3A_1997 : i1
        %add3A_2004 = arith.addi %rem3A_1995, %select_n3A_1994 : i32
        %select_n3A_2005 = arith.select %and3A_2003, %add3A_2004, %rem3A_1995 : i32
        %dma_start3A_2006 = arith.constant 0 : i32
        %dma_start3A_2007 = tpu.memref_slice %arg11[%add3A_1911, %dma_start3A_2006] : memref<128x32xf32, #tpu.memory_space<vmem>> -> memref<1x32xf32, #tpu.memory_space<vmem>>
        %dma_start3A_2008 = arith.constant 0 : i32
        %dma_start3A_2009 = tpu.memref_slice %arg5[%select_n3A_1989, %select_n3A_2005, %dma_start3A_2008] : memref<12500x8x32xf32, #tpu.memory_space<hbm>> -> memref<1x1x32xf32, #tpu.memory_space<hbm>>
        %dma_start3A_2010 = tpu.memref_squeeze %dma_start3A_2009 : memref<1x1x32xf32, #tpu.memory_space<hbm>> -> memref<1x32xf32, #tpu.memory_space<hbm>>
        %dma_start3A_2011 = arith.constant 0 : i32
        %dma_start3A_2012 = tpu.memref_slice %arg11[%add3A_1911, %dma_start3A_2011] : memref<128x32xf32, #tpu.memory_space<vmem>> -> memref<1x32xf32, #tpu.memory_space<vmem>>
        %dma_start3A_2013 = arith.constant 0 : i32
        %dma_start3A_2014 = tpu.memref_slice %arg5[%select_n3A_1989, %select_n3A_2005, %dma_start3A_2013] : memref<12500x8x32xf32, #tpu.memory_space<hbm>> -> memref<1x1x32xf32, #tpu.memory_space<hbm>>
        %dma_start3A_2015 = tpu.memref_squeeze %dma_start3A_2014 : memref<1x1x32xf32, #tpu.memory_space<hbm>> -> memref<1x32xf32, #tpu.memory_space<hbm>>
        tpu.enqueue_dma source(%dma_start3A_2015 : memref<1x32xf32, #tpu.memory_space<hbm>>) target(%dma_start3A_2012 : memref<1x32xf32, #tpu.memory_space<vmem>>) target_semaphore(%arg15 : memref<!tpu.dma_semaphore, #tpu.memory_space<semaphore_mem>>)
        %jit3A_2016 = arith.constant 8 : i32
        %div3A_2017 = arith.divsi %squeeze3A_1915, %jit3A_2016 : i32
        %sign3A_2018 = arith.constant 0 : i32
        %sign3A_2019 = arith.cmpi sgt, %squeeze3A_1915, %sign3A_2018 : i32
        %sign3A_2020 = arith.extui %sign3A_2019 : i1 to i32
        %sign3A_2021 = arith.constant 0 : i32
        %sign3A_2022 = arith.cmpi slt, %squeeze3A_1915, %sign3A_2021 : i32
        %sign3A_2023 = arith.extui %sign3A_2022 : i1 to i32
        %sign3A_2024 = arith.subi %sign3A_2020, %sign3A_2023 : i32
        %sign3A_2025 = arith.constant 0 : i32
        %sign3A_2026 = arith.cmpi sgt, %jit3A_2016, %sign3A_2025 : i32
        %sign3A_2027 = arith.extui %sign3A_2026 : i1 to i32
        %sign3A_2028 = arith.constant 0 : i32
        %sign3A_2029 = arith.cmpi slt, %jit3A_2016, %sign3A_2028 : i32
        %sign3A_2030 = arith.extui %sign3A_2029 : i1 to i32
        %sign3A_2031 = arith.subi %sign3A_2027, %sign3A_2030 : i32
        %ne3A_2032 = arith.cmpi ne, %sign3A_2024, %sign3A_2031 : i32
        %rem3A_2033 = arith.remsi %squeeze3A_1915, %jit3A_2016 : i32
        %ne3A_2034 = arith.constant 0 : i32
        %ne3A_2035 = arith.cmpi ne, %rem3A_2033, %ne3A_2034 : i32
        %and3A_2036 = arith.andi %ne3A_2032, %ne3A_2035 : i1
        %sub3A_2037 = arith.constant 1 : i32
        %sub3A_2038 = arith.subi %div3A_2017, %sub3A_2037 : i32
        %select_n3A_2039 = arith.select %and3A_2036, %sub3A_2038, %div3A_2017 : i32
        %jit3A_2040 = arith.constant 8 : i32
        %eq3A_2041 = arith.constant 0 : i32
        %eq3A_2042 = arith.cmpi eq, %jit3A_2040, %eq3A_2041 : i32
        %jit3A_2043 = arith.constant 1 : i32
        %select_n3A_2044 = arith.select %eq3A_2042, %jit3A_2043, %jit3A_2040 : i32
        %rem3A_2045 = arith.remsi %squeeze3A_1915, %select_n3A_2044 : i32
        %ne3A_2046 = arith.constant 0 : i32
        %ne3A_2047 = arith.cmpi ne, %rem3A_2045, %ne3A_2046 : i32
        %lt3A_2048 = arith.constant 0 : i32
        %lt3A_2049 = arith.cmpi slt, %rem3A_2045, %lt3A_2048 : i32
        %lt3A_2050 = arith.constant 0 : i32
        %lt3A_2051 = arith.cmpi slt, %select_n3A_2044, %lt3A_2050 : i32
        %ne3A_2052 = arith.xori %lt3A_2049, %lt3A_2051 : i1
        %and3A_2053 = arith.andi %ne3A_2052, %ne3A_2047 : i1
        %add3A_2054 = arith.addi %rem3A_2045, %select_n3A_2044 : i32
        %select_n3A_2055 = arith.select %and3A_2053, %add3A_2054, %rem3A_2045 : i32
        %add3A_2056 = arith.addi %multiple_of3A, %add3A_1911 : i32
        %dma_start3A_2057 = arith.constant 0 : i32
        %dma_start3A_2058 = tpu.memref_slice %arg12[%add3A_2056, %dma_start3A_2057] : memref<512x1xf32, #tpu.memory_space<vmem>> -> memref<1x1xf32, #tpu.memory_space<vmem>>
        %dma_start3A_2059 = arith.constant 0 : i32
        %dma_start3A_2060 = tpu.memref_slice %arg6[%select_n3A_2039, %select_n3A_2055, %dma_start3A_2059] : memref<12500x8x1xf32, #tpu.memory_space<hbm>> -> memref<1x1x1xf32, #tpu.memory_space<hbm>>
        %dma_start3A_2061 = tpu.memref_squeeze %dma_start3A_2060 : memref<1x1x1xf32, #tpu.memory_space<hbm>> -> memref<1x1xf32, #tpu.memory_space<hbm>>
        %dma_start3A_2062 = arith.constant 0 : i32
        %dma_start3A_2063 = tpu.memref_slice %arg12[%add3A_2056, %dma_start3A_2062] : memref<512x1xf32, #tpu.memory_space<vmem>> -> memref<1x1xf32, #tpu.memory_space<vmem>>
        %dma_start3A_2064 = arith.constant 0 : i32
        %dma_start3A_2065 = tpu.memref_slice %arg6[%select_n3A_2039, %select_n3A_2055, %dma_start3A_2064] : memref<12500x8x1xf32, #tpu.memory_space<hbm>> -> memref<1x1x1xf32, #tpu.memory_space<hbm>>
        %dma_start3A_2066 = tpu.memref_squeeze %dma_start3A_2065 : memref<1x1x1xf32, #tpu.memory_space<hbm>> -> memref<1x1xf32, #tpu.memory_space<hbm>>
        tpu.enqueue_dma source(%dma_start3A_2066 : memref<1x1xf32, #tpu.memory_space<hbm>>) target(%dma_start3A_2063 : memref<1x1xf32, #tpu.memory_space<vmem>>) target_semaphore(%arg16 : memref<!tpu.dma_semaphore, #tpu.memory_space<semaphore_mem>>)
        %add3A_2067 = arith.constant 13 : i32
        %add3A_2068 = arith.addi %multiple_of3A_33, %add3A_2067 : i32
        %slice3A_2069 = vector.extract_strided_slice %get3A_35 {offsets = [13], sizes = [1], strides = [1]} : vector<16xi32> to vector<1xi32>
        %squeeze3A_2070 = vector.extract %slice3A_2069[0] : i32 from vector<1xi32>
        %slice3A_2071 = vector.extract_strided_slice %get3A_38 {offsets = [13], sizes = [1], strides = [1]} : vector<16xi32> to vector<1xi32>
        %squeeze3A_2072 = vector.extract %slice3A_2071[0] : i32 from vector<1xi32>
        %jit3A_2073 = arith.constant 8 : i32
        %div3A_2074 = arith.divsi %squeeze3A_2070, %jit3A_2073 : i32
        %sign3A_2075 = arith.constant 0 : i32
        %sign3A_2076 = arith.cmpi sgt, %squeeze3A_2070, %sign3A_2075 : i32
        %sign3A_2077 = arith.extui %sign3A_2076 : i1 to i32
        %sign3A_2078 = arith.constant 0 : i32
        %sign3A_2079 = arith.cmpi slt, %squeeze3A_2070, %sign3A_2078 : i32
        %sign3A_2080 = arith.extui %sign3A_2079 : i1 to i32
        %sign3A_2081 = arith.subi %sign3A_2077, %sign3A_2080 : i32
        %sign3A_2082 = arith.constant 0 : i32
        %sign3A_2083 = arith.cmpi sgt, %jit3A_2073, %sign3A_2082 : i32
        %sign3A_2084 = arith.extui %sign3A_2083 : i1 to i32
        %sign3A_2085 = arith.constant 0 : i32
        %sign3A_2086 = arith.cmpi slt, %jit3A_2073, %sign3A_2085 : i32
        %sign3A_2087 = arith.extui %sign3A_2086 : i1 to i32
        %sign3A_2088 = arith.subi %sign3A_2084, %sign3A_2087 : i32
        %ne3A_2089 = arith.cmpi ne, %sign3A_2081, %sign3A_2088 : i32
        %rem3A_2090 = arith.remsi %squeeze3A_2070, %jit3A_2073 : i32
        %ne3A_2091 = arith.constant 0 : i32
        %ne3A_2092 = arith.cmpi ne, %rem3A_2090, %ne3A_2091 : i32
        %and3A_2093 = arith.andi %ne3A_2089, %ne3A_2092 : i1
        %sub3A_2094 = arith.constant 1 : i32
        %sub3A_2095 = arith.subi %div3A_2074, %sub3A_2094 : i32
        %select_n3A_2096 = arith.select %and3A_2093, %sub3A_2095, %div3A_2074 : i32
        %jit3A_2097 = arith.constant 8 : i32
        %eq3A_2098 = arith.constant 0 : i32
        %eq3A_2099 = arith.cmpi eq, %jit3A_2097, %eq3A_2098 : i32
        %jit3A_2100 = arith.constant 1 : i32
        %select_n3A_2101 = arith.select %eq3A_2099, %jit3A_2100, %jit3A_2097 : i32
        %rem3A_2102 = arith.remsi %squeeze3A_2070, %select_n3A_2101 : i32
        %ne3A_2103 = arith.constant 0 : i32
        %ne3A_2104 = arith.cmpi ne, %rem3A_2102, %ne3A_2103 : i32
        %lt3A_2105 = arith.constant 0 : i32
        %lt3A_2106 = arith.cmpi slt, %rem3A_2102, %lt3A_2105 : i32
        %lt3A_2107 = arith.constant 0 : i32
        %lt3A_2108 = arith.cmpi slt, %select_n3A_2101, %lt3A_2107 : i32
        %ne3A_2109 = arith.xori %lt3A_2106, %lt3A_2108 : i1
        %and3A_2110 = arith.andi %ne3A_2109, %ne3A_2104 : i1
        %add3A_2111 = arith.addi %rem3A_2102, %select_n3A_2101 : i32
        %select_n3A_2112 = arith.select %and3A_2110, %add3A_2111, %rem3A_2102 : i32
        %dma_start3A_2113 = arith.constant 0 : i32
        %dma_start3A_2114 = tpu.memref_slice %arg10[%add3A_2068, %dma_start3A_2113] : memref<128x32xf32, #tpu.memory_space<vmem>> -> memref<1x32xf32, #tpu.memory_space<vmem>>
        %dma_start3A_2115 = arith.constant 0 : i32
        %dma_start3A_2116 = tpu.memref_slice %arg4[%select_n3A_2096, %select_n3A_2112, %dma_start3A_2115] : memref<125000x8x32xf32, #tpu.memory_space<hbm>> -> memref<1x1x32xf32, #tpu.memory_space<hbm>>
        %dma_start3A_2117 = tpu.memref_squeeze %dma_start3A_2116 : memref<1x1x32xf32, #tpu.memory_space<hbm>> -> memref<1x32xf32, #tpu.memory_space<hbm>>
        %dma_start3A_2118 = arith.constant 0 : i32
        %dma_start3A_2119 = tpu.memref_slice %arg10[%add3A_2068, %dma_start3A_2118] : memref<128x32xf32, #tpu.memory_space<vmem>> -> memref<1x32xf32, #tpu.memory_space<vmem>>
        %dma_start3A_2120 = arith.constant 0 : i32
        %dma_start3A_2121 = tpu.memref_slice %arg4[%select_n3A_2096, %select_n3A_2112, %dma_start3A_2120] : memref<125000x8x32xf32, #tpu.memory_space<hbm>> -> memref<1x1x32xf32, #tpu.memory_space<hbm>>
        %dma_start3A_2122 = tpu.memref_squeeze %dma_start3A_2121 : memref<1x1x32xf32, #tpu.memory_space<hbm>> -> memref<1x32xf32, #tpu.memory_space<hbm>>
        tpu.enqueue_dma source(%dma_start3A_2122 : memref<1x32xf32, #tpu.memory_space<hbm>>) target(%dma_start3A_2119 : memref<1x32xf32, #tpu.memory_space<vmem>>) target_semaphore(%arg14 : memref<!tpu.dma_semaphore, #tpu.memory_space<semaphore_mem>>)
        %jit3A_2123 = arith.constant 8 : i32
        %div3A_2124 = arith.divsi %squeeze3A_2072, %jit3A_2123 : i32
        %sign3A_2125 = arith.constant 0 : i32
        %sign3A_2126 = arith.cmpi sgt, %squeeze3A_2072, %sign3A_2125 : i32
        %sign3A_2127 = arith.extui %sign3A_2126 : i1 to i32
        %sign3A_2128 = arith.constant 0 : i32
        %sign3A_2129 = arith.cmpi slt, %squeeze3A_2072, %sign3A_2128 : i32
        %sign3A_2130 = arith.extui %sign3A_2129 : i1 to i32
        %sign3A_2131 = arith.subi %sign3A_2127, %sign3A_2130 : i32
        %sign3A_2132 = arith.constant 0 : i32
        %sign3A_2133 = arith.cmpi sgt, %jit3A_2123, %sign3A_2132 : i32
        %sign3A_2134 = arith.extui %sign3A_2133 : i1 to i32
        %sign3A_2135 = arith.constant 0 : i32
        %sign3A_2136 = arith.cmpi slt, %jit3A_2123, %sign3A_2135 : i32
        %sign3A_2137 = arith.extui %sign3A_2136 : i1 to i32
        %sign3A_2138 = arith.subi %sign3A_2134, %sign3A_2137 : i32
        %ne3A_2139 = arith.cmpi ne, %sign3A_2131, %sign3A_2138 : i32
        %rem3A_2140 = arith.remsi %squeeze3A_2072, %jit3A_2123 : i32
        %ne3A_2141 = arith.constant 0 : i32
        %ne3A_2142 = arith.cmpi ne, %rem3A_2140, %ne3A_2141 : i32
        %and3A_2143 = arith.andi %ne3A_2139, %ne3A_2142 : i1
        %sub3A_2144 = arith.constant 1 : i32
        %sub3A_2145 = arith.subi %div3A_2124, %sub3A_2144 : i32
        %select_n3A_2146 = arith.select %and3A_2143, %sub3A_2145, %div3A_2124 : i32
        %jit3A_2147 = arith.constant 8 : i32
        %eq3A_2148 = arith.constant 0 : i32
        %eq3A_2149 = arith.cmpi eq, %jit3A_2147, %eq3A_2148 : i32
        %jit3A_2150 = arith.constant 1 : i32
        %select_n3A_2151 = arith.select %eq3A_2149, %jit3A_2150, %jit3A_2147 : i32
        %rem3A_2152 = arith.remsi %squeeze3A_2072, %select_n3A_2151 : i32
        %ne3A_2153 = arith.constant 0 : i32
        %ne3A_2154 = arith.cmpi ne, %rem3A_2152, %ne3A_2153 : i32
        %lt3A_2155 = arith.constant 0 : i32
        %lt3A_2156 = arith.cmpi slt, %rem3A_2152, %lt3A_2155 : i32
        %lt3A_2157 = arith.constant 0 : i32
        %lt3A_2158 = arith.cmpi slt, %select_n3A_2151, %lt3A_2157 : i32
        %ne3A_2159 = arith.xori %lt3A_2156, %lt3A_2158 : i1
        %and3A_2160 = arith.andi %ne3A_2159, %ne3A_2154 : i1
        %add3A_2161 = arith.addi %rem3A_2152, %select_n3A_2151 : i32
        %select_n3A_2162 = arith.select %and3A_2160, %add3A_2161, %rem3A_2152 : i32
        %dma_start3A_2163 = arith.constant 0 : i32
        %dma_start3A_2164 = tpu.memref_slice %arg11[%add3A_2068, %dma_start3A_2163] : memref<128x32xf32, #tpu.memory_space<vmem>> -> memref<1x32xf32, #tpu.memory_space<vmem>>
        %dma_start3A_2165 = arith.constant 0 : i32
        %dma_start3A_2166 = tpu.memref_slice %arg5[%select_n3A_2146, %select_n3A_2162, %dma_start3A_2165] : memref<12500x8x32xf32, #tpu.memory_space<hbm>> -> memref<1x1x32xf32, #tpu.memory_space<hbm>>
        %dma_start3A_2167 = tpu.memref_squeeze %dma_start3A_2166 : memref<1x1x32xf32, #tpu.memory_space<hbm>> -> memref<1x32xf32, #tpu.memory_space<hbm>>
        %dma_start3A_2168 = arith.constant 0 : i32
        %dma_start3A_2169 = tpu.memref_slice %arg11[%add3A_2068, %dma_start3A_2168] : memref<128x32xf32, #tpu.memory_space<vmem>> -> memref<1x32xf32, #tpu.memory_space<vmem>>
        %dma_start3A_2170 = arith.constant 0 : i32
        %dma_start3A_2171 = tpu.memref_slice %arg5[%select_n3A_2146, %select_n3A_2162, %dma_start3A_2170] : memref<12500x8x32xf32, #tpu.memory_space<hbm>> -> memref<1x1x32xf32, #tpu.memory_space<hbm>>
        %dma_start3A_2172 = tpu.memref_squeeze %dma_start3A_2171 : memref<1x1x32xf32, #tpu.memory_space<hbm>> -> memref<1x32xf32, #tpu.memory_space<hbm>>
        tpu.enqueue_dma source(%dma_start3A_2172 : memref<1x32xf32, #tpu.memory_space<hbm>>) target(%dma_start3A_2169 : memref<1x32xf32, #tpu.memory_space<vmem>>) target_semaphore(%arg15 : memref<!tpu.dma_semaphore, #tpu.memory_space<semaphore_mem>>)
        %jit3A_2173 = arith.constant 8 : i32
        %div3A_2174 = arith.divsi %squeeze3A_2072, %jit3A_2173 : i32
        %sign3A_2175 = arith.constant 0 : i32
        %sign3A_2176 = arith.cmpi sgt, %squeeze3A_2072, %sign3A_2175 : i32
        %sign3A_2177 = arith.extui %sign3A_2176 : i1 to i32
        %sign3A_2178 = arith.constant 0 : i32
        %sign3A_2179 = arith.cmpi slt, %squeeze3A_2072, %sign3A_2178 : i32
        %sign3A_2180 = arith.extui %sign3A_2179 : i1 to i32
        %sign3A_2181 = arith.subi %sign3A_2177, %sign3A_2180 : i32
        %sign3A_2182 = arith.constant 0 : i32
        %sign3A_2183 = arith.cmpi sgt, %jit3A_2173, %sign3A_2182 : i32
        %sign3A_2184 = arith.extui %sign3A_2183 : i1 to i32
        %sign3A_2185 = arith.constant 0 : i32
        %sign3A_2186 = arith.cmpi slt, %jit3A_2173, %sign3A_2185 : i32
        %sign3A_2187 = arith.extui %sign3A_2186 : i1 to i32
        %sign3A_2188 = arith.subi %sign3A_2184, %sign3A_2187 : i32
        %ne3A_2189 = arith.cmpi ne, %sign3A_2181, %sign3A_2188 : i32
        %rem3A_2190 = arith.remsi %squeeze3A_2072, %jit3A_2173 : i32
        %ne3A_2191 = arith.constant 0 : i32
        %ne3A_2192 = arith.cmpi ne, %rem3A_2190, %ne3A_2191 : i32
        %and3A_2193 = arith.andi %ne3A_2189, %ne3A_2192 : i1
        %sub3A_2194 = arith.constant 1 : i32
        %sub3A_2195 = arith.subi %div3A_2174, %sub3A_2194 : i32
        %select_n3A_2196 = arith.select %and3A_2193, %sub3A_2195, %div3A_2174 : i32
        %jit3A_2197 = arith.constant 8 : i32
        %eq3A_2198 = arith.constant 0 : i32
        %eq3A_2199 = arith.cmpi eq, %jit3A_2197, %eq3A_2198 : i32
        %jit3A_2200 = arith.constant 1 : i32
        %select_n3A_2201 = arith.select %eq3A_2199, %jit3A_2200, %jit3A_2197 : i32
        %rem3A_2202 = arith.remsi %squeeze3A_2072, %select_n3A_2201 : i32
        %ne3A_2203 = arith.constant 0 : i32
        %ne3A_2204 = arith.cmpi ne, %rem3A_2202, %ne3A_2203 : i32
        %lt3A_2205 = arith.constant 0 : i32
        %lt3A_2206 = arith.cmpi slt, %rem3A_2202, %lt3A_2205 : i32
        %lt3A_2207 = arith.constant 0 : i32
        %lt3A_2208 = arith.cmpi slt, %select_n3A_2201, %lt3A_2207 : i32
        %ne3A_2209 = arith.xori %lt3A_2206, %lt3A_2208 : i1
        %and3A_2210 = arith.andi %ne3A_2209, %ne3A_2204 : i1
        %add3A_2211 = arith.addi %rem3A_2202, %select_n3A_2201 : i32
        %select_n3A_2212 = arith.select %and3A_2210, %add3A_2211, %rem3A_2202 : i32
        %add3A_2213 = arith.addi %multiple_of3A, %add3A_2068 : i32
        %dma_start3A_2214 = arith.constant 0 : i32
        %dma_start3A_2215 = tpu.memref_slice %arg12[%add3A_2213, %dma_start3A_2214] : memref<512x1xf32, #tpu.memory_space<vmem>> -> memref<1x1xf32, #tpu.memory_space<vmem>>
        %dma_start3A_2216 = arith.constant 0 : i32
        %dma_start3A_2217 = tpu.memref_slice %arg6[%select_n3A_2196, %select_n3A_2212, %dma_start3A_2216] : memref<12500x8x1xf32, #tpu.memory_space<hbm>> -> memref<1x1x1xf32, #tpu.memory_space<hbm>>
        %dma_start3A_2218 = tpu.memref_squeeze %dma_start3A_2217 : memref<1x1x1xf32, #tpu.memory_space<hbm>> -> memref<1x1xf32, #tpu.memory_space<hbm>>
        %dma_start3A_2219 = arith.constant 0 : i32
        %dma_start3A_2220 = tpu.memref_slice %arg12[%add3A_2213, %dma_start3A_2219] : memref<512x1xf32, #tpu.memory_space<vmem>> -> memref<1x1xf32, #tpu.memory_space<vmem>>
        %dma_start3A_2221 = arith.constant 0 : i32
        %dma_start3A_2222 = tpu.memref_slice %arg6[%select_n3A_2196, %select_n3A_2212, %dma_start3A_2221] : memref<12500x8x1xf32, #tpu.memory_space<hbm>> -> memref<1x1x1xf32, #tpu.memory_space<hbm>>
        %dma_start3A_2223 = tpu.memref_squeeze %dma_start3A_2222 : memref<1x1x1xf32, #tpu.memory_space<hbm>> -> memref<1x1xf32, #tpu.memory_space<hbm>>
        tpu.enqueue_dma source(%dma_start3A_2223 : memref<1x1xf32, #tpu.memory_space<hbm>>) target(%dma_start3A_2220 : memref<1x1xf32, #tpu.memory_space<vmem>>) target_semaphore(%arg16 : memref<!tpu.dma_semaphore, #tpu.memory_space<semaphore_mem>>)
        %add3A_2224 = arith.constant 14 : i32
        %add3A_2225 = arith.addi %multiple_of3A_33, %add3A_2224 : i32
        %slice3A_2226 = vector.extract_strided_slice %get3A_35 {offsets = [14], sizes = [1], strides = [1]} : vector<16xi32> to vector<1xi32>
        %squeeze3A_2227 = vector.extract %slice3A_2226[0] : i32 from vector<1xi32>
        %slice3A_2228 = vector.extract_strided_slice %get3A_38 {offsets = [14], sizes = [1], strides = [1]} : vector<16xi32> to vector<1xi32>
        %squeeze3A_2229 = vector.extract %slice3A_2228[0] : i32 from vector<1xi32>
        %jit3A_2230 = arith.constant 8 : i32
        %div3A_2231 = arith.divsi %squeeze3A_2227, %jit3A_2230 : i32
        %sign3A_2232 = arith.constant 0 : i32
        %sign3A_2233 = arith.cmpi sgt, %squeeze3A_2227, %sign3A_2232 : i32
        %sign3A_2234 = arith.extui %sign3A_2233 : i1 to i32
        %sign3A_2235 = arith.constant 0 : i32
        %sign3A_2236 = arith.cmpi slt, %squeeze3A_2227, %sign3A_2235 : i32
        %sign3A_2237 = arith.extui %sign3A_2236 : i1 to i32
        %sign3A_2238 = arith.subi %sign3A_2234, %sign3A_2237 : i32
        %sign3A_2239 = arith.constant 0 : i32
        %sign3A_2240 = arith.cmpi sgt, %jit3A_2230, %sign3A_2239 : i32
        %sign3A_2241 = arith.extui %sign3A_2240 : i1 to i32
        %sign3A_2242 = arith.constant 0 : i32
        %sign3A_2243 = arith.cmpi slt, %jit3A_2230, %sign3A_2242 : i32
        %sign3A_2244 = arith.extui %sign3A_2243 : i1 to i32
        %sign3A_2245 = arith.subi %sign3A_2241, %sign3A_2244 : i32
        %ne3A_2246 = arith.cmpi ne, %sign3A_2238, %sign3A_2245 : i32
        %rem3A_2247 = arith.remsi %squeeze3A_2227, %jit3A_2230 : i32
        %ne3A_2248 = arith.constant 0 : i32
        %ne3A_2249 = arith.cmpi ne, %rem3A_2247, %ne3A_2248 : i32
        %and3A_2250 = arith.andi %ne3A_2246, %ne3A_2249 : i1
        %sub3A_2251 = arith.constant 1 : i32
        %sub3A_2252 = arith.subi %div3A_2231, %sub3A_2251 : i32
        %select_n3A_2253 = arith.select %and3A_2250, %sub3A_2252, %div3A_2231 : i32
        %jit3A_2254 = arith.constant 8 : i32
        %eq3A_2255 = arith.constant 0 : i32
        %eq3A_2256 = arith.cmpi eq, %jit3A_2254, %eq3A_2255 : i32
        %jit3A_2257 = arith.constant 1 : i32
        %select_n3A_2258 = arith.select %eq3A_2256, %jit3A_2257, %jit3A_2254 : i32
        %rem3A_2259 = arith.remsi %squeeze3A_2227, %select_n3A_2258 : i32
        %ne3A_2260 = arith.constant 0 : i32
        %ne3A_2261 = arith.cmpi ne, %rem3A_2259, %ne3A_2260 : i32
        %lt3A_2262 = arith.constant 0 : i32
        %lt3A_2263 = arith.cmpi slt, %rem3A_2259, %lt3A_2262 : i32
        %lt3A_2264 = arith.constant 0 : i32
        %lt3A_2265 = arith.cmpi slt, %select_n3A_2258, %lt3A_2264 : i32
        %ne3A_2266 = arith.xori %lt3A_2263, %lt3A_2265 : i1
        %and3A_2267 = arith.andi %ne3A_2266, %ne3A_2261 : i1
        %add3A_2268 = arith.addi %rem3A_2259, %select_n3A_2258 : i32
        %select_n3A_2269 = arith.select %and3A_2267, %add3A_2268, %rem3A_2259 : i32
        %dma_start3A_2270 = arith.constant 0 : i32
        %dma_start3A_2271 = tpu.memref_slice %arg10[%add3A_2225, %dma_start3A_2270] : memref<128x32xf32, #tpu.memory_space<vmem>> -> memref<1x32xf32, #tpu.memory_space<vmem>>
        %dma_start3A_2272 = arith.constant 0 : i32
        %dma_start3A_2273 = tpu.memref_slice %arg4[%select_n3A_2253, %select_n3A_2269, %dma_start3A_2272] : memref<125000x8x32xf32, #tpu.memory_space<hbm>> -> memref<1x1x32xf32, #tpu.memory_space<hbm>>
        %dma_start3A_2274 = tpu.memref_squeeze %dma_start3A_2273 : memref<1x1x32xf32, #tpu.memory_space<hbm>> -> memref<1x32xf32, #tpu.memory_space<hbm>>
        %dma_start3A_2275 = arith.constant 0 : i32
        %dma_start3A_2276 = tpu.memref_slice %arg10[%add3A_2225, %dma_start3A_2275] : memref<128x32xf32, #tpu.memory_space<vmem>> -> memref<1x32xf32, #tpu.memory_space<vmem>>
        %dma_start3A_2277 = arith.constant 0 : i32
        %dma_start3A_2278 = tpu.memref_slice %arg4[%select_n3A_2253, %select_n3A_2269, %dma_start3A_2277] : memref<125000x8x32xf32, #tpu.memory_space<hbm>> -> memref<1x1x32xf32, #tpu.memory_space<hbm>>
        %dma_start3A_2279 = tpu.memref_squeeze %dma_start3A_2278 : memref<1x1x32xf32, #tpu.memory_space<hbm>> -> memref<1x32xf32, #tpu.memory_space<hbm>>
        tpu.enqueue_dma source(%dma_start3A_2279 : memref<1x32xf32, #tpu.memory_space<hbm>>) target(%dma_start3A_2276 : memref<1x32xf32, #tpu.memory_space<vmem>>) target_semaphore(%arg14 : memref<!tpu.dma_semaphore, #tpu.memory_space<semaphore_mem>>)
        %jit3A_2280 = arith.constant 8 : i32
        %div3A_2281 = arith.divsi %squeeze3A_2229, %jit3A_2280 : i32
        %sign3A_2282 = arith.constant 0 : i32
        %sign3A_2283 = arith.cmpi sgt, %squeeze3A_2229, %sign3A_2282 : i32
        %sign3A_2284 = arith.extui %sign3A_2283 : i1 to i32
        %sign3A_2285 = arith.constant 0 : i32
        %sign3A_2286 = arith.cmpi slt, %squeeze3A_2229, %sign3A_2285 : i32
        %sign3A_2287 = arith.extui %sign3A_2286 : i1 to i32
        %sign3A_2288 = arith.subi %sign3A_2284, %sign3A_2287 : i32
        %sign3A_2289 = arith.constant 0 : i32
        %sign3A_2290 = arith.cmpi sgt, %jit3A_2280, %sign3A_2289 : i32
        %sign3A_2291 = arith.extui %sign3A_2290 : i1 to i32
        %sign3A_2292 = arith.constant 0 : i32
        %sign3A_2293 = arith.cmpi slt, %jit3A_2280, %sign3A_2292 : i32
        %sign3A_2294 = arith.extui %sign3A_2293 : i1 to i32
        %sign3A_2295 = arith.subi %sign3A_2291, %sign3A_2294 : i32
        %ne3A_2296 = arith.cmpi ne, %sign3A_2288, %sign3A_2295 : i32
        %rem3A_2297 = arith.remsi %squeeze3A_2229, %jit3A_2280 : i32
        %ne3A_2298 = arith.constant 0 : i32
        %ne3A_2299 = arith.cmpi ne, %rem3A_2297, %ne3A_2298 : i32
        %and3A_2300 = arith.andi %ne3A_2296, %ne3A_2299 : i1
        %sub3A_2301 = arith.constant 1 : i32
        %sub3A_2302 = arith.subi %div3A_2281, %sub3A_2301 : i32
        %select_n3A_2303 = arith.select %and3A_2300, %sub3A_2302, %div3A_2281 : i32
        %jit3A_2304 = arith.constant 8 : i32
        %eq3A_2305 = arith.constant 0 : i32
        %eq3A_2306 = arith.cmpi eq, %jit3A_2304, %eq3A_2305 : i32
        %jit3A_2307 = arith.constant 1 : i32
        %select_n3A_2308 = arith.select %eq3A_2306, %jit3A_2307, %jit3A_2304 : i32
        %rem3A_2309 = arith.remsi %squeeze3A_2229, %select_n3A_2308 : i32
        %ne3A_2310 = arith.constant 0 : i32
        %ne3A_2311 = arith.cmpi ne, %rem3A_2309, %ne3A_2310 : i32
        %lt3A_2312 = arith.constant 0 : i32
        %lt3A_2313 = arith.cmpi slt, %rem3A_2309, %lt3A_2312 : i32
        %lt3A_2314 = arith.constant 0 : i32
        %lt3A_2315 = arith.cmpi slt, %select_n3A_2308, %lt3A_2314 : i32
        %ne3A_2316 = arith.xori %lt3A_2313, %lt3A_2315 : i1
        %and3A_2317 = arith.andi %ne3A_2316, %ne3A_2311 : i1
        %add3A_2318 = arith.addi %rem3A_2309, %select_n3A_2308 : i32
        %select_n3A_2319 = arith.select %and3A_2317, %add3A_2318, %rem3A_2309 : i32
        %dma_start3A_2320 = arith.constant 0 : i32
        %dma_start3A_2321 = tpu.memref_slice %arg11[%add3A_2225, %dma_start3A_2320] : memref<128x32xf32, #tpu.memory_space<vmem>> -> memref<1x32xf32, #tpu.memory_space<vmem>>
        %dma_start3A_2322 = arith.constant 0 : i32
        %dma_start3A_2323 = tpu.memref_slice %arg5[%select_n3A_2303, %select_n3A_2319, %dma_start3A_2322] : memref<12500x8x32xf32, #tpu.memory_space<hbm>> -> memref<1x1x32xf32, #tpu.memory_space<hbm>>
        %dma_start3A_2324 = tpu.memref_squeeze %dma_start3A_2323 : memref<1x1x32xf32, #tpu.memory_space<hbm>> -> memref<1x32xf32, #tpu.memory_space<hbm>>
        %dma_start3A_2325 = arith.constant 0 : i32
        %dma_start3A_2326 = tpu.memref_slice %arg11[%add3A_2225, %dma_start3A_2325] : memref<128x32xf32, #tpu.memory_space<vmem>> -> memref<1x32xf32, #tpu.memory_space<vmem>>
        %dma_start3A_2327 = arith.constant 0 : i32
        %dma_start3A_2328 = tpu.memref_slice %arg5[%select_n3A_2303, %select_n3A_2319, %dma_start3A_2327] : memref<12500x8x32xf32, #tpu.memory_space<hbm>> -> memref<1x1x32xf32, #tpu.memory_space<hbm>>
        %dma_start3A_2329 = tpu.memref_squeeze %dma_start3A_2328 : memref<1x1x32xf32, #tpu.memory_space<hbm>> -> memref<1x32xf32, #tpu.memory_space<hbm>>
        tpu.enqueue_dma source(%dma_start3A_2329 : memref<1x32xf32, #tpu.memory_space<hbm>>) target(%dma_start3A_2326 : memref<1x32xf32, #tpu.memory_space<vmem>>) target_semaphore(%arg15 : memref<!tpu.dma_semaphore, #tpu.memory_space<semaphore_mem>>)
        %jit3A_2330 = arith.constant 8 : i32
        %div3A_2331 = arith.divsi %squeeze3A_2229, %jit3A_2330 : i32
        %sign3A_2332 = arith.constant 0 : i32
        %sign3A_2333 = arith.cmpi sgt, %squeeze3A_2229, %sign3A_2332 : i32
        %sign3A_2334 = arith.extui %sign3A_2333 : i1 to i32
        %sign3A_2335 = arith.constant 0 : i32
        %sign3A_2336 = arith.cmpi slt, %squeeze3A_2229, %sign3A_2335 : i32
        %sign3A_2337 = arith.extui %sign3A_2336 : i1 to i32
        %sign3A_2338 = arith.subi %sign3A_2334, %sign3A_2337 : i32
        %sign3A_2339 = arith.constant 0 : i32
        %sign3A_2340 = arith.cmpi sgt, %jit3A_2330, %sign3A_2339 : i32
        %sign3A_2341 = arith.extui %sign3A_2340 : i1 to i32
        %sign3A_2342 = arith.constant 0 : i32
        %sign3A_2343 = arith.cmpi slt, %jit3A_2330, %sign3A_2342 : i32
        %sign3A_2344 = arith.extui %sign3A_2343 : i1 to i32
        %sign3A_2345 = arith.subi %sign3A_2341, %sign3A_2344 : i32
        %ne3A_2346 = arith.cmpi ne, %sign3A_2338, %sign3A_2345 : i32
        %rem3A_2347 = arith.remsi %squeeze3A_2229, %jit3A_2330 : i32
        %ne3A_2348 = arith.constant 0 : i32
        %ne3A_2349 = arith.cmpi ne, %rem3A_2347, %ne3A_2348 : i32
        %and3A_2350 = arith.andi %ne3A_2346, %ne3A_2349 : i1
        %sub3A_2351 = arith.constant 1 : i32
        %sub3A_2352 = arith.subi %div3A_2331, %sub3A_2351 : i32
        %select_n3A_2353 = arith.select %and3A_2350, %sub3A_2352, %div3A_2331 : i32
        %jit3A_2354 = arith.constant 8 : i32
        %eq3A_2355 = arith.constant 0 : i32
        %eq3A_2356 = arith.cmpi eq, %jit3A_2354, %eq3A_2355 : i32
        %jit3A_2357 = arith.constant 1 : i32
        %select_n3A_2358 = arith.select %eq3A_2356, %jit3A_2357, %jit3A_2354 : i32
        %rem3A_2359 = arith.remsi %squeeze3A_2229, %select_n3A_2358 : i32
        %ne3A_2360 = arith.constant 0 : i32
        %ne3A_2361 = arith.cmpi ne, %rem3A_2359, %ne3A_2360 : i32
        %lt3A_2362 = arith.constant 0 : i32
        %lt3A_2363 = arith.cmpi slt, %rem3A_2359, %lt3A_2362 : i32
        %lt3A_2364 = arith.constant 0 : i32
        %lt3A_2365 = arith.cmpi slt, %select_n3A_2358, %lt3A_2364 : i32
        %ne3A_2366 = arith.xori %lt3A_2363, %lt3A_2365 : i1
        %and3A_2367 = arith.andi %ne3A_2366, %ne3A_2361 : i1
        %add3A_2368 = arith.addi %rem3A_2359, %select_n3A_2358 : i32
        %select_n3A_2369 = arith.select %and3A_2367, %add3A_2368, %rem3A_2359 : i32
        %add3A_2370 = arith.addi %multiple_of3A, %add3A_2225 : i32
        %dma_start3A_2371 = arith.constant 0 : i32
        %dma_start3A_2372 = tpu.memref_slice %arg12[%add3A_2370, %dma_start3A_2371] : memref<512x1xf32, #tpu.memory_space<vmem>> -> memref<1x1xf32, #tpu.memory_space<vmem>>
        %dma_start3A_2373 = arith.constant 0 : i32
        %dma_start3A_2374 = tpu.memref_slice %arg6[%select_n3A_2353, %select_n3A_2369, %dma_start3A_2373] : memref<12500x8x1xf32, #tpu.memory_space<hbm>> -> memref<1x1x1xf32, #tpu.memory_space<hbm>>
        %dma_start3A_2375 = tpu.memref_squeeze %dma_start3A_2374 : memref<1x1x1xf32, #tpu.memory_space<hbm>> -> memref<1x1xf32, #tpu.memory_space<hbm>>
        %dma_start3A_2376 = arith.constant 0 : i32
        %dma_start3A_2377 = tpu.memref_slice %arg12[%add3A_2370, %dma_start3A_2376] : memref<512x1xf32, #tpu.memory_space<vmem>> -> memref<1x1xf32, #tpu.memory_space<vmem>>
        %dma_start3A_2378 = arith.constant 0 : i32
        %dma_start3A_2379 = tpu.memref_slice %arg6[%select_n3A_2353, %select_n3A_2369, %dma_start3A_2378] : memref<12500x8x1xf32, #tpu.memory_space<hbm>> -> memref<1x1x1xf32, #tpu.memory_space<hbm>>
        %dma_start3A_2380 = tpu.memref_squeeze %dma_start3A_2379 : memref<1x1x1xf32, #tpu.memory_space<hbm>> -> memref<1x1xf32, #tpu.memory_space<hbm>>
        tpu.enqueue_dma source(%dma_start3A_2380 : memref<1x1xf32, #tpu.memory_space<hbm>>) target(%dma_start3A_2377 : memref<1x1xf32, #tpu.memory_space<vmem>>) target_semaphore(%arg16 : memref<!tpu.dma_semaphore, #tpu.memory_space<semaphore_mem>>)
        %add3A_2381 = arith.constant 15 : i32
        %add3A_2382 = arith.addi %multiple_of3A_33, %add3A_2381 : i32
        %slice3A_2383 = vector.extract_strided_slice %get3A_35 {offsets = [15], sizes = [1], strides = [1]} : vector<16xi32> to vector<1xi32>
        %squeeze3A_2384 = vector.extract %slice3A_2383[0] : i32 from vector<1xi32>
        %slice3A_2385 = vector.extract_strided_slice %get3A_38 {offsets = [15], sizes = [1], strides = [1]} : vector<16xi32> to vector<1xi32>
        %squeeze3A_2386 = vector.extract %slice3A_2385[0] : i32 from vector<1xi32>
        %jit3A_2387 = arith.constant 8 : i32
        %div3A_2388 = arith.divsi %squeeze3A_2384, %jit3A_2387 : i32
        %sign3A_2389 = arith.constant 0 : i32
        %sign3A_2390 = arith.cmpi sgt, %squeeze3A_2384, %sign3A_2389 : i32
        %sign3A_2391 = arith.extui %sign3A_2390 : i1 to i32
        %sign3A_2392 = arith.constant 0 : i32
        %sign3A_2393 = arith.cmpi slt, %squeeze3A_2384, %sign3A_2392 : i32
        %sign3A_2394 = arith.extui %sign3A_2393 : i1 to i32
        %sign3A_2395 = arith.subi %sign3A_2391, %sign3A_2394 : i32
        %sign3A_2396 = arith.constant 0 : i32
        %sign3A_2397 = arith.cmpi sgt, %jit3A_2387, %sign3A_2396 : i32
        %sign3A_2398 = arith.extui %sign3A_2397 : i1 to i32
        %sign3A_2399 = arith.constant 0 : i32
        %sign3A_2400 = arith.cmpi slt, %jit3A_2387, %sign3A_2399 : i32
        %sign3A_2401 = arith.extui %sign3A_2400 : i1 to i32
        %sign3A_2402 = arith.subi %sign3A_2398, %sign3A_2401 : i32
        %ne3A_2403 = arith.cmpi ne, %sign3A_2395, %sign3A_2402 : i32
        %rem3A_2404 = arith.remsi %squeeze3A_2384, %jit3A_2387 : i32
        %ne3A_2405 = arith.constant 0 : i32
        %ne3A_2406 = arith.cmpi ne, %rem3A_2404, %ne3A_2405 : i32
        %and3A_2407 = arith.andi %ne3A_2403, %ne3A_2406 : i1
        %sub3A_2408 = arith.constant 1 : i32
        %sub3A_2409 = arith.subi %div3A_2388, %sub3A_2408 : i32
        %select_n3A_2410 = arith.select %and3A_2407, %sub3A_2409, %div3A_2388 : i32
        %jit3A_2411 = arith.constant 8 : i32
        %eq3A_2412 = arith.constant 0 : i32
        %eq3A_2413 = arith.cmpi eq, %jit3A_2411, %eq3A_2412 : i32
        %jit3A_2414 = arith.constant 1 : i32
        %select_n3A_2415 = arith.select %eq3A_2413, %jit3A_2414, %jit3A_2411 : i32
        %rem3A_2416 = arith.remsi %squeeze3A_2384, %select_n3A_2415 : i32
        %ne3A_2417 = arith.constant 0 : i32
        %ne3A_2418 = arith.cmpi ne, %rem3A_2416, %ne3A_2417 : i32
        %lt3A_2419 = arith.constant 0 : i32
        %lt3A_2420 = arith.cmpi slt, %rem3A_2416, %lt3A_2419 : i32
        %lt3A_2421 = arith.constant 0 : i32
        %lt3A_2422 = arith.cmpi slt, %select_n3A_2415, %lt3A_2421 : i32
        %ne3A_2423 = arith.xori %lt3A_2420, %lt3A_2422 : i1
        %and3A_2424 = arith.andi %ne3A_2423, %ne3A_2418 : i1
        %add3A_2425 = arith.addi %rem3A_2416, %select_n3A_2415 : i32
        %select_n3A_2426 = arith.select %and3A_2424, %add3A_2425, %rem3A_2416 : i32
        %dma_start3A_2427 = arith.constant 0 : i32
        %dma_start3A_2428 = tpu.memref_slice %arg10[%add3A_2382, %dma_start3A_2427] : memref<128x32xf32, #tpu.memory_space<vmem>> -> memref<1x32xf32, #tpu.memory_space<vmem>>
        %dma_start3A_2429 = arith.constant 0 : i32
        %dma_start3A_2430 = tpu.memref_slice %arg4[%select_n3A_2410, %select_n3A_2426, %dma_start3A_2429] : memref<125000x8x32xf32, #tpu.memory_space<hbm>> -> memref<1x1x32xf32, #tpu.memory_space<hbm>>
        %dma_start3A_2431 = tpu.memref_squeeze %dma_start3A_2430 : memref<1x1x32xf32, #tpu.memory_space<hbm>> -> memref<1x32xf32, #tpu.memory_space<hbm>>
        %dma_start3A_2432 = arith.constant 0 : i32
        %dma_start3A_2433 = tpu.memref_slice %arg10[%add3A_2382, %dma_start3A_2432] : memref<128x32xf32, #tpu.memory_space<vmem>> -> memref<1x32xf32, #tpu.memory_space<vmem>>
        %dma_start3A_2434 = arith.constant 0 : i32
        %dma_start3A_2435 = tpu.memref_slice %arg4[%select_n3A_2410, %select_n3A_2426, %dma_start3A_2434] : memref<125000x8x32xf32, #tpu.memory_space<hbm>> -> memref<1x1x32xf32, #tpu.memory_space<hbm>>
        %dma_start3A_2436 = tpu.memref_squeeze %dma_start3A_2435 : memref<1x1x32xf32, #tpu.memory_space<hbm>> -> memref<1x32xf32, #tpu.memory_space<hbm>>
        tpu.enqueue_dma source(%dma_start3A_2436 : memref<1x32xf32, #tpu.memory_space<hbm>>) target(%dma_start3A_2433 : memref<1x32xf32, #tpu.memory_space<vmem>>) target_semaphore(%arg14 : memref<!tpu.dma_semaphore, #tpu.memory_space<semaphore_mem>>)
        %jit3A_2437 = arith.constant 8 : i32
        %div3A_2438 = arith.divsi %squeeze3A_2386, %jit3A_2437 : i32
        %sign3A_2439 = arith.constant 0 : i32
        %sign3A_2440 = arith.cmpi sgt, %squeeze3A_2386, %sign3A_2439 : i32
        %sign3A_2441 = arith.extui %sign3A_2440 : i1 to i32
        %sign3A_2442 = arith.constant 0 : i32
        %sign3A_2443 = arith.cmpi slt, %squeeze3A_2386, %sign3A_2442 : i32
        %sign3A_2444 = arith.extui %sign3A_2443 : i1 to i32
        %sign3A_2445 = arith.subi %sign3A_2441, %sign3A_2444 : i32
        %sign3A_2446 = arith.constant 0 : i32
        %sign3A_2447 = arith.cmpi sgt, %jit3A_2437, %sign3A_2446 : i32
        %sign3A_2448 = arith.extui %sign3A_2447 : i1 to i32
        %sign3A_2449 = arith.constant 0 : i32
        %sign3A_2450 = arith.cmpi slt, %jit3A_2437, %sign3A_2449 : i32
        %sign3A_2451 = arith.extui %sign3A_2450 : i1 to i32
        %sign3A_2452 = arith.subi %sign3A_2448, %sign3A_2451 : i32
        %ne3A_2453 = arith.cmpi ne, %sign3A_2445, %sign3A_2452 : i32
        %rem3A_2454 = arith.remsi %squeeze3A_2386, %jit3A_2437 : i32
        %ne3A_2455 = arith.constant 0 : i32
        %ne3A_2456 = arith.cmpi ne, %rem3A_2454, %ne3A_2455 : i32
        %and3A_2457 = arith.andi %ne3A_2453, %ne3A_2456 : i1
        %sub3A_2458 = arith.constant 1 : i32
        %sub3A_2459 = arith.subi %div3A_2438, %sub3A_2458 : i32
        %select_n3A_2460 = arith.select %and3A_2457, %sub3A_2459, %div3A_2438 : i32
        %jit3A_2461 = arith.constant 8 : i32
        %eq3A_2462 = arith.constant 0 : i32
        %eq3A_2463 = arith.cmpi eq, %jit3A_2461, %eq3A_2462 : i32
        %jit3A_2464 = arith.constant 1 : i32
        %select_n3A_2465 = arith.select %eq3A_2463, %jit3A_2464, %jit3A_2461 : i32
        %rem3A_2466 = arith.remsi %squeeze3A_2386, %select_n3A_2465 : i32
        %ne3A_2467 = arith.constant 0 : i32
        %ne3A_2468 = arith.cmpi ne, %rem3A_2466, %ne3A_2467 : i32
        %lt3A_2469 = arith.constant 0 : i32
        %lt3A_2470 = arith.cmpi slt, %rem3A_2466, %lt3A_2469 : i32
        %lt3A_2471 = arith.constant 0 : i32
        %lt3A_2472 = arith.cmpi slt, %select_n3A_2465, %lt3A_2471 : i32
        %ne3A_2473 = arith.xori %lt3A_2470, %lt3A_2472 : i1
        %and3A_2474 = arith.andi %ne3A_2473, %ne3A_2468 : i1
        %add3A_2475 = arith.addi %rem3A_2466, %select_n3A_2465 : i32
        %select_n3A_2476 = arith.select %and3A_2474, %add3A_2475, %rem3A_2466 : i32
        %dma_start3A_2477 = arith.constant 0 : i32
        %dma_start3A_2478 = tpu.memref_slice %arg11[%add3A_2382, %dma_start3A_2477] : memref<128x32xf32, #tpu.memory_space<vmem>> -> memref<1x32xf32, #tpu.memory_space<vmem>>
        %dma_start3A_2479 = arith.constant 0 : i32
        %dma_start3A_2480 = tpu.memref_slice %arg5[%select_n3A_2460, %select_n3A_2476, %dma_start3A_2479] : memref<12500x8x32xf32, #tpu.memory_space<hbm>> -> memref<1x1x32xf32, #tpu.memory_space<hbm>>
        %dma_start3A_2481 = tpu.memref_squeeze %dma_start3A_2480 : memref<1x1x32xf32, #tpu.memory_space<hbm>> -> memref<1x32xf32, #tpu.memory_space<hbm>>
        %dma_start3A_2482 = arith.constant 0 : i32
        %dma_start3A_2483 = tpu.memref_slice %arg11[%add3A_2382, %dma_start3A_2482] : memref<128x32xf32, #tpu.memory_space<vmem>> -> memref<1x32xf32, #tpu.memory_space<vmem>>
        %dma_start3A_2484 = arith.constant 0 : i32
        %dma_start3A_2485 = tpu.memref_slice %arg5[%select_n3A_2460, %select_n3A_2476, %dma_start3A_2484] : memref<12500x8x32xf32, #tpu.memory_space<hbm>> -> memref<1x1x32xf32, #tpu.memory_space<hbm>>
        %dma_start3A_2486 = tpu.memref_squeeze %dma_start3A_2485 : memref<1x1x32xf32, #tpu.memory_space<hbm>> -> memref<1x32xf32, #tpu.memory_space<hbm>>
        tpu.enqueue_dma source(%dma_start3A_2486 : memref<1x32xf32, #tpu.memory_space<hbm>>) target(%dma_start3A_2483 : memref<1x32xf32, #tpu.memory_space<vmem>>) target_semaphore(%arg15 : memref<!tpu.dma_semaphore, #tpu.memory_space<semaphore_mem>>)
        %jit3A_2487 = arith.constant 8 : i32
        %div3A_2488 = arith.divsi %squeeze3A_2386, %jit3A_2487 : i32
        %sign3A_2489 = arith.constant 0 : i32
        %sign3A_2490 = arith.cmpi sgt, %squeeze3A_2386, %sign3A_2489 : i32
        %sign3A_2491 = arith.extui %sign3A_2490 : i1 to i32
        %sign3A_2492 = arith.constant 0 : i32
        %sign3A_2493 = arith.cmpi slt, %squeeze3A_2386, %sign3A_2492 : i32
        %sign3A_2494 = arith.extui %sign3A_2493 : i1 to i32
        %sign3A_2495 = arith.subi %sign3A_2491, %sign3A_2494 : i32
        %sign3A_2496 = arith.constant 0 : i32
        %sign3A_2497 = arith.cmpi sgt, %jit3A_2487, %sign3A_2496 : i32
        %sign3A_2498 = arith.extui %sign3A_2497 : i1 to i32
        %sign3A_2499 = arith.constant 0 : i32
        %sign3A_2500 = arith.cmpi slt, %jit3A_2487, %sign3A_2499 : i32
        %sign3A_2501 = arith.extui %sign3A_2500 : i1 to i32
        %sign3A_2502 = arith.subi %sign3A_2498, %sign3A_2501 : i32
        %ne3A_2503 = arith.cmpi ne, %sign3A_2495, %sign3A_2502 : i32
        %rem3A_2504 = arith.remsi %squeeze3A_2386, %jit3A_2487 : i32
        %ne3A_2505 = arith.constant 0 : i32
        %ne3A_2506 = arith.cmpi ne, %rem3A_2504, %ne3A_2505 : i32
        %and3A_2507 = arith.andi %ne3A_2503, %ne3A_2506 : i1
        %sub3A_2508 = arith.constant 1 : i32
        %sub3A_2509 = arith.subi %div3A_2488, %sub3A_2508 : i32
        %select_n3A_2510 = arith.select %and3A_2507, %sub3A_2509, %div3A_2488 : i32
        %jit3A_2511 = arith.constant 8 : i32
        %eq3A_2512 = arith.constant 0 : i32
        %eq3A_2513 = arith.cmpi eq, %jit3A_2511, %eq3A_2512 : i32
        %jit3A_2514 = arith.constant 1 : i32
        %select_n3A_2515 = arith.select %eq3A_2513, %jit3A_2514, %jit3A_2511 : i32
        %rem3A_2516 = arith.remsi %squeeze3A_2386, %select_n3A_2515 : i32
        %ne3A_2517 = arith.constant 0 : i32
        %ne3A_2518 = arith.cmpi ne, %rem3A_2516, %ne3A_2517 : i32
        %lt3A_2519 = arith.constant 0 : i32
        %lt3A_2520 = arith.cmpi slt, %rem3A_2516, %lt3A_2519 : i32
        %lt3A_2521 = arith.constant 0 : i32
        %lt3A_2522 = arith.cmpi slt, %select_n3A_2515, %lt3A_2521 : i32
        %ne3A_2523 = arith.xori %lt3A_2520, %lt3A_2522 : i1
        %and3A_2524 = arith.andi %ne3A_2523, %ne3A_2518 : i1
        %add3A_2525 = arith.addi %rem3A_2516, %select_n3A_2515 : i32
        %select_n3A_2526 = arith.select %and3A_2524, %add3A_2525, %rem3A_2516 : i32
        %add3A_2527 = arith.addi %multiple_of3A, %add3A_2382 : i32
        %dma_start3A_2528 = arith.constant 0 : i32
        %dma_start3A_2529 = tpu.memref_slice %arg12[%add3A_2527, %dma_start3A_2528] : memref<512x1xf32, #tpu.memory_space<vmem>> -> memref<1x1xf32, #tpu.memory_space<vmem>>
        %dma_start3A_2530 = arith.constant 0 : i32
        %dma_start3A_2531 = tpu.memref_slice %arg6[%select_n3A_2510, %select_n3A_2526, %dma_start3A_2530] : memref<12500x8x1xf32, #tpu.memory_space<hbm>> -> memref<1x1x1xf32, #tpu.memory_space<hbm>>
        %dma_start3A_2532 = tpu.memref_squeeze %dma_start3A_2531 : memref<1x1x1xf32, #tpu.memory_space<hbm>> -> memref<1x1xf32, #tpu.memory_space<hbm>>
        %dma_start3A_2533 = arith.constant 0 : i32
        %dma_start3A_2534 = tpu.memref_slice %arg12[%add3A_2527, %dma_start3A_2533] : memref<512x1xf32, #tpu.memory_space<vmem>> -> memref<1x1xf32, #tpu.memory_space<vmem>>
        %dma_start3A_2535 = arith.constant 0 : i32
        %dma_start3A_2536 = tpu.memref_slice %arg6[%select_n3A_2510, %select_n3A_2526, %dma_start3A_2535] : memref<12500x8x1xf32, #tpu.memory_space<hbm>> -> memref<1x1x1xf32, #tpu.memory_space<hbm>>
        %dma_start3A_2537 = tpu.memref_squeeze %dma_start3A_2536 : memref<1x1x1xf32, #tpu.memory_space<hbm>> -> memref<1x1xf32, #tpu.memory_space<hbm>>
        tpu.enqueue_dma source(%dma_start3A_2537 : memref<1x1xf32, #tpu.memory_space<hbm>>) target(%dma_start3A_2534 : memref<1x1xf32, #tpu.memory_space<vmem>>) target_semaphore(%arg16 : memref<!tpu.dma_semaphore, #tpu.memory_space<semaphore_mem>>)
      }
      %scan3A_17 = arith.constant 8 : i32
      %scan3A_18 = arith.constant 0 : i32
      %scan3A_19 = arith.constant 0 : i32
      %scan3A_20 = arith.constant 128 : i32
      %scan3A_21 = arith.addi %scan3A_19, %scan3A_20 : i32
      %scan3A_22 = arith.constant 1 : i32
      scf.for %scan3A_30 = %scan3A_19 to %scan3A_21 step %scan3A_22  : i32 {
        %dma_wait3A = arith.constant 0 : i32
        %dma_wait3A_31 = arith.constant 0 : i32
        %dma_wait3A_32 = tpu.memref_slice %arg10[%scan3A_30, %dma_wait3A_31] : memref<128x32xf32, #tpu.memory_space<vmem>> -> memref<1x32xf32, #tpu.memory_space<vmem>>
        %dma_wait3A_33 = arith.constant 0 : i32
        %dma_wait3A_34 = arith.constant 0 : i32
        %dma_wait3A_35 = tpu.memref_slice %arg4[%dma_wait3A, %dma_wait3A_33, %dma_wait3A_34] : memref<125000x8x32xf32, #tpu.memory_space<hbm>> -> memref<1x1x32xf32, #tpu.memory_space<hbm>>
        %dma_wait3A_36 = tpu.memref_squeeze %dma_wait3A_35 : memref<1x1x32xf32, #tpu.memory_space<hbm>> -> memref<1x32xf32, #tpu.memory_space<hbm>>
        %dma_wait3A_37 = arith.constant 0 : i32
        %dma_wait3A_38 = tpu.memref_slice %arg10[%scan3A_30, %dma_wait3A_37] : memref<128x32xf32, #tpu.memory_space<vmem>> -> memref<1x32xf32, #tpu.memory_space<vmem>>
        %dma_wait3A_39 = arith.constant 0 : i32
        %dma_wait3A_40 = arith.constant 0 : i32
        %dma_wait3A_41 = tpu.memref_slice %arg4[%dma_wait3A, %dma_wait3A_39, %dma_wait3A_40] : memref<125000x8x32xf32, #tpu.memory_space<hbm>> -> memref<1x1x32xf32, #tpu.memory_space<hbm>>
        %dma_wait3A_42 = tpu.memref_squeeze %dma_wait3A_41 : memref<1x1x32xf32, #tpu.memory_space<hbm>> -> memref<1x32xf32, #tpu.memory_space<hbm>>
        tpu.wait_dma2 semaphore(%arg14 : memref<!tpu.dma_semaphore, #tpu.memory_space<semaphore_mem>>) src(%dma_wait3A_42 : memref<1x32xf32, #tpu.memory_space<hbm>>) dst(%dma_wait3A_38 : memref<1x32xf32, #tpu.memory_space<vmem>>)
        %dma_wait3A_43 = arith.constant 0 : i32
        %dma_wait3A_44 = arith.constant 0 : i32
        %dma_wait3A_45 = tpu.memref_slice %arg11[%scan3A_30, %dma_wait3A_44] : memref<128x32xf32, #tpu.memory_space<vmem>> -> memref<1x32xf32, #tpu.memory_space<vmem>>
        %dma_wait3A_46 = arith.constant 0 : i32
        %dma_wait3A_47 = arith.constant 0 : i32
        %dma_wait3A_48 = tpu.memref_slice %arg5[%dma_wait3A_43, %dma_wait3A_46, %dma_wait3A_47] : memref<12500x8x32xf32, #tpu.memory_space<hbm>> -> memref<1x1x32xf32, #tpu.memory_space<hbm>>
        %dma_wait3A_49 = tpu.memref_squeeze %dma_wait3A_48 : memref<1x1x32xf32, #tpu.memory_space<hbm>> -> memref<1x32xf32, #tpu.memory_space<hbm>>
        %dma_wait3A_50 = arith.constant 0 : i32
        %dma_wait3A_51 = tpu.memref_slice %arg11[%scan3A_30, %dma_wait3A_50] : memref<128x32xf32, #tpu.memory_space<vmem>> -> memref<1x32xf32, #tpu.memory_space<vmem>>
        %dma_wait3A_52 = arith.constant 0 : i32
        %dma_wait3A_53 = arith.constant 0 : i32
        %dma_wait3A_54 = tpu.memref_slice %arg5[%dma_wait3A_43, %dma_wait3A_52, %dma_wait3A_53] : memref<12500x8x32xf32, #tpu.memory_space<hbm>> -> memref<1x1x32xf32, #tpu.memory_space<hbm>>
        %dma_wait3A_55 = tpu.memref_squeeze %dma_wait3A_54 : memref<1x1x32xf32, #tpu.memory_space<hbm>> -> memref<1x32xf32, #tpu.memory_space<hbm>>
        tpu.wait_dma2 semaphore(%arg15 : memref<!tpu.dma_semaphore, #tpu.memory_space<semaphore_mem>>) src(%dma_wait3A_55 : memref<1x32xf32, #tpu.memory_space<hbm>>) dst(%dma_wait3A_51 : memref<1x32xf32, #tpu.memory_space<vmem>>)
        %dma_wait3A_56 = arith.constant 0 : i32
        %dma_wait3A_57 = arith.constant 0 : i32
        %dma_wait3A_58 = arith.constant 0 : i32
        %dma_wait3A_59 = tpu.memref_slice %arg12[%dma_wait3A_57, %dma_wait3A_58] : memref<512x1xf32, #tpu.memory_space<vmem>> -> memref<1x1xf32, #tpu.memory_space<vmem>>
        %dma_wait3A_60 = arith.constant 0 : i32
        %dma_wait3A_61 = arith.constant 0 : i32
        %dma_wait3A_62 = tpu.memref_slice %arg6[%dma_wait3A_56, %dma_wait3A_60, %dma_wait3A_61] : memref<12500x8x1xf32, #tpu.memory_space<hbm>> -> memref<1x1x1xf32, #tpu.memory_space<hbm>>
        %dma_wait3A_63 = tpu.memref_squeeze %dma_wait3A_62 : memref<1x1x1xf32, #tpu.memory_space<hbm>> -> memref<1x1xf32, #tpu.memory_space<hbm>>
        %dma_wait3A_64 = arith.constant 0 : i32
        %dma_wait3A_65 = arith.constant 0 : i32
        %dma_wait3A_66 = tpu.memref_slice %arg12[%dma_wait3A_64, %dma_wait3A_65] : memref<512x1xf32, #tpu.memory_space<vmem>> -> memref<1x1xf32, #tpu.memory_space<vmem>>
        %dma_wait3A_67 = arith.constant 0 : i32
        %dma_wait3A_68 = arith.constant 0 : i32
        %dma_wait3A_69 = tpu.memref_slice %arg6[%dma_wait3A_56, %dma_wait3A_67, %dma_wait3A_68] : memref<12500x8x1xf32, #tpu.memory_space<hbm>> -> memref<1x1x1xf32, #tpu.memory_space<hbm>>
        %dma_wait3A_70 = tpu.memref_squeeze %dma_wait3A_69 : memref<1x1x1xf32, #tpu.memory_space<hbm>> -> memref<1x1xf32, #tpu.memory_space<hbm>>
        tpu.wait_dma2 semaphore(%arg16 : memref<!tpu.dma_semaphore, #tpu.memory_space<semaphore_mem>>) src(%dma_wait3A_70 : memref<1x1xf32, #tpu.memory_space<hbm>>) dst(%dma_wait3A_66 : memref<1x1xf32, #tpu.memory_space<vmem>>)
      }
      %scan3A_23 = arith.constant 128 : i32
      %scan3A_24 = arith.constant 0 : i32
      %scan3A_25 = arith.constant 0 : i32
      %scan3A_26 = arith.constant 8 : i32
      %scan3A_27 = arith.addi %scan3A_25, %scan3A_26 : i32
      %scan3A_28 = arith.constant 1 : i32
      scf.for %scan3A_30 = %scan3A_25 to %scan3A_27 step %scan3A_28  : i32 {
        %mul3A_31 = arith.constant 16 : i32
        %mul3A_32 = arith.muli %scan3A_30, %mul3A_31 : i32
        %multiple_of3A_33 = tpu.assume_multiple %mul3A_32, 16 : i32
        %broadcast_in_dim3A_34 = arith.constant 0.000000e+00 : f32
        %broadcast_in_dim3A_35 = vector.broadcast %broadcast_in_dim3A_34 : f32 to vector<16xf32>
        %add3A_36 = arith.constant 0 : i32
        %add3A_37 = arith.addi %multiple_of3A_33, %add3A_36 : i32
        %get3A = arith.index_cast %add3A_37 : i32 to index
        %get3A_38 = arith.constant 0 : index
        %get3A_39 = tpu.vector_load %arg10[%get3A, %get3A_38] {strides = array<i32>} : memref<128x32xf32, #tpu.memory_space<vmem>>, vector<16xf32>,
        %get3A_40 = arith.index_cast %add3A_37 : i32 to index
        %get3A_41 = arith.constant 16 : index
        %get3A_42 = tpu.vector_load %arg10[%get3A_40, %get3A_41] {strides = array<i32>} : memref<128x32xf32, #tpu.memory_space<vmem>>, vector<16xf32>,
        %get3A_43 = arith.index_cast %add3A_37 : i32 to index
        %get3A_44 = arith.constant 0 : index
        %get3A_45 = tpu.vector_load %arg11[%get3A_43, %get3A_44] {strides = array<i32>} : memref<128x32xf32, #tpu.memory_space<vmem>>, vector<16xf32>,
        %get3A_46 = arith.index_cast %add3A_37 : i32 to index
        %get3A_47 = arith.constant 16 : index
        %get3A_48 = tpu.vector_load %arg11[%get3A_46, %get3A_47] {strides = array<i32>} : memref<128x32xf32, #tpu.memory_space<vmem>>, vector<16xf32>,
        %neg3A = arith.constant 0.000000e+00 : f32
        %neg3A_49 = vector.broadcast %neg3A : f32 to vector<16xf32>
        %neg3A_50 = arith.subf %neg3A_49, %get3A_39 : vector<16xf32>
        %exp3A = math.exp %neg3A_50 : vector<16xf32>
        %add3A_51 = arith.constant 1.000000e+00 : f32
        %add3A_52 = vector.broadcast %add3A_51 : f32 to vector<16xf32>
        %add3A_53 = arith.addf %add3A_52, %exp3A : vector<16xf32>
        %div3A = arith.constant 1.000000e+00 : f32
        %div3A_54 = vector.broadcast %div3A : f32 to vector<16xf32>
        %div3A_55 = arith.divf %div3A_54, %add3A_53 : vector<16xf32>
        %neg3A_56 = arith.constant 0.000000e+00 : f32
        %neg3A_57 = vector.broadcast %neg3A_56 : f32 to vector<16xf32>
        %neg3A_58 = arith.subf %neg3A_57, %get3A_45 : vector<16xf32>
        %exp3A_59 = math.exp %neg3A_58 : vector<16xf32>
        %add3A_60 = arith.constant 1.000000e+00 : f32
        %add3A_61 = vector.broadcast %add3A_60 : f32 to vector<16xf32>
        %add3A_62 = arith.addf %add3A_61, %exp3A_59 : vector<16xf32>
        %div3A_63 = arith.constant 1.000000e+00 : f32
        %div3A_64 = vector.broadcast %div3A_63 : f32 to vector<16xf32>
        %div3A_65 = arith.divf %div3A_64, %add3A_62 : vector<16xf32>
        %sub3A = arith.subf %div3A_55, %div3A_65 : vector<16xf32>
        %neg3A_66 = arith.constant 0.000000e+00 : f32
        %neg3A_67 = vector.broadcast %neg3A_66 : f32 to vector<16xf32>
        %neg3A_68 = arith.subf %neg3A_67, %get3A_42 : vector<16xf32>
        %exp3A_69 = math.exp %neg3A_68 : vector<16xf32>
        %add3A_70 = arith.constant 1.000000e+00 : f32
        %add3A_71 = vector.broadcast %add3A_70 : f32 to vector<16xf32>
        %add3A_72 = arith.addf %add3A_71, %exp3A_69 : vector<16xf32>
        %div3A_73 = arith.constant 1.000000e+00 : f32
        %div3A_74 = vector.broadcast %div3A_73 : f32 to vector<16xf32>
        %div3A_75 = arith.divf %div3A_74, %add3A_72 : vector<16xf32>
        %neg3A_76 = arith.constant 0.000000e+00 : f32
        %neg3A_77 = vector.broadcast %neg3A_76 : f32 to vector<16xf32>
        %neg3A_78 = arith.subf %neg3A_77, %get3A_48 : vector<16xf32>
        %exp3A_79 = math.exp %neg3A_78 : vector<16xf32>
        %add3A_80 = arith.constant 1.000000e+00 : f32
        %add3A_81 = vector.broadcast %add3A_80 : f32 to vector<16xf32>
        %add3A_82 = arith.addf %add3A_81, %exp3A_79 : vector<16xf32>
        %div3A_83 = arith.constant 1.000000e+00 : f32
        %div3A_84 = vector.broadcast %div3A_83 : f32 to vector<16xf32>
        %div3A_85 = arith.divf %div3A_84, %add3A_82 : vector<16xf32>
        %sub3A_86 = arith.subf %div3A_75, %div3A_85 : vector<16xf32>
        %add3A_87 = arith.addf %sub3A, %sub3A_86 : vector<16xf32>
        %reduce_sum3A = arith.constant true
        %reduce_sum3A_88 = vector.broadcast %reduce_sum3A : i1 to vector<16xi1>
        %reduce_sum3A_89 = tpu.scan <sum>, %add3A_87 masked %reduce_sum3A_88 : vector<16xf32>, vector<16xi1> -> vector<16xf32>
        %reduce_sum3A_90 = vector.extract %reduce_sum3A_89[15] : f32 from vector<16xf32>
        %eq3A = arith.constant 0 : i32
        %eq3A_91 = vector.broadcast %eq3A : i32 to vector<16xi32>
        %eq3A_92 = arith.cmpi eq, %iota3A, %eq3A_91 : vector<16xi32>
        %broadcast_in_dim3A_93 = vector.broadcast %reduce_sum3A_90 : f32 to vector<16xf32>
        %select_n3A = arith.select %eq3A_92, %broadcast_in_dim3A_93, %broadcast_in_dim3A_35 : vector<16xi1>, vector<16xf32>
        %add3A_94 = arith.constant 1 : i32
        %add3A_95 = arith.addi %multiple_of3A_33, %add3A_94 : i32
        %get3A_96 = arith.index_cast %add3A_95 : i32 to index
        %get3A_97 = arith.constant 0 : index
        %get3A_98 = tpu.vector_load %arg10[%get3A_96, %get3A_97] {strides = array<i32>} : memref<128x32xf32, #tpu.memory_space<vmem>>, vector<16xf32>,
        %get3A_99 = arith.index_cast %add3A_95 : i32 to index
        %get3A_100 = arith.constant 16 : index
        %get3A_101 = tpu.vector_load %arg10[%get3A_99, %get3A_100] {strides = array<i32>} : memref<128x32xf32, #tpu.memory_space<vmem>>, vector<16xf32>,
        %get3A_102 = arith.index_cast %add3A_95 : i32 to index
        %get3A_103 = arith.constant 0 : index
        %get3A_104 = tpu.vector_load %arg11[%get3A_102, %get3A_103] {strides = array<i32>} : memref<128x32xf32, #tpu.memory_space<vmem>>, vector<16xf32>,
        %get3A_105 = arith.index_cast %add3A_95 : i32 to index
        %get3A_106 = arith.constant 16 : index
        %get3A_107 = tpu.vector_load %arg11[%get3A_105, %get3A_106] {strides = array<i32>} : memref<128x32xf32, #tpu.memory_space<vmem>>, vector<16xf32>,
        %neg3A_108 = arith.constant 0.000000e+00 : f32
        %neg3A_109 = vector.broadcast %neg3A_108 : f32 to vector<16xf32>
        %neg3A_110 = arith.subf %neg3A_109, %get3A_98 : vector<16xf32>
        %exp3A_111 = math.exp %neg3A_110 : vector<16xf32>
        %add3A_112 = arith.constant 1.000000e+00 : f32
        %add3A_113 = vector.broadcast %add3A_112 : f32 to vector<16xf32>
        %add3A_114 = arith.addf %add3A_113, %exp3A_111 : vector<16xf32>
        %div3A_115 = arith.constant 1.000000e+00 : f32
        %div3A_116 = vector.broadcast %div3A_115 : f32 to vector<16xf32>
        %div3A_117 = arith.divf %div3A_116, %add3A_114 : vector<16xf32>
        %neg3A_118 = arith.constant 0.000000e+00 : f32
        %neg3A_119 = vector.broadcast %neg3A_118 : f32 to vector<16xf32>
        %neg3A_120 = arith.subf %neg3A_119, %get3A_104 : vector<16xf32>
        %exp3A_121 = math.exp %neg3A_120 : vector<16xf32>
        %add3A_122 = arith.constant 1.000000e+00 : f32
        %add3A_123 = vector.broadcast %add3A_122 : f32 to vector<16xf32>
        %add3A_124 = arith.addf %add3A_123, %exp3A_121 : vector<16xf32>
        %div3A_125 = arith.constant 1.000000e+00 : f32
        %div3A_126 = vector.broadcast %div3A_125 : f32 to vector<16xf32>
        %div3A_127 = arith.divf %div3A_126, %add3A_124 : vector<16xf32>
        %sub3A_128 = arith.subf %div3A_117, %div3A_127 : vector<16xf32>
        %neg3A_129 = arith.constant 0.000000e+00 : f32
        %neg3A_130 = vector.broadcast %neg3A_129 : f32 to vector<16xf32>
        %neg3A_131 = arith.subf %neg3A_130, %get3A_101 : vector<16xf32>
        %exp3A_132 = math.exp %neg3A_131 : vector<16xf32>
        %add3A_133 = arith.constant 1.000000e+00 : f32
        %add3A_134 = vector.broadcast %add3A_133 : f32 to vector<16xf32>
        %add3A_135 = arith.addf %add3A_134, %exp3A_132 : vector<16xf32>
        %div3A_136 = arith.constant 1.000000e+00 : f32
        %div3A_137 = vector.broadcast %div3A_136 : f32 to vector<16xf32>
        %div3A_138 = arith.divf %div3A_137, %add3A_135 : vector<16xf32>
        %neg3A_139 = arith.constant 0.000000e+00 : f32
        %neg3A_140 = vector.broadcast %neg3A_139 : f32 to vector<16xf32>
        %neg3A_141 = arith.subf %neg3A_140, %get3A_107 : vector<16xf32>
        %exp3A_142 = math.exp %neg3A_141 : vector<16xf32>
        %add3A_143 = arith.constant 1.000000e+00 : f32
        %add3A_144 = vector.broadcast %add3A_143 : f32 to vector<16xf32>
        %add3A_145 = arith.addf %add3A_144, %exp3A_142 : vector<16xf32>
        %div3A_146 = arith.constant 1.000000e+00 : f32
        %div3A_147 = vector.broadcast %div3A_146 : f32 to vector<16xf32>
        %div3A_148 = arith.divf %div3A_147, %add3A_145 : vector<16xf32>
        %sub3A_149 = arith.subf %div3A_138, %div3A_148 : vector<16xf32>
        %add3A_150 = arith.addf %sub3A_128, %sub3A_149 : vector<16xf32>
        %reduce_sum3A_151 = arith.constant true
        %reduce_sum3A_152 = vector.broadcast %reduce_sum3A_151 : i1 to vector<16xi1>
        %reduce_sum3A_153 = tpu.scan <sum>, %add3A_150 masked %reduce_sum3A_152 : vector<16xf32>, vector<16xi1> -> vector<16xf32>
        %reduce_sum3A_154 = vector.extract %reduce_sum3A_153[15] : f32 from vector<16xf32>
        %eq3A_155 = arith.constant 1 : i32
        %eq3A_156 = vector.broadcast %eq3A_155 : i32 to vector<16xi32>
        %eq3A_157 = arith.cmpi eq, %iota3A, %eq3A_156 : vector<16xi32>
        %broadcast_in_dim3A_158 = vector.broadcast %reduce_sum3A_154 : f32 to vector<16xf32>
        %select_n3A_159 = arith.select %eq3A_157, %broadcast_in_dim3A_158, %select_n3A : vector<16xi1>, vector<16xf32>
        %add3A_160 = arith.constant 2 : i32
        %add3A_161 = arith.addi %multiple_of3A_33, %add3A_160 : i32
        %get3A_162 = arith.index_cast %add3A_161 : i32 to index
        %get3A_163 = arith.constant 0 : index
        %get3A_164 = tpu.vector_load %arg10[%get3A_162, %get3A_163] {strides = array<i32>} : memref<128x32xf32, #tpu.memory_space<vmem>>, vector<16xf32>,
        %get3A_165 = arith.index_cast %add3A_161 : i32 to index
        %get3A_166 = arith.constant 16 : index
        %get3A_167 = tpu.vector_load %arg10[%get3A_165, %get3A_166] {strides = array<i32>} : memref<128x32xf32, #tpu.memory_space<vmem>>, vector<16xf32>,
        %get3A_168 = arith.index_cast %add3A_161 : i32 to index
        %get3A_169 = arith.constant 0 : index
        %get3A_170 = tpu.vector_load %arg11[%get3A_168, %get3A_169] {strides = array<i32>} : memref<128x32xf32, #tpu.memory_space<vmem>>, vector<16xf32>,
        %get3A_171 = arith.index_cast %add3A_161 : i32 to index
        %get3A_172 = arith.constant 16 : index
        %get3A_173 = tpu.vector_load %arg11[%get3A_171, %get3A_172] {strides = array<i32>} : memref<128x32xf32, #tpu.memory_space<vmem>>, vector<16xf32>,
        %neg3A_174 = arith.constant 0.000000e+00 : f32
        %neg3A_175 = vector.broadcast %neg3A_174 : f32 to vector<16xf32>
        %neg3A_176 = arith.subf %neg3A_175, %get3A_164 : vector<16xf32>
        %exp3A_177 = math.exp %neg3A_176 : vector<16xf32>
        %add3A_178 = arith.constant 1.000000e+00 : f32
        %add3A_179 = vector.broadcast %add3A_178 : f32 to vector<16xf32>
        %add3A_180 = arith.addf %add3A_179, %exp3A_177 : vector<16xf32>
        %div3A_181 = arith.constant 1.000000e+00 : f32
        %div3A_182 = vector.broadcast %div3A_181 : f32 to vector<16xf32>
        %div3A_183 = arith.divf %div3A_182, %add3A_180 : vector<16xf32>
        %neg3A_184 = arith.constant 0.000000e+00 : f32
        %neg3A_185 = vector.broadcast %neg3A_184 : f32 to vector<16xf32>
        %neg3A_186 = arith.subf %neg3A_185, %get3A_170 : vector<16xf32>
        %exp3A_187 = math.exp %neg3A_186 : vector<16xf32>
        %add3A_188 = arith.constant 1.000000e+00 : f32
        %add3A_189 = vector.broadcast %add3A_188 : f32 to vector<16xf32>
        %add3A_190 = arith.addf %add3A_189, %exp3A_187 : vector<16xf32>
        %div3A_191 = arith.constant 1.000000e+00 : f32
        %div3A_192 = vector.broadcast %div3A_191 : f32 to vector<16xf32>
        %div3A_193 = arith.divf %div3A_192, %add3A_190 : vector<16xf32>
        %sub3A_194 = arith.subf %div3A_183, %div3A_193 : vector<16xf32>
        %neg3A_195 = arith.constant 0.000000e+00 : f32
        %neg3A_196 = vector.broadcast %neg3A_195 : f32 to vector<16xf32>
        %neg3A_197 = arith.subf %neg3A_196, %get3A_167 : vector<16xf32>
        %exp3A_198 = math.exp %neg3A_197 : vector<16xf32>
        %add3A_199 = arith.constant 1.000000e+00 : f32
        %add3A_200 = vector.broadcast %add3A_199 : f32 to vector<16xf32>
        %add3A_201 = arith.addf %add3A_200, %exp3A_198 : vector<16xf32>
        %div3A_202 = arith.constant 1.000000e+00 : f32
        %div3A_203 = vector.broadcast %div3A_202 : f32 to vector<16xf32>
        %div3A_204 = arith.divf %div3A_203, %add3A_201 : vector<16xf32>
        %neg3A_205 = arith.constant 0.000000e+00 : f32
        %neg3A_206 = vector.broadcast %neg3A_205 : f32 to vector<16xf32>
        %neg3A_207 = arith.subf %neg3A_206, %get3A_173 : vector<16xf32>
        %exp3A_208 = math.exp %neg3A_207 : vector<16xf32>
        %add3A_209 = arith.constant 1.000000e+00 : f32
        %add3A_210 = vector.broadcast %add3A_209 : f32 to vector<16xf32>
        %add3A_211 = arith.addf %add3A_210, %exp3A_208 : vector<16xf32>
        %div3A_212 = arith.constant 1.000000e+00 : f32
        %div3A_213 = vector.broadcast %div3A_212 : f32 to vector<16xf32>
        %div3A_214 = arith.divf %div3A_213, %add3A_211 : vector<16xf32>
        %sub3A_215 = arith.subf %div3A_204, %div3A_214 : vector<16xf32>
        %add3A_216 = arith.addf %sub3A_194, %sub3A_215 : vector<16xf32>
        %reduce_sum3A_217 = arith.constant true
        %reduce_sum3A_218 = vector.broadcast %reduce_sum3A_217 : i1 to vector<16xi1>
        %reduce_sum3A_219 = tpu.scan <sum>, %add3A_216 masked %reduce_sum3A_218 : vector<16xf32>, vector<16xi1> -> vector<16xf32>
        %reduce_sum3A_220 = vector.extract %reduce_sum3A_219[15] : f32 from vector<16xf32>
        %eq3A_221 = arith.constant 2 : i32
        %eq3A_222 = vector.broadcast %eq3A_221 : i32 to vector<16xi32>
        %eq3A_223 = arith.cmpi eq, %iota3A, %eq3A_222 : vector<16xi32>
        %broadcast_in_dim3A_224 = vector.broadcast %reduce_sum3A_220 : f32 to vector<16xf32>
        %select_n3A_225 = arith.select %eq3A_223, %broadcast_in_dim3A_224, %select_n3A_159 : vector<16xi1>, vector<16xf32>
        %add3A_226 = arith.constant 3 : i32
        %add3A_227 = arith.addi %multiple_of3A_33, %add3A_226 : i32
        %get3A_228 = arith.index_cast %add3A_227 : i32 to index
        %get3A_229 = arith.constant 0 : index
        %get3A_230 = tpu.vector_load %arg10[%get3A_228, %get3A_229] {strides = array<i32>} : memref<128x32xf32, #tpu.memory_space<vmem>>, vector<16xf32>,
        %get3A_231 = arith.index_cast %add3A_227 : i32 to index
        %get3A_232 = arith.constant 16 : index
        %get3A_233 = tpu.vector_load %arg10[%get3A_231, %get3A_232] {strides = array<i32>} : memref<128x32xf32, #tpu.memory_space<vmem>>, vector<16xf32>,
        %get3A_234 = arith.index_cast %add3A_227 : i32 to index
        %get3A_235 = arith.constant 0 : index
        %get3A_236 = tpu.vector_load %arg11[%get3A_234, %get3A_235] {strides = array<i32>} : memref<128x32xf32, #tpu.memory_space<vmem>>, vector<16xf32>,
        %get3A_237 = arith.index_cast %add3A_227 : i32 to index
        %get3A_238 = arith.constant 16 : index
        %get3A_239 = tpu.vector_load %arg11[%get3A_237, %get3A_238] {strides = array<i32>} : memref<128x32xf32, #tpu.memory_space<vmem>>, vector<16xf32>,
        %neg3A_240 = arith.constant 0.000000e+00 : f32
        %neg3A_241 = vector.broadcast %neg3A_240 : f32 to vector<16xf32>
        %neg3A_242 = arith.subf %neg3A_241, %get3A_230 : vector<16xf32>
        %exp3A_243 = math.exp %neg3A_242 : vector<16xf32>
        %add3A_244 = arith.constant 1.000000e+00 : f32
        %add3A_245 = vector.broadcast %add3A_244 : f32 to vector<16xf32>
        %add3A_246 = arith.addf %add3A_245, %exp3A_243 : vector<16xf32>
        %div3A_247 = arith.constant 1.000000e+00 : f32
        %div3A_248 = vector.broadcast %div3A_247 : f32 to vector<16xf32>
        %div3A_249 = arith.divf %div3A_248, %add3A_246 : vector<16xf32>
        %neg3A_250 = arith.constant 0.000000e+00 : f32
        %neg3A_251 = vector.broadcast %neg3A_250 : f32 to vector<16xf32>
        %neg3A_252 = arith.subf %neg3A_251, %get3A_236 : vector<16xf32>
        %exp3A_253 = math.exp %neg3A_252 : vector<16xf32>
        %add3A_254 = arith.constant 1.000000e+00 : f32
        %add3A_255 = vector.broadcast %add3A_254 : f32 to vector<16xf32>
        %add3A_256 = arith.addf %add3A_255, %exp3A_253 : vector<16xf32>
        %div3A_257 = arith.constant 1.000000e+00 : f32
        %div3A_258 = vector.broadcast %div3A_257 : f32 to vector<16xf32>
        %div3A_259 = arith.divf %div3A_258, %add3A_256 : vector<16xf32>
        %sub3A_260 = arith.subf %div3A_249, %div3A_259 : vector<16xf32>
        %neg3A_261 = arith.constant 0.000000e+00 : f32
        %neg3A_262 = vector.broadcast %neg3A_261 : f32 to vector<16xf32>
        %neg3A_263 = arith.subf %neg3A_262, %get3A_233 : vector<16xf32>
        %exp3A_264 = math.exp %neg3A_263 : vector<16xf32>
        %add3A_265 = arith.constant 1.000000e+00 : f32
        %add3A_266 = vector.broadcast %add3A_265 : f32 to vector<16xf32>
        %add3A_267 = arith.addf %add3A_266, %exp3A_264 : vector<16xf32>
        %div3A_268 = arith.constant 1.000000e+00 : f32
        %div3A_269 = vector.broadcast %div3A_268 : f32 to vector<16xf32>
        %div3A_270 = arith.divf %div3A_269, %add3A_267 : vector<16xf32>
        %neg3A_271 = arith.constant 0.000000e+00 : f32
        %neg3A_272 = vector.broadcast %neg3A_271 : f32 to vector<16xf32>
        %neg3A_273 = arith.subf %neg3A_272, %get3A_239 : vector<16xf32>
        %exp3A_274 = math.exp %neg3A_273 : vector<16xf32>
        %add3A_275 = arith.constant 1.000000e+00 : f32
        %add3A_276 = vector.broadcast %add3A_275 : f32 to vector<16xf32>
        %add3A_277 = arith.addf %add3A_276, %exp3A_274 : vector<16xf32>
        %div3A_278 = arith.constant 1.000000e+00 : f32
        %div3A_279 = vector.broadcast %div3A_278 : f32 to vector<16xf32>
        %div3A_280 = arith.divf %div3A_279, %add3A_277 : vector<16xf32>
        %sub3A_281 = arith.subf %div3A_270, %div3A_280 : vector<16xf32>
        %add3A_282 = arith.addf %sub3A_260, %sub3A_281 : vector<16xf32>
        %reduce_sum3A_283 = arith.constant true
        %reduce_sum3A_284 = vector.broadcast %reduce_sum3A_283 : i1 to vector<16xi1>
        %reduce_sum3A_285 = tpu.scan <sum>, %add3A_282 masked %reduce_sum3A_284 : vector<16xf32>, vector<16xi1> -> vector<16xf32>
        %reduce_sum3A_286 = vector.extract %reduce_sum3A_285[15] : f32 from vector<16xf32>
        %eq3A_287 = arith.constant 3 : i32
        %eq3A_288 = vector.broadcast %eq3A_287 : i32 to vector<16xi32>
        %eq3A_289 = arith.cmpi eq, %iota3A, %eq3A_288 : vector<16xi32>
        %broadcast_in_dim3A_290 = vector.broadcast %reduce_sum3A_286 : f32 to vector<16xf32>
        %select_n3A_291 = arith.select %eq3A_289, %broadcast_in_dim3A_290, %select_n3A_225 : vector<16xi1>, vector<16xf32>
        %add3A_292 = arith.constant 4 : i32
        %add3A_293 = arith.addi %multiple_of3A_33, %add3A_292 : i32
        %get3A_294 = arith.index_cast %add3A_293 : i32 to index
        %get3A_295 = arith.constant 0 : index
        %get3A_296 = tpu.vector_load %arg10[%get3A_294, %get3A_295] {strides = array<i32>} : memref<128x32xf32, #tpu.memory_space<vmem>>, vector<16xf32>,
        %get3A_297 = arith.index_cast %add3A_293 : i32 to index
        %get3A_298 = arith.constant 16 : index
        %get3A_299 = tpu.vector_load %arg10[%get3A_297, %get3A_298] {strides = array<i32>} : memref<128x32xf32, #tpu.memory_space<vmem>>, vector<16xf32>,
        %get3A_300 = arith.index_cast %add3A_293 : i32 to index
        %get3A_301 = arith.constant 0 : index
        %get3A_302 = tpu.vector_load %arg11[%get3A_300, %get3A_301] {strides = array<i32>} : memref<128x32xf32, #tpu.memory_space<vmem>>, vector<16xf32>,
        %get3A_303 = arith.index_cast %add3A_293 : i32 to index
        %get3A_304 = arith.constant 16 : index
        %get3A_305 = tpu.vector_load %arg11[%get3A_303, %get3A_304] {strides = array<i32>} : memref<128x32xf32, #tpu.memory_space<vmem>>, vector<16xf32>,
        %neg3A_306 = arith.constant 0.000000e+00 : f32
        %neg3A_307 = vector.broadcast %neg3A_306 : f32 to vector<16xf32>
        %neg3A_308 = arith.subf %neg3A_307, %get3A_296 : vector<16xf32>
        %exp3A_309 = math.exp %neg3A_308 : vector<16xf32>
        %add3A_310 = arith.constant 1.000000e+00 : f32
        %add3A_311 = vector.broadcast %add3A_310 : f32 to vector<16xf32>
        %add3A_312 = arith.addf %add3A_311, %exp3A_309 : vector<16xf32>
        %div3A_313 = arith.constant 1.000000e+00 : f32
        %div3A_314 = vector.broadcast %div3A_313 : f32 to vector<16xf32>
        %div3A_315 = arith.divf %div3A_314, %add3A_312 : vector<16xf32>
        %neg3A_316 = arith.constant 0.000000e+00 : f32
        %neg3A_317 = vector.broadcast %neg3A_316 : f32 to vector<16xf32>
        %neg3A_318 = arith.subf %neg3A_317, %get3A_302 : vector<16xf32>
        %exp3A_319 = math.exp %neg3A_318 : vector<16xf32>
        %add3A_320 = arith.constant 1.000000e+00 : f32
        %add3A_321 = vector.broadcast %add3A_320 : f32 to vector<16xf32>
        %add3A_322 = arith.addf %add3A_321, %exp3A_319 : vector<16xf32>
        %div3A_323 = arith.constant 1.000000e+00 : f32
        %div3A_324 = vector.broadcast %div3A_323 : f32 to vector<16xf32>
        %div3A_325 = arith.divf %div3A_324, %add3A_322 : vector<16xf32>
        %sub3A_326 = arith.subf %div3A_315, %div3A_325 : vector<16xf32>
        %neg3A_327 = arith.constant 0.000000e+00 : f32
        %neg3A_328 = vector.broadcast %neg3A_327 : f32 to vector<16xf32>
        %neg3A_329 = arith.subf %neg3A_328, %get3A_299 : vector<16xf32>
        %exp3A_330 = math.exp %neg3A_329 : vector<16xf32>
        %add3A_331 = arith.constant 1.000000e+00 : f32
        %add3A_332 = vector.broadcast %add3A_331 : f32 to vector<16xf32>
        %add3A_333 = arith.addf %add3A_332, %exp3A_330 : vector<16xf32>
        %div3A_334 = arith.constant 1.000000e+00 : f32
        %div3A_335 = vector.broadcast %div3A_334 : f32 to vector<16xf32>
        %div3A_336 = arith.divf %div3A_335, %add3A_333 : vector<16xf32>
        %neg3A_337 = arith.constant 0.000000e+00 : f32
        %neg3A_338 = vector.broadcast %neg3A_337 : f32 to vector<16xf32>
        %neg3A_339 = arith.subf %neg3A_338, %get3A_305 : vector<16xf32>
        %exp3A_340 = math.exp %neg3A_339 : vector<16xf32>
        %add3A_341 = arith.constant 1.000000e+00 : f32
        %add3A_342 = vector.broadcast %add3A_341 : f32 to vector<16xf32>
        %add3A_343 = arith.addf %add3A_342, %exp3A_340 : vector<16xf32>
        %div3A_344 = arith.constant 1.000000e+00 : f32
        %div3A_345 = vector.broadcast %div3A_344 : f32 to vector<16xf32>
        %div3A_346 = arith.divf %div3A_345, %add3A_343 : vector<16xf32>
        %sub3A_347 = arith.subf %div3A_336, %div3A_346 : vector<16xf32>
        %add3A_348 = arith.addf %sub3A_326, %sub3A_347 : vector<16xf32>
        %reduce_sum3A_349 = arith.constant true
        %reduce_sum3A_350 = vector.broadcast %reduce_sum3A_349 : i1 to vector<16xi1>
        %reduce_sum3A_351 = tpu.scan <sum>, %add3A_348 masked %reduce_sum3A_350 : vector<16xf32>, vector<16xi1> -> vector<16xf32>
        %reduce_sum3A_352 = vector.extract %reduce_sum3A_351[15] : f32 from vector<16xf32>
        %eq3A_353 = arith.constant 4 : i32
        %eq3A_354 = vector.broadcast %eq3A_353 : i32 to vector<16xi32>
        %eq3A_355 = arith.cmpi eq, %iota3A, %eq3A_354 : vector<16xi32>
        %broadcast_in_dim3A_356 = vector.broadcast %reduce_sum3A_352 : f32 to vector<16xf32>
        %select_n3A_357 = arith.select %eq3A_355, %broadcast_in_dim3A_356, %select_n3A_291 : vector<16xi1>, vector<16xf32>
        %add3A_358 = arith.constant 5 : i32
        %add3A_359 = arith.addi %multiple_of3A_33, %add3A_358 : i32
        %get3A_360 = arith.index_cast %add3A_359 : i32 to index
        %get3A_361 = arith.constant 0 : index
        %get3A_362 = tpu.vector_load %arg10[%get3A_360, %get3A_361] {strides = array<i32>} : memref<128x32xf32, #tpu.memory_space<vmem>>, vector<16xf32>,
        %get3A_363 = arith.index_cast %add3A_359 : i32 to index
        %get3A_364 = arith.constant 16 : index
        %get3A_365 = tpu.vector_load %arg10[%get3A_363, %get3A_364] {strides = array<i32>} : memref<128x32xf32, #tpu.memory_space<vmem>>, vector<16xf32>,
        %get3A_366 = arith.index_cast %add3A_359 : i32 to index
        %get3A_367 = arith.constant 0 : index
        %get3A_368 = tpu.vector_load %arg11[%get3A_366, %get3A_367] {strides = array<i32>} : memref<128x32xf32, #tpu.memory_space<vmem>>, vector<16xf32>,
        %get3A_369 = arith.index_cast %add3A_359 : i32 to index
        %get3A_370 = arith.constant 16 : index
        %get3A_371 = tpu.vector_load %arg11[%get3A_369, %get3A_370] {strides = array<i32>} : memref<128x32xf32, #tpu.memory_space<vmem>>, vector<16xf32>,
        %neg3A_372 = arith.constant 0.000000e+00 : f32
        %neg3A_373 = vector.broadcast %neg3A_372 : f32 to vector<16xf32>
        %neg3A_374 = arith.subf %neg3A_373, %get3A_362 : vector<16xf32>
        %exp3A_375 = math.exp %neg3A_374 : vector<16xf32>
        %add3A_376 = arith.constant 1.000000e+00 : f32
        %add3A_377 = vector.broadcast %add3A_376 : f32 to vector<16xf32>
        %add3A_378 = arith.addf %add3A_377, %exp3A_375 : vector<16xf32>
        %div3A_379 = arith.constant 1.000000e+00 : f32
        %div3A_380 = vector.broadcast %div3A_379 : f32 to vector<16xf32>
        %div3A_381 = arith.divf %div3A_380, %add3A_378 : vector<16xf32>
        %neg3A_382 = arith.constant 0.000000e+00 : f32
        %neg3A_383 = vector.broadcast %neg3A_382 : f32 to vector<16xf32>
        %neg3A_384 = arith.subf %neg3A_383, %get3A_368 : vector<16xf32>
        %exp3A_385 = math.exp %neg3A_384 : vector<16xf32>
        %add3A_386 = arith.constant 1.000000e+00 : f32
        %add3A_387 = vector.broadcast %add3A_386 : f32 to vector<16xf32>
        %add3A_388 = arith.addf %add3A_387, %exp3A_385 : vector<16xf32>
        %div3A_389 = arith.constant 1.000000e+00 : f32
        %div3A_390 = vector.broadcast %div3A_389 : f32 to vector<16xf32>
        %div3A_391 = arith.divf %div3A_390, %add3A_388 : vector<16xf32>
        %sub3A_392 = arith.subf %div3A_381, %div3A_391 : vector<16xf32>
        %neg3A_393 = arith.constant 0.000000e+00 : f32
        %neg3A_394 = vector.broadcast %neg3A_393 : f32 to vector<16xf32>
        %neg3A_395 = arith.subf %neg3A_394, %get3A_365 : vector<16xf32>
        %exp3A_396 = math.exp %neg3A_395 : vector<16xf32>
        %add3A_397 = arith.constant 1.000000e+00 : f32
        %add3A_398 = vector.broadcast %add3A_397 : f32 to vector<16xf32>
        %add3A_399 = arith.addf %add3A_398, %exp3A_396 : vector<16xf32>
        %div3A_400 = arith.constant 1.000000e+00 : f32
        %div3A_401 = vector.broadcast %div3A_400 : f32 to vector<16xf32>
        %div3A_402 = arith.divf %div3A_401, %add3A_399 : vector<16xf32>
        %neg3A_403 = arith.constant 0.000000e+00 : f32
        %neg3A_404 = vector.broadcast %neg3A_403 : f32 to vector<16xf32>
        %neg3A_405 = arith.subf %neg3A_404, %get3A_371 : vector<16xf32>
        %exp3A_406 = math.exp %neg3A_405 : vector<16xf32>
        %add3A_407 = arith.constant 1.000000e+00 : f32
        %add3A_408 = vector.broadcast %add3A_407 : f32 to vector<16xf32>
        %add3A_409 = arith.addf %add3A_408, %exp3A_406 : vector<16xf32>
        %div3A_410 = arith.constant 1.000000e+00 : f32
        %div3A_411 = vector.broadcast %div3A_410 : f32 to vector<16xf32>
        %div3A_412 = arith.divf %div3A_411, %add3A_409 : vector<16xf32>
        %sub3A_413 = arith.subf %div3A_402, %div3A_412 : vector<16xf32>
        %add3A_414 = arith.addf %sub3A_392, %sub3A_413 : vector<16xf32>
        %reduce_sum3A_415 = arith.constant true
        %reduce_sum3A_416 = vector.broadcast %reduce_sum3A_415 : i1 to vector<16xi1>
        %reduce_sum3A_417 = tpu.scan <sum>, %add3A_414 masked %reduce_sum3A_416 : vector<16xf32>, vector<16xi1> -> vector<16xf32>
        %reduce_sum3A_418 = vector.extract %reduce_sum3A_417[15] : f32 from vector<16xf32>
        %eq3A_419 = arith.constant 5 : i32
        %eq3A_420 = vector.broadcast %eq3A_419 : i32 to vector<16xi32>
        %eq3A_421 = arith.cmpi eq, %iota3A, %eq3A_420 : vector<16xi32>
        %broadcast_in_dim3A_422 = vector.broadcast %reduce_sum3A_418 : f32 to vector<16xf32>
        %select_n3A_423 = arith.select %eq3A_421, %broadcast_in_dim3A_422, %select_n3A_357 : vector<16xi1>, vector<16xf32>
        %add3A_424 = arith.constant 6 : i32
        %add3A_425 = arith.addi %multiple_of3A_33, %add3A_424 : i32
        %get3A_426 = arith.index_cast %add3A_425 : i32 to index
        %get3A_427 = arith.constant 0 : index
        %get3A_428 = tpu.vector_load %arg10[%get3A_426, %get3A_427] {strides = array<i32>} : memref<128x32xf32, #tpu.memory_space<vmem>>, vector<16xf32>,
        %get3A_429 = arith.index_cast %add3A_425 : i32 to index
        %get3A_430 = arith.constant 16 : index
        %get3A_431 = tpu.vector_load %arg10[%get3A_429, %get3A_430] {strides = array<i32>} : memref<128x32xf32, #tpu.memory_space<vmem>>, vector<16xf32>,
        %get3A_432 = arith.index_cast %add3A_425 : i32 to index
        %get3A_433 = arith.constant 0 : index
        %get3A_434 = tpu.vector_load %arg11[%get3A_432, %get3A_433] {strides = array<i32>} : memref<128x32xf32, #tpu.memory_space<vmem>>, vector<16xf32>,
        %get3A_435 = arith.index_cast %add3A_425 : i32 to index
        %get3A_436 = arith.constant 16 : index
        %get3A_437 = tpu.vector_load %arg11[%get3A_435, %get3A_436] {strides = array<i32>} : memref<128x32xf32, #tpu.memory_space<vmem>>, vector<16xf32>,
        %neg3A_438 = arith.constant 0.000000e+00 : f32
        %neg3A_439 = vector.broadcast %neg3A_438 : f32 to vector<16xf32>
        %neg3A_440 = arith.subf %neg3A_439, %get3A_428 : vector<16xf32>
        %exp3A_441 = math.exp %neg3A_440 : vector<16xf32>
        %add3A_442 = arith.constant 1.000000e+00 : f32
        %add3A_443 = vector.broadcast %add3A_442 : f32 to vector<16xf32>
        %add3A_444 = arith.addf %add3A_443, %exp3A_441 : vector<16xf32>
        %div3A_445 = arith.constant 1.000000e+00 : f32
        %div3A_446 = vector.broadcast %div3A_445 : f32 to vector<16xf32>
        %div3A_447 = arith.divf %div3A_446, %add3A_444 : vector<16xf32>
        %neg3A_448 = arith.constant 0.000000e+00 : f32
        %neg3A_449 = vector.broadcast %neg3A_448 : f32 to vector<16xf32>
        %neg3A_450 = arith.subf %neg3A_449, %get3A_434 : vector<16xf32>
        %exp3A_451 = math.exp %neg3A_450 : vector<16xf32>
        %add3A_452 = arith.constant 1.000000e+00 : f32
        %add3A_453 = vector.broadcast %add3A_452 : f32 to vector<16xf32>
        %add3A_454 = arith.addf %add3A_453, %exp3A_451 : vector<16xf32>
        %div3A_455 = arith.constant 1.000000e+00 : f32
        %div3A_456 = vector.broadcast %div3A_455 : f32 to vector<16xf32>
        %div3A_457 = arith.divf %div3A_456, %add3A_454 : vector<16xf32>
        %sub3A_458 = arith.subf %div3A_447, %div3A_457 : vector<16xf32>
        %neg3A_459 = arith.constant 0.000000e+00 : f32
        %neg3A_460 = vector.broadcast %neg3A_459 : f32 to vector<16xf32>
        %neg3A_461 = arith.subf %neg3A_460, %get3A_431 : vector<16xf32>
        %exp3A_462 = math.exp %neg3A_461 : vector<16xf32>
        %add3A_463 = arith.constant 1.000000e+00 : f32
        %add3A_464 = vector.broadcast %add3A_463 : f32 to vector<16xf32>
        %add3A_465 = arith.addf %add3A_464, %exp3A_462 : vector<16xf32>
        %div3A_466 = arith.constant 1.000000e+00 : f32
        %div3A_467 = vector.broadcast %div3A_466 : f32 to vector<16xf32>
        %div3A_468 = arith.divf %div3A_467, %add3A_465 : vector<16xf32>
        %neg3A_469 = arith.constant 0.000000e+00 : f32
        %neg3A_470 = vector.broadcast %neg3A_469 : f32 to vector<16xf32>
        %neg3A_471 = arith.subf %neg3A_470, %get3A_437 : vector<16xf32>
        %exp3A_472 = math.exp %neg3A_471 : vector<16xf32>
        %add3A_473 = arith.constant 1.000000e+00 : f32
        %add3A_474 = vector.broadcast %add3A_473 : f32 to vector<16xf32>
        %add3A_475 = arith.addf %add3A_474, %exp3A_472 : vector<16xf32>
        %div3A_476 = arith.constant 1.000000e+00 : f32
        %div3A_477 = vector.broadcast %div3A_476 : f32 to vector<16xf32>
        %div3A_478 = arith.divf %div3A_477, %add3A_475 : vector<16xf32>
        %sub3A_479 = arith.subf %div3A_468, %div3A_478 : vector<16xf32>
        %add3A_480 = arith.addf %sub3A_458, %sub3A_479 : vector<16xf32>
        %reduce_sum3A_481 = arith.constant true
        %reduce_sum3A_482 = vector.broadcast %reduce_sum3A_481 : i1 to vector<16xi1>
        %reduce_sum3A_483 = tpu.scan <sum>, %add3A_480 masked %reduce_sum3A_482 : vector<16xf32>, vector<16xi1> -> vector<16xf32>
        %reduce_sum3A_484 = vector.extract %reduce_sum3A_483[15] : f32 from vector<16xf32>
        %eq3A_485 = arith.constant 6 : i32
        %eq3A_486 = vector.broadcast %eq3A_485 : i32 to vector<16xi32>
        %eq3A_487 = arith.cmpi eq, %iota3A, %eq3A_486 : vector<16xi32>
        %broadcast_in_dim3A_488 = vector.broadcast %reduce_sum3A_484 : f32 to vector<16xf32>
        %select_n3A_489 = arith.select %eq3A_487, %broadcast_in_dim3A_488, %select_n3A_423 : vector<16xi1>, vector<16xf32>
        %add3A_490 = arith.constant 7 : i32
        %add3A_491 = arith.addi %multiple_of3A_33, %add3A_490 : i32
        %get3A_492 = arith.index_cast %add3A_491 : i32 to index
        %get3A_493 = arith.constant 0 : index
        %get3A_494 = tpu.vector_load %arg10[%get3A_492, %get3A_493] {strides = array<i32>} : memref<128x32xf32, #tpu.memory_space<vmem>>, vector<16xf32>,
        %get3A_495 = arith.index_cast %add3A_491 : i32 to index
        %get3A_496 = arith.constant 16 : index
        %get3A_497 = tpu.vector_load %arg10[%get3A_495, %get3A_496] {strides = array<i32>} : memref<128x32xf32, #tpu.memory_space<vmem>>, vector<16xf32>,
        %get3A_498 = arith.index_cast %add3A_491 : i32 to index
        %get3A_499 = arith.constant 0 : index
        %get3A_500 = tpu.vector_load %arg11[%get3A_498, %get3A_499] {strides = array<i32>} : memref<128x32xf32, #tpu.memory_space<vmem>>, vector<16xf32>,
        %get3A_501 = arith.index_cast %add3A_491 : i32 to index
        %get3A_502 = arith.constant 16 : index
        %get3A_503 = tpu.vector_load %arg11[%get3A_501, %get3A_502] {strides = array<i32>} : memref<128x32xf32, #tpu.memory_space<vmem>>, vector<16xf32>,
        %neg3A_504 = arith.constant 0.000000e+00 : f32
        %neg3A_505 = vector.broadcast %neg3A_504 : f32 to vector<16xf32>
        %neg3A_506 = arith.subf %neg3A_505, %get3A_494 : vector<16xf32>
        %exp3A_507 = math.exp %neg3A_506 : vector<16xf32>
        %add3A_508 = arith.constant 1.000000e+00 : f32
        %add3A_509 = vector.broadcast %add3A_508 : f32 to vector<16xf32>
        %add3A_510 = arith.addf %add3A_509, %exp3A_507 : vector<16xf32>
        %div3A_511 = arith.constant 1.000000e+00 : f32
        %div3A_512 = vector.broadcast %div3A_511 : f32 to vector<16xf32>
        %div3A_513 = arith.divf %div3A_512, %add3A_510 : vector<16xf32>
        %neg3A_514 = arith.constant 0.000000e+00 : f32
        %neg3A_515 = vector.broadcast %neg3A_514 : f32 to vector<16xf32>
        %neg3A_516 = arith.subf %neg3A_515, %get3A_500 : vector<16xf32>
        %exp3A_517 = math.exp %neg3A_516 : vector<16xf32>
        %add3A_518 = arith.constant 1.000000e+00 : f32
        %add3A_519 = vector.broadcast %add3A_518 : f32 to vector<16xf32>
        %add3A_520 = arith.addf %add3A_519, %exp3A_517 : vector<16xf32>
        %div3A_521 = arith.constant 1.000000e+00 : f32
        %div3A_522 = vector.broadcast %div3A_521 : f32 to vector<16xf32>
        %div3A_523 = arith.divf %div3A_522, %add3A_520 : vector<16xf32>
        %sub3A_524 = arith.subf %div3A_513, %div3A_523 : vector<16xf32>
        %neg3A_525 = arith.constant 0.000000e+00 : f32
        %neg3A_526 = vector.broadcast %neg3A_525 : f32 to vector<16xf32>
        %neg3A_527 = arith.subf %neg3A_526, %get3A_497 : vector<16xf32>
        %exp3A_528 = math.exp %neg3A_527 : vector<16xf32>
        %add3A_529 = arith.constant 1.000000e+00 : f32
        %add3A_530 = vector.broadcast %add3A_529 : f32 to vector<16xf32>
        %add3A_531 = arith.addf %add3A_530, %exp3A_528 : vector<16xf32>
        %div3A_532 = arith.constant 1.000000e+00 : f32
        %div3A_533 = vector.broadcast %div3A_532 : f32 to vector<16xf32>
        %div3A_534 = arith.divf %div3A_533, %add3A_531 : vector<16xf32>
        %neg3A_535 = arith.constant 0.000000e+00 : f32
        %neg3A_536 = vector.broadcast %neg3A_535 : f32 to vector<16xf32>
        %neg3A_537 = arith.subf %neg3A_536, %get3A_503 : vector<16xf32>
        %exp3A_538 = math.exp %neg3A_537 : vector<16xf32>
        %add3A_539 = arith.constant 1.000000e+00 : f32
        %add3A_540 = vector.broadcast %add3A_539 : f32 to vector<16xf32>
        %add3A_541 = arith.addf %add3A_540, %exp3A_538 : vector<16xf32>
        %div3A_542 = arith.constant 1.000000e+00 : f32
        %div3A_543 = vector.broadcast %div3A_542 : f32 to vector<16xf32>
        %div3A_544 = arith.divf %div3A_543, %add3A_541 : vector<16xf32>
        %sub3A_545 = arith.subf %div3A_534, %div3A_544 : vector<16xf32>
        %add3A_546 = arith.addf %sub3A_524, %sub3A_545 : vector<16xf32>
        %reduce_sum3A_547 = arith.constant true
        %reduce_sum3A_548 = vector.broadcast %reduce_sum3A_547 : i1 to vector<16xi1>
        %reduce_sum3A_549 = tpu.scan <sum>, %add3A_546 masked %reduce_sum3A_548 : vector<16xf32>, vector<16xi1> -> vector<16xf32>
        %reduce_sum3A_550 = vector.extract %reduce_sum3A_549[15] : f32 from vector<16xf32>
        %eq3A_551 = arith.constant 7 : i32
        %eq3A_552 = vector.broadcast %eq3A_551 : i32 to vector<16xi32>
        %eq3A_553 = arith.cmpi eq, %iota3A, %eq3A_552 : vector<16xi32>
        %broadcast_in_dim3A_554 = vector.broadcast %reduce_sum3A_550 : f32 to vector<16xf32>
        %select_n3A_555 = arith.select %eq3A_553, %broadcast_in_dim3A_554, %select_n3A_489 : vector<16xi1>, vector<16xf32>
        %add3A_556 = arith.constant 8 : i32
        %add3A_557 = arith.addi %multiple_of3A_33, %add3A_556 : i32
        %get3A_558 = arith.index_cast %add3A_557 : i32 to index
        %get3A_559 = arith.constant 0 : index
        %get3A_560 = tpu.vector_load %arg10[%get3A_558, %get3A_559] {strides = array<i32>} : memref<128x32xf32, #tpu.memory_space<vmem>>, vector<16xf32>,
        %get3A_561 = arith.index_cast %add3A_557 : i32 to index
        %get3A_562 = arith.constant 16 : index
        %get3A_563 = tpu.vector_load %arg10[%get3A_561, %get3A_562] {strides = array<i32>} : memref<128x32xf32, #tpu.memory_space<vmem>>, vector<16xf32>,
        %get3A_564 = arith.index_cast %add3A_557 : i32 to index
        %get3A_565 = arith.constant 0 : index
        %get3A_566 = tpu.vector_load %arg11[%get3A_564, %get3A_565] {strides = array<i32>} : memref<128x32xf32, #tpu.memory_space<vmem>>, vector<16xf32>,
        %get3A_567 = arith.index_cast %add3A_557 : i32 to index
        %get3A_568 = arith.constant 16 : index
        %get3A_569 = tpu.vector_load %arg11[%get3A_567, %get3A_568] {strides = array<i32>} : memref<128x32xf32, #tpu.memory_space<vmem>>, vector<16xf32>,
        %neg3A_570 = arith.constant 0.000000e+00 : f32
        %neg3A_571 = vector.broadcast %neg3A_570 : f32 to vector<16xf32>
        %neg3A_572 = arith.subf %neg3A_571, %get3A_560 : vector<16xf32>
        %exp3A_573 = math.exp %neg3A_572 : vector<16xf32>
        %add3A_574 = arith.constant 1.000000e+00 : f32
        %add3A_575 = vector.broadcast %add3A_574 : f32 to vector<16xf32>
        %add3A_576 = arith.addf %add3A_575, %exp3A_573 : vector<16xf32>
        %div3A_577 = arith.constant 1.000000e+00 : f32
        %div3A_578 = vector.broadcast %div3A_577 : f32 to vector<16xf32>
        %div3A_579 = arith.divf %div3A_578, %add3A_576 : vector<16xf32>
        %neg3A_580 = arith.constant 0.000000e+00 : f32
        %neg3A_581 = vector.broadcast %neg3A_580 : f32 to vector<16xf32>
        %neg3A_582 = arith.subf %neg3A_581, %get3A_566 : vector<16xf32>
        %exp3A_583 = math.exp %neg3A_582 : vector<16xf32>
        %add3A_584 = arith.constant 1.000000e+00 : f32
        %add3A_585 = vector.broadcast %add3A_584 : f32 to vector<16xf32>
        %add3A_586 = arith.addf %add3A_585, %exp3A_583 : vector<16xf32>
        %div3A_587 = arith.constant 1.000000e+00 : f32
        %div3A_588 = vector.broadcast %div3A_587 : f32 to vector<16xf32>
        %div3A_589 = arith.divf %div3A_588, %add3A_586 : vector<16xf32>
        %sub3A_590 = arith.subf %div3A_579, %div3A_589 : vector<16xf32>
        %neg3A_591 = arith.constant 0.000000e+00 : f32
        %neg3A_592 = vector.broadcast %neg3A_591 : f32 to vector<16xf32>
        %neg3A_593 = arith.subf %neg3A_592, %get3A_563 : vector<16xf32>
        %exp3A_594 = math.exp %neg3A_593 : vector<16xf32>
        %add3A_595 = arith.constant 1.000000e+00 : f32
        %add3A_596 = vector.broadcast %add3A_595 : f32 to vector<16xf32>
        %add3A_597 = arith.addf %add3A_596, %exp3A_594 : vector<16xf32>
        %div3A_598 = arith.constant 1.000000e+00 : f32
        %div3A_599 = vector.broadcast %div3A_598 : f32 to vector<16xf32>
        %div3A_600 = arith.divf %div3A_599, %add3A_597 : vector<16xf32>
        %neg3A_601 = arith.constant 0.000000e+00 : f32
        %neg3A_602 = vector.broadcast %neg3A_601 : f32 to vector<16xf32>
        %neg3A_603 = arith.subf %neg3A_602, %get3A_569 : vector<16xf32>
        %exp3A_604 = math.exp %neg3A_603 : vector<16xf32>
        %add3A_605 = arith.constant 1.000000e+00 : f32
        %add3A_606 = vector.broadcast %add3A_605 : f32 to vector<16xf32>
        %add3A_607 = arith.addf %add3A_606, %exp3A_604 : vector<16xf32>
        %div3A_608 = arith.constant 1.000000e+00 : f32
        %div3A_609 = vector.broadcast %div3A_608 : f32 to vector<16xf32>
        %div3A_610 = arith.divf %div3A_609, %add3A_607 : vector<16xf32>
        %sub3A_611 = arith.subf %div3A_600, %div3A_610 : vector<16xf32>
        %add3A_612 = arith.addf %sub3A_590, %sub3A_611 : vector<16xf32>
        %reduce_sum3A_613 = arith.constant true
        %reduce_sum3A_614 = vector.broadcast %reduce_sum3A_613 : i1 to vector<16xi1>
        %reduce_sum3A_615 = tpu.scan <sum>, %add3A_612 masked %reduce_sum3A_614 : vector<16xf32>, vector<16xi1> -> vector<16xf32>
        %reduce_sum3A_616 = vector.extract %reduce_sum3A_615[15] : f32 from vector<16xf32>
        %eq3A_617 = arith.constant 8 : i32
        %eq3A_618 = vector.broadcast %eq3A_617 : i32 to vector<16xi32>
        %eq3A_619 = arith.cmpi eq, %iota3A, %eq3A_618 : vector<16xi32>
        %broadcast_in_dim3A_620 = vector.broadcast %reduce_sum3A_616 : f32 to vector<16xf32>
        %select_n3A_621 = arith.select %eq3A_619, %broadcast_in_dim3A_620, %select_n3A_555 : vector<16xi1>, vector<16xf32>
        %add3A_622 = arith.constant 9 : i32
        %add3A_623 = arith.addi %multiple_of3A_33, %add3A_622 : i32
        %get3A_624 = arith.index_cast %add3A_623 : i32 to index
        %get3A_625 = arith.constant 0 : index
        %get3A_626 = tpu.vector_load %arg10[%get3A_624, %get3A_625] {strides = array<i32>} : memref<128x32xf32, #tpu.memory_space<vmem>>, vector<16xf32>,
        %get3A_627 = arith.index_cast %add3A_623 : i32 to index
        %get3A_628 = arith.constant 16 : index
        %get3A_629 = tpu.vector_load %arg10[%get3A_627, %get3A_628] {strides = array<i32>} : memref<128x32xf32, #tpu.memory_space<vmem>>, vector<16xf32>,
        %get3A_630 = arith.index_cast %add3A_623 : i32 to index
        %get3A_631 = arith.constant 0 : index
        %get3A_632 = tpu.vector_load %arg11[%get3A_630, %get3A_631] {strides = array<i32>} : memref<128x32xf32, #tpu.memory_space<vmem>>, vector<16xf32>,
        %get3A_633 = arith.index_cast %add3A_623 : i32 to index
        %get3A_634 = arith.constant 16 : index
        %get3A_635 = tpu.vector_load %arg11[%get3A_633, %get3A_634] {strides = array<i32>} : memref<128x32xf32, #tpu.memory_space<vmem>>, vector<16xf32>,
        %neg3A_636 = arith.constant 0.000000e+00 : f32
        %neg3A_637 = vector.broadcast %neg3A_636 : f32 to vector<16xf32>
        %neg3A_638 = arith.subf %neg3A_637, %get3A_626 : vector<16xf32>
        %exp3A_639 = math.exp %neg3A_638 : vector<16xf32>
        %add3A_640 = arith.constant 1.000000e+00 : f32
        %add3A_641 = vector.broadcast %add3A_640 : f32 to vector<16xf32>
        %add3A_642 = arith.addf %add3A_641, %exp3A_639 : vector<16xf32>
        %div3A_643 = arith.constant 1.000000e+00 : f32
        %div3A_644 = vector.broadcast %div3A_643 : f32 to vector<16xf32>
        %div3A_645 = arith.divf %div3A_644, %add3A_642 : vector<16xf32>
        %neg3A_646 = arith.constant 0.000000e+00 : f32
        %neg3A_647 = vector.broadcast %neg3A_646 : f32 to vector<16xf32>
        %neg3A_648 = arith.subf %neg3A_647, %get3A_632 : vector<16xf32>
        %exp3A_649 = math.exp %neg3A_648 : vector<16xf32>
        %add3A_650 = arith.constant 1.000000e+00 : f32
        %add3A_651 = vector.broadcast %add3A_650 : f32 to vector<16xf32>
        %add3A_652 = arith.addf %add3A_651, %exp3A_649 : vector<16xf32>
        %div3A_653 = arith.constant 1.000000e+00 : f32
        %div3A_654 = vector.broadcast %div3A_653 : f32 to vector<16xf32>
        %div3A_655 = arith.divf %div3A_654, %add3A_652 : vector<16xf32>
        %sub3A_656 = arith.subf %div3A_645, %div3A_655 : vector<16xf32>
        %neg3A_657 = arith.constant 0.000000e+00 : f32
        %neg3A_658 = vector.broadcast %neg3A_657 : f32 to vector<16xf32>
        %neg3A_659 = arith.subf %neg3A_658, %get3A_629 : vector<16xf32>
        %exp3A_660 = math.exp %neg3A_659 : vector<16xf32>
        %add3A_661 = arith.constant 1.000000e+00 : f32
        %add3A_662 = vector.broadcast %add3A_661 : f32 to vector<16xf32>
        %add3A_663 = arith.addf %add3A_662, %exp3A_660 : vector<16xf32>
        %div3A_664 = arith.constant 1.000000e+00 : f32
        %div3A_665 = vector.broadcast %div3A_664 : f32 to vector<16xf32>
        %div3A_666 = arith.divf %div3A_665, %add3A_663 : vector<16xf32>
        %neg3A_667 = arith.constant 0.000000e+00 : f32
        %neg3A_668 = vector.broadcast %neg3A_667 : f32 to vector<16xf32>
        %neg3A_669 = arith.subf %neg3A_668, %get3A_635 : vector<16xf32>
        %exp3A_670 = math.exp %neg3A_669 : vector<16xf32>
        %add3A_671 = arith.constant 1.000000e+00 : f32
        %add3A_672 = vector.broadcast %add3A_671 : f32 to vector<16xf32>
        %add3A_673 = arith.addf %add3A_672, %exp3A_670 : vector<16xf32>
        %div3A_674 = arith.constant 1.000000e+00 : f32
        %div3A_675 = vector.broadcast %div3A_674 : f32 to vector<16xf32>
        %div3A_676 = arith.divf %div3A_675, %add3A_673 : vector<16xf32>
        %sub3A_677 = arith.subf %div3A_666, %div3A_676 : vector<16xf32>
        %add3A_678 = arith.addf %sub3A_656, %sub3A_677 : vector<16xf32>
        %reduce_sum3A_679 = arith.constant true
        %reduce_sum3A_680 = vector.broadcast %reduce_sum3A_679 : i1 to vector<16xi1>
        %reduce_sum3A_681 = tpu.scan <sum>, %add3A_678 masked %reduce_sum3A_680 : vector<16xf32>, vector<16xi1> -> vector<16xf32>
        %reduce_sum3A_682 = vector.extract %reduce_sum3A_681[15] : f32 from vector<16xf32>
        %eq3A_683 = arith.constant 9 : i32
        %eq3A_684 = vector.broadcast %eq3A_683 : i32 to vector<16xi32>
        %eq3A_685 = arith.cmpi eq, %iota3A, %eq3A_684 : vector<16xi32>
        %broadcast_in_dim3A_686 = vector.broadcast %reduce_sum3A_682 : f32 to vector<16xf32>
        %select_n3A_687 = arith.select %eq3A_685, %broadcast_in_dim3A_686, %select_n3A_621 : vector<16xi1>, vector<16xf32>
        %add3A_688 = arith.constant 10 : i32
        %add3A_689 = arith.addi %multiple_of3A_33, %add3A_688 : i32
        %get3A_690 = arith.index_cast %add3A_689 : i32 to index
        %get3A_691 = arith.constant 0 : index
        %get3A_692 = tpu.vector_load %arg10[%get3A_690, %get3A_691] {strides = array<i32>} : memref<128x32xf32, #tpu.memory_space<vmem>>, vector<16xf32>,
        %get3A_693 = arith.index_cast %add3A_689 : i32 to index
        %get3A_694 = arith.constant 16 : index
        %get3A_695 = tpu.vector_load %arg10[%get3A_693, %get3A_694] {strides = array<i32>} : memref<128x32xf32, #tpu.memory_space<vmem>>, vector<16xf32>,
        %get3A_696 = arith.index_cast %add3A_689 : i32 to index
        %get3A_697 = arith.constant 0 : index
        %get3A_698 = tpu.vector_load %arg11[%get3A_696, %get3A_697] {strides = array<i32>} : memref<128x32xf32, #tpu.memory_space<vmem>>, vector<16xf32>,
        %get3A_699 = arith.index_cast %add3A_689 : i32 to index
        %get3A_700 = arith.constant 16 : index
        %get3A_701 = tpu.vector_load %arg11[%get3A_699, %get3A_700] {strides = array<i32>} : memref<128x32xf32, #tpu.memory_space<vmem>>, vector<16xf32>,
        %neg3A_702 = arith.constant 0.000000e+00 : f32
        %neg3A_703 = vector.broadcast %neg3A_702 : f32 to vector<16xf32>
        %neg3A_704 = arith.subf %neg3A_703, %get3A_692 : vector<16xf32>
        %exp3A_705 = math.exp %neg3A_704 : vector<16xf32>
        %add3A_706 = arith.constant 1.000000e+00 : f32
        %add3A_707 = vector.broadcast %add3A_706 : f32 to vector<16xf32>
        %add3A_708 = arith.addf %add3A_707, %exp3A_705 : vector<16xf32>
        %div3A_709 = arith.constant 1.000000e+00 : f32
        %div3A_710 = vector.broadcast %div3A_709 : f32 to vector<16xf32>
        %div3A_711 = arith.divf %div3A_710, %add3A_708 : vector<16xf32>
        %neg3A_712 = arith.constant 0.000000e+00 : f32
        %neg3A_713 = vector.broadcast %neg3A_712 : f32 to vector<16xf32>
        %neg3A_714 = arith.subf %neg3A_713, %get3A_698 : vector<16xf32>
        %exp3A_715 = math.exp %neg3A_714 : vector<16xf32>
        %add3A_716 = arith.constant 1.000000e+00 : f32
        %add3A_717 = vector.broadcast %add3A_716 : f32 to vector<16xf32>
        %add3A_718 = arith.addf %add3A_717, %exp3A_715 : vector<16xf32>
        %div3A_719 = arith.constant 1.000000e+00 : f32
        %div3A_720 = vector.broadcast %div3A_719 : f32 to vector<16xf32>
        %div3A_721 = arith.divf %div3A_720, %add3A_718 : vector<16xf32>
        %sub3A_722 = arith.subf %div3A_711, %div3A_721 : vector<16xf32>
        %neg3A_723 = arith.constant 0.000000e+00 : f32
        %neg3A_724 = vector.broadcast %neg3A_723 : f32 to vector<16xf32>
        %neg3A_725 = arith.subf %neg3A_724, %get3A_695 : vector<16xf32>
        %exp3A_726 = math.exp %neg3A_725 : vector<16xf32>
        %add3A_727 = arith.constant 1.000000e+00 : f32
        %add3A_728 = vector.broadcast %add3A_727 : f32 to vector<16xf32>
        %add3A_729 = arith.addf %add3A_728, %exp3A_726 : vector<16xf32>
        %div3A_730 = arith.constant 1.000000e+00 : f32
        %div3A_731 = vector.broadcast %div3A_730 : f32 to vector<16xf32>
        %div3A_732 = arith.divf %div3A_731, %add3A_729 : vector<16xf32>
        %neg3A_733 = arith.constant 0.000000e+00 : f32
        %neg3A_734 = vector.broadcast %neg3A_733 : f32 to vector<16xf32>
        %neg3A_735 = arith.subf %neg3A_734, %get3A_701 : vector<16xf32>
        %exp3A_736 = math.exp %neg3A_735 : vector<16xf32>
        %add3A_737 = arith.constant 1.000000e+00 : f32
        %add3A_738 = vector.broadcast %add3A_737 : f32 to vector<16xf32>
        %add3A_739 = arith.addf %add3A_738, %exp3A_736 : vector<16xf32>
        %div3A_740 = arith.constant 1.000000e+00 : f32
        %div3A_741 = vector.broadcast %div3A_740 : f32 to vector<16xf32>
        %div3A_742 = arith.divf %div3A_741, %add3A_739 : vector<16xf32>
        %sub3A_743 = arith.subf %div3A_732, %div3A_742 : vector<16xf32>
        %add3A_744 = arith.addf %sub3A_722, %sub3A_743 : vector<16xf32>
        %reduce_sum3A_745 = arith.constant true
        %reduce_sum3A_746 = vector.broadcast %reduce_sum3A_745 : i1 to vector<16xi1>
        %reduce_sum3A_747 = tpu.scan <sum>, %add3A_744 masked %reduce_sum3A_746 : vector<16xf32>, vector<16xi1> -> vector<16xf32>
        %reduce_sum3A_748 = vector.extract %reduce_sum3A_747[15] : f32 from vector<16xf32>
        %eq3A_749 = arith.constant 10 : i32
        %eq3A_750 = vector.broadcast %eq3A_749 : i32 to vector<16xi32>
        %eq3A_751 = arith.cmpi eq, %iota3A, %eq3A_750 : vector<16xi32>
        %broadcast_in_dim3A_752 = vector.broadcast %reduce_sum3A_748 : f32 to vector<16xf32>
        %select_n3A_753 = arith.select %eq3A_751, %broadcast_in_dim3A_752, %select_n3A_687 : vector<16xi1>, vector<16xf32>
        %add3A_754 = arith.constant 11 : i32
        %add3A_755 = arith.addi %multiple_of3A_33, %add3A_754 : i32
        %get3A_756 = arith.index_cast %add3A_755 : i32 to index
        %get3A_757 = arith.constant 0 : index
        %get3A_758 = tpu.vector_load %arg10[%get3A_756, %get3A_757] {strides = array<i32>} : memref<128x32xf32, #tpu.memory_space<vmem>>, vector<16xf32>,
        %get3A_759 = arith.index_cast %add3A_755 : i32 to index
        %get3A_760 = arith.constant 16 : index
        %get3A_761 = tpu.vector_load %arg10[%get3A_759, %get3A_760] {strides = array<i32>} : memref<128x32xf32, #tpu.memory_space<vmem>>, vector<16xf32>,
        %get3A_762 = arith.index_cast %add3A_755 : i32 to index
        %get3A_763 = arith.constant 0 : index
        %get3A_764 = tpu.vector_load %arg11[%get3A_762, %get3A_763] {strides = array<i32>} : memref<128x32xf32, #tpu.memory_space<vmem>>, vector<16xf32>,
        %get3A_765 = arith.index_cast %add3A_755 : i32 to index
        %get3A_766 = arith.constant 16 : index
        %get3A_767 = tpu.vector_load %arg11[%get3A_765, %get3A_766] {strides = array<i32>} : memref<128x32xf32, #tpu.memory_space<vmem>>, vector<16xf32>,
        %neg3A_768 = arith.constant 0.000000e+00 : f32
        %neg3A_769 = vector.broadcast %neg3A_768 : f32 to vector<16xf32>
        %neg3A_770 = arith.subf %neg3A_769, %get3A_758 : vector<16xf32>
        %exp3A_771 = math.exp %neg3A_770 : vector<16xf32>
        %add3A_772 = arith.constant 1.000000e+00 : f32
        %add3A_773 = vector.broadcast %add3A_772 : f32 to vector<16xf32>
        %add3A_774 = arith.addf %add3A_773, %exp3A_771 : vector<16xf32>
        %div3A_775 = arith.constant 1.000000e+00 : f32
        %div3A_776 = vector.broadcast %div3A_775 : f32 to vector<16xf32>
        %div3A_777 = arith.divf %div3A_776, %add3A_774 : vector<16xf32>
        %neg3A_778 = arith.constant 0.000000e+00 : f32
        %neg3A_779 = vector.broadcast %neg3A_778 : f32 to vector<16xf32>
        %neg3A_780 = arith.subf %neg3A_779, %get3A_764 : vector<16xf32>
        %exp3A_781 = math.exp %neg3A_780 : vector<16xf32>
        %add3A_782 = arith.constant 1.000000e+00 : f32
        %add3A_783 = vector.broadcast %add3A_782 : f32 to vector<16xf32>
        %add3A_784 = arith.addf %add3A_783, %exp3A_781 : vector<16xf32>
        %div3A_785 = arith.constant 1.000000e+00 : f32
        %div3A_786 = vector.broadcast %div3A_785 : f32 to vector<16xf32>
        %div3A_787 = arith.divf %div3A_786, %add3A_784 : vector<16xf32>
        %sub3A_788 = arith.subf %div3A_777, %div3A_787 : vector<16xf32>
        %neg3A_789 = arith.constant 0.000000e+00 : f32
        %neg3A_790 = vector.broadcast %neg3A_789 : f32 to vector<16xf32>
        %neg3A_791 = arith.subf %neg3A_790, %get3A_761 : vector<16xf32>
        %exp3A_792 = math.exp %neg3A_791 : vector<16xf32>
        %add3A_793 = arith.constant 1.000000e+00 : f32
        %add3A_794 = vector.broadcast %add3A_793 : f32 to vector<16xf32>
        %add3A_795 = arith.addf %add3A_794, %exp3A_792 : vector<16xf32>
        %div3A_796 = arith.constant 1.000000e+00 : f32
        %div3A_797 = vector.broadcast %div3A_796 : f32 to vector<16xf32>
        %div3A_798 = arith.divf %div3A_797, %add3A_795 : vector<16xf32>
        %neg3A_799 = arith.constant 0.000000e+00 : f32
        %neg3A_800 = vector.broadcast %neg3A_799 : f32 to vector<16xf32>
        %neg3A_801 = arith.subf %neg3A_800, %get3A_767 : vector<16xf32>
        %exp3A_802 = math.exp %neg3A_801 : vector<16xf32>
        %add3A_803 = arith.constant 1.000000e+00 : f32
        %add3A_804 = vector.broadcast %add3A_803 : f32 to vector<16xf32>
        %add3A_805 = arith.addf %add3A_804, %exp3A_802 : vector<16xf32>
        %div3A_806 = arith.constant 1.000000e+00 : f32
        %div3A_807 = vector.broadcast %div3A_806 : f32 to vector<16xf32>
        %div3A_808 = arith.divf %div3A_807, %add3A_805 : vector<16xf32>
        %sub3A_809 = arith.subf %div3A_798, %div3A_808 : vector<16xf32>
        %add3A_810 = arith.addf %sub3A_788, %sub3A_809 : vector<16xf32>
        %reduce_sum3A_811 = arith.constant true
        %reduce_sum3A_812 = vector.broadcast %reduce_sum3A_811 : i1 to vector<16xi1>
        %reduce_sum3A_813 = tpu.scan <sum>, %add3A_810 masked %reduce_sum3A_812 : vector<16xf32>, vector<16xi1> -> vector<16xf32>
        %reduce_sum3A_814 = vector.extract %reduce_sum3A_813[15] : f32 from vector<16xf32>
        %eq3A_815 = arith.constant 11 : i32
        %eq3A_816 = vector.broadcast %eq3A_815 : i32 to vector<16xi32>
        %eq3A_817 = arith.cmpi eq, %iota3A, %eq3A_816 : vector<16xi32>
        %broadcast_in_dim3A_818 = vector.broadcast %reduce_sum3A_814 : f32 to vector<16xf32>
        %select_n3A_819 = arith.select %eq3A_817, %broadcast_in_dim3A_818, %select_n3A_753 : vector<16xi1>, vector<16xf32>
        %add3A_820 = arith.constant 12 : i32
        %add3A_821 = arith.addi %multiple_of3A_33, %add3A_820 : i32
        %get3A_822 = arith.index_cast %add3A_821 : i32 to index
        %get3A_823 = arith.constant 0 : index
        %get3A_824 = tpu.vector_load %arg10[%get3A_822, %get3A_823] {strides = array<i32>} : memref<128x32xf32, #tpu.memory_space<vmem>>, vector<16xf32>,
        %get3A_825 = arith.index_cast %add3A_821 : i32 to index
        %get3A_826 = arith.constant 16 : index
        %get3A_827 = tpu.vector_load %arg10[%get3A_825, %get3A_826] {strides = array<i32>} : memref<128x32xf32, #tpu.memory_space<vmem>>, vector<16xf32>,
        %get3A_828 = arith.index_cast %add3A_821 : i32 to index
        %get3A_829 = arith.constant 0 : index
        %get3A_830 = tpu.vector_load %arg11[%get3A_828, %get3A_829] {strides = array<i32>} : memref<128x32xf32, #tpu.memory_space<vmem>>, vector<16xf32>,
        %get3A_831 = arith.index_cast %add3A_821 : i32 to index
        %get3A_832 = arith.constant 16 : index
        %get3A_833 = tpu.vector_load %arg11[%get3A_831, %get3A_832] {strides = array<i32>} : memref<128x32xf32, #tpu.memory_space<vmem>>, vector<16xf32>,
        %neg3A_834 = arith.constant 0.000000e+00 : f32
        %neg3A_835 = vector.broadcast %neg3A_834 : f32 to vector<16xf32>
        %neg3A_836 = arith.subf %neg3A_835, %get3A_824 : vector<16xf32>
        %exp3A_837 = math.exp %neg3A_836 : vector<16xf32>
        %add3A_838 = arith.constant 1.000000e+00 : f32
        %add3A_839 = vector.broadcast %add3A_838 : f32 to vector<16xf32>
        %add3A_840 = arith.addf %add3A_839, %exp3A_837 : vector<16xf32>
        %div3A_841 = arith.constant 1.000000e+00 : f32
        %div3A_842 = vector.broadcast %div3A_841 : f32 to vector<16xf32>
        %div3A_843 = arith.divf %div3A_842, %add3A_840 : vector<16xf32>
        %neg3A_844 = arith.constant 0.000000e+00 : f32
        %neg3A_845 = vector.broadcast %neg3A_844 : f32 to vector<16xf32>
        %neg3A_846 = arith.subf %neg3A_845, %get3A_830 : vector<16xf32>
        %exp3A_847 = math.exp %neg3A_846 : vector<16xf32>
        %add3A_848 = arith.constant 1.000000e+00 : f32
        %add3A_849 = vector.broadcast %add3A_848 : f32 to vector<16xf32>
        %add3A_850 = arith.addf %add3A_849, %exp3A_847 : vector<16xf32>
        %div3A_851 = arith.constant 1.000000e+00 : f32
        %div3A_852 = vector.broadcast %div3A_851 : f32 to vector<16xf32>
        %div3A_853 = arith.divf %div3A_852, %add3A_850 : vector<16xf32>
        %sub3A_854 = arith.subf %div3A_843, %div3A_853 : vector<16xf32>
        %neg3A_855 = arith.constant 0.000000e+00 : f32
        %neg3A_856 = vector.broadcast %neg3A_855 : f32 to vector<16xf32>
        %neg3A_857 = arith.subf %neg3A_856, %get3A_827 : vector<16xf32>
        %exp3A_858 = math.exp %neg3A_857 : vector<16xf32>
        %add3A_859 = arith.constant 1.000000e+00 : f32
        %add3A_860 = vector.broadcast %add3A_859 : f32 to vector<16xf32>
        %add3A_861 = arith.addf %add3A_860, %exp3A_858 : vector<16xf32>
        %div3A_862 = arith.constant 1.000000e+00 : f32
        %div3A_863 = vector.broadcast %div3A_862 : f32 to vector<16xf32>
        %div3A_864 = arith.divf %div3A_863, %add3A_861 : vector<16xf32>
        %neg3A_865 = arith.constant 0.000000e+00 : f32
        %neg3A_866 = vector.broadcast %neg3A_865 : f32 to vector<16xf32>
        %neg3A_867 = arith.subf %neg3A_866, %get3A_833 : vector<16xf32>
        %exp3A_868 = math.exp %neg3A_867 : vector<16xf32>
        %add3A_869 = arith.constant 1.000000e+00 : f32
        %add3A_870 = vector.broadcast %add3A_869 : f32 to vector<16xf32>
        %add3A_871 = arith.addf %add3A_870, %exp3A_868 : vector<16xf32>
        %div3A_872 = arith.constant 1.000000e+00 : f32
        %div3A_873 = vector.broadcast %div3A_872 : f32 to vector<16xf32>
        %div3A_874 = arith.divf %div3A_873, %add3A_871 : vector<16xf32>
        %sub3A_875 = arith.subf %div3A_864, %div3A_874 : vector<16xf32>
        %add3A_876 = arith.addf %sub3A_854, %sub3A_875 : vector<16xf32>
        %reduce_sum3A_877 = arith.constant true
        %reduce_sum3A_878 = vector.broadcast %reduce_sum3A_877 : i1 to vector<16xi1>
        %reduce_sum3A_879 = tpu.scan <sum>, %add3A_876 masked %reduce_sum3A_878 : vector<16xf32>, vector<16xi1> -> vector<16xf32>
        %reduce_sum3A_880 = vector.extract %reduce_sum3A_879[15] : f32 from vector<16xf32>
        %eq3A_881 = arith.constant 12 : i32
        %eq3A_882 = vector.broadcast %eq3A_881 : i32 to vector<16xi32>
        %eq3A_883 = arith.cmpi eq, %iota3A, %eq3A_882 : vector<16xi32>
        %broadcast_in_dim3A_884 = vector.broadcast %reduce_sum3A_880 : f32 to vector<16xf32>
        %select_n3A_885 = arith.select %eq3A_883, %broadcast_in_dim3A_884, %select_n3A_819 : vector<16xi1>, vector<16xf32>
        %add3A_886 = arith.constant 13 : i32
        %add3A_887 = arith.addi %multiple_of3A_33, %add3A_886 : i32
        %get3A_888 = arith.index_cast %add3A_887 : i32 to index
        %get3A_889 = arith.constant 0 : index
        %get3A_890 = tpu.vector_load %arg10[%get3A_888, %get3A_889] {strides = array<i32>} : memref<128x32xf32, #tpu.memory_space<vmem>>, vector<16xf32>,
        %get3A_891 = arith.index_cast %add3A_887 : i32 to index
        %get3A_892 = arith.constant 16 : index
        %get3A_893 = tpu.vector_load %arg10[%get3A_891, %get3A_892] {strides = array<i32>} : memref<128x32xf32, #tpu.memory_space<vmem>>, vector<16xf32>,
        %get3A_894 = arith.index_cast %add3A_887 : i32 to index
        %get3A_895 = arith.constant 0 : index
        %get3A_896 = tpu.vector_load %arg11[%get3A_894, %get3A_895] {strides = array<i32>} : memref<128x32xf32, #tpu.memory_space<vmem>>, vector<16xf32>,
        %get3A_897 = arith.index_cast %add3A_887 : i32 to index
        %get3A_898 = arith.constant 16 : index
        %get3A_899 = tpu.vector_load %arg11[%get3A_897, %get3A_898] {strides = array<i32>} : memref<128x32xf32, #tpu.memory_space<vmem>>, vector<16xf32>,
        %neg3A_900 = arith.constant 0.000000e+00 : f32
        %neg3A_901 = vector.broadcast %neg3A_900 : f32 to vector<16xf32>
        %neg3A_902 = arith.subf %neg3A_901, %get3A_890 : vector<16xf32>
        %exp3A_903 = math.exp %neg3A_902 : vector<16xf32>
        %add3A_904 = arith.constant 1.000000e+00 : f32
        %add3A_905 = vector.broadcast %add3A_904 : f32 to vector<16xf32>
        %add3A_906 = arith.addf %add3A_905, %exp3A_903 : vector<16xf32>
        %div3A_907 = arith.constant 1.000000e+00 : f32
        %div3A_908 = vector.broadcast %div3A_907 : f32 to vector<16xf32>
        %div3A_909 = arith.divf %div3A_908, %add3A_906 : vector<16xf32>
        %neg3A_910 = arith.constant 0.000000e+00 : f32
        %neg3A_911 = vector.broadcast %neg3A_910 : f32 to vector<16xf32>
        %neg3A_912 = arith.subf %neg3A_911, %get3A_896 : vector<16xf32>
        %exp3A_913 = math.exp %neg3A_912 : vector<16xf32>
        %add3A_914 = arith.constant 1.000000e+00 : f32
        %add3A_915 = vector.broadcast %add3A_914 : f32 to vector<16xf32>
        %add3A_916 = arith.addf %add3A_915, %exp3A_913 : vector<16xf32>
        %div3A_917 = arith.constant 1.000000e+00 : f32
        %div3A_918 = vector.broadcast %div3A_917 : f32 to vector<16xf32>
        %div3A_919 = arith.divf %div3A_918, %add3A_916 : vector<16xf32>
        %sub3A_920 = arith.subf %div3A_909, %div3A_919 : vector<16xf32>
        %neg3A_921 = arith.constant 0.000000e+00 : f32
        %neg3A_922 = vector.broadcast %neg3A_921 : f32 to vector<16xf32>
        %neg3A_923 = arith.subf %neg3A_922, %get3A_893 : vector<16xf32>
        %exp3A_924 = math.exp %neg3A_923 : vector<16xf32>
        %add3A_925 = arith.constant 1.000000e+00 : f32
        %add3A_926 = vector.broadcast %add3A_925 : f32 to vector<16xf32>
        %add3A_927 = arith.addf %add3A_926, %exp3A_924 : vector<16xf32>
        %div3A_928 = arith.constant 1.000000e+00 : f32
        %div3A_929 = vector.broadcast %div3A_928 : f32 to vector<16xf32>
        %div3A_930 = arith.divf %div3A_929, %add3A_927 : vector<16xf32>
        %neg3A_931 = arith.constant 0.000000e+00 : f32
        %neg3A_932 = vector.broadcast %neg3A_931 : f32 to vector<16xf32>
        %neg3A_933 = arith.subf %neg3A_932, %get3A_899 : vector<16xf32>
        %exp3A_934 = math.exp %neg3A_933 : vector<16xf32>
        %add3A_935 = arith.constant 1.000000e+00 : f32
        %add3A_936 = vector.broadcast %add3A_935 : f32 to vector<16xf32>
        %add3A_937 = arith.addf %add3A_936, %exp3A_934 : vector<16xf32>
        %div3A_938 = arith.constant 1.000000e+00 : f32
        %div3A_939 = vector.broadcast %div3A_938 : f32 to vector<16xf32>
        %div3A_940 = arith.divf %div3A_939, %add3A_937 : vector<16xf32>
        %sub3A_941 = arith.subf %div3A_930, %div3A_940 : vector<16xf32>
        %add3A_942 = arith.addf %sub3A_920, %sub3A_941 : vector<16xf32>
        %reduce_sum3A_943 = arith.constant true
        %reduce_sum3A_944 = vector.broadcast %reduce_sum3A_943 : i1 to vector<16xi1>
        %reduce_sum3A_945 = tpu.scan <sum>, %add3A_942 masked %reduce_sum3A_944 : vector<16xf32>, vector<16xi1> -> vector<16xf32>
        %reduce_sum3A_946 = vector.extract %reduce_sum3A_945[15] : f32 from vector<16xf32>
        %eq3A_947 = arith.constant 13 : i32
        %eq3A_948 = vector.broadcast %eq3A_947 : i32 to vector<16xi32>
        %eq3A_949 = arith.cmpi eq, %iota3A, %eq3A_948 : vector<16xi32>
        %broadcast_in_dim3A_950 = vector.broadcast %reduce_sum3A_946 : f32 to vector<16xf32>
        %select_n3A_951 = arith.select %eq3A_949, %broadcast_in_dim3A_950, %select_n3A_885 : vector<16xi1>, vector<16xf32>
        %add3A_952 = arith.constant 14 : i32
        %add3A_953 = arith.addi %multiple_of3A_33, %add3A_952 : i32
        %get3A_954 = arith.index_cast %add3A_953 : i32 to index
        %get3A_955 = arith.constant 0 : index
        %get3A_956 = tpu.vector_load %arg10[%get3A_954, %get3A_955] {strides = array<i32>} : memref<128x32xf32, #tpu.memory_space<vmem>>, vector<16xf32>,
        %get3A_957 = arith.index_cast %add3A_953 : i32 to index
        %get3A_958 = arith.constant 16 : index
        %get3A_959 = tpu.vector_load %arg10[%get3A_957, %get3A_958] {strides = array<i32>} : memref<128x32xf32, #tpu.memory_space<vmem>>, vector<16xf32>,
        %get3A_960 = arith.index_cast %add3A_953 : i32 to index
        %get3A_961 = arith.constant 0 : index
        %get3A_962 = tpu.vector_load %arg11[%get3A_960, %get3A_961] {strides = array<i32>} : memref<128x32xf32, #tpu.memory_space<vmem>>, vector<16xf32>,
        %get3A_963 = arith.index_cast %add3A_953 : i32 to index
        %get3A_964 = arith.constant 16 : index
        %get3A_965 = tpu.vector_load %arg11[%get3A_963, %get3A_964] {strides = array<i32>} : memref<128x32xf32, #tpu.memory_space<vmem>>, vector<16xf32>,
        %neg3A_966 = arith.constant 0.000000e+00 : f32
        %neg3A_967 = vector.broadcast %neg3A_966 : f32 to vector<16xf32>
        %neg3A_968 = arith.subf %neg3A_967, %get3A_956 : vector<16xf32>
        %exp3A_969 = math.exp %neg3A_968 : vector<16xf32>
        %add3A_970 = arith.constant 1.000000e+00 : f32
        %add3A_971 = vector.broadcast %add3A_970 : f32 to vector<16xf32>
        %add3A_972 = arith.addf %add3A_971, %exp3A_969 : vector<16xf32>
        %div3A_973 = arith.constant 1.000000e+00 : f32
        %div3A_974 = vector.broadcast %div3A_973 : f32 to vector<16xf32>
        %div3A_975 = arith.divf %div3A_974, %add3A_972 : vector<16xf32>
        %neg3A_976 = arith.constant 0.000000e+00 : f32
        %neg3A_977 = vector.broadcast %neg3A_976 : f32 to vector<16xf32>
        %neg3A_978 = arith.subf %neg3A_977, %get3A_962 : vector<16xf32>
        %exp3A_979 = math.exp %neg3A_978 : vector<16xf32>
        %add3A_980 = arith.constant 1.000000e+00 : f32
        %add3A_981 = vector.broadcast %add3A_980 : f32 to vector<16xf32>
        %add3A_982 = arith.addf %add3A_981, %exp3A_979 : vector<16xf32>
        %div3A_983 = arith.constant 1.000000e+00 : f32
        %div3A_984 = vector.broadcast %div3A_983 : f32 to vector<16xf32>
        %div3A_985 = arith.divf %div3A_984, %add3A_982 : vector<16xf32>
        %sub3A_986 = arith.subf %div3A_975, %div3A_985 : vector<16xf32>
        %neg3A_987 = arith.constant 0.000000e+00 : f32
        %neg3A_988 = vector.broadcast %neg3A_987 : f32 to vector<16xf32>
        %neg3A_989 = arith.subf %neg3A_988, %get3A_959 : vector<16xf32>
        %exp3A_990 = math.exp %neg3A_989 : vector<16xf32>
        %add3A_991 = arith.constant 1.000000e+00 : f32
        %add3A_992 = vector.broadcast %add3A_991 : f32 to vector<16xf32>
        %add3A_993 = arith.addf %add3A_992, %exp3A_990 : vector<16xf32>
        %div3A_994 = arith.constant 1.000000e+00 : f32
        %div3A_995 = vector.broadcast %div3A_994 : f32 to vector<16xf32>
        %div3A_996 = arith.divf %div3A_995, %add3A_993 : vector<16xf32>
        %neg3A_997 = arith.constant 0.000000e+00 : f32
        %neg3A_998 = vector.broadcast %neg3A_997 : f32 to vector<16xf32>
        %neg3A_999 = arith.subf %neg3A_998, %get3A_965 : vector<16xf32>
        %exp3A_1000 = math.exp %neg3A_999 : vector<16xf32>
        %add3A_1001 = arith.constant 1.000000e+00 : f32
        %add3A_1002 = vector.broadcast %add3A_1001 : f32 to vector<16xf32>
        %add3A_1003 = arith.addf %add3A_1002, %exp3A_1000 : vector<16xf32>
        %div3A_1004 = arith.constant 1.000000e+00 : f32
        %div3A_1005 = vector.broadcast %div3A_1004 : f32 to vector<16xf32>
        %div3A_1006 = arith.divf %div3A_1005, %add3A_1003 : vector<16xf32>
        %sub3A_1007 = arith.subf %div3A_996, %div3A_1006 : vector<16xf32>
        %add3A_1008 = arith.addf %sub3A_986, %sub3A_1007 : vector<16xf32>
        %reduce_sum3A_1009 = arith.constant true
        %reduce_sum3A_1010 = vector.broadcast %reduce_sum3A_1009 : i1 to vector<16xi1>
        %reduce_sum3A_1011 = tpu.scan <sum>, %add3A_1008 masked %reduce_sum3A_1010 : vector<16xf32>, vector<16xi1> -> vector<16xf32>
        %reduce_sum3A_1012 = vector.extract %reduce_sum3A_1011[15] : f32 from vector<16xf32>
        %eq3A_1013 = arith.constant 14 : i32
        %eq3A_1014 = vector.broadcast %eq3A_1013 : i32 to vector<16xi32>
        %eq3A_1015 = arith.cmpi eq, %iota3A, %eq3A_1014 : vector<16xi32>
        %broadcast_in_dim3A_1016 = vector.broadcast %reduce_sum3A_1012 : f32 to vector<16xf32>
        %select_n3A_1017 = arith.select %eq3A_1015, %broadcast_in_dim3A_1016, %select_n3A_951 : vector<16xi1>, vector<16xf32>
        %add3A_1018 = arith.constant 15 : i32
        %add3A_1019 = arith.addi %multiple_of3A_33, %add3A_1018 : i32
        %get3A_1020 = arith.index_cast %add3A_1019 : i32 to index
        %get3A_1021 = arith.constant 0 : index
        %get3A_1022 = tpu.vector_load %arg10[%get3A_1020, %get3A_1021] {strides = array<i32>} : memref<128x32xf32, #tpu.memory_space<vmem>>, vector<16xf32>,
        %get3A_1023 = arith.index_cast %add3A_1019 : i32 to index
        %get3A_1024 = arith.constant 16 : index
        %get3A_1025 = tpu.vector_load %arg10[%get3A_1023, %get3A_1024] {strides = array<i32>} : memref<128x32xf32, #tpu.memory_space<vmem>>, vector<16xf32>,
        %get3A_1026 = arith.index_cast %add3A_1019 : i32 to index
        %get3A_1027 = arith.constant 0 : index
        %get3A_1028 = tpu.vector_load %arg11[%get3A_1026, %get3A_1027] {strides = array<i32>} : memref<128x32xf32, #tpu.memory_space<vmem>>, vector<16xf32>,
        %get3A_1029 = arith.index_cast %add3A_1019 : i32 to index
        %get3A_1030 = arith.constant 16 : index
        %get3A_1031 = tpu.vector_load %arg11[%get3A_1029, %get3A_1030] {strides = array<i32>} : memref<128x32xf32, #tpu.memory_space<vmem>>, vector<16xf32>,
        %neg3A_1032 = arith.constant 0.000000e+00 : f32
        %neg3A_1033 = vector.broadcast %neg3A_1032 : f32 to vector<16xf32>
        %neg3A_1034 = arith.subf %neg3A_1033, %get3A_1022 : vector<16xf32>
        %exp3A_1035 = math.exp %neg3A_1034 : vector<16xf32>
        %add3A_1036 = arith.constant 1.000000e+00 : f32
        %add3A_1037 = vector.broadcast %add3A_1036 : f32 to vector<16xf32>
        %add3A_1038 = arith.addf %add3A_1037, %exp3A_1035 : vector<16xf32>
        %div3A_1039 = arith.constant 1.000000e+00 : f32
        %div3A_1040 = vector.broadcast %div3A_1039 : f32 to vector<16xf32>
        %div3A_1041 = arith.divf %div3A_1040, %add3A_1038 : vector<16xf32>
        %neg3A_1042 = arith.constant 0.000000e+00 : f32
        %neg3A_1043 = vector.broadcast %neg3A_1042 : f32 to vector<16xf32>
        %neg3A_1044 = arith.subf %neg3A_1043, %get3A_1028 : vector<16xf32>
        %exp3A_1045 = math.exp %neg3A_1044 : vector<16xf32>
        %add3A_1046 = arith.constant 1.000000e+00 : f32
        %add3A_1047 = vector.broadcast %add3A_1046 : f32 to vector<16xf32>
        %add3A_1048 = arith.addf %add3A_1047, %exp3A_1045 : vector<16xf32>
        %div3A_1049 = arith.constant 1.000000e+00 : f32
        %div3A_1050 = vector.broadcast %div3A_1049 : f32 to vector<16xf32>
        %div3A_1051 = arith.divf %div3A_1050, %add3A_1048 : vector<16xf32>
        %sub3A_1052 = arith.subf %div3A_1041, %div3A_1051 : vector<16xf32>
        %neg3A_1053 = arith.constant 0.000000e+00 : f32
        %neg3A_1054 = vector.broadcast %neg3A_1053 : f32 to vector<16xf32>
        %neg3A_1055 = arith.subf %neg3A_1054, %get3A_1025 : vector<16xf32>
        %exp3A_1056 = math.exp %neg3A_1055 : vector<16xf32>
        %add3A_1057 = arith.constant 1.000000e+00 : f32
        %add3A_1058 = vector.broadcast %add3A_1057 : f32 to vector<16xf32>
        %add3A_1059 = arith.addf %add3A_1058, %exp3A_1056 : vector<16xf32>
        %div3A_1060 = arith.constant 1.000000e+00 : f32
        %div3A_1061 = vector.broadcast %div3A_1060 : f32 to vector<16xf32>
        %div3A_1062 = arith.divf %div3A_1061, %add3A_1059 : vector<16xf32>
        %neg3A_1063 = arith.constant 0.000000e+00 : f32
        %neg3A_1064 = vector.broadcast %neg3A_1063 : f32 to vector<16xf32>
        %neg3A_1065 = arith.subf %neg3A_1064, %get3A_1031 : vector<16xf32>
        %exp3A_1066 = math.exp %neg3A_1065 : vector<16xf32>
        %add3A_1067 = arith.constant 1.000000e+00 : f32
        %add3A_1068 = vector.broadcast %add3A_1067 : f32 to vector<16xf32>
        %add3A_1069 = arith.addf %add3A_1068, %exp3A_1066 : vector<16xf32>
        %div3A_1070 = arith.constant 1.000000e+00 : f32
        %div3A_1071 = vector.broadcast %div3A_1070 : f32 to vector<16xf32>
        %div3A_1072 = arith.divf %div3A_1071, %add3A_1069 : vector<16xf32>
        %sub3A_1073 = arith.subf %div3A_1062, %div3A_1072 : vector<16xf32>
        %add3A_1074 = arith.addf %sub3A_1052, %sub3A_1073 : vector<16xf32>
        %reduce_sum3A_1075 = arith.constant true
        %reduce_sum3A_1076 = vector.broadcast %reduce_sum3A_1075 : i1 to vector<16xi1>
        %reduce_sum3A_1077 = tpu.scan <sum>, %add3A_1074 masked %reduce_sum3A_1076 : vector<16xf32>, vector<16xi1> -> vector<16xf32>
        %reduce_sum3A_1078 = vector.extract %reduce_sum3A_1077[15] : f32 from vector<16xf32>
        %eq3A_1079 = arith.constant 15 : i32
        %eq3A_1080 = vector.broadcast %eq3A_1079 : i32 to vector<16xi32>
        %eq3A_1081 = arith.cmpi eq, %iota3A, %eq3A_1080 : vector<16xi32>
        %broadcast_in_dim3A_1082 = vector.broadcast %reduce_sum3A_1078 : f32 to vector<16xf32>
        %select_n3A_1083 = arith.select %eq3A_1081, %broadcast_in_dim3A_1082, %select_n3A_1017 : vector<16xi1>, vector<16xf32>
        %add3A_1084 = arith.addi %multiple_of3A, %multiple_of3A_33 : i32
        %add3A_1085 = vector.broadcast %add3A_1084 : i32 to vector<16xi32>
        %add3A_1086 = arith.addi %add3A_1085, %iota3A : vector<16xi32>
        %gather3A = tpu.vector_load_idx %arg12[%add3A_1086, %broadcast_in_dim3A_3] : memref<512x1xf32, #tpu.memory_space<vmem>>[vector<16xi32>, vector<16xi32>], vector<16xf32>,
        %neg3A_1087 = arith.constant 0.000000e+00 : f32
        %neg3A_1088 = vector.broadcast %neg3A_1087 : f32 to vector<16xf32>
        %neg3A_1089 = arith.subf %neg3A_1088, %gather3A : vector<16xf32>
        %exp3A_1090 = math.exp %neg3A_1089 : vector<16xf32>
        %add3A_1091 = arith.constant 1.000000e+00 : f32
        %add3A_1092 = vector.broadcast %add3A_1091 : f32 to vector<16xf32>
        %add3A_1093 = arith.addf %add3A_1092, %exp3A_1090 : vector<16xf32>
        %div3A_1094 = arith.constant 1.000000e+00 : f32
        %div3A_1095 = vector.broadcast %div3A_1094 : f32 to vector<16xf32>
        %div3A_1096 = arith.divf %div3A_1095, %add3A_1093 : vector<16xf32>
        %mul3A_1097 = arith.constant 2.000000e+00 : f32
        %mul3A_1098 = vector.broadcast %mul3A_1097 : f32 to vector<16xf32>
        %mul3A_1099 = arith.mulf %mul3A_1098, %div3A_1096 : vector<16xf32>
        %mul3A_1100 = arith.mulf %select_n3A_1083, %mul3A_1099 : vector<16xf32>
        %neg3A_1101 = arith.constant 0.000000e+00 : f32
        %neg3A_1102 = vector.broadcast %neg3A_1101 : f32 to vector<16xf32>
        %neg3A_1103 = arith.subf %neg3A_1102, %mul3A_1100 : vector<16xf32>
        %exp3A_1104 = math.exp %neg3A_1103 : vector<16xf32>
        %add3A_1105 = arith.constant 1.000000e+00 : f32
        %add3A_1106 = vector.broadcast %add3A_1105 : f32 to vector<16xf32>
        %add3A_1107 = arith.addf %add3A_1106, %exp3A_1104 : vector<16xf32>
        %div3A_1108 = arith.constant 1.000000e+00 : f32
        %div3A_1109 = vector.broadcast %div3A_1108 : f32 to vector<16xf32>
        %div3A_1110 = arith.divf %div3A_1109, %add3A_1107 : vector<16xf32>
        %add3A_1111 = arith.addi %multiple_of3A, %multiple_of3A_33 : i32
        %swap3A = arith.index_cast %add3A_1111 : i32 to index
        %swap3A_1112 = tpu.vector_load %arg13[%swap3A] {strides = array<i32>} : memref<512xf32, #tpu.memory_space<vmem>>, vector<16xf32>,
        tpu.vector_store %arg13[%swap3A], %div3A_1110 {strides = array<i32>} : memref<512xf32, #tpu.memory_space<vmem>>, vector<16xf32>,
      }
      %scan3A_29 = arith.constant 8 : i32
    }
    %scan3A_8 = arith.constant 4 : i32
    "tpu.region"() ({
      %run_scoped3A = tpu.sem_alloc : memref<!tpu.dma_semaphore, #tpu.memory_space<semaphore_mem>>
      %dma_start3A = tpu.memref_slice %arg7[%mul3A_2] : memref<16384xf32, #tpu.memory_space<hbm>> -> memref<512xf32, #tpu.memory_space<hbm>>
      %dma_start3A_9 = tpu.memref_slice %arg7[%mul3A_2] : memref<16384xf32, #tpu.memory_space<hbm>> -> memref<512xf32, #tpu.memory_space<hbm>>
      tpu.enqueue_dma source(%arg13 : memref<512xf32, #tpu.memory_space<vmem>>) target(%dma_start3A_9 : memref<512xf32, #tpu.memory_space<hbm>>) target_semaphore(%run_scoped3A : memref<!tpu.dma_semaphore, #tpu.memory_space<semaphore_mem>>)
      %dma_wait3A = tpu.memref_slice %arg7[%mul3A_2] : memref<16384xf32, #tpu.memory_space<hbm>> -> memref<512xf32, #tpu.memory_space<hbm>>
      %dma_wait3A_10 = tpu.memref_slice %arg7[%mul3A_2] : memref<16384xf32, #tpu.memory_space<hbm>> -> memref<512xf32, #tpu.memory_space<hbm>>
      tpu.wait_dma2 semaphore(%run_scoped3A : memref<!tpu.dma_semaphore, #tpu.memory_space<semaphore_mem>>) src(%arg13 : memref<512xf32, #tpu.memory_space<vmem>>) dst(%dma_wait3A_10 : memref<512xf32, #tpu.memory_space<hbm>>)
      tpu.yield
    }) : () -> ()
    return
  }
}

</mosaic_0001>

<sc_bundles>
// kernel: mirtnet_sc.3.cloned.1.call-start
scs
__scs_entry_jumppad:
0x0: {  	(pc) =	sbr.rel $0x88, $3  }
0x1: {  	(tag) =	ssettag $0x0;
	lr =	simm.s32 $0x1  }
0x2: {  	[smem:$0x3F9C] =	sst lr;
	_ =	strace $0xD0000000  }
0x3: {  	_ = 	snop  }
0x4: {  	_ = 	snop  }
0x5: {  	_ = 	snop  }
0x6: {  	_ = 	snop  }
0x7: {  	_ = 	snop  }
__scs_overlays_trampoline_lowered:
0x8: {  	[smem:$0x3FAB] =	sst s0  }
0x9: {  	[smem:$0x3FAC] =	sst s1  }
0xa: {  	[smem:$0x3FAD] =	sst s2  }
0xb: {  	[smem:$0x3FAE] =	sst s3  }
0xc: {  	[smem:$0x3FAF] =	sst s4  }
0xd: {  	[smem:$0x3FB0] =	sst s5  }
0xe: {  	[smem:$0x3FB1] =	sst s6  }
0xf: {  	[smem:$0x3FB2] =	sst s7  }
0x10: {  	[smem:$0x3FB3] =	sst s8  }
0x11: {  	[smem:$0x3FB4] =	sst s9;
	s0 =	simm.s32 @!p0 $0x0  }
0x12: {  	s1 =	sld [smem:$0x3F9A];
	s0 =	simm.s32 @p0 $0x1  }
0x13: {  	[smem:$0x3FB5] =	sst s0;
	s0 =	simm.s32 @!p1 $0x0  }
0x14: {  	s2 =	sld [smem:$0x3F99];
	s0 =	simm.s32 @p1 $0x1  }
0x15: {  	[smem:$0x3FB6] =	sst s0;
	s0 =	simm.s32 @!p2 $0x0  }
0x16: {  	s3 =	sld [smem:$0x3FDB];
	s0 =	simm.s32 @p2 $0x1  }
0x17: {  	s4 =	simm.s32 $0x1BF5;
	[smem:$0x3FB8] =	sst s0  }
0x18: {  	s0 =	sld [smem:$0x3F9B];
	_ =	swait.ge [sflag:s4], $0x0  }
0x19: {  	s7 =	sld [smem:$0x3F9C]  }
0x1a: {  	s8 =	sadd.s32 $0xFFFFE003, lr  }
0x1b: {  	s9 =	sadd.s32 $0xFFFFFEF7, lr;
	s5 =	simm.s32 $0xFFFFFFFF;
	p2 =	slt.u32 s8, $0xFFFFF086  }
0x1c: {  	p1 =	slt.u32 s9, $0xF7A;
	s5 =	simm.s32 @!p2 $0x0  }
0x1d: {  	s5 =	simm.s32 @p1 $0x1;
	p0 =	seq.s32 s7, s2  }
0x1e: {  	s7 =	smul.u32 @!p0 $0xF7A, s2;
	p2 =	seq.s32 @!p0 s5, $0x0  }
0x1f: {  	s9 =	smul.u32 $0xF7A, s1;
	s8 =	simm.s32 @!p0 $0x1BF5;
	p2 =	por !p2, p0  }
0x20: {  	[sflag:s8] =	ssyncset.s32 @!p0 $0xFFFFF086;
	s6 =	sadd.s32 @!p0 s3, s7;
	s7 =	simm.s32 @!p0 $0x108  }
0x21: {  	s3 =	sadd.s32 s3, s9;
	s6 =	sadd.s32 @!p0 $0x88, s6;
	s7 =	simm.s32 @p2 $0x1082  }
0x22: {  	[simem:s7], [sflag:s8] =	dma.local @!p0 [hbm:s6], $0xF7A  }
0x23: {  	s9 =	sor.u32 $0xD0000000, s2;
	s6 =	simm.s32 $0x108;
	_ =	swait.ge @!p0 [sflag:s8], $0x0  }
0x24: {  	s3 =	sadd.s32 $0x88, s3;
	s6 =	simm.s32 @!p1 $0x1082;
	[sflag:s4] =	ssyncset.s32 $0xFFFFF086  }
0x25: {  	[simem:s6], [sflag:s4] =	dma.local [hbm:s3], $0xF7A  }
0x26: {  	[smem:$0x3F9C] =	sst s1;
	(tag) =	ssettag s2;
	_ =	strace s9  }
0x27: {  	s1 =	sld [smem:$0x3FAC]  }
0x28: {  	s2 =	sld [smem:$0x3FAD]  }
0x29: {  	s4 =	sld [smem:$0x3FAF]  }
0x2a: {  	p0 =	seq.s32 s5, $0x0;
	s5 =	sld [smem:$0x3FB0]  }
0x2b: {  	s6 =	sld [smem:$0x3FB1]  }
0x2c: {  	s7 =	sld [smem:$0x3FB2]  }
0x2d: {  	s3 =	simm.s32 $0x108;
	s8 =	sld [smem:$0x3FB3]  }
0x2e: {  	s3 =	simm.s32 @!p0 $0x1082;
	s9 =	sld [smem:$0x3FB4]  }
0x2f: {  	lr =	sadd.s32 s0, s3;
	s0 =	sld [smem:$0x3FAB]  }
0x30: {  	s3 =	sld [smem:$0x3FAE]  }
0x31: {  	[smem:$0x3FB7] =	sst s10  }
0x32: {  	s10 =	sld [smem:$0x3FB5];
	_ =	sdelay $0x3  }
0x33: {  	p0 =	seq.s32 s10, $0x1;
	s10 =	sld [smem:$0x3FB7];
	_ =	sdelay $0x3  }
0x34: {  	[smem:$0x3FB7] =	sst s10  }
0x35: {  	s10 =	sld [smem:$0x3FB6];
	_ =	sdelay $0x3  }
0x36: {  	p1 =	seq.s32 s10, $0x1;
	s10 =	sld [smem:$0x3FB7];
	_ =	sdelay $0x3  }
0x37: {  	[smem:$0x3FB7] =	sst s10  }
0x38: {  	s10 =	sld [smem:$0x3FB8]  }
0x39: {  	_ = 	snop;
	(pc) =	sbr.ind lr, $3  }
0x3a: {  	_ = 	snop  }
0x3b: {  	_ = 	snop  }
0x3c: {  	p2 =	seq.s32 s10, $0x1;
	s10 =	sld [smem:$0x3FB7]  }
0x3d: {  	_ =	shalt  }
0x3e: {  	_ =	shalt  }
0x3f: {  	_ =	shalt  }
0x40: {  	_ =	shalt  }
0x41: {  	_ =	shalt  }
0x42: {  	_ =	shalt  }
0x43: {  	_ =	shalt  }
0x44: {  	_ =	shalt  }
0x45: {  	_ =	shalt  }
0x46: {  	_ =	shalt  }
0x47: {  	_ =	shalt  }
0x48: {  	_ =	shalt  }
0x49: {  	_ =	shalt  }
0x4a: {  	_ =	shalt  }
0x4b: {  	_ =	shalt  }
0x4c: {  	_ =	shalt  }
0x4d: {  	_ =	shalt  }
0x4e: {  	_ =	shalt  }
0x4f: {  	_ =	shalt  }
0x50: {  	_ =	shalt  }
0x51: {  	_ =	shalt  }
0x52: {  	_ =	shalt  }
0x53: {  	_ =	shalt  }
0x54: {  	_ =	shalt  }
0x55: {  	_ =	shalt  }
0x56: {  	_ =	shalt  }
0x57: {  	_ =	shalt  }
0x58: {  	_ =	shalt  }
0x59: {  	_ =	shalt  }
0x5a: {  	_ =	shalt  }
0x5b: {  	_ =	shalt  }
0x5c: {  	_ =	shalt  }
0x5d: {  	_ =	shalt  }
0x5e: {  	_ =	shalt  }
0x5f: {  	_ =	shalt  }
0x60: {  	_ =	shalt  }
0x61: {  	_ =	shalt  }
0x62: {  	_ =	shalt  }
0x63: {  	_ =	shalt  }
0x64: {  	_ =	shalt  }
0x65: {  	_ =	shalt  }
0x66: {  	_ =	shalt  }
0x67: {  	_ =	shalt  }
0x68: {  	_ =	shalt  }
0x69: {  	_ =	shalt  }
0x6a: {  	_ =	shalt  }
0x6b: {  	_ =	shalt  }
0x6c: {  	_ =	shalt  }
0x6d: {  	_ =	shalt  }
0x6e: {  	_ =	shalt  }
0x6f: {  	_ =	shalt  }
0x70: {  	_ =	shalt  }
0x71: {  	_ =	shalt  }
0x72: {  	_ =	shalt  }
0x73: {  	_ =	shalt  }
0x74: {  	_ =	shalt  }
0x75: {  	_ =	shalt  }
0x76: {  	_ =	shalt  }
0x77: {  	_ =	shalt  }
0x78: {  	_ =	shalt  }
0x79: {  	_ =	shalt  }
0x7a: {  	_ =	shalt  }
0x7b: {  	_ =	shalt  }
0x7c: {  	_ =	shalt  }
0x7d: {  	_ =	shalt  }
0x7e: {  	_ =	shalt  }
0x7f: {  	_ =	shalt  }
0x80: {  	_ =	shalt  }
0x81: {  	_ =	shalt  }
0x82: {  	_ =	shalt  }
0x83: {  	_ =	shalt  }
0x84: {  	_ =	shalt  }
0x85: {  	_ =	shalt  }
0x86: {  	_ =	shalt  }
0x87: {  	_ =	shalt  }
.Lfunc_end0:
.L_simem_size_0:
called_computation_lowered:
.L_overlay_start_0:
0x88: {  	s2 =	sld [smem:$0x3FD9]  }
0x89: {  	s3 =	sld [smem:$0x3FFE];
	_ =	sdelay $0x1  }
0x8a: {  	s1 =	srdreg.scid  }
0x8b: {  	s0 =	sand.u32 $0x1, s1  }
0x8c: {  	s17 =	sshll.u32 s0, $0xA;
	s2 =	sadd.s32 s3, s2  }
0x8d: {  	s2 =	sadd.s32 s2, s17  }
0x8e: {  	[smem:$0x3FC3] =	sst s2  }
0x8f: {  	_ = 	snop  }
0x90: {  	s2 =	sld [smem:$0x3FC9]  }
0x91: {  	s18 =	sld [smem:$0x3FC8]  }
0x92: {  	s4 =	sld [smem:$0x3FD0];
	(tm) =	ssettm $0x1  }
0x93: {  	s5 =	sld [smem:$0x3FFB];
	_ =	sdelay $0x3  }
0x94: {  	_ =	strace s5  }
0x95: {  	s5 =	sld [smem:$0x3FFC];
	_ =	sdelay $0x3  }
0x96: {  	_ =	strace s5  }
0x97: {  	s5 =	sld [smem:$0x3FFD];
	_ =	sdelay $0x3  }
0x98: {  	_ =	strace s5  }
0x99: {  	_ =	strace $0x8FFFFFFF  }
0x9a: {  	s19 =	sld [smem:$0x3FDB];
	_ =	sdelay $0x1  }
0x9b: {  	s6 =	simm.s32 $_scs_section_size  }
0x9c: {  	s7 =	simm.s32 $_size__tile_overlayer_lowered;
	s8 =	simm.s32 $_tile_overlayer_lowered  }
0x9d: {  	s22 =	simm.s32 $0x1BFF;
	s21 =	sshll.u32 s8, $0x1;
	s5 =	sadd.s32 s6, s19  }
0x9e: {  	s9 =	simm.s32 $0x0;
	s20 =	sshll.u32 s7, $0x1;
	s7 =	sadd.s32 s21, s5  }
0x9f: {  	[timem:s9], [sflag:s22] =	dma.local [hbm:s7], s20  }
0xa0: {  	_ =	swait.ge [sflag:s22], s20  }
0xa1: {  	s6 =	ssub.s32 $0x0, s20;
	[sflag:s22] =	ssyncset.done $0x0  }
0xa2: {  	[sflag:s22] =	ssyncadd.s32 s6;
	_ =	sdelay $0x1  }
0xa3: {  	s23 =	simm.s32 $0x1B8B  }
0xa4: {  	_ =	swait.ge [sflag:s23], $0x1  }
0xa5: {  	[sflag:s23] =	ssyncset.done $0x0  }
0xa6: {  	s25 =	simm.s32 $0x1B8E;
	s24 =	sld [smem:$0x3FFE];
	[sflag:s23] =	ssyncadd.s32 $0xFFFFFFFF  }
0xa7: {  	s26 =	simm.s32 $execute0_lowered;
	[smem:$0x3FD2] =	sst s25  }
0xa8: {  	s7 =	sshll.u32 s26, $0x1;
	_ =	strace $0x80000046;
	[dreg:$0x1] =	wrdreg $0xFFFFFFFF  }
0xa9: {  	s28 =	simm.s32 $_size_execute0_lowered;
	s5 =	sadd.s32 s5, s7;
	[dreg:$0x0] =	wrdreg $0x0  }
0xaa: {  	s7 =	sshll.u32 s28, $0x1;
	[dreg:$0x2] =	wrdreg s5  }
0xab: {  	[dreg:$0x3] =	wrdreg s7  }
0xac: {  	[dreg:$0x4] =	wrdreg $0xC0  }
0xad: {  	_ =	task [dreg:s9], $0x5FFFF  }
0xae: {  	[dreg:$0x1] =	wrdreg $0xFFFFFFFF  }
0xaf: {  	[dreg:$0x0] =	wrdreg $0x60  }
0xb0: {  	[dreg:$0x2] =	wrdreg s2  }
0xb1: {  	[dreg:$0x3] =	wrdreg s18  }
0xb2: {  	[dreg:$0x4] =	wrdreg s24  }
0xb3: {  	[dreg:$0x5] =	wrdreg s4  }
0xb4: {  	[dreg:$0x6] =	wrdreg $0x9  }
0xb5: {  	_ =	task.clear_ibuf [dreg:s9], $0x7FFFF;
	_ =	strace $0x90000046  }
0xb6: {  	s29 =	simm.s32 $0x9;
	_ =	strace $0x80000048  }
0xb7: {  	_ =	swait.ge [sflag:s29], $0x1  }
0xb8: {  	[sflag:s29] =	ssyncadd.s32 $0xFFFFFFFF  }
0xb9: {  	_ =	strace $0x90000048  }
0xba: {  	_ =	sfence  }
0xbb: {  	s30 =	sld [smem:$0x0];
	_ =	sdelay $0x2  }
0xbc: {  	s31 =	sshll.u32 s1, $0xD;
	s1 =	sshrl.u32 s1, $0x2  }
0xbd: {  	s3 =	sand.u32 $0x4000, s31;
	s1 =	sadd.s32 s1, s30  }
0xbe: {  	s0 =	sor.u32 s3, s0;
	s1 =	sshll.u32 s1, $0x11  }
0xbf: {  	s0 =	sor.u32 s1, s0  }
0xc0: {  	s0 =	sadd.s32 $0x8F2B, s0  }
0xc1: {  	[sflag:s0] =	ssyncadd.remote.s32 $0x1  }
0xc2: {  	_ =	sfence.sel $0xFFFF  }
0xc3: {  	[dreg:$0x0] =	wrdreg $0xFFFFFFFF;
	(pc) =	sbr.abs _section_cstart, $3  }
0xc4: {  	[dreg:$0x1] =	wrdreg $0xFFFFFFFF  }
0xc5: {  	_ =	task.clear_ibuf [dreg:s9], $0x2FFFF;
	_ =	strace $0x9FFFFFFF  }
0xc6: {  	(tm) =	ssettm $0x7FFFFFFF  }
0xc7: {  	_ =	shalt  }
tec
execute0_lowered:
.L_overlay_start_1:
0x0: {  	(tag) =	ssettag $0x1  }
0x1: {  	s6 =	rddreg [dreg:$0x0]  }
0x2: {  	s7 =	rddreg [dreg:$0x1]  }
0x3: {  	s5 =	rddreg [dreg:$0x2]  }
0x4: {  	s8 =	rddreg [dreg:$0x3]  }
0x5: {  	s0 =	rddreg [dreg:$0x4];
	s1 =	simm.s32 $0x0;
	s9 =	srdreg.scid  }
0x6: {  	s2 =	stileid.u32;
	s13 =	simm.s32 $0x3;
	s14 =	simm.s32 $0x8400  }
0x7: {  	s15 =	simm.s32 $0x18400;
	s16 =	simm.s32 $0x0;
	[smem:$0x7FF] =	sst s1  }
0x8: {  	vm0 =	vmmov $0x1;
	vm1 =	vmmov $0x3;
	s3 =	sadd.s32 $0x30DA00, s5;
	s4 =	sadd.s32 $0x600, s5;
	s9 =	sand.u32 $0x1, s9  }
0x9: {  	vm2 =	vmmov $0x7;
	vm3 =	vmmov $0xf;
	vm4 =	vmmov $0x1f;
	s11 =	sshll.u32 s2, $0x7;
	s5 =	sadd.s32 $0x187000, s5;
	s10 =	ssub.s32 $0x2, s9  }
0xa: {  	vm5 =	vmmov $0x3f;
	vm6 =	vmmov $0x7f;
	vm7 =	vmmov $0xff;
	_ =	strace $0x80000047;
	s9 =	sshll.u32 s9, $0x6;
	s12 =	sshrl.u32 s10, $0x1  }
0xb: {  	vm8 =	vmmov $0x1ff;
	vm9 =	vmmov $0x3ff;
	vm10 =	vmmov $0x7ff;
	s9 =	sor.u32 s9, s11;
	s11 =	simm.s32 $0x1;
	s10 =	ssub.s32 s10, s12  }
0xc: {  	vm11 =	vmmov $0xfff;
	vm12 =	vmmov $0x1fff;
	v0 =	vlaneseq.u32;
	s6 =	sadd.s32 s6, s9;
	s7 =	sadd.s32 s7, s9;
	s8 =	sadd.s32 s8, s9  }
0xd: {  	vm13 =	vmmov $0x3fff;
	vm14 =	vmmov $0x7fff;
	v0 =	vmul.u32 $0x80, v0;
	s12 =	simm.s32 $0x2;
	s9 =	smax.u32 s10, $0x1;
	s10 =	simm.s32 $0x4  }
.LBB2_1:
0xe: {  	[tilespmem:s1], [sflag:$0x4] =	stream.linear.gather [hbm4b:s6+s1], $0x200, $0x38;
	[tilespmem:$0x18600] =	vst v63  }
0xf: {  	_ =	swait.ge [sflag:s10], $0x200  }
0x10: {  	[sflag:s10] =	ssyncset.done $0x0  }
0x11: {  	s17 =	simm.s32 $0x200;
	[sflag:s10] =	ssyncadd.s32 $0xFFFFFE00  }
0x12: {  	[tilespmem:s17], [sflag:$0x4] =	stream.linear.gather [hbm4b:s7+s1], $0x200, $0x38;
	[tilespmem:$0x18600] =	vst v63  }
0x13: {  	s18 =	simm.s32 $0x18400;
	_ =	swait.ge [sflag:s10], $0x200  }
0x14: {  	s19 =	simm.s32 $0x0;
	s20 =	simm.s32 $0x8400;
	[sflag:s10] =	ssyncset.done $0x0  }
0x15: {  	s21 =	simm.s32 $0x0;
	s22 =	simm.s32 $0x0;
	[sflag:s10] =	ssyncadd.s32 $0xFFFFFE00  }
.LBB2_2:
0x16: {  	s23 =	simm.s32 $0x0;
	s24 =	smov.u32 s21;
	s25 =	smov.u32 s17  }
.LBB2_3:
0x17: {  	v2 =	vld [tilespmem:s24+$0x0];
	_ =	sdelay $0x4  }
0x18: {  	(v2sf) =	vpush v2, $0x0;
	_ =	sdelay $0x9  }
0x19: {  	v1 =	vld [tilespmem:s25+$0x0];
	_ =	sdelay $0x4  }
0x1a: {  	s26 =	spop (v2sf);
	(v2sf) =	vpush v1, $0x0  }
0x1b: {  	s28 =	sshra.s32 s26, $0x1F  }
0x1c: {  	s28 =	sshrl.u32 s28, $0x1D  }
0x1d: {  	s28 =	sadd.s32 s28, s26  }
0x1e: {  	s29 =	sand.u32 $0xFFFFFFF8, s28  }
0x1f: {  	p0 =	slt.s32 s26, $0x1;
	p1 =	sne.s32 s26, s29  }
0x20: {  	p0 =	por !p0, !p1  }
0x21: {  	s29 =	simm.s32 $0x1;
	p0 =	por !p0, !p0  }
0x22: {  	s28 =	sshrl.u32 s28, $0x3;
	s26 =	sshll.u32 s26, $0x7;
	s29 =	simm.s32 @!p0 $0x0  }
0x23: {  	s26 =	sadd.s32 $0x400, s26;
	s28 =	ssub.s32 s28, s29  }
0x24: {  	s26 =	sand.u32 $0x380, s26;
	s28 =	sshll.u32 s28, $0xA  }
0x25: {  	s28 =	sor.u32 s26, s28  }
0x26: {  	s26 =	sshra.s32 s23, $0x2;
	s28 =	sshrl.u32 s28, $0x3  }
0x27: {  	s30 =	sadd.s32 $0x400, s26;
	s28 =	sadd.s32 s3, s28  }
0x28: {  	[tilespmem:s30], [sflag:$0x1] =	stream.linear.gather [hbm4b:s28+s1], $0x80, $0x38;
	[tilespmem:$0x18600] =	vst v63  }
0x29: {  	s31 =	spop (v2sf)  }
0x2a: {  	s30 =	sshra.s32 s31, $0x1F  }
0x2b: {  	(v2sf) =	vpush v2, $0x1;
	s29 =	sshrl.u32 s30, $0x1D  }
0x2c: {  	s29 =	sadd.s32 s29, s31  }
0x2d: {  	s30 =	sand.u32 $0xFFFFFFF8, s29  }
0x2e: {  	p5 =	slt.s32 s31, $0x1;
	p6 =	sne.s32 s31, s30  }
0x2f: {  	p0 =	por !p5, !p6  }
0x30: {  	s30 =	simm.s32 $0x1;
	p0 =	por !p0, !p0  }
0x31: {  	s28 =	sshll.u32 s31, $0x7;
	s29 =	sshrl.u32 s29, $0x3;
	s30 =	simm.s32 @!p0 $0x0  }
0x32: {  	s28 =	sadd.s32 $0x400, s28;
	s29 =	ssub.s32 s29, s30  }
0x33: {  	s28 =	sand.u32 $0x380, s28;
	s29 =	sshll.u32 s29, $0xA  }
0x34: {  	s28 =	sor.u32 s28, s29  }
0x35: {  	s29 =	sshrl.u32 s28, $0x3  }
0x36: {  	s28 =	sadd.s32 $0x4400, s26;
	s31 =	sadd.s32 s4, s29  }
0x37: {  	[tilespmem:s28], [sflag:$0x2] =	stream.linear.gather [hbm4b:s31+s1], $0x80, $0x38;
	[tilespmem:$0x18600] =	vst v63  }
0x38: {  	s29 =	sadd.s32 s5, s29;
	s28 =	sadd.s32 s26, s20  }
0x39: {  	[tilespmem:s28], [sflag:$0x3] =	stream.linear.gather [hbm4b:s29+s1], $0x80, $0x38;
	[tilespmem:$0x18600] =	vst v63  }
0x3a: {  	s29 =	spop (v2sf);
	(v2sf) =	vpush v1, $0x1  }
0x3b: {  	s31 =	sshra.s32 s29, $0x1F  }
0x3c: {  	s30 =	sshrl.u32 s31, $0x1D  }
0x3d: {  	s30 =	sadd.s32 s30, s29  }
0x3e: {  	s31 =	sand.u32 $0xFFFFFFF8, s30  }
0x3f: {  	p1 =	slt.s32 s29, $0x1;
	p2 =	sne.s32 s29, s31  }
0x40: {  	p0 =	por !p1, !p2  }
0x41: {  	s31 =	simm.s32 $0x1;
	p0 =	por !p0, !p0  }
0x42: {  	s30 =	sshrl.u32 s30, $0x3;
	s29 =	sshll.u32 s29, $0x7;
	s31 =	simm.s32 @!p0 $0x0  }
0x43: {  	s29 =	sadd.s32 $0x400, s29;
	s30 =	ssub.s32 s30, s31  }
0x44: {  	s29 =	sand.u32 $0x380, s29;
	s30 =	sshll.u32 s30, $0xA  }
0x45: {  	s29 =	sor.u32 s29, s30  }
0x46: {  	s29 =	sshrl.u32 s29, $0x3  }
0x47: {  	s31 =	sadd.s32 $0x480, s26;
	s29 =	sadd.s32 s3, s29  }
0x48: {  	[tilespmem:s31], [sflag:$0x1] =	stream.linear.gather [hbm4b:s29+s1], $0x80, $0x38;
	[tilespmem:$0x18600] =	vst v63  }
0x49: {  	s29 =	spop (v2sf)  }
0x4a: {  	s31 =	sshra.s32 s29, $0x1F  }
0x4b: {  	(v2sf) =	vpush v2, $0x2;
	s30 =	sshrl.u32 s31, $0x1D  }
0x4c: {  	s30 =	sadd.s32 s30, s29  }
0x4d: {  	s31 =	sand.u32 $0xFFFFFFF8, s30  }
0x4e: {  	p3 =	slt.s32 s29, $0x1;
	p4 =	sne.s32 s29, s31  }
0x4f: {  	p0 =	por !p3, !p4  }
0x50: {  	s31 =	simm.s32 $0x1;
	p0 =	por !p0, !p0  }
0x51: {  	s30 =	sshrl.u32 s30, $0x3;
	s29 =	sshll.u32 s29, $0x7;
	s31 =	simm.s32 @!p0 $0x0  }
0x52: {  	s29 =	sadd.s32 $0x400, s29;
	s30 =	ssub.s32 s30, s31  }
0x53: {  	s29 =	sand.u32 $0x380, s29;
	s30 =	sshll.u32 s30, $0xA  }
0x54: {  	s29 =	sor.u32 s29, s30  }
0x55: {  	s29 =	sshrl.u32 s29, $0x3  }
0x56: {  	s30 =	sadd.s32 $0x4480, s26;
	s31 =	sadd.s32 s4, s29  }
0x57: {  	[tilespmem:s30], [sflag:$0x2] =	stream.linear.gather [hbm4b:s31+s1], $0x80, $0x38;
	[tilespmem:$0x18600] =	vst v63  }
0x58: {  	s29 =	sadd.s32 s5, s29;
	s31 =	sadd.s32 $0x80, s28  }
0x59: {  	[tilespmem:s31], [sflag:$0x3] =	stream.linear.gather [hbm4b:s29+s1], $0x80, $0x38;
	[tilespmem:$0x18600] =	vst v63  }
0x5a: {  	s29 =	spop (v2sf);
	(v2sf) =	vpush v1, $0x2  }
0x5b: {  	s31 =	sshra.s32 s29, $0x1F  }
0x5c: {  	s30 =	sshrl.u32 s31, $0x1D  }
0x5d: {  	s30 =	sadd.s32 s30, s29  }
0x5e: {  	s31 =	sand.u32 $0xFFFFFFF8, s30  }
0x5f: {  	p5 =	slt.s32 s29, $0x1;
	p6 =	sne.s32 s29, s31  }
0x60: {  	p0 =	por !p5, !p6  }
0x61: {  	s31 =	simm.s32 $0x1;
	p0 =	por !p0, !p0  }
0x62: {  	s30 =	sshrl.u32 s30, $0x3;
	s29 =	sshll.u32 s29, $0x7;
	s31 =	simm.s32 @!p0 $0x0  }
0x63: {  	s29 =	sadd.s32 $0x400, s29;
	s30 =	ssub.s32 s30, s31  }
0x64: {  	s29 =	sand.u32 $0x380, s29;
	s30 =	sshll.u32 s30, $0xA  }
0x65: {  	s29 =	sor.u32 s29, s30  }
0x66: {  	s29 =	sshrl.u32 s29, $0x3  }
0x67: {  	s31 =	sadd.s32 $0x500, s26;
	s29 =	sadd.s32 s3, s29  }
0x68: {  	[tilespmem:s31], [sflag:$0x1] =	stream.linear.gather [hbm4b:s29+s1], $0x80, $0x38;
	[tilespmem:$0x18600] =	vst v63  }
0x69: {  	s29 =	spop (v2sf)  }
0x6a: {  	s31 =	sshra.s32 s29, $0x1F  }
0x6b: {  	(v2sf) =	vpush v2, $0x3;
	s30 =	sshrl.u32 s31, $0x1D  }
0x6c: {  	s30 =	sadd.s32 s30, s29  }
0x6d: {  	s31 =	sand.u32 $0xFFFFFFF8, s30  }
0x6e: {  	p1 =	slt.s32 s29, $0x1;
	p2 =	sne.s32 s29, s31  }
0x6f: {  	p0 =	por !p1, !p2  }
0x70: {  	s31 =	simm.s32 $0x1;
	p0 =	por !p0, !p0  }
0x71: {  	s30 =	sshrl.u32 s30, $0x3;
	s29 =	sshll.u32 s29, $0x7;
	s31 =	simm.s32 @!p0 $0x0  }
0x72: {  	s29 =	sadd.s32 $0x400, s29;
	s30 =	ssub.s32 s30, s31  }
0x73: {  	s29 =	sand.u32 $0x380, s29;
	s30 =	sshll.u32 s30, $0xA  }
0x74: {  	s29 =	sor.u32 s29, s30  }
0x75: {  	s29 =	sshrl.u32 s29, $0x3  }
0x76: {  	s30 =	sadd.s32 $0x4500, s26;
	s31 =	sadd.s32 s4, s29  }
0x77: {  	[tilespmem:s30], [sflag:$0x2] =	stream.linear.gather [hbm4b:s31+s1], $0x80, $0x38;
	[tilespmem:$0x18600] =	vst v63  }
0x78: {  	s29 =	sadd.s32 s5, s29;
	s31 =	sadd.s32 $0x100, s28  }
0x79: {  	[tilespmem:s31], [sflag:$0x3] =	stream.linear.gather [hbm4b:s29+s1], $0x80, $0x38;
	[tilespmem:$0x18600] =	vst v63  }
0x7a: {  	s29 =	spop (v2sf);
	(v2sf) =	vpush v1, $0x3  }
0x7b: {  	s31 =	sshra.s32 s29, $0x1F  }
0x7c: {  	s30 =	sshrl.u32 s31, $0x1D  }
0x7d: {  	s30 =	sadd.s32 s30, s29  }
0x7e: {  	s31 =	sand.u32 $0xFFFFFFF8, s30  }
0x7f: {  	p3 =	slt.s32 s29, $0x1;
	p4 =	sne.s32 s29, s31  }
0x80: {  	p0 =	por !p3, !p4  }
0x81: {  	s31 =	simm.s32 $0x1;
	p0 =	por !p0, !p0  }
0x82: {  	s30 =	sshrl.u32 s30, $0x3;
	s29 =	sshll.u32 s29, $0x7;
	s31 =	simm.s32 @!p0 $0x0  }
0x83: {  	s29 =	sadd.s32 $0x400, s29;
	s30 =	ssub.s32 s30, s31  }
0x84: {  	s29 =	sand.u32 $0x380, s29;
	s30 =	sshll.u32 s30, $0xA  }
0x85: {  	s29 =	sor.u32 s29, s30  }
0x86: {  	s29 =	sshrl.u32 s29, $0x3  }
0x87: {  	s31 =	sadd.s32 $0x580, s26;
	s29 =	sadd.s32 s3, s29  }
0x88: {  	[tilespmem:s31], [sflag:$0x1] =	stream.linear.gather [hbm4b:s29+s1], $0x80, $0x38;
	[tilespmem:$0x18600] =	vst v63  }
0x89: {  	s29 =	spop (v2sf)  }
0x8a: {  	s31 =	sshra.s32 s29, $0x1F  }
0x8b: {  	(v2sf) =	vpush v2, $0x4;
	s30 =	sshrl.u32 s31, $0x1D  }
0x8c: {  	s30 =	sadd.s32 s30, s29  }
0x8d: {  	s31 =	sand.u32 $0xFFFFFFF8, s30  }
0x8e: {  	p5 =	slt.s32 s29, $0x1;
	p6 =	sne.s32 s29, s31  }
0x8f: {  	p0 =	por !p5, !p6  }
0x90: {  	s31 =	simm.s32 $0x1;
	p0 =	por !p0, !p0  }
0x91: {  	s30 =	sshrl.u32 s30, $0x3;
	s29 =	sshll.u32 s29, $0x7;
	s31 =	simm.s32 @!p0 $0x0  }
0x92: {  	s29 =	sadd.s32 $0x400, s29;
	s30 =	ssub.s32 s30, s31  }
0x93: {  	s29 =	sand.u32 $0x380, s29;
	s30 =	sshll.u32 s30, $0xA  }
0x94: {  	s29 =	sor.u32 s29, s30  }
0x95: {  	s29 =	sshrl.u32 s29, $0x3  }
0x96: {  	s30 =	sadd.s32 $0x4580, s26;
	s31 =	sadd.s32 s4, s29  }
0x97: {  	[tilespmem:s30], [sflag:$0x2] =	stream.linear.gather [hbm4b:s31+s1], $0x80, $0x38;
	[tilespmem:$0x18600] =	vst v63  }
0x98: {  	s29 =	sadd.s32 s5, s29;
	s31 =	sadd.s32 $0x180, s28  }
0x99: {  	[tilespmem:s31], [sflag:$0x3] =	stream.linear.gather [hbm4b:s29+s1], $0x80, $0x38;
	[tilespmem:$0x18600] =	vst v63  }
0x9a: {  	s29 =	spop (v2sf);
	(v2sf) =	vpush v1, $0x4  }
0x9b: {  	s31 =	sshra.s32 s29, $0x1F  }
0x9c: {  	s30 =	sshrl.u32 s31, $0x1D  }
0x9d: {  	s30 =	sadd.s32 s30, s29  }
0x9e: {  	s31 =	sand.u32 $0xFFFFFFF8, s30  }
0x9f: {  	p1 =	slt.s32 s29, $0x1;
	p2 =	sne.s32 s29, s31  }
0xa0: {  	p0 =	por !p1, !p2  }
0xa1: {  	s31 =	simm.s32 $0x1;
	p0 =	por !p0, !p0  }
0xa2: {  	s30 =	sshrl.u32 s30, $0x3;
	s29 =	sshll.u32 s29, $0x7;
	s31 =	simm.s32 @!p0 $0x0  }
0xa3: {  	s29 =	sadd.s32 $0x400, s29;
	s30 =	ssub.s32 s30, s31  }
0xa4: {  	s29 =	sand.u32 $0x380, s29;
	s30 =	sshll.u32 s30, $0xA  }
0xa5: {  	s29 =	sor.u32 s29, s30  }
0xa6: {  	s29 =	sshrl.u32 s29, $0x3  }
0xa7: {  	s31 =	sadd.s32 $0x600, s26;
	s29 =	sadd.s32 s3, s29  }
0xa8: {  	[tilespmem:s31], [sflag:$0x1] =	stream.linear.gather [hbm4b:s29+s1], $0x80, $0x38;
	[tilespmem:$0x18600] =	vst v63  }
0xa9: {  	s29 =	spop (v2sf)  }
0xaa: {  	s31 =	sshra.s32 s29, $0x1F  }
0xab: {  	(v2sf) =	vpush v2, $0x5;
	s30 =	sshrl.u32 s31, $0x1D  }
0xac: {  	s30 =	sadd.s32 s30, s29  }
0xad: {  	s31 =	sand.u32 $0xFFFFFFF8, s30  }
0xae: {  	p3 =	slt.s32 s29, $0x1;
	p4 =	sne.s32 s29, s31  }
0xaf: {  	p0 =	por !p3, !p4  }
0xb0: {  	s31 =	simm.s32 $0x1;
	p0 =	por !p0, !p0  }
0xb1: {  	s30 =	sshrl.u32 s30, $0x3;
	s29 =	sshll.u32 s29, $0x7;
	s31 =	simm.s32 @!p0 $0x0  }
0xb2: {  	s29 =	sadd.s32 $0x400, s29;
	s30 =	ssub.s32 s30, s31  }
0xb3: {  	s29 =	sand.u32 $0x380, s29;
	s30 =	sshll.u32 s30, $0xA  }
0xb4: {  	s29 =	sor.u32 s29, s30  }
0xb5: {  	s29 =	sshrl.u32 s29, $0x3  }
0xb6: {  	s30 =	sadd.s32 $0x4600, s26;
	s31 =	sadd.s32 s4, s29  }
0xb7: {  	[tilespmem:s30], [sflag:$0x2] =	stream.linear.gather [hbm4b:s31+s1], $0x80, $0x38;
	[tilespmem:$0x18600] =	vst v63  }
0xb8: {  	s29 =	sadd.s32 s5, s29;
	s31 =	sadd.s32 $0x200, s28  }
0xb9: {  	[tilespmem:s31], [sflag:$0x3] =	stream.linear.gather [hbm4b:s29+s1], $0x80, $0x38;
	[tilespmem:$0x18600] =	vst v63  }
0xba: {  	s29 =	spop (v2sf);
	(v2sf) =	vpush v1, $0x5  }
0xbb: {  	s31 =	sshra.s32 s29, $0x1F  }
0xbc: {  	s30 =	sshrl.u32 s31, $0x1D  }
0xbd: {  	s30 =	sadd.s32 s30, s29  }
0xbe: {  	s31 =	sand.u32 $0xFFFFFFF8, s30  }
0xbf: {  	p5 =	slt.s32 s29, $0x1;
	p6 =	sne.s32 s29, s31  }
0xc0: {  	p0 =	por !p5, !p6  }
0xc1: {  	s31 =	simm.s32 $0x1;
	p0 =	por !p0, !p0  }
0xc2: {  	s30 =	sshrl.u32 s30, $0x3;
	s29 =	sshll.u32 s29, $0x7;
	s31 =	simm.s32 @!p0 $0x0  }
0xc3: {  	s29 =	sadd.s32 $0x400, s29;
	s30 =	ssub.s32 s30, s31  }
0xc4: {  	s29 =	sand.u32 $0x380, s29;
	s30 =	sshll.u32 s30, $0xA  }
0xc5: {  	s29 =	sor.u32 s29, s30  }
0xc6: {  	s29 =	sshrl.u32 s29, $0x3  }
0xc7: {  	s31 =	sadd.s32 $0x680, s26;
	s29 =	sadd.s32 s3, s29  }
0xc8: {  	[tilespmem:s31], [sflag:$0x1] =	stream.linear.gather [hbm4b:s29+s1], $0x80, $0x38;
	[tilespmem:$0x18600] =	vst v63  }
0xc9: {  	s29 =	spop (v2sf)  }
0xca: {  	s31 =	sshra.s32 s29, $0x1F  }
0xcb: {  	(v2sf) =	vpush v2, $0x6;
	s30 =	sshrl.u32 s31, $0x1D  }
0xcc: {  	s30 =	sadd.s32 s30, s29  }
0xcd: {  	s31 =	sand.u32 $0xFFFFFFF8, s30  }
0xce: {  	p1 =	slt.s32 s29, $0x1;
	p2 =	sne.s32 s29, s31  }
0xcf: {  	p0 =	por !p1, !p2  }
0xd0: {  	s31 =	simm.s32 $0x1;
	p0 =	por !p0, !p0  }
0xd1: {  	s30 =	sshrl.u32 s30, $0x3;
	s29 =	sshll.u32 s29, $0x7;
	s31 =	simm.s32 @!p0 $0x0  }
0xd2: {  	s29 =	sadd.s32 $0x400, s29;
	s30 =	ssub.s32 s30, s31  }
0xd3: {  	s29 =	sand.u32 $0x380, s29;
	s30 =	sshll.u32 s30, $0xA  }
0xd4: {  	s29 =	sor.u32 s29, s30  }
0xd5: {  	s29 =	sshrl.u32 s29, $0x3  }
0xd6: {  	s30 =	sadd.s32 $0x4680, s26;
	s31 =	sadd.s32 s4, s29  }
0xd7: {  	[tilespmem:s30], [sflag:$0x2] =	stream.linear.gather [hbm4b:s31+s1], $0x80, $0x38;
	[tilespmem:$0x18600] =	vst v63  }
0xd8: {  	s29 =	sadd.s32 s5, s29;
	s31 =	sadd.s32 $0x280, s28  }
0xd9: {  	[tilespmem:s31], [sflag:$0x3] =	stream.linear.gather [hbm4b:s29+s1], $0x80, $0x38;
	[tilespmem:$0x18600] =	vst v63  }
0xda: {  	s29 =	spop (v2sf);
	(v2sf) =	vpush v1, $0x6  }
0xdb: {  	s31 =	sshra.s32 s29, $0x1F  }
0xdc: {  	s30 =	sshrl.u32 s31, $0x1D  }
0xdd: {  	s30 =	sadd.s32 s30, s29  }
0xde: {  	s31 =	sand.u32 $0xFFFFFFF8, s30  }
0xdf: {  	p3 =	slt.s32 s29, $0x1;
	p4 =	sne.s32 s29, s31  }
0xe0: {  	p0 =	por !p3, !p4  }
0xe1: {  	s31 =	simm.s32 $0x1;
	p0 =	por !p0, !p0  }
0xe2: {  	s30 =	sshrl.u32 s30, $0x3;
	s29 =	sshll.u32 s29, $0x7;
	s31 =	simm.s32 @!p0 $0x0  }
0xe3: {  	s29 =	sadd.s32 $0x400, s29;
	s30 =	ssub.s32 s30, s31  }
0xe4: {  	s29 =	sand.u32 $0x380, s29;
	s30 =	sshll.u32 s30, $0xA  }
0xe5: {  	s29 =	sor.u32 s29, s30  }
0xe6: {  	s29 =	sshrl.u32 s29, $0x3  }
0xe7: {  	s31 =	sadd.s32 $0x700, s26;
	s29 =	sadd.s32 s3, s29  }
0xe8: {  	[tilespmem:s31], [sflag:$0x1] =	stream.linear.gather [hbm4b:s29+s1], $0x80, $0x38;
	[tilespmem:$0x18600] =	vst v63  }
0xe9: {  	s29 =	spop (v2sf)  }
0xea: {  	s31 =	sshra.s32 s29, $0x1F  }
0xeb: {  	(v2sf) =	vpush v2, $0x7;
	s30 =	sshrl.u32 s31, $0x1D  }
0xec: {  	s30 =	sadd.s32 s30, s29  }
0xed: {  	s31 =	sand.u32 $0xFFFFFFF8, s30  }
0xee: {  	p5 =	slt.s32 s29, $0x1;
	p6 =	sne.s32 s29, s31  }
0xef: {  	p0 =	por !p5, !p6  }
0xf0: {  	s31 =	simm.s32 $0x1;
	p0 =	por !p0, !p0  }
0xf1: {  	s30 =	sshrl.u32 s30, $0x3;
	s29 =	sshll.u32 s29, $0x7;
	s31 =	simm.s32 @!p0 $0x0  }
0xf2: {  	s29 =	sadd.s32 $0x400, s29;
	s30 =	ssub.s32 s30, s31  }
0xf3: {  	s29 =	sand.u32 $0x380, s29;
	s30 =	sshll.u32 s30, $0xA  }
0xf4: {  	s29 =	sor.u32 s29, s30  }
0xf5: {  	s29 =	sshrl.u32 s29, $0x3  }
0xf6: {  	s30 =	sadd.s32 $0x4700, s26;
	s31 =	sadd.s32 s4, s29  }
0xf7: {  	[tilespmem:s30], [sflag:$0x2] =	stream.linear.gather [hbm4b:s31+s1], $0x80, $0x38;
	[tilespmem:$0x18600] =	vst v63  }
0xf8: {  	s29 =	sadd.s32 s5, s29;
	s31 =	sadd.s32 $0x300, s28  }
0xf9: {  	[tilespmem:s31], [sflag:$0x3] =	stream.linear.gather [hbm4b:s29+s1], $0x80, $0x38;
	[tilespmem:$0x18600] =	vst v63  }
0xfa: {  	s29 =	spop (v2sf);
	(v2sf) =	vpush v1, $0x7  }
0xfb: {  	s31 =	sshra.s32 s29, $0x1F  }
0xfc: {  	s30 =	sshrl.u32 s31, $0x1D  }
0xfd: {  	s30 =	sadd.s32 s30, s29  }
0xfe: {  	s31 =	sand.u32 $0xFFFFFFF8, s30  }
0xff: {  	p1 =	slt.s32 s29, $0x1;
	p2 =	sne.s32 s29, s31  }
0x100: {  	p0 =	por !p1, !p2  }
0x101: {  	s31 =	simm.s32 $0x1;
	p0 =	por !p0, !p0  }
0x102: {  	s30 =	sshrl.u32 s30, $0x3;
	s29 =	sshll.u32 s29, $0x7;
	s31 =	simm.s32 @!p0 $0x0  }
0x103: {  	s29 =	sadd.s32 $0x400, s29;
	s30 =	ssub.s32 s30, s31  }
0x104: {  	s29 =	sand.u32 $0x380, s29;
	s30 =	sshll.u32 s30, $0xA  }
0x105: {  	s29 =	sor.u32 s29, s30  }
0x106: {  	s29 =	sshrl.u32 s29, $0x3  }
0x107: {  	s31 =	sadd.s32 $0x780, s26;
	s29 =	sadd.s32 s3, s29  }
0x108: {  	[tilespmem:s31], [sflag:$0x1] =	stream.linear.gather [hbm4b:s29+s1], $0x80, $0x38;
	[tilespmem:$0x18600] =	vst v63  }
0x109: {  	s29 =	spop (v2sf)  }
0x10a: {  	s31 =	sshra.s32 s29, $0x1F  }
0x10b: {  	(v2sf) =	vpush v2, $0x8;
	s30 =	sshrl.u32 s31, $0x1D  }
0x10c: {  	s30 =	sadd.s32 s30, s29  }
0x10d: {  	s31 =	sand.u32 $0xFFFFFFF8, s30  }
0x10e: {  	p3 =	slt.s32 s29, $0x1;
	p4 =	sne.s32 s29, s31  }
0x10f: {  	p0 =	por !p3, !p4  }
0x110: {  	s31 =	simm.s32 $0x1;
	p0 =	por !p0, !p0  }
0x111: {  	s30 =	sshrl.u32 s30, $0x3;
	s29 =	sshll.u32 s29, $0x7;
	s31 =	simm.s32 @!p0 $0x0  }
0x112: {  	s29 =	sadd.s32 $0x400, s29;
	s30 =	ssub.s32 s30, s31  }
0x113: {  	s29 =	sand.u32 $0x380, s29;
	s30 =	sshll.u32 s30, $0xA  }
0x114: {  	s29 =	sor.u32 s29, s30  }
0x115: {  	s29 =	sshrl.u32 s29, $0x3  }
0x116: {  	s30 =	sadd.s32 $0x4780, s26;
	s31 =	sadd.s32 s4, s29  }
0x117: {  	[tilespmem:s30], [sflag:$0x2] =	stream.linear.gather [hbm4b:s31+s1], $0x80, $0x38;
	[tilespmem:$0x18600] =	vst v63  }
0x118: {  	s29 =	sadd.s32 s5, s29;
	s31 =	sadd.s32 $0x380, s28  }
0x119: {  	[tilespmem:s31], [sflag:$0x3] =	stream.linear.gather [hbm4b:s29+s1], $0x80, $0x38;
	[tilespmem:$0x18600] =	vst v63  }
0x11a: {  	s29 =	spop (v2sf);
	(v2sf) =	vpush v1, $0x8  }
0x11b: {  	s31 =	sshra.s32 s29, $0x1F  }
0x11c: {  	s30 =	sshrl.u32 s31, $0x1D  }
0x11d: {  	s30 =	sadd.s32 s30, s29  }
0x11e: {  	s31 =	sand.u32 $0xFFFFFFF8, s30  }
0x11f: {  	p5 =	slt.s32 s29, $0x1;
	p6 =	sne.s32 s29, s31  }
0x120: {  	p0 =	por !p5, !p6  }
0x121: {  	s31 =	simm.s32 $0x1;
	p0 =	por !p0, !p0  }
0x122: {  	s30 =	sshrl.u32 s30, $0x3;
	s29 =	sshll.u32 s29, $0x7;
	s31 =	simm.s32 @!p0 $0x0  }
0x123: {  	s29 =	sadd.s32 $0x400, s29;
	s30 =	ssub.s32 s30, s31  }
0x124: {  	s29 =	sand.u32 $0x380, s29;
	s30 =	sshll.u32 s30, $0xA  }
0x125: {  	s29 =	sor.u32 s29, s30  }
0x126: {  	s29 =	sshrl.u32 s29, $0x3  }
0x127: {  	s31 =	sadd.s32 $0x800, s26;
	s29 =	sadd.s32 s3, s29  }
0x128: {  	[tilespmem:s31], [sflag:$0x1] =	stream.linear.gather [hbm4b:s29+s1], $0x80, $0x38;
	[tilespmem:$0x18600] =	vst v63  }
0x129: {  	s29 =	spop (v2sf)  }
0x12a: {  	s31 =	sshra.s32 s29, $0x1F  }
0x12b: {  	(v2sf) =	vpush v2, $0x9;
	s30 =	sshrl.u32 s31, $0x1D  }
0x12c: {  	s30 =	sadd.s32 s30, s29  }
0x12d: {  	s31 =	sand.u32 $0xFFFFFFF8, s30  }
0x12e: {  	p1 =	slt.s32 s29, $0x1;
	p2 =	sne.s32 s29, s31  }
0x12f: {  	p0 =	por !p1, !p2  }
0x130: {  	s31 =	simm.s32 $0x1;
	p0 =	por !p0, !p0  }
0x131: {  	s30 =	sshrl.u32 s30, $0x3;
	s29 =	sshll.u32 s29, $0x7;
	s31 =	simm.s32 @!p0 $0x0  }
0x132: {  	s29 =	sadd.s32 $0x400, s29;
	s30 =	ssub.s32 s30, s31  }
0x133: {  	s29 =	sand.u32 $0x380, s29;
	s30 =	sshll.u32 s30, $0xA  }
0x134: {  	s29 =	sor.u32 s29, s30  }
0x135: {  	s29 =	sshrl.u32 s29, $0x3  }
0x136: {  	s30 =	sadd.s32 $0x4800, s26;
	s31 =	sadd.s32 s4, s29  }
0x137: {  	[tilespmem:s30], [sflag:$0x2] =	stream.linear.gather [hbm4b:s31+s1], $0x80, $0x38;
	[tilespmem:$0x18600] =	vst v63  }
0x138: {  	s29 =	sadd.s32 s5, s29;
	s31 =	sadd.s32 $0x400, s28  }
0x139: {  	[tilespmem:s31], [sflag:$0x3] =	stream.linear.gather [hbm4b:s29+s1], $0x80, $0x38;
	[tilespmem:$0x18600] =	vst v63  }
0x13a: {  	s29 =	spop (v2sf);
	(v2sf) =	vpush v1, $0x9  }
0x13b: {  	s31 =	sshra.s32 s29, $0x1F  }
0x13c: {  	s30 =	sshrl.u32 s31, $0x1D  }
0x13d: {  	s30 =	sadd.s32 s30, s29  }
0x13e: {  	s31 =	sand.u32 $0xFFFFFFF8, s30  }
0x13f: {  	p3 =	slt.s32 s29, $0x1;
	p4 =	sne.s32 s29, s31  }
0x140: {  	p0 =	por !p3, !p4  }
0x141: {  	s31 =	simm.s32 $0x1;
	p0 =	por !p0, !p0  }
0x142: {  	s30 =	sshrl.u32 s30, $0x3;
	s29 =	sshll.u32 s29, $0x7;
	s31 =	simm.s32 @!p0 $0x0  }
0x143: {  	s29 =	sadd.s32 $0x400, s29;
	s30 =	ssub.s32 s30, s31  }
0x144: {  	s29 =	sand.u32 $0x380, s29;
	s30 =	sshll.u32 s30, $0xA  }
0x145: {  	s29 =	sor.u32 s29, s30  }
0x146: {  	s29 =	sshrl.u32 s29, $0x3  }
0x147: {  	s31 =	sadd.s32 $0x880, s26;
	s29 =	sadd.s32 s3, s29  }
0x148: {  	[tilespmem:s31], [sflag:$0x1] =	stream.linear.gather [hbm4b:s29+s1], $0x80, $0x38;
	[tilespmem:$0x18600] =	vst v63  }
0x149: {  	s29 =	spop (v2sf)  }
0x14a: {  	s31 =	sshra.s32 s29, $0x1F  }
0x14b: {  	(v2sf) =	vpush v2, $0xA;
	s30 =	sshrl.u32 s31, $0x1D  }
0x14c: {  	s30 =	sadd.s32 s30, s29  }
0x14d: {  	s31 =	sand.u32 $0xFFFFFFF8, s30  }
0x14e: {  	p5 =	slt.s32 s29, $0x1;
	p6 =	sne.s32 s29, s31  }
0x14f: {  	p0 =	por !p5, !p6  }
0x150: {  	s31 =	simm.s32 $0x1;
	p0 =	por !p0, !p0  }
0x151: {  	s30 =	sshrl.u32 s30, $0x3;
	s29 =	sshll.u32 s29, $0x7;
	s31 =	simm.s32 @!p0 $0x0  }
0x152: {  	s29 =	sadd.s32 $0x400, s29;
	s30 =	ssub.s32 s30, s31  }
0x153: {  	s29 =	sand.u32 $0x380, s29;
	s30 =	sshll.u32 s30, $0xA  }
0x154: {  	s29 =	sor.u32 s29, s30  }
0x155: {  	s29 =	sshrl.u32 s29, $0x3  }
0x156: {  	s30 =	sadd.s32 $0x4880, s26;
	s31 =	sadd.s32 s4, s29  }
0x157: {  	[tilespmem:s30], [sflag:$0x2] =	stream.linear.gather [hbm4b:s31+s1], $0x80, $0x38;
	[tilespmem:$0x18600] =	vst v63  }
0x158: {  	s29 =	sadd.s32 s5, s29;
	s31 =	sadd.s32 $0x480, s28  }
0x159: {  	[tilespmem:s31], [sflag:$0x3] =	stream.linear.gather [hbm4b:s29+s1], $0x80, $0x38;
	[tilespmem:$0x18600] =	vst v63  }
0x15a: {  	s29 =	spop (v2sf);
	(v2sf) =	vpush v1, $0xA  }
0x15b: {  	s31 =	sshra.s32 s29, $0x1F  }
0x15c: {  	s30 =	sshrl.u32 s31, $0x1D  }
0x15d: {  	s30 =	sadd.s32 s30, s29  }
0x15e: {  	s31 =	sand.u32 $0xFFFFFFF8, s30  }
0x15f: {  	p1 =	slt.s32 s29, $0x1;
	p2 =	sne.s32 s29, s31  }
0x160: {  	p0 =	por !p1, !p2  }
0x161: {  	s31 =	simm.s32 $0x1;
	p0 =	por !p0, !p0  }
0x162: {  	s30 =	sshrl.u32 s30, $0x3;
	s29 =	sshll.u32 s29, $0x7;
	s31 =	simm.s32 @!p0 $0x0  }
0x163: {  	s29 =	sadd.s32 $0x400, s29;
	s30 =	ssub.s32 s30, s31  }
0x164: {  	s29 =	sand.u32 $0x380, s29;
	s30 =	sshll.u32 s30, $0xA  }
0x165: {  	s29 =	sor.u32 s29, s30  }
0x166: {  	s29 =	sshrl.u32 s29, $0x3  }
0x167: {  	s31 =	sadd.s32 $0x900, s26;
	s29 =	sadd.s32 s3, s29  }
0x168: {  	[tilespmem:s31], [sflag:$0x1] =	stream.linear.gather [hbm4b:s29+s1], $0x80, $0x38;
	[tilespmem:$0x18600] =	vst v63  }
0x169: {  	s29 =	spop (v2sf)  }
0x16a: {  	s31 =	sshra.s32 s29, $0x1F  }
0x16b: {  	(v2sf) =	vpush v2, $0xB;
	s30 =	sshrl.u32 s31, $0x1D  }
0x16c: {  	s30 =	sadd.s32 s30, s29  }
0x16d: {  	s31 =	sand.u32 $0xFFFFFFF8, s30  }
0x16e: {  	p3 =	slt.s32 s29, $0x1;
	p4 =	sne.s32 s29, s31  }
0x16f: {  	p0 =	por !p3, !p4  }
0x170: {  	s31 =	simm.s32 $0x1;
	p0 =	por !p0, !p0  }
0x171: {  	s30 =	sshrl.u32 s30, $0x3;
	s29 =	sshll.u32 s29, $0x7;
	s31 =	simm.s32 @!p0 $0x0  }
0x172: {  	s29 =	sadd.s32 $0x400, s29;
	s30 =	ssub.s32 s30, s31  }
0x173: {  	s29 =	sand.u32 $0x380, s29;
	s30 =	sshll.u32 s30, $0xA  }
0x174: {  	s29 =	sor.u32 s29, s30  }
0x175: {  	s29 =	sshrl.u32 s29, $0x3  }
0x176: {  	s30 =	sadd.s32 $0x4900, s26;
	s31 =	sadd.s32 s4, s29  }
0x177: {  	[tilespmem:s30], [sflag:$0x2] =	stream.linear.gather [hbm4b:s31+s1], $0x80, $0x38;
	[tilespmem:$0x18600] =	vst v63  }
0x178: {  	s29 =	sadd.s32 s5, s29;
	s31 =	sadd.s32 $0x500, s28  }
0x179: {  	[tilespmem:s31], [sflag:$0x3] =	stream.linear.gather [hbm4b:s29+s1], $0x80, $0x38;
	[tilespmem:$0x18600] =	vst v63  }
0x17a: {  	s29 =	spop (v2sf);
	(v2sf) =	vpush v1, $0xB  }
0x17b: {  	s31 =	sshra.s32 s29, $0x1F  }
0x17c: {  	s30 =	sshrl.u32 s31, $0x1D  }
0x17d: {  	s30 =	sadd.s32 s30, s29  }
0x17e: {  	s31 =	sand.u32 $0xFFFFFFF8, s30  }
0x17f: {  	p5 =	slt.s32 s29, $0x1;
	p6 =	sne.s32 s29, s31  }
0x180: {  	p0 =	por !p5, !p6  }
0x181: {  	s31 =	simm.s32 $0x1;
	p0 =	por !p0, !p0  }
0x182: {  	s30 =	sshrl.u32 s30, $0x3;
	s29 =	sshll.u32 s29, $0x7;
	s31 =	simm.s32 @!p0 $0x0  }
0x183: {  	s29 =	sadd.s32 $0x400, s29;
	s30 =	ssub.s32 s30, s31  }
0x184: {  	s29 =	sand.u32 $0x380, s29;
	s30 =	sshll.u32 s30, $0xA  }
0x185: {  	s29 =	sor.u32 s29, s30  }
0x186: {  	s29 =	sshrl.u32 s29, $0x3  }
0x187: {  	s31 =	sadd.s32 $0x980, s26;
	s29 =	sadd.s32 s3, s29  }
0x188: {  	[tilespmem:s31], [sflag:$0x1] =	stream.linear.gather [hbm4b:s29+s1], $0x80, $0x38;
	[tilespmem:$0x18600] =	vst v63  }
0x189: {  	s29 =	spop (v2sf)  }
0x18a: {  	s31 =	sshra.s32 s29, $0x1F  }
0x18b: {  	(v2sf) =	vpush v2, $0xC;
	s30 =	sshrl.u32 s31, $0x1D  }
0x18c: {  	s30 =	sadd.s32 s30, s29  }
0x18d: {  	s31 =	sand.u32 $0xFFFFFFF8, s30  }
0x18e: {  	p1 =	slt.s32 s29, $0x1;
	p2 =	sne.s32 s29, s31  }
0x18f: {  	p0 =	por !p1, !p2  }
0x190: {  	s31 =	simm.s32 $0x1;
	p0 =	por !p0, !p0  }
0x191: {  	s30 =	sshrl.u32 s30, $0x3;
	s29 =	sshll.u32 s29, $0x7;
	s31 =	simm.s32 @!p0 $0x0  }
0x192: {  	s29 =	sadd.s32 $0x400, s29;
	s30 =	ssub.s32 s30, s31  }
0x193: {  	s29 =	sand.u32 $0x380, s29;
	s30 =	sshll.u32 s30, $0xA  }
0x194: {  	s29 =	sor.u32 s29, s30  }
0x195: {  	s29 =	sshrl.u32 s29, $0x3  }
0x196: {  	s30 =	sadd.s32 $0x4980, s26;
	s31 =	sadd.s32 s4, s29  }
0x197: {  	[tilespmem:s30], [sflag:$0x2] =	stream.linear.gather [hbm4b:s31+s1], $0x80, $0x38;
	[tilespmem:$0x18600] =	vst v63  }
0x198: {  	s29 =	sadd.s32 s5, s29;
	s31 =	sadd.s32 $0x580, s28  }
0x199: {  	[tilespmem:s31], [sflag:$0x3] =	stream.linear.gather [hbm4b:s29+s1], $0x80, $0x38;
	[tilespmem:$0x18600] =	vst v63  }
0x19a: {  	s29 =	spop (v2sf);
	(v2sf) =	vpush v1, $0xC  }
0x19b: {  	s31 =	sshra.s32 s29, $0x1F  }
0x19c: {  	s30 =	sshrl.u32 s31, $0x1D  }
0x19d: {  	s30 =	sadd.s32 s30, s29  }
0x19e: {  	s31 =	sand.u32 $0xFFFFFFF8, s30  }
0x19f: {  	p3 =	slt.s32 s29, $0x1;
	p4 =	sne.s32 s29, s31  }
0x1a0: {  	p0 =	por !p3, !p4  }
0x1a1: {  	s31 =	simm.s32 $0x1;
	p0 =	por !p0, !p0  }
0x1a2: {  	s30 =	sshrl.u32 s30, $0x3;
	s29 =	sshll.u32 s29, $0x7;
	s31 =	simm.s32 @!p0 $0x0  }
0x1a3: {  	s29 =	sadd.s32 $0x400, s29;
	s30 =	ssub.s32 s30, s31  }
0x1a4: {  	s29 =	sand.u32 $0x380, s29;
	s30 =	sshll.u32 s30, $0xA  }
0x1a5: {  	s29 =	sor.u32 s29, s30  }
0x1a6: {  	s29 =	sshrl.u32 s29, $0x3  }
0x1a7: {  	s31 =	sadd.s32 $0xA00, s26;
	s29 =	sadd.s32 s3, s29  }
0x1a8: {  	[tilespmem:s31], [sflag:$0x1] =	stream.linear.gather [hbm4b:s29+s1], $0x80, $0x38;
	[tilespmem:$0x18600] =	vst v63  }
0x1a9: {  	s29 =	spop (v2sf)  }
0x1aa: {  	s31 =	sshra.s32 s29, $0x1F  }
0x1ab: {  	(v2sf) =	vpush v2, $0xD;
	s30 =	sshrl.u32 s31, $0x1D  }
0x1ac: {  	s30 =	sadd.s32 s30, s29  }
0x1ad: {  	s31 =	sand.u32 $0xFFFFFFF8, s30  }
0x1ae: {  	p5 =	slt.s32 s29, $0x1;
	p6 =	sne.s32 s29, s31  }
0x1af: {  	p0 =	por !p5, !p6  }
0x1b0: {  	s31 =	simm.s32 $0x1;
	p0 =	por !p0, !p0  }
0x1b1: {  	s30 =	sshrl.u32 s30, $0x3;
	s29 =	sshll.u32 s29, $0x7;
	s31 =	simm.s32 @!p0 $0x0  }
0x1b2: {  	s29 =	sadd.s32 $0x400, s29;
	s30 =	ssub.s32 s30, s31  }
0x1b3: {  	s29 =	sand.u32 $0x380, s29;
	s30 =	sshll.u32 s30, $0xA  }
0x1b4: {  	s29 =	sor.u32 s29, s30  }
0x1b5: {  	s29 =	sshrl.u32 s29, $0x3  }
0x1b6: {  	s30 =	sadd.s32 $0x4A00, s26;
	s31 =	sadd.s32 s4, s29  }
0x1b7: {  	[tilespmem:s30], [sflag:$0x2] =	stream.linear.gather [hbm4b:s31+s1], $0x80, $0x38;
	[tilespmem:$0x18600] =	vst v63  }
0x1b8: {  	s29 =	sadd.s32 s5, s29;
	s31 =	sadd.s32 $0x600, s28  }
0x1b9: {  	[tilespmem:s31], [sflag:$0x3] =	stream.linear.gather [hbm4b:s29+s1], $0x80, $0x38;
	[tilespmem:$0x18600] =	vst v63  }
0x1ba: {  	s29 =	spop (v2sf);
	(v2sf) =	vpush v1, $0xD  }
0x1bb: {  	s31 =	sshra.s32 s29, $0x1F  }
0x1bc: {  	s30 =	sshrl.u32 s31, $0x1D  }
0x1bd: {  	s30 =	sadd.s32 s30, s29  }
0x1be: {  	s31 =	sand.u32 $0xFFFFFFF8, s30  }
0x1bf: {  	p1 =	slt.s32 s29, $0x1;
	p2 =	sne.s32 s29, s31  }
0x1c0: {  	p0 =	por !p1, !p2  }
0x1c1: {  	s31 =	simm.s32 $0x1;
	p0 =	por !p0, !p0  }
0x1c2: {  	s30 =	sshrl.u32 s30, $0x3;
	s29 =	sshll.u32 s29, $0x7;
	s31 =	simm.s32 @!p0 $0x0  }
0x1c3: {  	s29 =	sadd.s32 $0x400, s29;
	s30 =	ssub.s32 s30, s31  }
0x1c4: {  	s29 =	sand.u32 $0x380, s29;
	s30 =	sshll.u32 s30, $0xA  }
0x1c5: {  	s29 =	sor.u32 s29, s30  }
0x1c6: {  	s29 =	sshrl.u32 s29, $0x3  }
0x1c7: {  	s31 =	sadd.s32 $0xA80, s26;
	s29 =	sadd.s32 s3, s29  }
0x1c8: {  	[tilespmem:s31], [sflag:$0x1] =	stream.linear.gather [hbm4b:s29+s1], $0x80, $0x38;
	[tilespmem:$0x18600] =	vst v63  }
0x1c9: {  	s29 =	spop (v2sf)  }
0x1ca: {  	s31 =	sshra.s32 s29, $0x1F  }
0x1cb: {  	(v2sf) =	vpush v2, $0xE;
	s30 =	sshrl.u32 s31, $0x1D  }
0x1cc: {  	s30 =	sadd.s32 s30, s29  }
0x1cd: {  	s31 =	sand.u32 $0xFFFFFFF8, s30  }
0x1ce: {  	p3 =	slt.s32 s29, $0x1;
	p4 =	sne.s32 s29, s31  }
0x1cf: {  	p0 =	por !p3, !p4  }
0x1d0: {  	s31 =	simm.s32 $0x1;
	p0 =	por !p0, !p0  }
0x1d1: {  	s30 =	sshrl.u32 s30, $0x3;
	s29 =	sshll.u32 s29, $0x7;
	s31 =	simm.s32 @!p0 $0x0  }
0x1d2: {  	s29 =	sadd.s32 $0x400, s29;
	s30 =	ssub.s32 s30, s31  }
0x1d3: {  	s29 =	sand.u32 $0x380, s29;
	s30 =	sshll.u32 s30, $0xA  }
0x1d4: {  	s29 =	sor.u32 s29, s30  }
0x1d5: {  	s29 =	sshrl.u32 s29, $0x3  }
0x1d6: {  	s30 =	sadd.s32 $0x4A80, s26;
	s31 =	sadd.s32 s4, s29  }
0x1d7: {  	[tilespmem:s30], [sflag:$0x2] =	stream.linear.gather [hbm4b:s31+s1], $0x80, $0x38;
	[tilespmem:$0x18600] =	vst v63  }
0x1d8: {  	s29 =	sadd.s32 s5, s29;
	s31 =	sadd.s32 $0x680, s28  }
0x1d9: {  	[tilespmem:s31], [sflag:$0x3] =	stream.linear.gather [hbm4b:s29+s1], $0x80, $0x38;
	[tilespmem:$0x18600] =	vst v63  }
0x1da: {  	s29 =	spop (v2sf);
	(v2sf) =	vpush v1, $0xE  }
0x1db: {  	s31 =	sshra.s32 s29, $0x1F  }
0x1dc: {  	s30 =	sshrl.u32 s31, $0x1D  }
0x1dd: {  	s30 =	sadd.s32 s30, s29  }
0x1de: {  	s31 =	sand.u32 $0xFFFFFFF8, s30  }
0x1df: {  	p5 =	slt.s32 s29, $0x1;
	p6 =	sne.s32 s29, s31  }
0x1e0: {  	p0 =	por !p5, !p6  }
0x1e1: {  	s31 =	simm.s32 $0x1;
	p0 =	por !p0, !p0  }
0x1e2: {  	s30 =	sshrl.u32 s30, $0x3;
	s29 =	sshll.u32 s29, $0x7;
	s31 =	simm.s32 @!p0 $0x0  }
0x1e3: {  	s29 =	sadd.s32 $0x400, s29;
	s30 =	ssub.s32 s30, s31  }
0x1e4: {  	s29 =	sand.u32 $0x380, s29;
	s30 =	sshll.u32 s30, $0xA  }
0x1e5: {  	s29 =	sor.u32 s29, s30  }
0x1e6: {  	s29 =	sshrl.u32 s29, $0x3  }
0x1e7: {  	s31 =	sadd.s32 $0xB00, s26;
	s29 =	sadd.s32 s3, s29  }
0x1e8: {  	[tilespmem:s31], [sflag:$0x1] =	stream.linear.gather [hbm4b:s29+s1], $0x80, $0x38;
	[tilespmem:$0x18600] =	vst v63  }
0x1e9: {  	s29 =	spop (v2sf)  }
0x1ea: {  	s31 =	sshra.s32 s29, $0x1F  }
0x1eb: {  	(v2sf) =	vpush v2, $0xF;
	s30 =	sshrl.u32 s31, $0x1D  }
0x1ec: {  	s30 =	sadd.s32 s30, s29  }
0x1ed: {  	s31 =	sand.u32 $0xFFFFFFF8, s30  }
0x1ee: {  	p1 =	slt.s32 s29, $0x1;
	p2 =	sne.s32 s29, s31  }
0x1ef: {  	p0 =	por !p1, !p2  }
0x1f0: {  	s31 =	simm.s32 $0x1;
	p0 =	por !p0, !p0  }
0x1f1: {  	s30 =	sshrl.u32 s30, $0x3;
	s29 =	sshll.u32 s29, $0x7;
	s31 =	simm.s32 @!p0 $0x0  }
0x1f2: {  	s29 =	sadd.s32 $0x400, s29;
	s30 =	ssub.s32 s30, s31  }
0x1f3: {  	s29 =	sand.u32 $0x380, s29;
	s30 =	sshll.u32 s30, $0xA  }
0x1f4: {  	s29 =	sor.u32 s29, s30  }
0x1f5: {  	s29 =	sshrl.u32 s29, $0x3  }
0x1f6: {  	s30 =	sadd.s32 $0x4B00, s26;
	s31 =	sadd.s32 s4, s29  }
0x1f7: {  	[tilespmem:s30], [sflag:$0x2] =	stream.linear.gather [hbm4b:s31+s1], $0x80, $0x38;
	[tilespmem:$0x18600] =	vst v63  }
0x1f8: {  	s29 =	sadd.s32 s5, s29;
	s31 =	sadd.s32 $0x700, s28  }
0x1f9: {  	[tilespmem:s31], [sflag:$0x3] =	stream.linear.gather [hbm4b:s29+s1], $0x80, $0x38;
	[tilespmem:$0x18600] =	vst v63  }
0x1fa: {  	s29 =	spop (v2sf);
	(v2sf) =	vpush v1, $0xF  }
0x1fb: {  	s31 =	sshra.s32 s29, $0x1F  }
0x1fc: {  	s30 =	sshrl.u32 s31, $0x1D  }
0x1fd: {  	s30 =	sadd.s32 s30, s29  }
0x1fe: {  	s31 =	sand.u32 $0xFFFFFFF8, s30  }
0x1ff: {  	p3 =	slt.s32 s29, $0x1;
	p4 =	sne.s32 s29, s31  }
0x200: {  	p0 =	por !p3, !p4  }
0x201: {  	s31 =	simm.s32 $0x1;
	p0 =	por !p0, !p0  }
0x202: {  	s30 =	sshrl.u32 s30, $0x3;
	s29 =	sshll.u32 s29, $0x7;
	s31 =	simm.s32 @!p0 $0x0  }
0x203: {  	s29 =	sadd.s32 $0x400, s29;
	s30 =	ssub.s32 s30, s31  }
0x204: {  	s29 =	sand.u32 $0x380, s29;
	s30 =	sshll.u32 s30, $0xA  }
0x205: {  	s29 =	sor.u32 s29, s30  }
0x206: {  	s29 =	sshrl.u32 s29, $0x3  }
0x207: {  	s31 =	sadd.s32 $0xB80, s26;
	s29 =	sadd.s32 s3, s29  }
0x208: {  	[tilespmem:s31], [sflag:$0x1] =	stream.linear.gather [hbm4b:s29+s1], $0x80, $0x38;
	[tilespmem:$0x18600] =	vst v63  }
0x209: {  	s29 =	spop (v2sf)  }
0x20a: {  	s31 =	sshra.s32 s29, $0x1F  }
0x20b: {  	s30 =	sshrl.u32 s31, $0x1D  }
0x20c: {  	s30 =	sadd.s32 s30, s29  }
0x20d: {  	s31 =	sand.u32 $0xFFFFFFF8, s30  }
0x20e: {  	p5 =	slt.s32 s29, $0x1;
	p6 =	sne.s32 s29, s31  }
0x20f: {  	p0 =	por !p5, !p6  }
0x210: {  	s31 =	simm.s32 $0x1;
	p0 =	por !p0, !p0  }
0x211: {  	s30 =	sshrl.u32 s30, $0x3;
	s29 =	sshll.u32 s29, $0x7;
	s31 =	simm.s32 @!p0 $0x0  }
0x212: {  	s29 =	sadd.s32 $0x400, s29;
	s30 =	ssub.s32 s30, s31  }
0x213: {  	s29 =	sand.u32 $0x380, s29;
	s30 =	sshll.u32 s30, $0xA  }
0x214: {  	p0 =	sne.s32 s23, $0xE000;
	s29 =	sor.u32 s29, s30  }
.Ltmp0:
0x215: {  	s25 =	sadd.s32 $0x10, s25;
	s29 =	sshrl.u32 s29, $0x3;
	(pc) =	sbr.rel @p0 .LBB2_3-.Ltmp0, $4  }
0x216: {  	s24 =	sadd.s32 $0x10, s24;
	s26 =	sadd.s32 $0x4B80, s26;
	s31 =	sadd.s32 s4, s29  }
0x217: {  	[tilespmem:s26], [sflag:$0x2] =	stream.linear.gather [hbm4b:s31+s1], $0x80, $0x38;
	[tilespmem:$0x18600] =	vst v63  }
0x218: {  	s23 =	sadd.s32 $0x2000, s23;
	s30 =	sadd.s32 $0x780, s28;
	s31 =	sadd.s32 s5, s29  }
0x219: {  	[tilespmem:s30], [sflag:$0x3] =	stream.linear.gather [hbm4b:s31+s1], $0x80, $0x38;
	[tilespmem:$0x18600] =	vst v63  }
0x21a: {  	_ =	swait.ge [sflag:s11], $0x80  }
0x21b: {  	[sflag:s11] =	ssyncset.done $0x0  }
0x21c: {  	[sflag:s11] =	ssyncadd.s32 $0xFFFFFF80  }
0x21d: {  	_ =	swait.ge [sflag:s12], $0x80  }
0x21e: {  	[sflag:s12] =	ssyncset.done $0x0  }
0x21f: {  	[sflag:s12] =	ssyncadd.s32 $0xFFFFFF80  }
0x220: {  	_ =	swait.ge [sflag:s13], $0x80  }
0x221: {  	s23 =	simm.s32 $0x7F;
	[sflag:s13] =	ssyncset.done $0x0  }
.LBB2_5:
0x222: {  	p0 =	sne.s32 s23, $0x1;
	s23 =	sadd.s32 $0xFFFFFFFF, s23;
	[sflag:s13] =	ssyncadd.s32 $0xFFFFFF80  }
0x223: {  	_ =	swait.ge [sflag:s11], $0x80  }
0x224: {  	[sflag:s11] =	ssyncset.done $0x0  }
0x225: {  	[sflag:s11] =	ssyncadd.s32 $0xFFFFFF80  }
.Ltmp1:
0x226: {  	_ =	swait.ge [sflag:s12], $0x80;
	(pc) =	sbr.rel @p0 .LBB2_5-.Ltmp1, $4  }
0x227: {  	[sflag:s12] =	ssyncset.done $0x0  }
0x228: {  	[sflag:s12] =	ssyncadd.s32 $0xFFFFFF80  }
0x229: {  	_ =	swait.ge [sflag:s13], $0x80  }
0x22a: {  	[sflag:s13] =	ssyncset.done $0x0  }
0x22b: {  	[sflag:s13] =	ssyncadd.s32 $0xFFFFFF80;
	s23 =	simm.s32 $0x0  }
0x22c: {  	v1 =	vld [tilespmem:s23+$0xB80]  }
0x22d: {  	v2 =	vld [tilespmem:s23+$0xB00];
	_ =	sdelay $0x2  }
0x22e: {  	v3 =	vld [tilespmem:s23+$0x4B00]  }
0x22f: {  	v4 =	vld [tilespmem:s23+$0xB10];
	v1 =	vsub.f32 $0.0e+00, v1  }
0x230: {  	v5 =	vld [tilespmem:s23+$0x4B10];
	v2 =	vsub.f32 $0.0e+00, v2  }
0x231: {  	v1 =	vmul.f32 $1.442695020e+00, v1  }
0x232: {  	v2 =	vmul.f32 $1.442695020e+00, v2  }
0x233: {  	v3 =	vsub.f32 $0.0e+00, v3;
	(erf) = vpow2.f32 v1  }
0x234: {  	v4 =	vsub.f32 $0.0e+00, v4;
	(erf) = vpow2.f32 v2  }
0x235: {  	v1 =	vmul.f32 $1.442695020e+00, v3;
	v3 =	vsub.f32 $0.0e+00, v5  }
0x236: {  	v4 =	vmul.f32 $1.442695020e+00, v4  }
0x237: {  	v2 =	vmul.f32 $1.442695020e+00, v3;
	(erf) = vpow2.f32 v1  }
0x238: {  	v1 =	vld [tilespmem:s23+$0x4B80];
	(erf) = vpow2.f32 v4  }
0x239: {  	(erf) = vpow2.f32 v2  }
0x23a: {  	v5 =	vld [tilespmem:s23+$0x4A00];
	_ =	sdelay $0x1  }
0x23b: {  	v3 =	vpop (erf)  }
0x23c: {  	v2 =	vld [tilespmem:s23+$0xA80];
	v1 =	vsub.f32 $0.0e+00, v1;
	v6 =	vpop (erf)  }
0x23d: {  	v4 =	vld [tilespmem:s23+$0xA00];
	v3 =	vadd.f32 $1.000000000e+00, v3;
	v6 =	vadd.f32 $1.000000000e+00, v6  }
0x23e: {  	v7 =	vld [tilespmem:s23+$0xA10];
	v5 =	vsub.f32 $0.0e+00, v5;
	v1 =	vmul.f32 $1.442695020e+00, v1  }
0x23f: {  	v8 =	vpop (erf);
	(erf) = vrcp.f32 v3;
	v3 =	vld [tilespmem:s23+$0x4A10]  }
0x240: {  	v5 =	vmul.f32 $1.442695020e+00, v5;
	v8 =	vadd.f32 $1.000000000e+00, v8;
	v9 =	vpop (erf);
	(erf) = vpow2.f32 v1;
	v1 =	vld [tilespmem:s23+$0x980]  }
0x241: {  	v10 =	vld [tilespmem:s23+$0x4980];
	v2 =	vsub.f32 $0.0e+00, v2;
	v9 =	vadd.f32 $1.000000000e+00, v9;
	(erf) = vrcp.f32 v6;
	v6 =	vpop (erf)  }
0x242: {  	v4 =	vsub.f32 $0.0e+00, v4;
	(erf) = vrcp.f32 v8;
	v8 =	vld [tilespmem:s23+$0x990];
	v6 =	vadd.f32 $1.000000000e+00, v6  }
0x243: {  	v7 =	vsub.f32 $0.0e+00, v7;
	v2 =	vmul.f32 $1.442695020e+00, v2;
	(erf) = vrcp.f32 v9;
	v9 =	vld [tilespmem:s23+$0x4990]  }
0x244: {  	v4 =	vmul.f32 $1.442695020e+00, v4;
	v3 =	vsub.f32 $0.0e+00, v3;
	(erf) = vrcp.f32 v6  }
0x245: {  	v6 =	vld [tilespmem:s23+$0x4A80];
	v1 =	vsub.f32 $0.0e+00, v1;
	(erf) = vpow2.f32 v2;
	v2 =	vmul.f32 $1.442695020e+00, v7  }
0x246: {  	v7 =	vsub.f32 $0.0e+00, v10;
	v3 =	vmul.f32 $1.442695020e+00, v3;
	(erf) = vpow2.f32 v4;
	v4 =	vld [tilespmem:s23+$0xB90]  }
0x247: {  	v10 =	vmul.f32 $1.442695020e+00, v1;
	v8 =	vsub.f32 $0.0e+00, v8;
	(erf) = vpow2.f32 v5;
	v5 =	vld [tilespmem:s23+$0x4B90]  }
0x248: {  	v7 =	vmul.f32 $1.442695020e+00, v7;
	v9 =	vsub.f32 $0.0e+00, v9;
	(erf) = vpow2.f32 v2  }
0x249: {  	v1 =	vpop (erf);
	(erf) = vpow2.f32 v3;
	v3 =	vmul.f32 $1.442695020e+00, v8  }
0x24a: {  	v2 =	vpop (erf);
	v6 =	vsub.f32 $0.0e+00, v6;
	v9 =	vmul.f32 $1.442695020e+00, v9  }
0x24b: {  	(erf) = vpow2.f32 v10;
	v8 =	vpop (erf);
	v4 =	vsub.f32 $0.0e+00, v4  }
0x24c: {  	(erf) = vpow2.f32 v7;
	v7 =	vpop (erf);
	v6 =	vmul.f32 $1.442695020e+00, v6;
	v5 =	vsub.f32 $0.0e+00, v5  }
0x24d: {  	(erf) = vpow2.f32 v3;
	v3 =	vpop (erf);
	v4 =	vmul.f32 $1.442695020e+00, v4  }
0x24e: {  	(erf) = vpow2.f32 v9;
	v9 =	vpop (erf);
	v5 =	vmul.f32 $1.442695020e+00, v5  }
0x24f: {  	v10 =	vpop (erf)  }
0x250: {  	(erf) = vpow2.f32 v6;
	v6 =	vpop (erf);
	v10 =	vadd.f32 $1.000000000e+00, v10  }
0x251: {  	(erf) = vpow2.f32 v4;
	v4 =	vpop (erf);
	v6 =	vadd.f32 $1.000000000e+00, v6  }
0x252: {  	v11 =	vld [tilespmem:s23+$0xA90];
	(erf) = vpow2.f32 v5;
	v5 =	vpop (erf)  }
0x253: {  	v5 =	vadd.f32 $1.000000000e+00, v5  }
0x254: {  	v4 =	vadd.f32 $1.000000000e+00, v4;
	(erf) = vrcp.f32 v10;
	v10 =	vpop (erf)  }
0x255: {  	(erf) = vrcp.f32 v6;
	v6 =	vpop (erf);
	v10 =	vadd.f32 $1.000000000e+00, v10  }
0x256: {  	(erf) = vrcp.f32 v4;
	v4 =	vld [tilespmem:s23+$0x900];
	v12 =	vpop (erf);
	v6 =	vadd.f32 $1.000000000e+00, v6  }
0x257: {  	v13 =	vld [tilespmem:s23+$0x4900];
	v11 =	vsub.f32 $0.0e+00, v11;
	(erf) = vrcp.f32 v5;
	v5 =	vpop (erf)  }
0x258: {  	v12 =	vadd.f32 $1.000000000e+00, v12;
	(erf) = vrcp.f32 v10;
	v5 =	vadd.f32 $1.000000000e+00, v5  }
0x259: {  	v11 =	vmul.f32 $1.442695020e+00, v11;
	v7 =	vsub.f32 v8, v7;
	v8 =	vld [tilespmem:s23+$0x880];
	v10 =	vpop (erf);
	(erf) = vrcp.f32 v6  }
0x25a: {  	v9 =	vsub.f32 v3, v9;
	v10 =	vadd.f32 $1.000000000e+00, v10;
	v6 =	vpop (erf);
	(erf) = vrcp.f32 v12;
	v12 =	vld [tilespmem:s23+$0x4880]  }
0x25b: {  	v16 =	vld [tilespmem:s23+$0x890];
	v4 =	vsub.f32 $0.0e+00, v4;
	v14 =	vadd.f32 $1.000000000e+00, v6;
	(erf) = vrcp.f32 v5;
	v6 =	vpop (erf)  }
0x25c: {  	v15 =	vld [tilespmem:s23+$0x4A90];
	(erf) = vrcp.f32 v10;
	v5 =	vpop (erf);
	v10 =	vsub.f32 $0.0e+00, v13  }
0x25d: {  	v7 =	vadd.f32 v9, v7;
	v4 =	vmul.f32 $1.442695020e+00, v4;
	v3 =	vpop (erf);
	(erf) = vrcp.f32 v14  }
0x25e: {  	v8 =	vsub.f32 $0.0e+00, v8;
	v13 =	vld [tilespmem:s23+$0x4890];
	v9 =	vpop (erf);
	(erf) = vpow2.f32 v11;
	v10 =	vmul.f32 $1.442695020e+00, v10  }
0x25f: {  	v11 =	vpop (erf);
	v12 =	vsub.f32 $0.0e+00, v12;
	(erf) = vpow2.f32 v4  }
0x260: {  	v8 =	vmul.f32 $1.442695020e+00, v8;
	v4 =	vld [tilespmem:s23+$0x800];
	v14 =	vpop (erf);
	(erf) = vpow2.f32 v10;
	v10 =	vsub.f32 $0.0e+00, v16  }
0x261: {  	v15 =	vsub.f32 $0.0e+00, v15;
	v12 =	vmul.f32 $1.442695020e+00, v12  }
0x262: {  	(xrf2) =	vadd.scan.msk.f32 $0xffff, v7;
	v7 =	vld [tilespmem:s23+$0x4800];
	v16 =	vpop (erf);
	(erf) = vpow2.f32 v8;
	v8 =	vmul.f32 $1.442695020e+00, v10  }
0x263: {  	v13 =	vsub.f32 $0.0e+00, v13;
	v17 =	vpop (erf)  }
0x264: {  	(erf) = vpow2.f32 v12;
	v10 =	vpop (erf)  }
0x265: {  	v12 =	vmul.f32 $1.442695020e+00, v15;
	v13 =	vmul.f32 $1.442695020e+00, v13;
	v4 =	vsub.f32 $0.0e+00, v4;
	v15 =	vpop (erf)  }
0x266: {  	v11 =	vsub.f32 v9, v11;
	(erf) = vpow2.f32 v8;
	v8 =	vpop (erf)  }
0x267: {  	v14 =	vsub.f32 v14, v16;
	v16 =	vsub.f32 $0.0e+00, v7;
	v4 =	vmul.f32 $1.442695020e+00, v4;
	v7 =	vpop (erf)  }
0x268: {  	v18 =	vld [tilespmem:s23+$0x910];
	v10 =	vsub.f32 v17, v10;
	(erf) = vpow2.f32 v13;
	v8 =	vsub.f32 v15, v8;
	v9 =	vpop (erf)  }
0x269: {  	(erf) = vpow2.f32 v12;
	v13 =	vpop (erf)  }
0x26a: {  	v12 =	vmul.f32 $1.442695020e+00, v16;
	v8 =	vadd.f32 v8, v10;
	v10 =	vadd.f32 $1.000000000e+00, v13  }
0x26b: {  	v11 =	vadd.f32 v14, v11;
	(erf) = vpow2.f32 v4;
	v4 =	vpop (erf)  }
0x26c: {  	(erf) = vpow2.f32 v12;
	v12 =	vadd.f32 $1.000000000e+00, v4  }
0x26d: {  	(xrf2) =	vadd.scan.msk.f32 $0xffff, v11;
	v11 =	vld [tilespmem:s23+$0x810];
	v13 =	vsub.f32 $0.0e+00, v18;
	v15 =	vpop (erf);
	(erf) = vrcp.f32 v10  }
0x26e: {  	v14 =	vld [tilespmem:s23+$0x4810];
	v10 =	vpop (erf);
	(erf) = vrcp.f32 v12;
	v12 =	vadd.f32 $1.000000000e+00, v15  }
0x26f: {  	v4, _, _ =	vpop (xrf2);
	(xrf2) =	vadd.scan.msk.f32 $0xffff, v8;
	v8 =	vmul.f32 $1.442695020e+00, v13  }
0x270: {  	v13 =	vld [tilespmem:s23+$0x700]  }
0x271: {  	v10 =	vadd.f32 $1.000000000e+00, v10;
	v15 =	vpop (erf);
	(erf) = vpow2.f32 v8;
	v16 =	vld [tilespmem:s23+$0x4700]  }
0x272: {  	v8 =	vsub.f32 $0.0e+00, v11;
	v11 =	vadd.f32 $1.000000000e+00, v15;
	(erf) = vrcp.f32 v12;
	v15 =	vld [tilespmem:s23+$0x710];
	v12 =	vpop (erf)  }
0x273: {  	v14 =	vsub.f32 $0.0e+00, v14;
	v17 =	vadd.f32 $1.000000000e+00, v12  }
0x274: {  	v18 =	vld [tilespmem:s23+$0x4710];
	v8 =	vmul.f32 $1.442695020e+00, v8;
	(erf) = vrcp.f32 v10  }
0x275: {  	v19 =	vld [tilespmem:s23+$0x680];
	v10 =	vmul.f32 $1.442695020e+00, v14;
	v12 =	vpop (erf);
	(erf) = vrcp.f32 v11  }
0x276: {  	v14 =	vld [tilespmem:s23+$0x4680];
	v11 =	vpop (erf);
	v13 =	vsub.f32 $0.0e+00, v13;
	v16 =	vsub.f32 $0.0e+00, v16;
	(erf) = vrcp.f32 v17  }
0x277: {  	v20 =	vld [tilespmem:s23+$0x690];
	v11 =	vadd.f32 $1.000000000e+00, v11;
	v15 =	vsub.f32 $0.0e+00, v15;
	(erf) = vpow2.f32 v8;
	v17 =	vpop (erf)  }
0x278: {  	v21 =	vld [tilespmem:s23+$0x4690];
	v13 =	vmul.f32 $1.442695020e+00, v13;
	(erf) = vpow2.f32 v10;
	v17 =	vadd.f32 $1.000000000e+00, v17  }
0x279: {  	v18 =	vsub.f32 $0.0e+00, v18;
	v16 =	vmul.f32 $1.442695020e+00, v16;
	(erf) = vrcp.f32 v11  }
0x27a: {  	v15 =	vmul.f32 $1.442695020e+00, v15;
	v10 =	vpop (erf);
	(erf) = vrcp.f32 v17;
	v17 =	vsub.f32 $0.0e+00, v19  }
0x27b: {  	v18 =	vmul.f32 $1.442695020e+00, v18;
	v14 =	vsub.f32 $0.0e+00, v14;
	v11 =	vpop (erf)  }
0x27c: {  	v22 =	vld [tilespmem:s23+$0x4780];
	v20 =	vsub.f32 $0.0e+00, v20;
	(erf) = vpow2.f32 v13;
	v13 =	vpop (erf);
	v17 =	vmul.f32 $1.442695020e+00, v17  }
0x27d: {  	v21 =	vsub.f32 $0.0e+00, v21;
	v14 =	vmul.f32 $1.442695020e+00, v14;
	(erf) = vpow2.f32 v16;
	v16 =	vpop (erf)  }
0x27e: {  	v20 =	vmul.f32 $1.442695020e+00, v20;
	(erf) = vpow2.f32 v15;
	v15 =	vpop (erf)  }
0x27f: {  	v21 =	vmul.f32 $1.442695020e+00, v21;
	v19 =	vld [tilespmem:s23+$0x780];
	(erf) = vpow2.f32 v18;
	v18 =	vpop (erf)  }
0x280: {  	(erf) = vpow2.f32 v17;
	v17 =	vpop (erf)  }
0x281: {  	v22 =	vsub.f32 $0.0e+00, v22;
	(erf) = vpow2.f32 v14;
	v14 =	vpop (erf)  }
0x282: {  	(erf) = vpow2.f32 v20;
	v20 =	vpop (erf)  }
0x283: {  	v14 =	vadd.f32 $1.000000000e+00, v14;
	(erf) = vpow2.f32 v21;
	v21 =	vpop (erf)  }
0x284: {  	v19 =	vsub.f32 $0.0e+00, v19;
	v20 =	vadd.f32 $1.000000000e+00, v20;
	v23 =	vpop (erf)  }
0x285: {  	(erf) = vrcp.f32 v14;
	v14 =	vmul.f32 $1.442695020e+00, v22;
	v22 =	vpop (erf)  }
0x286: {  	v19 =	vmul.f32 $1.442695020e+00, v19;
	(erf) = vrcp.f32 v20;
	v20 =	vadd.f32 $1.000000000e+00, v22;
	_ =	sdelay $0x1  }
0x287: {  	v22 =	vpop (erf);
	(erf) = vpow2.f32 v19  }
0x288: {  	v24 =	vpop (erf);
	(erf) = vpow2.f32 v14  }
0x289: {  	(erf) = vrcp.f32 v20;
	v20 =	vpop (erf)  }
0x28a: {  	v22 =	vadd.f32 $1.000000000e+00, v22;
	v14 =	vadd.f32 $1.000000000e+00, v24;
	v24 =	vpop (erf)  }
0x28b: {  	v24 =	vadd.f32 $1.000000000e+00, v24  }
0x28c: {  	v20 =	vadd.f32 $1.000000000e+00, v20;
	(erf) = vrcp.f32 v22  }
0x28d: {  	v19 =	vld [tilespmem:s23+$0x4910];
	v25 =	vpop (erf);
	(erf) = vrcp.f32 v14  }
0x28e: {  	v14 =	vadd.f32 $1.000000000e+00, v25;
	v25 =	vpop (erf);
	(erf) = vrcp.f32 v20  }
0x28f: {  	v20 =	vadd.f32 $1.000000000e+00, v25;
	(erf) = vrcp.f32 v24;
	v24 =	vpop (erf)  }
0x290: {  	v15 =	vsub.f32 v16, v15;
	v22 =	vld [tilespmem:s23+$0x600];
	v16 =	vadd.f32 $1.000000000e+00, v24;
	_ =	sdelay $0x1  }
0x291: {  	v17 =	vsub.f32 v18, v17;
	v18 =	vld [tilespmem:s23+$0x580];
	v19 =	vsub.f32 $0.0e+00, v19;
	(erf) = vrcp.f32 v14;
	v14 =	vpop (erf)  }
0x292: {  	v25 =	vld [tilespmem:s23+$0x4580];
	(erf) = vrcp.f32 v20;
	v20 =	vpop (erf)  }
0x293: {  	v15 =	vadd.f32 v17, v15;
	v19 =	vmul.f32 $1.442695020e+00, v19;
	(erf) = vrcp.f32 v16;
	v16 =	vpop (erf)  }
0x294: {  	v8, _, _ =	vpop (xrf2);
	v22 =	vsub.f32 $0.0e+00, v22;
	v24 =	vld [tilespmem:s23+$0x790];
	v16 =	vadd.f32 $1.000000000e+00, v16  }
0x295: {  	v21 =	vsub.f32 v21, v23;
	v14 =	vsub.f32 v14, v20;
	(erf) = vpow2.f32 v19;
	v19 =	vld [tilespmem:s23+$0x4590];
	v26 =	vpop (erf)  }
0x296: {  	v17 =	vld [tilespmem:s23+$0x590];
	(xrf2) =	vadd.scan.msk.f32 $0xffff, v15;
	v15 =	vsub.f32 $0.0e+00, v18;
	v22 =	vmul.f32 $1.442695020e+00, v22;
	v20 =	vpop (erf)  }
0x297: {  	v18 =	vsub.f32 $0.0e+00, v25;
	v14 =	vadd.f32 v14, v21;
	v27 =	vpop (erf);
	(erf) = vrcp.f32 v16  }
0x298: {  	v15 =	vmul.f32 $1.442695020e+00, v15;
	(erf) = vpow2.f32 v22;
	v16 =	vpop (erf)  }
0x299: {  	v23 =	vld [tilespmem:s23+$0x4790];
	v26 =	vadd.f32 $1.000000000e+00, v26;
	(xrf2) =	vadd.scan.msk.f32 $0xffff, v14;
	v14 =	vmul.f32 $1.442695020e+00, v18;
	v22 =	vsub.f32 $0.0e+00, v24;
	v21 =	vpop (erf)  }
0x29a: {  	v20 =	vsub.f32 v20, v27;
	v18 =	vsub.f32 $0.0e+00, v19;
	v24 =	vpop (erf)  }
0x29b: {  	v17 =	vsub.f32 $0.0e+00, v17;
	v27 =	vld [tilespmem:s23+$0x4610];
	(erf) = vrcp.f32 v26;
	v19 =	vpop (erf)  }
0x29c: {  	v25 =	vld [tilespmem:s23+$0x4600];
	v16 =	vsub.f32 v16, v21;
	(erf) = vpow2.f32 v15;
	v18 =	vmul.f32 $1.442695020e+00, v18;
	v15 =	vpop (erf)  }
0x29d: {  	v17 =	vmul.f32 $1.442695020e+00, v17;
	v26 =	vld [tilespmem:s23+$0x610];
	(erf) = vpow2.f32 v14;
	v14, _, _ =	vpop (xrf2)  }
0x29e: {  	v23 =	vsub.f32 $0.0e+00, v23;
	v16 =	vadd.f32 v16, v20;
	v20 =	vpop (erf)  }
0x29f: {  	v19 =	vsub.f32 v24, v19;
	(erf) = vpow2.f32 v17;
	v15 =	vsub.f32 v15, v20;
	v21 =	vpop (erf)  }
0x2a0: {  	v24 =	vsub.f32 $0.0e+00, v27;
	v17 =	vmul.f32 $1.442695020e+00, v22;
	(erf) = vpow2.f32 v18;
	v18 =	vpop (erf)  }
0x2a1: {  	(xrf2) =	vadd.scan.msk.f32 $0xffff, v16;
	v20 =	vsub.f32 $0.0e+00, v25;
	v25 =	vld [tilespmem:s23+$0x4500];
	v16 =	vadd.f32 v15, v19;
	v19 =	vmul.f32 $1.442695020e+00, v23;
	v22 =	vpop (erf)  }
0x2a2: {  	(erf) = vpow2.f32 v17;
	v23 =	vld [tilespmem:s23+$0x500];
	v17 =	vadd.f32 $1.000000000e+00, v22;
	v22 =	vsub.f32 $0.0e+00, v26  }
0x2a3: {  	v20 =	vmul.f32 $1.442695020e+00, v20  }
0x2a4: {  	v26 =	vld [tilespmem:s23+$0x510];
	(erf) = vpow2.f32 v19;
	v22 =	vmul.f32 $1.442695020e+00, v22  }
0x2a5: {  	v19 =	vpop (erf);
	(erf) = vrcp.f32 v17;
	v17 =	vmul.f32 $1.442695020e+00, v24  }
0x2a6: {  	v25 =	vsub.f32 $0.0e+00, v25;
	v24 =	vpop (erf);
	(erf) = vpow2.f32 v20;
	v20 =	vld [tilespmem:s23+$0x4510]  }
0x2a7: {  	v23 =	vsub.f32 $0.0e+00, v23;
	v24 =	vadd.f32 $1.000000000e+00, v24;
	v27 =	vpop (erf);
	(erf) = vpow2.f32 v22;
	v22 =	vld [tilespmem:s23+$0x400]  }
0x2a8: {  	v29 =	vld [tilespmem:s23+$0x4400];
	v25 =	vmul.f32 $1.442695020e+00, v25;
	v27 =	vadd.f32 $1.000000000e+00, v27;
	v28 =	vpop (erf);
	(erf) = vpow2.f32 v17  }
0x2a9: {  	v26 =	vsub.f32 $0.0e+00, v26;
	v28 =	vadd.f32 $1.000000000e+00, v28;
	(erf) = vrcp.f32 v24;
	v17 =	vpop (erf);
	v24 =	vld [tilespmem:s23+$0x410]  }
0x2aa: {  	v23 =	vmul.f32 $1.442695020e+00, v23;
	v30 =	vadd.f32 $1.000000000e+00, v17;
	(erf) = vrcp.f32 v27;
	v27 =	vld [tilespmem:s23+$0x4410]  }
0x2ab: {  	v31 =	vld [tilespmem:s23+$0x480];
	v26 =	vmul.f32 $1.442695020e+00, v26;
	(erf) = vrcp.f32 v28  }
0x2ac: {  	v32 =	vsub.f32 $0.0e+00, v20;
	(erf) = vrcp.f32 v30;
	v22 =	vsub.f32 $0.0e+00, v22  }
0x2ad: {  	v28 =	vpop (erf);
	(erf) = vpow2.f32 v23;
	v23 =	vsub.f32 $0.0e+00, v29;
	v29 =	vld [tilespmem:s23+$0x490]  }
0x2ae: {  	v33 =	vld [tilespmem:s23+$0x4480];
	v32 =	vmul.f32 $1.442695020e+00, v32;
	v30 =	vpop (erf);
	v22 =	vmul.f32 $1.442695020e+00, v22;
	v24 =	vsub.f32 $0.0e+00, v24  }
0x2af: {  	(erf) = vpow2.f32 v25;
	v25 =	vpop (erf);
	v23 =	vmul.f32 $1.442695020e+00, v23;
	v27 =	vsub.f32 $0.0e+00, v27  }
0x2b0: {  	v31 =	vsub.f32 $0.0e+00, v31;
	(erf) = vpow2.f32 v26;
	v26 =	vpop (erf);
	v24 =	vmul.f32 $1.442695020e+00, v24  }
0x2b1: {  	v34 =	vld [tilespmem:s23+$0x4490];
	(erf) = vpow2.f32 v32;
	v48 =	vpop (erf);
	v27 =	vmul.f32 $1.442695020e+00, v27  }
0x2b2: {  	v31 =	vmul.f32 $1.442695020e+00, v31;
	(erf) = vpow2.f32 v22;
	v22 =	vpop (erf);
	v29 =	vsub.f32 $0.0e+00, v29  }
0x2b3: {  	v33 =	vsub.f32 $0.0e+00, v33;
	(erf) = vpow2.f32 v23;
	v23 =	vpop (erf)  }
0x2b4: {  	(erf) = vpow2.f32 v24;
	v24 =	vpop (erf);
	v29 =	vmul.f32 $1.442695020e+00, v29  }
0x2b5: {  	v33 =	vmul.f32 $1.442695020e+00, v33;
	(erf) = vpow2.f32 v27;
	v27 =	vpop (erf)  }
0x2b6: {  	v34 =	vsub.f32 $0.0e+00, v34;
	(erf) = vpow2.f32 v31;
	v31 =	vpop (erf)  }
0x2b7: {  	(erf) = vpow2.f32 v33;
	v49 =	vpop (erf)  }
0x2b8: {  	v34 =	vmul.f32 $1.442695020e+00, v34;
	(erf) = vpow2.f32 v29;
	v29 =	vpop (erf)  }
0x2b9: {  	v33 =	vadd.f32 $1.000000000e+00, v49;
	v50 =	vpop (erf)  }
0x2ba: {  	(erf) = vpow2.f32 v34;
	v29 =	vadd.f32 $1.000000000e+00, v29;
	v51 =	vpop (erf)  }
0x2bb: {  	(erf) = vrcp.f32 v33;
	v35 =	vpop (erf)  }
0x2bc: {  	v34 =	vadd.f32 $1.000000000e+00, v50;
	(erf) = vrcp.f32 v29;
	v29 =	vadd.f32 $1.000000000e+00, v35  }
0x2bd: {  	v33 =	vadd.f32 $1.000000000e+00, v51  }
0x2be: {  	v52 =	vpop (erf);
	(erf) = vrcp.f32 v34  }
0x2bf: {  	v54 =	vpop (erf);
	(erf) = vrcp.f32 v33  }
0x2c0: {  	(erf) = vrcp.f32 v29;
	v29 =	vpop (erf)  }
0x2c1: {  	v53 =	vadd.f32 $1.000000000e+00, v52;
	v29 =	vadd.f32 $1.000000000e+00, v29  }
0x2c2: {  	v15, _, _ =	vpop (xrf2);
	v55 =	vadd.f32 $1.000000000e+00, v54  }
0x2c3: {  	(erf) = vrcp.f32 v53;
	v56 =	vpop (erf)  }
0x2c4: {  	(erf) = vrcp.f32 v55;
	v57 =	vpop (erf)  }
0x2c5: {  	(erf) = vrcp.f32 v29;
	v29 =	vpop (erf)  }
0x2c6: {  	(xrf2) =	vadd.scan.msk.f32 $0xffff, v16;
	v16, _, _ =	vpop (xrf2);
	v34 =	vadd.f32 $1.000000000e+00, v56;
	v29 =	vadd.f32 $1.000000000e+00, v29  }
0x2c7: {  	v17, _, _ =	vpop (xrf2);
	v33 =	vadd.f32 $1.000000000e+00, v57  }
0x2c8: {  	(erf) = vrcp.f32 v34;
	v59 =	vpop (erf)  }
0x2c9: {  	(erf) = vrcp.f32 v33;
	v34 =	vadd.f32 $1.000000000e+00, v59;
	v60 =	vpop (erf)  }
0x2ca: {  	v26 =	vadd.f32 $1.000000000e+00, v26;
	v32 =	vadd.f32 $1.000000000e+00, v48;
	(erf) = vrcp.f32 v29;
	v29 =	vpop (erf)  }
0x2cb: {  	v23 =	vsub.f32 v23, v24;
	v24 =	vsub.f32 v27, v31;
	(erf) = vrcp.f32 v34;
	v61 =	vpop (erf)  }
0x2cc: {  	v22 =	vadd.f32 $1.000000000e+00, v22;
	(erf) = vrcp.f32 v26;
	v26 =	vadd.f32 $1.000000000e+00, v28;
	v27 =	vpop (erf)  }
0x2cd: {  	v23 =	vadd.f32 v24, v23;
	v24 =	vadd.f32 $1.000000000e+00, v30;
	(erf) = vrcp.f32 v32;
	v28 =	vpop (erf)  }
0x2ce: {  	v27 =	vsub.f32 v61, v27;
	v30 =	vpop (erf);
	(erf) = vrcp.f32 v22;
	v22 =	vsub.f32 v60, v29  }
0x2cf: {  	v58 =	vmov s19;
	v13 =	vadd.f32 $1.000000000e+00, v13;
	v29 =	vpop (erf)  }
0x2d0: {  	v35 =	vshll.u32 v58, $0x7;
	(erf) = vrcp.f32 v26;
	v26 =	vpop (erf);
	v22 =	vadd.f32 v27, v22  }
0x2d1: {  	v21 =	vadd.f32 $1.000000000e+00, v21;
	v35 =	vor.u32 v0, v35;
	(erf) = vrcp.f32 v24;
	v24 =	vpop (erf)  }
0x2d2: {  	v27 =	vsub.f32 v28, v30;
	v26 =	vsub.f32 v29, v26;
	v28 =	vpop (erf)  }
0x2d3: {  	(xrf2) =	vadd.scan.msk.f32 $0xffff, v23;
	(erf) = vrcp.f32 v13;
	v13 =	vpop (erf)  }
0x2d4: {  	(xrf2) =	vadd.scan.msk.f32 $0xffff, v22;
	(erf) = vrcp.f32 v21;
	v21 =	vadd.f32 v26, v27;
	v22 =	vpop (erf)  }
0x2d5: {  	v13 =	vsub.f32 v13, v22  }
0x2d6: {  	v9 =	vadd.f32 $1.000000000e+00, v9;
	v23 =	vld.idx.msk [tilespmem:v35+s14+$0x0], $0xffff  }
0x2d7: {  	v12 =	vadd.f32 $1.000000000e+00, v12;
	v24 =	vsub.f32 v24, v28;
	v22 =	vpop (erf)  }
0x2d8: {  	v2 =	vadd.f32 $1.000000000e+00, v2;
	(erf) = vrcp.f32 v9;
	(xrf2) =	vadd.scan.msk.f32 $0xffff, v21;
	v21 =	vpop (erf)  }
0x2d9: {  	v6 =	vadd.f32 $1.000000000e+00, v6;
	(erf) = vrcp.f32 v12;
	v12 =	vadd.f32 v13, v24;
	v13 =	vpop (erf)  }
0x2da: {  	v22 =	vsub.f32 v25, v22;
	v13 =	vsub.f32 v21, v13  }
0x2db: {  	v9 =	vsub.f32 $0.0e+00, v23;
	v21 =	vpop (erf);
	(erf) = vrcp.f32 v2  }
0x2dc: {  	v2 =	vadd.f32 $1.000000000e+00, v5;
	v5 =	vpop (erf);
	(erf) = vrcp.f32 v6;
	v6 =	vadd.f32 v13, v22  }
0x2dd: {  	v20, _, _ =	vpop (xrf2);
	v13 =	vsub.f32 v18, v19;
	v5 =	vsub.f32 v21, v5  }
0x2de: {  	(xrf2) =	vadd.scan.msk.f32 $0xffff, v12;
	v12, _, _ =	vpop (xrf2)  }
0x2df: {  	v9 =	vmul.f32 $1.442695020e+00, v9;
	v18 =	vpop (erf);
	v5 =	vadd.f32 v5, v13  }
0x2e0: {  	(erf) = vrcp.f32 v2;
	v2 =	vpop (erf)  }
0x2e1: {  	(xrf2) =	vadd.scan.msk.f32 $0xffff, v6;
	(erf) = vpow2.f32 v9;
	v9 =	vsub.f32 v10, v11;
	v10 =	vpop (erf)  }
0x2e2: {  	v6, _, _ =	vpop (xrf2)  }
0x2e3: {  	v2 =	vsub.f32 v18, v2;
	(xrf2) =	vadd.scan.msk.f32 $0xffff, v5;
	v5 =	vpop (erf)  }
0x2e4: {  	v5 =	vsub.f32 v10, v5  }
0x2e5: {  	v2 =	vadd.f32 v2, v9  }
0x2e6: {  	v3 =	vsub.f32 v3, v7;
	v9, _, _ =	vpop (xrf2)  }
0x2e7: {  	v7 =	vpop (erf);
	(xrf2) =	vadd.scan.msk.f32 $0xffff, v2;
	v9 =	vbroadcast v9, $0xF  }
0x2e8: {  	v3 =	vadd.f32 v5, v3;
	v5, _, _ =	vpop (xrf2)  }
0x2e9: {  	v2 =	vpop (erf);
	v5 =	vbroadcast v5, $0xF  }
0x2ea: {  	v6 =	vbroadcast v6, $0xF;
	v1 =	vsub.f32 v1, v7;
	v7 =	vbroadcast v12, $0xF;
	v10 =	vpop (erf);
	(xrf2) =	vadd.scan.msk.f32 $0xffff, v3  }
0x2eb: {  	v2 =	vsub.f32 v2, v10;
	v5 =	vsel vm0, v9, v5;
	v9, _, _ =	vpop (xrf2)  }
0x2ec: {  	v5 =	vsel vm1, v5, v6;
	v6 =	vbroadcast v9, $0xF  }
0x2ed: {  	v3 =	vpop (erf);
	v1 =	vadd.f32 v2, v1;
	v2 =	vsel vm2, v5, v7;
	v5 =	vbroadcast v20, $0xF  }
0x2ee: {  	v3 =	vadd.f32 $1.000000000e+00, v3;
	v7, _, _ =	vpop (xrf2);
	v2 =	vsel vm3, v2, v6;
	v6 =	vbroadcast v17, $0xF  }
0x2ef: {  	(xrf2) =	vadd.scan.msk.f32 $0xffff, v1;
	v1 =	vsel vm4, v2, v5;
	v2 =	vbroadcast v7, $0xF  }
0x2f0: {  	(erf) = vrcp.f32 v3;
	v3 =	vbroadcast v16, $0xF;
	v1 =	vsel vm5, v1, v6  }
0x2f1: {  	v1 =	vsel vm6, v1, v2;
	v2 =	vbroadcast v15, $0xF;
	v5, _, _ =	vpop (xrf2)  }
0x2f2: {  	v1 =	vsel vm7, v1, v3;
	v3 =	vbroadcast v5, $0xF  }
0x2f3: {  	v1 =	vsel vm8, v1, v2;
	v2 =	vbroadcast v14, $0xF  }
0x2f4: {  	v5, _, _ =	vpop (xrf2);
	v1 =	vsel vm9, v1, v3;
	v3 =	vbroadcast v8, $0xF  }
0x2f5: {  	v1 =	vsel vm10, v1, v2;
	v2 =	vbroadcast v5, $0xF  }
0x2f6: {  	v1 =	vsel vm11, v1, v3;
	v3 =	vbroadcast v4, $0xF;
	_ =	sdelay $0x2  }
0x2f7: {  	v1 =	vsel vm12, v1, v2;
	v2 =	vpop (erf)  }
0x2f8: {  	v1 =	vsel vm13, v1, v3;
	v2 =	vadd.f32 v2, v2;
	v3, _, _ =	vpop (xrf2)  }
0x2f9: {  	v1 =	vsel vm14, v1, v3  }
0x2fa: {  	v1 =	vmul.f32 v1, v2;
	_ =	sdelay $0x1  }
0x2fb: {  	v1 =	vsub.f32 $0.0e+00, v1;
	_ =	sdelay $0x1  }
0x2fc: {  	v1 =	vmul.f32 $1.442695020e+00, v1;
	_ =	sdelay $0x1  }
0x2fd: {  	(erf) = vpow2.f32 v1;
	_ =	sdelay $0x8  }
0x2fe: {  	v1 =	vpop (erf)  }
0x2ff: {  	v1 =	vadd.f32 $1.000000000e+00, v1;
	_ =	sdelay $0x1  }
0x300: {  	(erf) = vrcp.f32 v1;
	_ =	sdelay $0x8  }
0x301: {  	v1 =	vpop (erf)  }
0x302: {  	s24 =	simm.s32 $0x800;
	[tilespmem:s18+$0x0] =	vst v1  }
0x303: {  	v1 =	vld [tilespmem:s24+$0xB80]  }
0x304: {  	v2 =	vld [tilespmem:s24+$0xB00];
	_ =	sdelay $0x2  }
0x305: {  	v3 =	vld [tilespmem:s24+$0x4B00]  }
0x306: {  	v4 =	vld [tilespmem:s24+$0xB10];
	v1 =	vsub.f32 $0.0e+00, v1  }
0x307: {  	v5 =	vld [tilespmem:s24+$0x4B10];
	v2 =	vsub.f32 $0.0e+00, v2  }
0x308: {  	v1 =	vmul.f32 $1.442695020e+00, v1  }
0x309: {  	v2 =	vmul.f32 $1.442695020e+00, v2  }
0x30a: {  	v3 =	vsub.f32 $0.0e+00, v3;
	(erf) = vpow2.f32 v1  }
0x30b: {  	v4 =	vsub.f32 $0.0e+00, v4;
	(erf) = vpow2.f32 v2  }
0x30c: {  	v1 =	vmul.f32 $1.442695020e+00, v3;
	v3 =	vsub.f32 $0.0e+00, v5  }
0x30d: {  	v4 =	vmul.f32 $1.442695020e+00, v4  }
0x30e: {  	v2 =	vmul.f32 $1.442695020e+00, v3;
	(erf) = vpow2.f32 v1  }
0x30f: {  	v1 =	vld [tilespmem:s24+$0x4B80];
	(erf) = vpow2.f32 v4  }
0x310: {  	(erf) = vpow2.f32 v2  }
0x311: {  	v5 =	vld [tilespmem:s24+$0x4A00];
	_ =	sdelay $0x1  }
0x312: {  	v3 =	vpop (erf)  }
0x313: {  	v2 =	vld [tilespmem:s24+$0xA80];
	v1 =	vsub.f32 $0.0e+00, v1;
	v6 =	vpop (erf)  }
0x314: {  	v4 =	vld [tilespmem:s24+$0xA00];
	v3 =	vadd.f32 $1.000000000e+00, v3;
	v6 =	vadd.f32 $1.000000000e+00, v6  }
0x315: {  	v7 =	vld [tilespmem:s24+$0xA10];
	v5 =	vsub.f32 $0.0e+00, v5;
	v1 =	vmul.f32 $1.442695020e+00, v1  }
0x316: {  	v8 =	vpop (erf);
	(erf) = vrcp.f32 v3;
	v3 =	vld [tilespmem:s24+$0x4A10]  }
0x317: {  	v5 =	vmul.f32 $1.442695020e+00, v5;
	v8 =	vadd.f32 $1.000000000e+00, v8;
	v9 =	vpop (erf);
	(erf) = vpow2.f32 v1;
	v1 =	vld [tilespmem:s24+$0x980]  }
0x318: {  	v10 =	vld [tilespmem:s24+$0x4980];
	v2 =	vsub.f32 $0.0e+00, v2;
	v9 =	vadd.f32 $1.000000000e+00, v9;
	(erf) = vrcp.f32 v6;
	v6 =	vpop (erf)  }
0x319: {  	v4 =	vsub.f32 $0.0e+00, v4;
	(erf) = vrcp.f32 v8;
	v8 =	vld [tilespmem:s24+$0x990];
	v6 =	vadd.f32 $1.000000000e+00, v6  }
0x31a: {  	v7 =	vsub.f32 $0.0e+00, v7;
	v2 =	vmul.f32 $1.442695020e+00, v2;
	(erf) = vrcp.f32 v9;
	v9 =	vld [tilespmem:s24+$0x4990]  }
0x31b: {  	v4 =	vmul.f32 $1.442695020e+00, v4;
	v3 =	vsub.f32 $0.0e+00, v3;
	(erf) = vrcp.f32 v6  }
0x31c: {  	v1 =	vsub.f32 $0.0e+00, v1;
	(erf) = vpow2.f32 v2;
	v2 =	vmul.f32 $1.442695020e+00, v7  }
0x31d: {  	v3 =	vmul.f32 $1.442695020e+00, v3;
	(erf) = vpow2.f32 v4;
	v4 =	vsub.f32 $0.0e+00, v10  }
0x31e: {  	v6 =	vld [tilespmem:s24+$0x4A80];
	v8 =	vsub.f32 $0.0e+00, v8;
	(erf) = vpow2.f32 v5;
	v5 =	vmul.f32 $1.442695020e+00, v1  }
0x31f: {  	v7 =	vld [tilespmem:s24+$0xB90];
	v9 =	vsub.f32 $0.0e+00, v9;
	(erf) = vpow2.f32 v2;
	v4 =	vmul.f32 $1.442695020e+00, v4  }
0x320: {  	v1 =	vpop (erf);
	(erf) = vpow2.f32 v3;
	v3 =	vmul.f32 $1.442695020e+00, v8  }
0x321: {  	v10 =	vld [tilespmem:s24+$0x4B90];
	v2 =	vpop (erf);
	v8 =	vmul.f32 $1.442695020e+00, v9  }
0x322: {  	(erf) = vpow2.f32 v5;
	v5 =	vpop (erf)  }
0x323: {  	v6 =	vsub.f32 $0.0e+00, v6;
	(erf) = vpow2.f32 v4;
	v4 =	vpop (erf)  }
0x324: {  	v7 =	vsub.f32 $0.0e+00, v7;
	(erf) = vpow2.f32 v3;
	v3 =	vpop (erf)  }
0x325: {  	v6 =	vmul.f32 $1.442695020e+00, v6;
	(erf) = vpow2.f32 v8;
	v8 =	vpop (erf)  }
0x326: {  	v9 =	vsub.f32 $0.0e+00, v10;
	v7 =	vmul.f32 $1.442695020e+00, v7;
	v10 =	vpop (erf)  }
0x327: {  	(erf) = vpow2.f32 v6;
	v6 =	vadd.f32 $1.000000000e+00, v10;
	v10 =	vpop (erf)  }
0x328: {  	v9 =	vmul.f32 $1.442695020e+00, v9;
	(erf) = vpow2.f32 v7;
	v7 =	vadd.f32 $1.000000000e+00, v10;
	_ =	sdelay $0x1  }
0x329: {  	(erf) = vpow2.f32 v9;
	v10 =	vpop (erf)  }
0x32a: {  	v9 =	vadd.f32 $1.000000000e+00, v10;
	v10 =	vpop (erf);
	(erf) = vrcp.f32 v6  }
0x32b: {  	(erf) = vrcp.f32 v7;
	v7 =	vpop (erf)  }
0x32c: {  	v13 =	vld [tilespmem:s24+$0x4900];
	v6 =	vadd.f32 $1.000000000e+00, v10;
	v11 =	vpop (erf)  }
0x32d: {  	v10 =	vld [tilespmem:s24+$0xA90];
	(erf) = vrcp.f32 v9;
	v12 =	vpop (erf)  }
0x32e: {  	v14 =	vld [tilespmem:s24+$0x4A90];
	v7 =	vadd.f32 $1.000000000e+00, v7;
	(erf) = vrcp.f32 v6;
	v6 =	vadd.f32 $1.000000000e+00, v12  }
0x32f: {  	v9 =	vld [tilespmem:s24+$0x900];
	v11 =	vadd.f32 $1.000000000e+00, v11;
	v12 =	vpop (erf)  }
0x330: {  	v16 =	vld [tilespmem:s24+$0x4890];
	v4 =	vsub.f32 v5, v4;
	(erf) = vrcp.f32 v7;
	v5 =	vpop (erf)  }
0x331: {  	v7 =	vadd.f32 $1.000000000e+00, v12;
	(erf) = vrcp.f32 v11;
	v12 =	vld [tilespmem:s24+$0x4880];
	v5 =	vadd.f32 $1.000000000e+00, v5  }
0x332: {  	v10 =	vsub.f32 $0.0e+00, v10;
	v11 =	vld [tilespmem:s24+$0x880];
	(erf) = vrcp.f32 v6;
	v6 =	vpop (erf)  }
0x333: {  	v13 =	vsub.f32 $0.0e+00, v13;
	(erf) = vrcp.f32 v7;
	v15 =	vadd.f32 $1.000000000e+00, v6  }
0x334: {  	v10 =	vmul.f32 $1.442695020e+00, v10;
	v9 =	vsub.f32 $0.0e+00, v9;
	v6 =	vpop (erf);
	(erf) = vrcp.f32 v5  }
0x335: {  	v16 =	vsub.f32 $0.0e+00, v16;
	v8 =	vsub.f32 v3, v8;
	v7 =	vld [tilespmem:s24+$0x890];
	v5 =	vpop (erf);
	(erf) = vrcp.f32 v15  }
0x336: {  	v9 =	vmul.f32 $1.442695020e+00, v9;
	v12 =	vsub.f32 $0.0e+00, v12;
	v3 =	vpop (erf);
	(erf) = vpow2.f32 v10  }
0x337: {  	v10 =	vsub.f32 $0.0e+00, v11;
	v11 =	vmul.f32 $1.442695020e+00, v13;
	v13 =	vsub.f32 $0.0e+00, v14  }
0x338: {  	v17 =	vld [tilespmem:s24+$0x800];
	v15 =	vpop (erf)  }
0x339: {  	v18 =	vld [tilespmem:s24+$0x4800];
	v4 =	vadd.f32 v8, v4;
	v8 =	vmul.f32 $1.442695020e+00, v16;
	v12 =	vmul.f32 $1.442695020e+00, v12;
	v14 =	vpop (erf)  }
0x33a: {  	(erf) = vpow2.f32 v9;
	v7 =	vsub.f32 $0.0e+00, v7;
	v10 =	vmul.f32 $1.442695020e+00, v10;
	v9 =	vpop (erf)  }
0x33b: {  	(erf) = vpow2.f32 v11;
	v11 =	vmul.f32 $1.442695020e+00, v13;
	v13 =	vpop (erf)  }
0x33c: {  	v7 =	vmul.f32 $1.442695020e+00, v7;
	v19 =	vpop (erf);
	(erf) = vpow2.f32 v10  }
0x33d: {  	v10 =	vsub.f32 v15, v14;
	v14 =	vsub.f32 $0.0e+00, v17;
	v20 =	vpop (erf);
	(erf) = vpow2.f32 v12  }
0x33e: {  	(xrf2) =	vadd.scan.msk.f32 $0xffff, v4;
	v4 =	vsub.f32 v9, v13;
	v13 =	vsub.f32 $0.0e+00, v18;
	v12 =	vpop (erf);
	(erf) = vpow2.f32 v7  }
0x33f: {  	v16 =	vpop (erf);
	(erf) = vpow2.f32 v8;
	v8 =	vmul.f32 $1.442695020e+00, v14  }
0x340: {  	v15 =	vld [tilespmem:s24+$0x910];
	v4 =	vadd.f32 v4, v10;
	v10 =	vmul.f32 $1.442695020e+00, v13  }
0x341: {  	v7 =	vpop (erf)  }
0x342: {  	(erf) = vpow2.f32 v11;
	v9 =	vpop (erf)  }
0x343: {  	(erf) = vpow2.f32 v8;
	v8 =	vpop (erf)  }
0x344: {  	(erf) = vpow2.f32 v10;
	v8 =	vadd.f32 $1.000000000e+00, v8;
	v10 =	vpop (erf)  }
0x345: {  	(xrf2) =	vadd.scan.msk.f32 $0xffff, v4;
	v4 =	vld [tilespmem:s24+$0x810];
	v11 =	vsub.f32 $0.0e+00, v15;
	v14 =	vpop (erf)  }
0x346: {  	v13 =	vld [tilespmem:s24+$0x4810];
	v10 =	vadd.f32 $1.000000000e+00, v10;
	(erf) = vrcp.f32 v8;
	v8 =	vadd.f32 $1.000000000e+00, v14  }
0x347: {  	v11 =	vmul.f32 $1.442695020e+00, v11  }
0x348: {  	v14 =	vpop (erf);
	(erf) = vrcp.f32 v10;
	v10 =	vld [tilespmem:s24+$0x700]  }
0x349: {  	v14 =	vadd.f32 $1.000000000e+00, v14;
	v15 =	vpop (erf);
	(erf) = vpow2.f32 v11;
	v11 =	vld [tilespmem:s24+$0x4700]  }
0x34a: {  	v18 =	vld [tilespmem:s24+$0x710];
	v17 =	vsub.f32 $0.0e+00, v4;
	v15 =	vadd.f32 $1.000000000e+00, v15;
	(erf) = vrcp.f32 v8;
	v8 =	vpop (erf)  }
0x34b: {  	v21 =	vsub.f32 $0.0e+00, v13;
	(erf) = vrcp.f32 v14;
	v14 =	vld [tilespmem:s24+$0x4710];
	v8 =	vadd.f32 $1.000000000e+00, v8  }
0x34c: {  	v17 =	vmul.f32 $1.442695020e+00, v17;
	v13 =	vpop (erf);
	(erf) = vrcp.f32 v15;
	v15 =	vld [tilespmem:s24+$0x680]  }
0x34d: {  	v23 =	vld [tilespmem:s24+$0x4680];
	v21 =	vmul.f32 $1.442695020e+00, v21;
	v22 =	vpop (erf);
	v10 =	vsub.f32 $0.0e+00, v10;
	(erf) = vrcp.f32 v8  }
0x34e: {  	v22 =	vadd.f32 $1.000000000e+00, v22;
	v24 =	vpop (erf);
	v11 =	vsub.f32 $0.0e+00, v11;
	(erf) = vpow2.f32 v17;
	v17 =	vld [tilespmem:s24+$0x690]  }
0x34f: {  	v18 =	vsub.f32 $0.0e+00, v18;
	v24 =	vadd.f32 $1.000000000e+00, v24;
	(erf) = vpow2.f32 v21;
	v21 =	vld [tilespmem:s24+$0x4690]  }
0x350: {  	v26 =	vsub.f32 $0.0e+00, v14;
	(erf) = vrcp.f32 v22;
	v22 =	vmul.f32 $1.442695020e+00, v11  }
0x351: {  	v18 =	vmul.f32 $1.442695020e+00, v18;
	v25 =	vmul.f32 $1.442695020e+00, v10;
	v10 =	vpop (erf);
	v15 =	vsub.f32 $0.0e+00, v15  }
0x352: {  	v23 =	vsub.f32 $0.0e+00, v23;
	(erf) = vrcp.f32 v24;
	v11 =	vpop (erf);
	v24 =	vmul.f32 $1.442695020e+00, v26  }
0x353: {  	v26 =	vld [tilespmem:s24+$0x4780];
	(erf) = vpow2.f32 v25;
	v14 =	vpop (erf);
	v15 =	vmul.f32 $1.442695020e+00, v15;
	v17 =	vsub.f32 $0.0e+00, v17  }
0x354: {  	v23 =	vmul.f32 $1.442695020e+00, v23;
	(erf) = vpow2.f32 v22;
	v22 =	vpop (erf);
	v21 =	vsub.f32 $0.0e+00, v21  }
0x355: {  	(erf) = vpow2.f32 v18;
	v18 =	vpop (erf);
	v17 =	vmul.f32 $1.442695020e+00, v17  }
0x356: {  	v25 =	vld [tilespmem:s24+$0x780];
	(erf) = vpow2.f32 v24;
	v24 =	vpop (erf);
	v21 =	vmul.f32 $1.442695020e+00, v21  }
0x357: {  	(erf) = vpow2.f32 v15;
	v15 =	vpop (erf)  }
0x358: {  	v26 =	vsub.f32 $0.0e+00, v26;
	(erf) = vpow2.f32 v23;
	v23 =	vpop (erf)  }
0x359: {  	(erf) = vpow2.f32 v17;
	v17 =	vpop (erf)  }
0x35a: {  	v23 =	vadd.f32 $1.000000000e+00, v23;
	(erf) = vpow2.f32 v21;
	v21 =	vpop (erf)  }
0x35b: {  	v25 =	vsub.f32 $0.0e+00, v25;
	v17 =	vadd.f32 $1.000000000e+00, v17;
	v27 =	vpop (erf)  }
0x35c: {  	(erf) = vrcp.f32 v23;
	v23 =	vmul.f32 $1.442695020e+00, v26;
	v26 =	vpop (erf)  }
0x35d: {  	v25 =	vmul.f32 $1.442695020e+00, v25;
	(erf) = vrcp.f32 v17;
	v17 =	vadd.f32 $1.000000000e+00, v26;
	_ =	sdelay $0x1  }
0x35e: {  	v26 =	vpop (erf);
	(erf) = vpow2.f32 v25  }
0x35f: {  	v19 =	vsub.f32 v19, v20;
	v28 =	vpop (erf);
	(erf) = vpow2.f32 v23  }
0x360: {  	v12 =	vsub.f32 v12, v16;
	v26 =	vadd.f32 $1.000000000e+00, v26;
	(erf) = vrcp.f32 v17;
	v17 =	vpop (erf)  }
0x361: {  	v20 =	vadd.f32 $1.000000000e+00, v28;
	v16 =	vadd.f32 $1.000000000e+00, v17;
	v17 =	vpop (erf)  }
0x362: {  	v17 =	vadd.f32 $1.000000000e+00, v17  }
0x363: {  	(erf) = vrcp.f32 v26  }
0x364: {  	v25 =	vld [tilespmem:s24+$0x4910];
	(erf) = vrcp.f32 v20;
	v26 =	vpop (erf)  }
0x365: {  	v12 =	vadd.f32 v12, v19;
	v23 =	vld [tilespmem:s24+$0x600];
	v19 =	vadd.f32 $1.000000000e+00, v26;
	v20 =	vpop (erf);
	(erf) = vrcp.f32 v16  }
0x366: {  	v20 =	vadd.f32 $1.000000000e+00, v20;
	(erf) = vrcp.f32 v17;
	v17 =	vpop (erf)  }
0x367: {  	v4, _, _ =	vpop (xrf2);
	v17 =	vadd.f32 $1.000000000e+00, v17  }
0x368: {  	v8, _, _ =	vpop (xrf2);
	v18 =	vsub.f32 v22, v18;
	v15 =	vsub.f32 v24, v15;
	v24 =	vld [tilespmem:s24+$0x580]  }
0x369: {  	(xrf2) =	vadd.scan.msk.f32 $0xffff, v12;
	v12 =	vld [tilespmem:s24+$0x4580];
	v16 =	vsub.f32 $0.0e+00, v25;
	(erf) = vrcp.f32 v19;
	v19 =	vpop (erf)  }
0x36a: {  	v15 =	vadd.f32 v15, v18;
	v23 =	vsub.f32 $0.0e+00, v23;
	(erf) = vrcp.f32 v20;
	v20 =	vpop (erf)  }
0x36b: {  	v16 =	vmul.f32 $1.442695020e+00, v16;
	(erf) = vrcp.f32 v17;
	v19 =	vsub.f32 v19, v20;
	v17 =	vpop (erf)  }
0x36c: {  	v18 =	vld [tilespmem:s24+$0x590];
	v21 =	vsub.f32 v21, v27;
	v17 =	vadd.f32 $1.000000000e+00, v17;
	v25 =	vpop (erf)  }
0x36d: {  	(xrf2) =	vadd.scan.msk.f32 $0xffff, v15;
	v15 =	vsub.f32 $0.0e+00, v24;
	v23 =	vmul.f32 $1.442695020e+00, v23;
	(erf) = vpow2.f32 v16;
	v20 =	vpop (erf)  }
0x36e: {  	v12 =	vsub.f32 $0.0e+00, v12;
	v16 =	vld [tilespmem:s24+$0x4590];
	v27 =	vpop (erf);
	(erf) = vrcp.f32 v17  }
0x36f: {  	v15 =	vmul.f32 $1.442695020e+00, v15;
	v26 =	vld [tilespmem:s24+$0x4790];
	v17 =	vadd.f32 v19, v21;
	(erf) = vpow2.f32 v23;
	v19 =	vpop (erf)  }
0x370: {  	v12 =	vmul.f32 $1.442695020e+00, v12;
	v22 =	vld [tilespmem:s24+$0x790];
	v25 =	vadd.f32 $1.000000000e+00, v25;
	v21 =	vpop (erf)  }
0x371: {  	v18 =	vsub.f32 $0.0e+00, v18;
	v20 =	vsub.f32 v20, v27;
	v23 =	vpop (erf)  }
0x372: {  	(erf) = vrcp.f32 v25;
	(xrf2) =	vadd.scan.msk.f32 $0xffff, v17;
	v17 =	vsub.f32 v19, v21;
	v19 =	vpop (erf)  }
0x373: {  	v24 =	vld [tilespmem:s24+$0x4600];
	v18 =	vmul.f32 $1.442695020e+00, v18;
	v16 =	vsub.f32 $0.0e+00, v16;
	(erf) = vpow2.f32 v15;
	v15 =	vpop (erf)  }
0x374: {  	v25 =	vsub.f32 $0.0e+00, v26;
	v26 =	vld [tilespmem:s24+$0x610];
	(erf) = vpow2.f32 v12;
	v12, _, _ =	vpop (xrf2);
	v19 =	vsub.f32 v23, v19  }
0x375: {  	v22 =	vsub.f32 $0.0e+00, v22;
	v16 =	vmul.f32 $1.442695020e+00, v16;
	v17 =	vadd.f32 v17, v20;
	v20 =	vpop (erf)  }
0x376: {  	v27 =	vld [tilespmem:s24+$0x4610];
	(erf) = vpow2.f32 v18;
	v15 =	vsub.f32 v15, v20;
	v21 =	vpop (erf)  }
0x377: {  	v20 =	vmul.f32 $1.442695020e+00, v22;
	(erf) = vpow2.f32 v16;
	(xrf2) =	vadd.scan.msk.f32 $0xffff, v17;
	v18 =	vpop (erf)  }
0x378: {  	v17 =	vmul.f32 $1.442695020e+00, v25;
	v22 =	vsub.f32 $0.0e+00, v24;
	v16 =	vadd.f32 v15, v19;
	v19 =	vpop (erf)  }
0x379: {  	v23 =	vsub.f32 $0.0e+00, v26;
	v26 =	vld [tilespmem:s24+$0x4500];
	(erf) = vpow2.f32 v20;
	v20 =	vadd.f32 $1.000000000e+00, v19  }
0x37a: {  	v22 =	vmul.f32 $1.442695020e+00, v22;
	(erf) = vpow2.f32 v17;
	v17 =	vld [tilespmem:s24+$0x500];
	v15, _, _ =	vpop (xrf2);
	(xrf2) =	vadd.scan.msk.f32 $0xffff, v16  }
0x37b: {  	v24 =	vsub.f32 $0.0e+00, v27;
	v19 =	vpop (erf);
	(erf) = vrcp.f32 v20;
	v20 =	vld [tilespmem:s24+$0x510]  }
0x37c: {  	v23 =	vmul.f32 $1.442695020e+00, v23;
	v25 =	vpop (erf);
	(erf) = vpow2.f32 v22;
	v22 =	vld [tilespmem:s24+$0x4510]  }
0x37d: {  	v24 =	vmul.f32 $1.442695020e+00, v24;
	v27 =	vpop (erf)  }
0x37e: {  	v16, _, _ =	vpop (xrf2);
	v25 =	vadd.f32 $1.000000000e+00, v25;
	(erf) = vpow2.f32 v23;
	v23 =	vadd.f32 $1.000000000e+00, v27  }
0x37f: {  	v28 =	vld [tilespmem:s24+$0x400];
	v30 =	vsub.f32 $0.0e+00, v26;
	v27 =	vpop (erf);
	(erf) = vpow2.f32 v24;
	v24 =	vsub.f32 $0.0e+00, v17  }
0x380: {  	v29 =	vld [tilespmem:s24+$0x4400];
	v27 =	vadd.f32 $1.000000000e+00, v27;
	v17 =	vpop (erf);
	(erf) = vrcp.f32 v25;
	v20 =	vsub.f32 $0.0e+00, v20  }
0x381: {  	v25 =	vld [tilespmem:s24+$0x410];
	v31 =	vadd.f32 $1.000000000e+00, v17;
	v17, _, _ =	vpop (xrf2);
	(erf) = vrcp.f32 v23;
	v22 =	vsub.f32 $0.0e+00, v22  }
0x382: {  	v26 =	vld [tilespmem:s24+$0x4410];
	v62 =	vmul.f32 $1.442695020e+00, v24;
	(erf) = vrcp.f32 v27;
	v23 =	vpop (erf)  }
0x383: {  	v63 =	vmul.f32 $1.442695020e+00, v30;
	v27 =	vld [tilespmem:s24+$0x480];
	(erf) = vrcp.f32 v31;
	v24 =	vpop (erf)  }
0x384: {  	v31 =	vsub.f32 $0.0e+00, v28;
	v28 =	vld [tilespmem:s24+$0x4480];
	v30 =	vmul.f32 $1.442695020e+00, v20;
	(erf) = vpow2.f32 v62;
	v20, _, _ =	vpop (xrf2)  }
0x385: {  	s26 =	simm.s32 $0x4000;
	s25 =	smov.u32 s19;
	s23 =	smov.u32 s18;
	v32 =	vsub.f32 $0.0e+00, v29;
	v29 =	vld [tilespmem:s24+$0x490];
	v33 =	vmul.f32 $1.442695020e+00, v22;
	(erf) = vpow2.f32 v63;
	v22 =	vpop (erf)  }
.LBB2_7:
0x386: {  	p0 =	sne.s32 s26, $0xE000;
	v35 =	vmul.f32 $1.442695020e+00, v31;
	v25 =	vsub.f32 $0.0e+00, v25;
	v34 =	vld [tilespmem:s24+$0x4490];
	(erf) = vpow2.f32 v30;
	v30 =	vpop (erf)  }
0x387: {  	v36 =	vmul.f32 $1.442695020e+00, v32;
	v26 =	vsub.f32 $0.0e+00, v26;
	(erf) = vpow2.f32 v33;
	v33 =	vpop (erf)  }
0x388: {  	v37 =	vmul.f32 $1.442695020e+00, v25;
	v27 =	vsub.f32 $0.0e+00, v27;
	(erf) = vpow2.f32 v35;
	v31 =	vpop (erf)  }
0x389: {  	v35 =	vmul.f32 $1.442695020e+00, v26;
	v28 =	vsub.f32 $0.0e+00, v28;
	(erf) = vpow2.f32 v36;
	v32 =	vpop (erf)  }
0x38a: {  	v36 =	vmul.f32 $1.442695020e+00, v27;
	v29 =	vsub.f32 $0.0e+00, v29;
	(erf) = vpow2.f32 v37;
	v25 =	vpop (erf)  }
0x38b: {  	v37 =	vmul.f32 $1.442695020e+00, v28;
	v34 =	vsub.f32 $0.0e+00, v34;
	(erf) = vpow2.f32 v35;
	v26 =	vpop (erf)  }
0x38c: {  	v35 =	vmul.f32 $1.442695020e+00, v29;
	(erf) = vpow2.f32 v36;
	v27 =	vpop (erf)  }
0x38d: {  	v36 =	vmul.f32 $1.442695020e+00, v34;
	(erf) = vpow2.f32 v37;
	v28 =	vpop (erf)  }
0x38e: {  	v37 =	vadd.f32 $1.000000000e+00, v28;
	(erf) = vpow2.f32 v35;
	v29 =	vpop (erf)  }
0x38f: {  	v29 =	vadd.f32 $1.000000000e+00, v29;
	(erf) = vpow2.f32 v36;
	v34 =	vpop (erf)  }
0x390: {  	v34 =	vadd.f32 $1.000000000e+00, v34;
	(erf) = vrcp.f32 v37;
	v28 =	vpop (erf)  }
0x391: {  	v28 =	vadd.f32 $1.000000000e+00, v28;
	v35 =	vpop (erf);
	(erf) = vrcp.f32 v29  }
0x392: {  	v36 =	vadd.f32 $1.000000000e+00, v35;
	v35 =	vpop (erf);
	(erf) = vrcp.f32 v34  }
0x393: {  	v37 =	vadd.f32 $1.000000000e+00, v35;
	v35 =	vpop (erf);
	(erf) = vrcp.f32 v28  }
0x394: {  	v35 =	vadd.f32 $1.000000000e+00, v35;
	(erf) = vrcp.f32 v36;
	v29 =	vpop (erf)  }
0x395: {  	v36 =	vadd.f32 $1.000000000e+00, v29;
	(erf) = vrcp.f32 v37;
	v34 =	vpop (erf)  }
0x396: {  	v37 =	vadd.f32 $1.000000000e+00, v34;
	(erf) = vrcp.f32 v35;
	v28 =	vpop (erf)  }
0x397: {  	s25 =	sadd.s32 $0x10, s25;
	v38 =	vadd.f32 $1.000000000e+00, v28;
	(erf) = vrcp.f32 v36;
	v29 =	vpop (erf)  }
0x398: {  	v35 =	vmov s25;
	v36 =	vadd.f32 $1.000000000e+00, v29;
	(erf) = vrcp.f32 v37;
	v34 =	vpop (erf)  }
0x399: {  	v35 =	vshll.u32 v35, $0x7;
	v37 =	vadd.f32 $1.000000000e+00, v34;
	(erf) = vrcp.f32 v38;
	v28 =	vpop (erf)  }
0x39a: {  	v35 =	vor.u32 v0, v35;
	v38 =	vadd.f32 $1.000000000e+00, v30;
	(erf) = vrcp.f32 v36;
	v29 =	vpop (erf)  }
0x39b: {  	v33 =	vadd.f32 $1.000000000e+00, v33;
	v31 =	vadd.f32 $1.000000000e+00, v31;
	(erf) = vrcp.f32 v37;
	v34 =	vpop (erf)  }
0x39c: {  	v25 =	vsub.f32 v32, v25;
	v32 =	vsub.f32 v26, v27;
	v27 =	vpop (erf);
	(erf) = vrcp.f32 v38  }
0x39d: {  	v23 =	vadd.f32 $1.000000000e+00, v23;
	v30 =	vpop (erf);
	(erf) = vrcp.f32 v33  }
0x39e: {  	v24 =	vadd.f32 $1.000000000e+00, v24;
	v32 =	vadd.f32 v32, v25;
	v26 =	vpop (erf);
	(erf) = vrcp.f32 v31  }
0x39f: {  	v33 =	vsub.f32 v28, v29;
	v27 =	vsub.f32 v34, v27;
	v29 =	vpop (erf);
	(erf) = vrcp.f32 v23  }
0x3a0: {  	v34 =	vadd.f32 $1.000000000e+00, v14;
	v23 =	vld.idx.msk [tilespmem:v35+s14+$0x0], $0xffff;
	v31 =	vpop (erf);
	(xrf2) =	vadd.scan.msk.f32 $0xffff, v32;
	(erf) = vrcp.f32 v24  }
0x3a1: {  	v21 =	vadd.f32 $1.000000000e+00, v21;
	v32 =	vadd.f32 v27, v33;
	v25 =	vpop (erf)  }
0x3a2: {  	v26 =	vsub.f32 v30, v26;
	v27 =	vsub.f32 v29, v31;
	v28 =	vpop (erf);
	(erf) = vrcp.f32 v34  }
0x3a3: {  	v9 =	vadd.f32 $1.000000000e+00, v9;
	v14 =	vpop (erf);
	(xrf2) =	vadd.scan.msk.f32 $0xffff, v32;
	(erf) = vrcp.f32 v21  }
0x3a4: {  	v13 =	vadd.f32 $1.000000000e+00, v13;
	v26 =	vadd.f32 v27, v26;
	v24 =	vpop (erf)  }
0x3a5: {  	v25 =	vsub.f32 v25, v28;
	v27 =	vsub.f32 v14, v24;
	v24 =	vpop (erf);
	(erf) = vrcp.f32 v9  }
0x3a6: {  	v2 =	vadd.f32 $1.000000000e+00, v2;
	v9 =	vsub.f32 $0.0e+00, v23;
	(xrf2) =	vadd.scan.msk.f32 $0xffff, v26;
	v21 =	vpop (erf);
	(erf) = vrcp.f32 v13  }
0x3a7: {  	v6 =	vadd.f32 $1.000000000e+00, v6;
	v23 =	vadd.f32 v27, v25;
	v14 =	vpop (erf)  }
0x3a8: {  	v22 =	vsub.f32 v22, v24;
	v14 =	vsub.f32 v21, v14;
	v21 =	vpop (erf);
	(erf) = vrcp.f32 v2  }
0x3a9: {  	v24 =	vadd.f32 $1.000000000e+00, v5;
	(xrf2) =	vadd.scan.msk.f32 $0xffff, v23;
	v5 =	vpop (erf);
	(erf) = vrcp.f32 v6  }
0x3aa: {  	v9 =	vmul.f32 $1.442695020e+00, v9;
	v22 =	vadd.f32 v14, v22;
	v13, _, _ =	vpop (xrf2)  }
0x3ab: {  	v14 =	vsub.f32 v18, v19;
	v5 =	vsub.f32 v21, v5;
	v18 =	vpop (erf);
	(erf) = vrcp.f32 v24  }
0x3ac: {  	(xrf2) =	vadd.scan.msk.f32 $0xffff, v22;
	v2 =	vpop (erf);
	(erf) = vpow2.f32 v9  }
0x3ad: {  	v14 =	vadd.f32 v5, v14;
	v6, _, _ =	vpop (xrf2)  }
0x3ae: {  	v11 =	vsub.f32 v10, v11;
	v2 =	vsub.f32 v18, v2;
	v10 =	vpop (erf)  }
0x3af: {  	(xrf2) =	vadd.scan.msk.f32 $0xffff, v14;
	v5 =	vpop (erf)  }
0x3b0: {  	v11 =	vadd.f32 v2, v11;
	v9, _, _ =	vpop (xrf2)  }
0x3b1: {  	v3 =	vsub.f32 v3, v7;
	v18 =	vsub.f32 v10, v5;
	v7 =	vpop (erf)  }
0x3b2: {  	(xrf2) =	vadd.scan.msk.f32 $0xffff, v11;
	v2 =	vpop (erf)  }
0x3b3: {  	v11 =	vadd.f32 v18, v3;
	v5, _, _ =	vpop (xrf2)  }
0x3b4: {  	v14 =	vbroadcast v9, $0xF;
	v5 =	vbroadcast v5, $0xF;
	v10 =	vpop (erf)  }
0x3b5: {  	v6 =	vbroadcast v6, $0xF;
	v1 =	vsub.f32 v1, v7;
	v2 =	vsub.f32 v2, v10;
	(xrf2) =	vadd.scan.msk.f32 $0xffff, v11;
	v3 =	vpop (erf)  }
0x3b6: {  	v10 =	vbroadcast v13, $0xF;
	v5 =	vsel vm0, v14, v5;
	v3 =	vadd.f32 $1.000000000e+00, v3;
	v9, _, _ =	vpop (xrf2)  }
0x3b7: {  	v5 =	vsel vm1, v5, v6;
	v6 =	vbroadcast v9, $0xF;
	v1 =	vadd.f32 v2, v1  }
0x3b8: {  	v2 =	vsel vm2, v5, v10;
	v5 =	vbroadcast v20, $0xF  }
0x3b9: {  	v2 =	vsel vm3, v2, v6;
	v6 =	vbroadcast v17, $0xF;
	v7, _, _ =	vpop (xrf2);
	(xrf2) =	vadd.scan.msk.f32 $0xffff, v1;
	(erf) = vrcp.f32 v3  }
0x3ba: {  	v1 =	vsel vm4, v2, v5;
	v2 =	vbroadcast v7, $0xF  }
0x3bb: {  	v3 =	vbroadcast v16, $0xF;
	v1 =	vsel vm5, v1, v6  }
0x3bc: {  	v1 =	vsel vm6, v1, v2;
	v2 =	vbroadcast v15, $0xF;
	v5, _, _ =	vpop (xrf2)  }
0x3bd: {  	v1 =	vsel vm7, v1, v3;
	v3 =	vbroadcast v5, $0xF  }
0x3be: {  	v1 =	vsel vm8, v1, v2;
	v2 =	vbroadcast v12, $0xF  }
0x3bf: {  	v1 =	vsel vm9, v1, v3;
	v3 =	vbroadcast v8, $0xF;
	v5, _, _ =	vpop (xrf2)  }
0x3c0: {  	v1 =	vsel vm10, v1, v2;
	v5 =	vbroadcast v5, $0xF  }
0x3c1: {  	v4 =	vbroadcast v4, $0xF;
	v1 =	vsel vm11, v1, v3  }
0x3c2: {  	v1 =	vsel vm12, v1, v5;
	v2 =	vpop (erf)  }
0x3c3: {  	v1 =	vsel vm13, v1, v4;
	v2 =	vadd.f32 v2, v2;
	v3, _, _ =	vpop (xrf2)  }
0x3c4: {  	v1 =	vsel vm14, v1, v3  }
0x3c5: {  	v1 =	vmul.f32 v1, v2;
	_ =	sdelay $0x1  }
0x3c6: {  	v1 =	vsub.f32 $0.0e+00, v1;
	_ =	sdelay $0x1  }
0x3c7: {  	v1 =	vmul.f32 $1.442695020e+00, v1;
	_ =	sdelay $0x1  }
0x3c8: {  	(erf) = vpow2.f32 v1;
	_ =	sdelay $0x8  }
0x3c9: {  	v1 =	vpop (erf)  }
0x3ca: {  	v1 =	vadd.f32 $1.000000000e+00, v1;
	_ =	sdelay $0x1  }
0x3cb: {  	(erf) = vrcp.f32 v1;
	_ =	sdelay $0x8  }
0x3cc: {  	s23 =	sadd.s32 $0x10, s23;
	v1 =	vpop (erf)  }
0x3cd: {  	s24 =	sshra.s32 s26, $0x2;
	[tilespmem:s23+$0x0] =	vst v1  }
0x3ce: {  	v1 =	vld [tilespmem:s24+$0xB80];
	_ =	sdelay $0x1  }
0x3cf: {  	v2 =	vld [tilespmem:s24+$0xB00]  }
0x3d0: {  	v3 =	vld [tilespmem:s24+$0x4B00]  }
0x3d1: {  	v4 =	vld [tilespmem:s24+$0xB10]  }
0x3d2: {  	v5 =	vld [tilespmem:s24+$0x4B10];
	v1 =	vsub.f32 $0.0e+00, v1;
	_ =	sdelay $0x1  }
0x3d3: {  	v2 =	vsub.f32 $0.0e+00, v2;
	v1 =	vmul.f32 $1.442695020e+00, v1  }
0x3d4: {  	v3 =	vsub.f32 $0.0e+00, v3  }
0x3d5: {  	v2 =	vmul.f32 $1.442695020e+00, v2;
	v4 =	vsub.f32 $0.0e+00, v4;
	(erf) = vpow2.f32 v1  }
0x3d6: {  	v1 =	vmul.f32 $1.442695020e+00, v3;
	v3 =	vsub.f32 $0.0e+00, v5  }
0x3d7: {  	v4 =	vmul.f32 $1.442695020e+00, v4;
	(erf) = vpow2.f32 v2  }
0x3d8: {  	v2 =	vmul.f32 $1.442695020e+00, v3;
	(erf) = vpow2.f32 v1  }
0x3d9: {  	v1 =	vld [tilespmem:s24+$0x4B80];
	(erf) = vpow2.f32 v4  }
0x3da: {  	(erf) = vpow2.f32 v2;
	_ =	sdelay $0x3  }
0x3db: {  	v2 =	vld [tilespmem:s24+$0xA80];
	v1 =	vsub.f32 $0.0e+00, v1;
	v3 =	vpop (erf)  }
0x3dc: {  	v4 =	vld [tilespmem:s24+$0xA00];
	v3 =	vadd.f32 $1.000000000e+00, v3  }
0x3dd: {  	v5 =	vld [tilespmem:s24+$0x4A00];
	v1 =	vmul.f32 $1.442695020e+00, v1;
	v6 =	vpop (erf)  }
0x3de: {  	v7 =	vld [tilespmem:s24+$0xA10];
	v10 =	vadd.f32 $1.000000000e+00, v6;
	v8 =	vpop (erf);
	(erf) = vrcp.f32 v3  }
0x3df: {  	v3 =	vld [tilespmem:s24+$0x4A10];
	v8 =	vadd.f32 $1.000000000e+00, v8;
	v9 =	vpop (erf);
	(erf) = vpow2.f32 v1  }
0x3e0: {  	v1 =	vld [tilespmem:s24+$0x980];
	v2 =	vsub.f32 $0.0e+00, v2;
	v9 =	vadd.f32 $1.000000000e+00, v9;
	(erf) = vrcp.f32 v10;
	v6 =	vpop (erf)  }
0x3e1: {  	v10 =	vld [tilespmem:s24+$0x4980];
	v4 =	vsub.f32 $0.0e+00, v4;
	v6 =	vadd.f32 $1.000000000e+00, v6;
	(erf) = vrcp.f32 v8  }
0x3e2: {  	v8 =	vld [tilespmem:s24+$0x990];
	v5 =	vsub.f32 $0.0e+00, v5;
	v2 =	vmul.f32 $1.442695020e+00, v2;
	(erf) = vrcp.f32 v9  }
0x3e3: {  	v9 =	vld [tilespmem:s24+$0x4990];
	v4 =	vmul.f32 $1.442695020e+00, v4;
	v7 =	vsub.f32 $0.0e+00, v7;
	(erf) = vrcp.f32 v6  }
0x3e4: {  	v5 =	vmul.f32 $1.442695020e+00, v5;
	v3 =	vsub.f32 $0.0e+00, v3;
	v6 =	vld [tilespmem:s24+$0x4A80];
	(erf) = vpow2.f32 v2  }
0x3e5: {  	v11 =	vsub.f32 $0.0e+00, v1;
	v12 =	vmul.f32 $1.442695020e+00, v7;
	v7 =	vld [tilespmem:s24+$0xB90];
	(erf) = vpow2.f32 v4  }
0x3e6: {  	v4 =	vsub.f32 $0.0e+00, v10;
	v3 =	vmul.f32 $1.442695020e+00, v3;
	v10 =	vld [tilespmem:s24+$0x4B90];
	(erf) = vpow2.f32 v5  }
0x3e7: {  	v11 =	vmul.f32 $1.442695020e+00, v11;
	v8 =	vsub.f32 $0.0e+00, v8;
	(erf) = vpow2.f32 v12;
	v1 =	vpop (erf)  }
0x3e8: {  	v12 =	vmul.f32 $1.442695020e+00, v4;
	v9 =	vsub.f32 $0.0e+00, v9;
	(erf) = vpow2.f32 v3;
	v2 =	vpop (erf)  }
0x3e9: {  	v13 =	vmul.f32 $1.442695020e+00, v8;
	v6 =	vsub.f32 $0.0e+00, v6;
	(erf) = vpow2.f32 v11;
	v5 =	vpop (erf)  }
0x3ea: {  	v11 =	vmul.f32 $1.442695020e+00, v9;
	v7 =	vsub.f32 $0.0e+00, v7;
	(erf) = vpow2.f32 v12;
	v4 =	vpop (erf)  }
0x3eb: {  	v6 =	vmul.f32 $1.442695020e+00, v6;
	v9 =	vsub.f32 $0.0e+00, v10;
	(erf) = vpow2.f32 v13;
	v3 =	vpop (erf)  }
0x3ec: {  	v7 =	vmul.f32 $1.442695020e+00, v7;
	(erf) = vpow2.f32 v11;
	v8 =	vpop (erf)  }
0x3ed: {  	v9 =	vmul.f32 $1.442695020e+00, v9;
	v10 =	vpop (erf);
	(erf) = vpow2.f32 v6  }
0x3ee: {  	v6 =	vadd.f32 $1.000000000e+00, v10;
	v10 =	vpop (erf);
	(erf) = vpow2.f32 v7  }
0x3ef: {  	v11 =	vadd.f32 $1.000000000e+00, v10;
	v10 =	vpop (erf);
	(erf) = vpow2.f32 v9  }
0x3f0: {  	v9 =	vadd.f32 $1.000000000e+00, v10;
	v10 =	vpop (erf);
	(erf) = vrcp.f32 v6  }
0x3f1: {  	v6 =	vadd.f32 $1.000000000e+00, v10;
	v10 =	vld [tilespmem:s24+$0xA90];
	(erf) = vrcp.f32 v11;
	v7 =	vpop (erf)  }
0x3f2: {  	v7 =	vadd.f32 $1.000000000e+00, v7;
	v11 =	vld [tilespmem:s24+$0x4A90];
	v12 =	vpop (erf);
	(erf) = vrcp.f32 v9  }
0x3f3: {  	v9 =	vld [tilespmem:s24+$0x900];
	v12 =	vadd.f32 $1.000000000e+00, v12;
	v13 =	vpop (erf);
	(erf) = vrcp.f32 v6  }
0x3f4: {  	v14 =	vld [tilespmem:s24+$0x4900];
	v15 =	vadd.f32 $1.000000000e+00, v13;
	v13 =	vpop (erf);
	(erf) = vrcp.f32 v7  }
0x3f5: {  	v4 =	vsub.f32 v5, v4;
	v7 =	vadd.f32 $1.000000000e+00, v13;
	(erf) = vrcp.f32 v12;
	v5 =	vpop (erf)  }
0x3f6: {  	v12 =	vld [tilespmem:s24+$0x880];
	v16 =	vadd.f32 $1.000000000e+00, v5;
	v10 =	vsub.f32 $0.0e+00, v10;
	(erf) = vrcp.f32 v15;
	v6 =	vpop (erf)  }
0x3f7: {  	v17 =	vsub.f32 v3, v8;
	v13 =	vld [tilespmem:s24+$0x4880];
	v15 =	vadd.f32 $1.000000000e+00, v6;
	(erf) = vrcp.f32 v7;
	v6 =	vpop (erf)  }
0x3f8: {  	v7 =	vld [tilespmem:s24+$0x890];
	v9 =	vsub.f32 $0.0e+00, v9;
	v10 =	vmul.f32 $1.442695020e+00, v10;
	(erf) = vrcp.f32 v16;
	v5 =	vpop (erf)  }
0x3f9: {  	v11 =	vsub.f32 $0.0e+00, v11;
	v16 =	vld [tilespmem:s24+$0x4890];
	v18 =	vsub.f32 $0.0e+00, v14;
	v3 =	vpop (erf);
	(erf) = vrcp.f32 v15  }
0x3fa: {  	v4 =	vadd.f32 v17, v4;
	v19 =	vmul.f32 $1.442695020e+00, v9;
	v8 =	vpop (erf);
	(erf) = vpow2.f32 v10  }
0x3fb: {  	v11 =	vmul.f32 $1.442695020e+00, v11;
	v10 =	vsub.f32 $0.0e+00, v12;
	v17 =	vmul.f32 $1.442695020e+00, v18;
	v14 =	vpop (erf)  }
0x3fc: {  	v15 =	vld [tilespmem:s24+$0x800];
	v13 =	vsub.f32 $0.0e+00, v13;
	v8 =	vsub.f32 v8, v14;
	(erf) = vpow2.f32 v19;
	v9 =	vpop (erf)  }
0x3fd: {  	v14 =	vld [tilespmem:s24+$0x4800];
	v18 =	vmul.f32 $1.442695020e+00, v10;
	v7 =	vsub.f32 $0.0e+00, v7;
	(erf) = vpow2.f32 v17;
	v12 =	vpop (erf);
	(xrf2) =	vadd.scan.msk.f32 $0xffff, v4  }
0x3fe: {  	v17 =	vmul.f32 $1.442695020e+00, v13;
	v13 =	vsub.f32 $0.0e+00, v16;
	v9 =	vsub.f32 v9, v12;
	v12 =	vpop (erf)  }
0x3ff: {  	v16 =	vmul.f32 $1.442695020e+00, v7;
	(erf) = vpow2.f32 v18;
	v10 =	vpop (erf)  }
0x400: {  	v13 =	vmul.f32 $1.442695020e+00, v13;
	v8 =	vadd.f32 v9, v8;
	(erf) = vpow2.f32 v17;
	v4 =	vpop (erf)  }
0x401: {  	v10 =	vsub.f32 v12, v10;
	v17 =	vsub.f32 $0.0e+00, v15;
	v15 =	vld [tilespmem:s24+$0x910];
	(erf) = vpow2.f32 v16;
	v7 =	vpop (erf)  }
0x402: {  	v12 =	vsub.f32 $0.0e+00, v14;
	v4 =	vsub.f32 v4, v7;
	(erf) = vpow2.f32 v13;
	v7 =	vpop (erf)  }
0x403: {  	v13 =	vmul.f32 $1.442695020e+00, v17;
	(xrf2) =	vadd.scan.msk.f32 $0xffff, v8;
	v9 =	vpop (erf);
	(erf) = vpow2.f32 v11  }
0x404: {  	v14 =	vmul.f32 $1.442695020e+00, v12;
	v16 =	vadd.f32 v4, v10  }
0x405: {  	(erf) = vpow2.f32 v13;
	v10 =	vpop (erf)  }
0x406: {  	v11 =	vld [tilespmem:s24+$0x810];
	v10 =	vadd.f32 $1.000000000e+00, v10;
	v12 =	vsub.f32 $0.0e+00, v15;
	(erf) = vpow2.f32 v14;
	v8 =	vpop (erf);
	(xrf2) =	vadd.scan.msk.f32 $0xffff, v16  }
0x407: {  	v13 =	vld [tilespmem:s24+$0x4810];
	v8 =	vadd.f32 $1.000000000e+00, v8;
	v4, _, _ =	vpop (xrf2)  }
0x408: {  	v12 =	vmul.f32 $1.442695020e+00, v12;
	v14 =	vpop (erf);
	(erf) = vrcp.f32 v10  }
0x409: {  	v16 =	vadd.f32 $1.000000000e+00, v14;
	v14 =	vpop (erf);
	(erf) = vrcp.f32 v8  }
0x40a: {  	v15 =	vld [tilespmem:s24+$0x700];
	v19 =	vadd.f32 $1.000000000e+00, v14;
	v14 =	vpop (erf);
	(erf) = vpow2.f32 v12  }
0x40b: {  	v12 =	vld [tilespmem:s24+$0x4700];
	v11 =	vsub.f32 $0.0e+00, v11;
	v14 =	vadd.f32 $1.000000000e+00, v14;
	(erf) = vrcp.f32 v16;
	v10 =	vpop (erf)  }
0x40c: {  	v16 =	vld [tilespmem:s24+$0x710];
	v17 =	vsub.f32 $0.0e+00, v13;
	v10 =	vadd.f32 $1.000000000e+00, v10;
	(erf) = vrcp.f32 v19;
	v13 =	vpop (erf)  }
0x40d: {  	v18 =	vld [tilespmem:s24+$0x4710];
	v11 =	vmul.f32 $1.442695020e+00, v11;
	(erf) = vrcp.f32 v14;
	v8, _, _ =	vpop (xrf2)  }
0x40e: {  	v14 =	vld [tilespmem:s24+$0x680];
	v17 =	vmul.f32 $1.442695020e+00, v17;
	v19 =	vpop (erf);
	(erf) = vrcp.f32 v10  }
0x40f: {  	v20 =	vld [tilespmem:s24+$0x4680];
	v23 =	vsub.f32 $0.0e+00, v15;
	v15 =	vadd.f32 $1.000000000e+00, v19;
	v19 =	vpop (erf);
	(erf) = vpow2.f32 v11  }
0x410: {  	v21 =	vld [tilespmem:s24+$0x690];
	v24 =	vsub.f32 $0.0e+00, v12;
	v19 =	vadd.f32 $1.000000000e+00, v19;
	(erf) = vpow2.f32 v17;
	v12, _, _ =	vpop (xrf2)  }
0x411: {  	v17 =	vld [tilespmem:s24+$0x4690];
	v22 =	vmul.f32 $1.442695020e+00, v23;
	v16 =	vsub.f32 $0.0e+00, v16;
	(erf) = vrcp.f32 v15;
	v10 =	vpop (erf)  }
0x412: {  	v23 =	vmul.f32 $1.442695020e+00, v24;
	v18 =	vsub.f32 $0.0e+00, v18;
	(erf) = vrcp.f32 v19;
	v11 =	vpop (erf)  }
0x413: {  	v19 =	vsub.f32 $0.0e+00, v14;
	v24 =	vmul.f32 $1.442695020e+00, v16;
	(erf) = vpow2.f32 v22;
	v14 =	vpop (erf)  }
0x414: {  	v20 =	vsub.f32 $0.0e+00, v20;
	v25 =	vmul.f32 $1.442695020e+00, v18;
	v22 =	vld [tilespmem:s24+$0x780];
	(erf) = vpow2.f32 v23;
	v15 =	vpop (erf)  }
0x415: {  	v26 =	vmul.f32 $1.442695020e+00, v19;
	v21 =	vsub.f32 $0.0e+00, v21;
	v23 =	vld [tilespmem:s24+$0x4780];
	(erf) = vpow2.f32 v24;
	v16 =	vpop (erf)  }
0x416: {  	v24 =	vmul.f32 $1.442695020e+00, v20;
	v17 =	vsub.f32 $0.0e+00, v17;
	(erf) = vpow2.f32 v25;
	v18 =	vpop (erf)  }
0x417: {  	v25 =	vmul.f32 $1.442695020e+00, v21;
	(erf) = vpow2.f32 v26;
	v19 =	vpop (erf)  }
0x418: {  	v26 =	vmul.f32 $1.442695020e+00, v17;
	(erf) = vpow2.f32 v24;
	v20 =	vpop (erf)  }
0x419: {  	v22 =	vsub.f32 $0.0e+00, v22;
	v20 =	vadd.f32 $1.000000000e+00, v20;
	(erf) = vpow2.f32 v25;
	v21 =	vpop (erf)  }
0x41a: {  	v23 =	vsub.f32 $0.0e+00, v23;
	v21 =	vadd.f32 $1.000000000e+00, v21;
	(erf) = vpow2.f32 v26;
	v17 =	vpop (erf)  }
0x41b: {  	v22 =	vmul.f32 $1.442695020e+00, v22;
	v24 =	vpop (erf);
	(erf) = vrcp.f32 v20  }
0x41c: {  	v20 =	vmul.f32 $1.442695020e+00, v23;
	v23 =	vld [tilespmem:s24+$0x4910];
	v25 =	vpop (erf);
	(erf) = vrcp.f32 v21  }
0x41d: {  	v26 =	vadd.f32 $1.000000000e+00, v25;
	v25 =	vpop (erf);
	(erf) = vpow2.f32 v22  }
0x41e: {  	v22 =	vadd.f32 $1.000000000e+00, v25;
	v25 =	vpop (erf);
	(erf) = vpow2.f32 v20  }
0x41f: {  	v20 =	vadd.f32 $1.000000000e+00, v25;
	(erf) = vrcp.f32 v26;
	v21 =	vpop (erf)  }
0x420: {  	v21 =	vadd.f32 $1.000000000e+00, v21;
	v25 =	vpop (erf);
	(erf) = vrcp.f32 v22  }
0x421: {  	v22 =	vld [tilespmem:s24+$0x600];
	v25 =	vadd.f32 $1.000000000e+00, v25;
	v23 =	vsub.f32 $0.0e+00, v23;
	v26 =	vpop (erf);
	(erf) = vrcp.f32 v20  }
0x422: {  	v15 =	vsub.f32 v15, v16;
	v26 =	vadd.f32 $1.000000000e+00, v26;
	v16 =	vpop (erf);
	(erf) = vrcp.f32 v21  }
0x423: {  	v18 =	vsub.f32 v18, v19;
	v27 =	vadd.f32 $1.000000000e+00, v16;
	(erf) = vrcp.f32 v25;
	v19 =	vpop (erf)  }
0x424: {  	v28 =	vadd.f32 $1.000000000e+00, v19;
	v21 =	vld [tilespmem:s24+$0x790];
	(erf) = vrcp.f32 v26;
	v20 =	vpop (erf)  }
0x425: {  	v15 =	vadd.f32 v18, v15;
	v18 =	vmul.f32 $1.442695020e+00, v23;
	v25 =	vld [tilespmem:s24+$0x580];
	(erf) = vrcp.f32 v27;
	v16 =	vpop (erf)  }
0x426: {  	v23 =	vld [tilespmem:s24+$0x4580];
	v22 =	vsub.f32 $0.0e+00, v22;
	(erf) = vrcp.f32 v28;
	v19 =	vpop (erf)  }
0x427: {  	v26 =	vld [tilespmem:s24+$0x590];
	v19 =	vadd.f32 $1.000000000e+00, v19;
	v27 =	vpop (erf);
	(xrf2) =	vadd.scan.msk.f32 $0xffff, v15;
	(erf) = vpow2.f32 v18  }
0x428: {  	v28 =	vsub.f32 v17, v24;
	v16 =	vsub.f32 v20, v16;
	v15 =	vld [tilespmem:s24+$0x4590];
	v18 =	vmul.f32 $1.442695020e+00, v22;
	v20 =	vpop (erf)  }
0x429: {  	v24 =	vadd.f32 $1.000000000e+00, v27;
	v22 =	vld [tilespmem:s24+$0x4790];
	v27 =	vpop (erf);
	(erf) = vrcp.f32 v19  }
0x42a: {  	v16 =	vadd.f32 v16, v28;
	v19 =	vsub.f32 $0.0e+00, v25;
	(erf) = vpow2.f32 v18;
	v17 =	vpop (erf)  }
0x42b: {  	v28 =	vsub.f32 $0.0e+00, v23;
	v23 =	vsub.f32 $0.0e+00, v21;
	v21 =	vpop (erf);
	(erf) = vrcp.f32 v24  }
0x42c: {  	v20 =	vsub.f32 v20, v27;
	v29 =	vmul.f32 $1.442695020e+00, v19;
	v24 =	vsub.f32 $0.0e+00, v26;
	v25 =	vpop (erf);
	(xrf2) =	vadd.scan.msk.f32 $0xffff, v16  }
0x42d: {  	v17 =	vsub.f32 v17, v21;
	v27 =	vmul.f32 $1.442695020e+00, v28;
	v15 =	vsub.f32 $0.0e+00, v15;
	v18 =	vpop (erf)  }
0x42e: {  	v28 =	vmul.f32 $1.442695020e+00, v24;
	v24 =	vld [tilespmem:s24+$0x4600];
	v22 =	vsub.f32 $0.0e+00, v22;
	(erf) = vpow2.f32 v29;
	v19 =	vpop (erf)  }
0x42f: {  	v17 =	vadd.f32 v17, v20;
	v29 =	vmul.f32 $1.442695020e+00, v15;
	v26 =	vld [tilespmem:s24+$0x610];
	(erf) = vpow2.f32 v27;
	v16 =	vpop (erf)  }
0x430: {  	v25 =	vsub.f32 v25, v18;
	v20 =	vld [tilespmem:s24+$0x4610];
	v16 =	vsub.f32 v19, v16;
	(erf) = vpow2.f32 v28;
	v21 =	vpop (erf)  }
0x431: {  	v27 =	vmul.f32 $1.442695020e+00, v23;
	(erf) = vpow2.f32 v29;
	(xrf2) =	vadd.scan.msk.f32 $0xffff, v17;
	v15, _, _ =	vpop (xrf2)  }
0x432: {  	v17 =	vmul.f32 $1.442695020e+00, v22;
	v16 =	vadd.f32 v16, v25;
	v18 =	vpop (erf)  }
0x433: {  	v22 =	vsub.f32 $0.0e+00, v24;
	v23 =	vpop (erf);
	(erf) = vpow2.f32 v27  }
0x434: {  	v23 =	vadd.f32 $1.000000000e+00, v23;
	v24 =	vsub.f32 $0.0e+00, v26;
	(xrf2) =	vadd.scan.msk.f32 $0xffff, v16;
	v19 =	vpop (erf);
	(erf) = vpow2.f32 v17  }
0x435: {  	v17 =	vld [tilespmem:s24+$0x500];
	v22 =	vmul.f32 $1.442695020e+00, v22;
	v20 =	vsub.f32 $0.0e+00, v20  }
0x436: {  	v26 =	vld [tilespmem:s24+$0x4500];
	v24 =	vmul.f32 $1.442695020e+00, v24;
	(erf) = vrcp.f32 v23;
	v16, _, _ =	vpop (xrf2)  }
0x437: {  	v23 =	vld [tilespmem:s24+$0x510];
	v20 =	vmul.f32 $1.442695020e+00, v20;
	v25 =	vpop (erf);
	(erf) = vpow2.f32 v22  }
0x438: {  	v22 =	vld [tilespmem:s24+$0x4510];
	v25 =	vadd.f32 $1.000000000e+00, v25;
	v27 =	vpop (erf);
	(erf) = vpow2.f32 v24  }
0x439: {  	v28 =	vld [tilespmem:s24+$0x400];
	v24 =	vadd.f32 $1.000000000e+00, v27;
	v27 =	vpop (erf);
	(erf) = vpow2.f32 v20  }
0x43a: {  	v29 =	vld [tilespmem:s24+$0x4400];
	v20 =	vsub.f32 $0.0e+00, v17;
	v27 =	vadd.f32 $1.000000000e+00, v27;
	(erf) = vrcp.f32 v25;
	v17 =	vpop (erf)  }
.Ltmp2:
0x43b: {  	v25 =	vld [tilespmem:s24+$0x410];
	v30 =	vsub.f32 $0.0e+00, v26;
	v31 =	vadd.f32 $1.000000000e+00, v17;
	(erf) = vrcp.f32 v24;
	v17, _, _ =	vpop (xrf2);
	(pc) =	sbr.rel @p0 .LBB2_7-.Ltmp2, $4  }
0x43c: {  	v26 =	vld [tilespmem:s24+$0x4410];
	v33 =	vmul.f32 $1.442695020e+00, v20;
	v32 =	vsub.f32 $0.0e+00, v23;
	(erf) = vrcp.f32 v27;
	v23 =	vpop (erf)  }
0x43d: {  	v27 =	vld [tilespmem:s24+$0x480];
	v34 =	vmul.f32 $1.442695020e+00, v30;
	v35 =	vsub.f32 $0.0e+00, v22;
	(erf) = vrcp.f32 v31;
	v24 =	vpop (erf)  }
0x43e: {  	v31 =	vsub.f32 $0.0e+00, v28;
	v28 =	vld [tilespmem:s24+$0x4480];
	v30 =	vmul.f32 $1.442695020e+00, v32;
	(erf) = vpow2.f32 v33;
	v20, _, _ =	vpop (xrf2)  }
0x43f: {  	s26 =	sadd.s32 $0x2000, s26;
	v32 =	vsub.f32 $0.0e+00, v29;
	v29 =	vld [tilespmem:s24+$0x490];
	v33 =	vmul.f32 $1.442695020e+00, v35;
	(erf) = vpow2.f32 v34;
	v22 =	vpop (erf)  }
0x440: {  	v31 =	vmul.f32 $1.442695020e+00, v31;
	v25 =	vsub.f32 $0.0e+00, v25;
	v34 =	vld [tilespmem:s24+$0x4490];
	(erf) = vpow2.f32 v30;
	v59 =	vpop (erf)  }
0x441: {  	v32 =	vmul.f32 $1.442695020e+00, v32;
	v26 =	vsub.f32 $0.0e+00, v26;
	(erf) = vpow2.f32 v33;
	v60 =	vpop (erf)  }
0x442: {  	v25 =	vmul.f32 $1.442695020e+00, v25;
	v27 =	vsub.f32 $0.0e+00, v27;
	(erf) = vpow2.f32 v31;
	v61 =	vpop (erf)  }
0x443: {  	v26 =	vmul.f32 $1.442695020e+00, v26;
	v28 =	vsub.f32 $0.0e+00, v28;
	(erf) = vpow2.f32 v32;
	v62 =	vpop (erf)  }
0x444: {  	v27 =	vmul.f32 $1.442695020e+00, v27;
	v29 =	vsub.f32 $0.0e+00, v29;
	(erf) = vpow2.f32 v25;
	v63 =	vpop (erf)  }
0x445: {  	v28 =	vmul.f32 $1.442695020e+00, v28;
	v34 =	vsub.f32 $0.0e+00, v34;
	(erf) = vpow2.f32 v26;
	v36 =	vpop (erf)  }
0x446: {  	v29 =	vmul.f32 $1.442695020e+00, v29;
	(erf) = vpow2.f32 v27;
	v37 =	vpop (erf)  }
0x447: {  	v34 =	vmul.f32 $1.442695020e+00, v34;
	(erf) = vpow2.f32 v28;
	v38 =	vpop (erf)  }
0x448: {  	v28 =	vadd.f32 $1.000000000e+00, v38;
	(erf) = vpow2.f32 v29;
	v39 =	vpop (erf)  }
0x449: {  	v29 =	vadd.f32 $1.000000000e+00, v39;
	(erf) = vpow2.f32 v34;
	v40 =	vpop (erf)  }
0x44a: {  	v34 =	vadd.f32 $1.000000000e+00, v40;
	(erf) = vrcp.f32 v28;
	v41 =	vpop (erf)  }
0x44b: {  	v28 =	vadd.f32 $1.000000000e+00, v41;
	v35 =	vpop (erf);
	(erf) = vrcp.f32 v29  }
0x44c: {  	v42 =	vadd.f32 $1.000000000e+00, v35;
	v43 =	vpop (erf);
	(erf) = vrcp.f32 v34  }
0x44d: {  	v44 =	vadd.f32 $1.000000000e+00, v43;
	v45 =	vpop (erf);
	(erf) = vrcp.f32 v28  }
0x44e: {  	v46 =	vadd.f32 $1.000000000e+00, v45;
	(erf) = vrcp.f32 v42;
	v47 =	vpop (erf)  }
0x44f: {  	v29 =	vadd.f32 $1.000000000e+00, v47;
	(erf) = vrcp.f32 v44;
	v48 =	vpop (erf)  }
0x450: {  	v34 =	vadd.f32 $1.000000000e+00, v48;
	(erf) = vrcp.f32 v46;
	v49 =	vpop (erf)  }
0x451: {  	v28 =	vadd.f32 $1.000000000e+00, v49;
	(erf) = vrcp.f32 v29;
	v50 =	vpop (erf)  }
0x452: {  	v29 =	vadd.f32 $1.000000000e+00, v50;
	(erf) = vrcp.f32 v34;
	v52 =	vpop (erf)  }
0x453: {  	v34 =	vadd.f32 $1.000000000e+00, v52;
	(erf) = vrcp.f32 v28;
	v53 =	vpop (erf)  }
0x454: {  	v23 =	vadd.f32 $1.000000000e+00, v23;
	v30 =	vadd.f32 $1.000000000e+00, v59;
	(erf) = vrcp.f32 v29;
	v54 =	vpop (erf)  }
0x455: {  	v33 =	vadd.f32 $1.000000000e+00, v60;
	v31 =	vadd.f32 $1.000000000e+00, v61;
	(erf) = vrcp.f32 v34;
	v55 =	vpop (erf)  }
0x456: {  	s31 =	sadd.s32 $0x10, s25;
	v25 =	vsub.f32 v62, v63;
	v26 =	vsub.f32 v36, v37;
	v56 =	vpop (erf);
	(erf) = vrcp.f32 v30  }
0x457: {  	v24 =	vadd.f32 $1.000000000e+00, v24;
	v51 =	vmov s31;
	v57 =	vpop (erf);
	(erf) = vrcp.f32 v33  }
0x458: {  	v25 =	vadd.f32 v26, v25;
	v35 =	vshll.u32 v51, $0x7;
	v58 =	vpop (erf);
	(erf) = vrcp.f32 v31  }
0x459: {  	v35 =	vor.u32 v0, v35;
	v28 =	vsub.f32 v53, v54;
	v27 =	vsub.f32 v55, v56;
	v59 =	vpop (erf)  }
0x45a: {  	v14 =	vadd.f32 $1.000000000e+00, v14;
	(erf) = vrcp.f32 v23;
	v60 =	vpop (erf)  }
0x45b: {  	v21 =	vadd.f32 $1.000000000e+00, v21;
	(xrf2) =	vadd.scan.msk.f32 $0xffff, v25;
	v62 =	vadd.f32 v27, v28;
	(erf) = vrcp.f32 v24;
	v63 =	vpop (erf)  }
0x45c: {  	v26 =	vsub.f32 v57, v58;
	v23 =	vsub.f32 v59, v60;
	v32 =	vpop (erf)  }
0x45d: {  	v9 =	vadd.f32 $1.000000000e+00, v9;
	(erf) = vrcp.f32 v14;
	v33 =	vpop (erf)  }
0x45e: {  	v13 =	vadd.f32 $1.000000000e+00, v13;
	v61 =	vld.idx.msk [tilespmem:v35+s14+$0x0], $0xffff;
	(xrf2) =	vadd.scan.msk.f32 $0xffff, v62;
	(erf) = vrcp.f32 v21;
	v34 =	vadd.f32 v23, v26;
	v35 =	vpop (erf)  }
0x45f: {  	v36 =	vsub.f32 v63, v32;
	v14 =	vsub.f32 v33, v35;
	v37 =	vpop (erf)  }
0x460: {  	(erf) = vrcp.f32 v9;
	v39 =	vpop (erf)  }
0x461: {  	v2 =	vadd.f32 $1.000000000e+00, v2;
	(xrf2) =	vadd.scan.msk.f32 $0xffff, v34;
	(erf) = vrcp.f32 v13;
	v40 =	vadd.f32 v14, v36;
	v41 =	vpop (erf)  }
0x462: {  	v22 =	vsub.f32 v22, v37;
	v14 =	vsub.f32 v39, v41  }
0x463: {  	v6 =	vadd.f32 $1.000000000e+00, v6;
	(erf) = vrcp.f32 v2;
	v2 =	vadd.f32 $1.000000000e+00, v5;
	v42 =	vpop (erf);
	(xrf2) =	vadd.scan.msk.f32 $0xffff, v40  }
0x464: {  	v46 =	vsub.f32 v18, v19;
	v43 =	vpop (erf);
	v44 =	vadd.f32 v14, v22  }
0x465: {  	v45, _, _ =	vpop (xrf2);
	v38 =	vsub.f32 $0.0e+00, v61;
	(erf) = vrcp.f32 v6;
	v5 =	vsub.f32 v42, v43  }
0x466: {  	(erf) = vrcp.f32 v2;
	v47 =	vpop (erf);
	(xrf2) =	vadd.scan.msk.f32 $0xffff, v44  }
0x467: {  	v9 =	vmul.f32 $1.442695020e+00, v38;
	v2 =	vpop (erf);
	v5 =	vadd.f32 v5, v46  }
0x468: {  	v49 =	vsub.f32 v10, v11;
	v48, _, _ =	vpop (xrf2);
	v2 =	vsub.f32 v47, v2  }
0x469: {  	(erf) = vpow2.f32 v9;
	v50 =	vpop (erf);
	(xrf2) =	vadd.scan.msk.f32 $0xffff, v5  }
0x46a: {  	v51 =	vpop (erf);
	v2 =	vadd.f32 v2, v49  }
0x46b: {  	v3 =	vsub.f32 v3, v7;
	v52, _, _ =	vpop (xrf2);
	v5 =	vsub.f32 v50, v51  }
0x46c: {  	v53 =	vpop (erf);
	(xrf2) =	vadd.scan.msk.f32 $0xffff, v2  }
0x46d: {  	v3 =	vadd.f32 v5, v3;
	v54, _, _ =	vpop (xrf2)  }
0x46e: {  	v9 =	vbroadcast v52, $0xF;
	v2 =	vpop (erf);
	v5 =	vbroadcast v54, $0xF  }
0x46f: {  	v56 =	vbroadcast v45, $0xF;
	v6 =	vbroadcast v48, $0xF;
	v55 =	vpop (erf);
	(xrf2) =	vadd.scan.msk.f32 $0xffff, v3  }
0x470: {  	v1 =	vsub.f32 v1, v53;
	v2 =	vsub.f32 v2, v55;
	v5 =	vsel vm0, v9, v5;
	v57, _, _ =	vpop (xrf2)  }
0x471: {  	v5 =	vsel vm1, v5, v6;
	v58 =	vbroadcast v57, $0xF  }
0x472: {  	v59 =	vbroadcast v20, $0xF;
	v3 =	vpop (erf);
	v1 =	vadd.f32 v2, v1;
	v2 =	vsel vm2, v5, v56  }
0x473: {  	v60 =	vbroadcast v17, $0xF;
	v3 =	vadd.f32 $1.000000000e+00, v3;
	v61, _, _ =	vpop (xrf2);
	v2 =	vsel vm3, v2, v58  }
0x474: {  	(xrf2) =	vadd.scan.msk.f32 $0xffff, v1;
	v1 =	vsel vm4, v2, v59;
	v2 =	vbroadcast v61, $0xF  }
0x475: {  	(erf) = vrcp.f32 v3;
	v3 =	vbroadcast v16, $0xF;
	v1 =	vsel vm5, v1, v60  }
0x476: {  	v62, _, _ =	vpop (xrf2);
	v1 =	vsel vm6, v1, v2;
	v2 =	vbroadcast v15, $0xF  }
0x477: {  	v1 =	vsel vm7, v1, v3;
	v3 =	vbroadcast v62, $0xF  }
0x478: {  	v1 =	vsel vm8, v1, v2;
	v2 =	vbroadcast v12, $0xF  }
0x479: {  	v63, _, _ =	vpop (xrf2);
	v1 =	vsel vm9, v1, v3;
	v3 =	vbroadcast v8, $0xF  }
0x47a: {  	v1 =	vsel vm10, v1, v2;
	v2 =	vbroadcast v63, $0xF  }
0x47b: {  	v1 =	vsel vm11, v1, v3;
	v3 =	vbroadcast v4, $0xF;
	_ =	sdelay $0x2  }
0x47c: {  	v1 =	vsel vm12, v1, v2;
	v2 =	vpop (erf)  }
0x47d: {  	v1 =	vsel vm13, v1, v3;
	v2 =	vadd.f32 v2, v2;
	v3, _, _ =	vpop (xrf2)  }
0x47e: {  	v1 =	vsel vm14, v1, v3  }
0x47f: {  	v1 =	vmul.f32 v1, v2;
	_ =	sdelay $0x1  }
0x480: {  	v1 =	vsub.f32 $0.0e+00, v1;
	_ =	sdelay $0x1  }
0x481: {  	v1 =	vmul.f32 $1.442695020e+00, v1;
	_ =	sdelay $0x1  }
0x482: {  	(erf) = vpow2.f32 v1;
	_ =	sdelay $0x8  }
0x483: {  	v1 =	vpop (erf)  }
0x484: {  	v1 =	vadd.f32 $1.000000000e+00, v1;
	_ =	sdelay $0x1  }
0x485: {  	(erf) = vrcp.f32 v1;
	_ =	sdelay $0x3  }
0x486: {  	s22 =	sadd.s32 $0x1, s22  }
0x487: {  	p0 =	sne.s32 s22, $0x4  }
.Ltmp3:
0x488: {  	_ = 	snop;
	(pc) =	sbr.rel @p0 .LBB2_2-.Ltmp3, $3  }
0x489: {  	_ =	sdelay $0x1  }
0x48a: {  	s23 =	sadd.s32 $0x10, s23;
	s17 =	sadd.s32 $0x80, s17;
	s21 =	sadd.s32 $0x80, s21;
	v1 =	vpop (erf)  }
0x48b: {  	s20 =	sadd.s32 $0x4000, s20;
	s19 =	sadd.s32 $0x80, s19;
	s18 =	sadd.s32 $0x80, s18;
	[tilespmem:s23+$0x0] =	vst v1  }
0x48c: {  	s16 =	sadd.s32 $0x1, s16  }
0x48d: {  	p0 =	sne.s32 s16, s9  }
.Ltmp4:
0x48e: {  	_ = 	snop;
	(pc) =	sbr.rel @p0 .LBB2_1-.Ltmp4, $4  }
0x48f: {  	[hbm4b:s8+s1] =	stream.linear.scatter [tilespmem:s15], [sflag:$0x4], $0x200, $0x38;
	[tilespmem:$0x18600] =	vst v63  }
0x490: {  	_ =	swait.ge [sflag:s10], $0x200  }
0x491: {  	[sflag:s10] =	ssyncset.done $0x0  }
0x492: {  	[sflag:s10] =	ssyncadd.s32 $0xFFFFFE00  }
0x493: {  	_ =	sfence.sel $0x180000  }
0x494: {  	[bflag:$0x0] =	sbarrier.arrive $0xFFFF  }
0x495: {  	p0 =	sne.s32 s2, $0x0;
	_ =	strace $0x90000047  }
0x496: {  	s0 =	sadd.s32 @!p0 $0x100000, s0;
	[bflag:$0x2] =	sbarrier.arrive $0xFFFF  }
0x497: {  	[sflag:s0] =	ssyncadd.tile.s32 @!p0 $0x1;
	_ =	shalt  }
.Lfunc_end2:
_tile_overlayer_lowered:
.L_overlay_start_2:
0x498: {  	(tag) =	ssettag $0x2  }
0x499: {  	s0 =	rddreg [dreg:$0x0];
	s2 =	stileid.u32  }
0x49a: {  	s1 =	rddreg [dreg:$0x1];
	p0 =	sne.s32 s2, $0x0  }
0x49b: {  	s3 =	rddreg [dreg:$0x2];
	[bflag:$0x3] =	sbarrier.arrive $0xFFFF;
	s2 =	simm.s32 @!p0 $0x1C04  }
0x49c: {  	[timem:s3], [sflag:s2] =	dma.local @!p0 [hbm:s0], s1  }
0x49d: {  	s0 =	simm.s32 @!p0 $0x4  }
0x49e: {  	_ =	swait.ge @!p0 [sflag:s0], s1  }
0x49f: {  	s1 =	ssub.s32 @!p0 $0x0, s1;
	[sflag:s0] =	ssyncset.done @!p0 $0x0  }
0x4a0: {  	[sflag:s0] =	ssyncadd.s32 @!p0 s1  }
0x4a1: {  	[bflag:$0x3] =	sbarrier.arrive $0xFFFF  }
0x4a2: {  	_ =	shalt  }

</sc_bundles>
